<compile_context>
chip_gen: v7x
topology: tpu7x:2x2x1
jax: 0.10.2.dev20260603
libtpu: 0.0.44.dev20260713+nightly
codegen_flags: <defaults>
</compile_context>

<pallas_src>
import functools

import jax
import jax.numpy as jnp
from jax import lax
from jax.experimental import pallas as pl
from jax.experimental.pallas import tpu as pltpu
from jax.experimental.pallas import tpu_sc as plsc

N_ENT = 10000
N_EDGE = 320000
CH = 128
N_REL_W = 15

NC, NS = 2, 16
CPC = CH // NC
JPC = CPC // 16
CNTW = 16
ACC = CPC + CNTW
EPT = N_EDGE // NS
CHUNK = 80
NCHUNK = EPT // CHUNK
SLAB = 50
NSLAB = NCHUNK // SLAB
RPT = (N_ENT // NS) // 8 * 8
REM = N_ENT - NS * RPT


def _sc_edge_body(emb_hbm, tail_hbm, head_hbm, et_hbm, w_hbm, zz_hbm,
                  psum_hbm,
                  rows_v, rows_w, msg_v, tail_v, head_v, et_v, wbase_v, w_v,
                  sums_sh, gsem, hsem):
    c = lax.axis_index("c")
    s = lax.axis_index("s")
    ebase = s * EPT
    nb = s * RPT

    zf = jnp.zeros((16,), jnp.float32)
    of = jnp.ones((16,), jnp.float32)

    @pl.loop(0, CHUNK)
    def _zero_msg(i):
        for j in range(ACC // 16):
            msg_v[i, pl.ds(j * 16, 16)] = zf

    pltpu.sync_copy(w_hbm, w_v)

    pltpu.sync_copy(zz_hbm.at[pl.ds(nb, RPT)], sums_sh.at[pl.ds(nb, RPT)])

    @pl.when(s == NS - 1)
    def _zero_rem():
        pltpu.sync_copy(zz_hbm.at[pl.ds(NS * RPT, REM)],
                        sums_sh.at[pl.ds(NS * RPT, REM)])

    @pl.loop(0, CHUNK)
    def _fill_ones(i):
        msg_v[i, pl.ds(CPC, CNTW)] = of

    plsc.subcore_barrier()

    coff = c * CPC
    srow = s * NCHUNK

    def _process(rows_buf, g):
        @pl.loop(0, CHUNK // 16)
        def _wb(k):
            v = et_v[g, pl.ds(k * 16, 16)]
            wbase_v[pl.ds(k * 16, 16)] = ((v + 14) % N_REL_W) * CH + c * CPC

        @pl.loop(0, CHUNK // 16)
        def _edge16(k):
            wb16 = wbase_v[pl.ds(k * 16, 16)]
            for l in range(16):
                e = k * 16 + l
                wb = wb16[l]
                for j in range(JPC):
                    wv = w_v[pl.ds(wb + j * 16, 16)]
                    ev = rows_buf[e, pl.ds(coff + j * 16, 16)]
                    msg_v[e, pl.ds(j * 16, 16)] = ev * wv

        pltpu.sync_copy(msg_v, sums_sh.at[head_v.at[g]], add=True)

    @pl.loop(0, NSLAB)
    def _slab(b):
        rbase = srow + b * SLAB
        pltpu.sync_copy(tail_hbm.at[pl.ds(rbase, SLAB)], tail_v)
        pltpu.sync_copy(head_hbm.at[pl.ds(rbase, SLAB)], head_v)
        pltpu.sync_copy(et_hbm.at[pl.ds(rbase, SLAB)], et_v)

        pltpu.async_copy(emb_hbm.at[tail_v.at[0]], rows_v, gsem)

        @pl.loop(0, SLAB // 2)
        def _pair(t):
            g0 = 2 * t
            pltpu.make_async_copy(emb_hbm.at[tail_v.at[g0]],
                                  rows_v, gsem).wait()
            pltpu.async_copy(emb_hbm.at[tail_v.at[g0 + 1]], rows_w, hsem)
            _process(rows_v, g0)
            pltpu.make_async_copy(emb_hbm.at[tail_v.at[g0 + 1]],
                                  rows_w, hsem).wait()

            @pl.when(t < SLAB // 2 - 1)
            def _pref():
                pltpu.async_copy(emb_hbm.at[tail_v.at[g0 + 2]], rows_v, gsem)

            _process(rows_w, g0 + 1)

    plsc.subcore_barrier()
    pltpu.sync_copy(sums_sh.at[pl.ds(nb, RPT)], psum_hbm.at[c, pl.ds(nb, RPT)])

    @pl.when(s == NS - 1)
    def _flush_rem():
        pltpu.sync_copy(sums_sh.at[pl.ds(NS * RPT, REM)],
                        psum_hbm.at[c, pl.ds(NS * RPT, REM)])


@functools.cache
def _get_sc_edge():
    return pl.kernel(
        _sc_edge_body,
        mesh=plsc.VectorSubcoreMesh(core_axis_name="c", subcore_axis_name="s",
                                    num_cores=NC, num_subcores=NS),
        compiler_params=pltpu.CompilerParams(use_tc_tiling_on_sc=False),
        out_type=jax.ShapeDtypeStruct((NC, N_ENT, ACC), jnp.float32),
        scratch_types=[
            pltpu.VMEM((CHUNK, CH), jnp.float32),
            pltpu.VMEM((CHUNK, CH), jnp.float32),
            pltpu.VMEM((CHUNK, ACC), jnp.float32),
            pltpu.VMEM((SLAB, CHUNK), jnp.int32),
            pltpu.VMEM((SLAB, CHUNK), jnp.int32),
            pltpu.VMEM((SLAB, CHUNK), jnp.int32),
            pltpu.VMEM((CHUNK,), jnp.int32),
            pltpu.VMEM((N_REL_W * CH,), jnp.float32),
            pltpu.VMEM_SHARED((N_ENT, ACC), jnp.float32),
            pltpu.SemaphoreType.DMA,
            pltpu.SemaphoreType.DMA,
        ],
    )


def _sc_edge(*args):
    return _get_sc_edge()(*args)


def _tc_combine_body(ps0_ref, ps1_ref, cnt_ref, res_ref, emb_ref, res_out_ref):
    sums = jnp.concatenate([ps0_ref[...], ps1_ref[...]], axis=-1)
    cnt = cnt_ref[...][:, :1]
    mean = sums / jnp.maximum(cnt, 1.0)
    norm = jnp.sqrt(jnp.sum(mean * mean, axis=1, keepdims=True))
    emb = mean / jnp.maximum(norm, 1e-12)
    emb_ref[...] = emb
    res_out_ref[...] = res_ref[...] + emb


_TC_ROWS = 2000


def _tc_combine(ps0, ps1, cnt, res):
    grid = N_ENT // _TC_ROWS
    h_spec = pl.BlockSpec((_TC_ROWS, CPC), lambda i: (i, 0))
    c_spec = pl.BlockSpec((_TC_ROWS, CNTW), lambda i: (i, 0))
    f_spec = pl.BlockSpec((_TC_ROWS, CH), lambda i: (i, 0))
    return pl.pallas_call(
        _tc_combine_body,
        grid=(grid,),
        in_specs=[h_spec, h_spec, c_spec, f_spec],
        out_specs=[f_spec, f_spec],
        out_shape=(
            jax.ShapeDtypeStruct((N_ENT, CH), jnp.float32),
            jax.ShapeDtypeStruct((N_ENT, CH), jnp.float32),
        ),
    )(ps0, ps1, cnt, res)


def kernel(entity_emb, edge_index, edge_type, weight):
    tail = edge_index[1].astype(jnp.int32).reshape(N_EDGE // CHUNK, CHUNK)
    head = edge_index[0].astype(jnp.int32).reshape(N_EDGE // CHUNK, CHUNK)
    et = edge_type.astype(jnp.int32).reshape(N_EDGE // CHUNK, CHUNK)
    w_flat = weight.reshape(-1)
    zz = jnp.zeros((N_ENT, ACC), jnp.float32)

    def hop(carry, _):
        emb, res = carry
        psum = _sc_edge(emb, tail, head, et, w_flat, zz)
        ps0 = psum[0, :, :CPC]
        ps1 = psum[1, :, :CPC]
        cnt = psum[0, :, CPC:]
        emb_n, res_n = _tc_combine(ps0, ps1, cnt, res)
        return (emb_n, res_n), None

    (_, res2), _ = jax.lax.scan(hop, (entity_emb, entity_emb), None, length=2)
    return res2

# --- scband reference (transcript-rebuilt; emitter-appended) ---
"""Pipeline reference for scband-graph-conv-75917841924563 (READ-ONLY COPY).

The authoritative reference and input builder live on the scoring server;
editing this copy changes nothing except your own understanding.
"""

import jax, jax.numpy as jnp
import numpy as np

N_ENTITIES = 10000
N_EDGES = 320000
CHANNEL = 128
N_RELATIONS = 16
N_HOPS = 2


def setup_inputs(seed: int = 0) -> dict:
    key = jax.random.key(seed)
    k1, k2, k3, k4 = jax.random.split(key, 4)
    entity_emb = jax.random.normal(k1, (N_ENTITIES, CHANNEL), dtype=jnp.float32)
    edge_index = jax.random.randint(k2, (2, N_EDGES), 0, N_ENTITIES)
    edge_type = jax.random.randint(k3, (N_EDGES,), 0, N_RELATIONS)
    # xavier_uniform for weight of shape (n_relations - 1, channel)
    fan_in, fan_out = N_RELATIONS - 1, CHANNEL
    a = float(np.sqrt(6.0 / (fan_in + fan_out)))
    weight = jax.random.uniform(k4, (N_RELATIONS - 1, CHANNEL), minval=-a, maxval=a, dtype=jnp.float32)
    return {"entity_emb": entity_emb, "edge_index": edge_index, "edge_type": edge_type, "weight": weight}


def _scatter_mean(src, index, dim_size):
    sums = jax.ops.segment_sum(src, index, num_segments=dim_size)
    cnt = jax.ops.segment_sum(jnp.ones((src.shape[0], 1), dtype=src.dtype), index, num_segments=dim_size)
    return sums / jnp.maximum(cnt, 1.0)


def reference(entity_emb, edge_index, edge_type, weight):
    # eval-mode: nn.Dropout is identity; node_dropout=False
    head = edge_index[0]
    tail = edge_index[1]
    n_entities = entity_emb.shape[0]
    entity_res_emb = entity_emb
    emb = entity_emb
    for _ in range(N_HOPS):
        edge_relation_emb = weight[edge_type - 1]  # negative index wraps, same as torch
        neigh_relation_emb = emb[tail] * edge_relation_emb
        emb = _scatter_mean(neigh_relation_emb, head, n_entities)
        # F.normalize(x, p=2, dim=1, eps=1e-12)
        norm = jnp.linalg.norm(emb, axis=1, keepdims=True)
        emb = emb / jnp.maximum(norm, 1e-12)
        entity_res_emb = entity_res_emb + emb
    return entity_res_emb

if __name__ == "__main__":
    import jax
    _d = setup_inputs()
    print(jax.jit(kernel)(*tuple(_d.values())))

</pallas_src>

<mosaic_0001>
#map = affine_map<(d0, d1) -> (0, 0)>
#map1 = affine_map<(d0, d1) -> (0)>
#map2 = affine_map<(d0, d1) -> (0, 0, 0)>
module attributes {stable_mosaic.version = 14 : i64} {
  func.func @_sc_edge_body(%arg0: i32, %arg1: i32, %arg2: memref<10000x128xf32, #tpu.memory_space<hbm>>, %arg3: memref<4000x80xi32, #tpu.memory_space<hbm>>, %arg4: memref<4000x80xi32, #tpu.memory_space<hbm>>, %arg5: memref<4000x80xi32, #tpu.memory_space<hbm>>, %arg6: memref<1920xf32, #tpu.memory_space<hbm>>, %arg7: memref<10000x80xf32, #tpu.memory_space<hbm>>, %arg8: memref<2x10000x80xf32, #tpu.memory_space<hbm>>, %arg9: memref<80x128xf32, #tpu.memory_space<vmem>>, %arg10: memref<80x128xf32, #tpu.memory_space<vmem>>, %arg11: memref<80x80xf32, #tpu.memory_space<vmem>>, %arg12: memref<50x80xi32, #tpu.memory_space<vmem>>, %arg13: memref<50x80xi32, #tpu.memory_space<vmem>>, %arg14: memref<50x80xi32, #tpu.memory_space<vmem>>, %arg15: memref<80xi32, #tpu.memory_space<vmem>>, %arg16: memref<1920xf32, #tpu.memory_space<vmem>>, %arg17: memref<10000x80xf32, #tpu.memory_space<vmem_shared>>, %arg18: memref<!tpu.dma_semaphore, #tpu.memory_space<semaphore_mem>>, %arg19: memref<!tpu.dma_semaphore, #tpu.memory_space<semaphore_mem>>) attributes {dimension_semantics = [#tpu.dimension_semantics<core_parallel>, #tpu.dimension_semantics<subcore_parallel>], iteration_bounds = array<i64: 2, 16>, scalar_prefetch = 0 : i64, scratch_operands = 11 : i64, tpu.core_type = #tpu.core_type<sc_vector_subcore>, window_params = [{transform_indices = #map}, {transform_indices = #map}, {transform_indices = #map}, {transform_indices = #map}, {transform_indices = #map1}, {transform_indices = #map}, {transform_indices = #map2}]} {
    %mul3A = arith.constant 20000 : i32
    %mul3A_0 = arith.muli %arg1, %mul3A : i32
    %mul3A_1 = arith.constant 624 : i32
    %mul3A_2 = arith.muli %arg1, %mul3A_1 : i32
    %broadcast_in_dim3A = arith.constant 0.000000e+00 : f32
    %broadcast_in_dim3A_3 = vector.broadcast %broadcast_in_dim3A : f32 to vector<16xf32>
    %broadcast_in_dim3A_4 = arith.constant 1.000000e+00 : f32
    %broadcast_in_dim3A_5 = vector.broadcast %broadcast_in_dim3A_4 : f32 to vector<16xf32>
    %scan3A = arith.constant 0 : i32
    %scan3A_6 = arith.constant 80 : i32
    %scan3A_7 = arith.addi %scan3A, %scan3A_6 : i32
    %scan3A_8 = arith.constant 1 : i32
    scf.for %scan3A_32 = %scan3A to %scan3A_7 step %scan3A_8  : i32 {
      %mul3A_33 = arith.constant 1 : i32
      %mul3A_34 = arith.muli %scan3A_32, %mul3A_33 : i32
      %add3A = arith.constant 0 : i32
      %add3A_35 = arith.addi %add3A, %mul3A_34 : i32
      %swap3A = arith.index_cast %add3A_35 : i32 to index
      %swap3A_36 = arith.constant 0 : index
      %swap3A_37 = tpu.vector_load %arg11[%swap3A, %swap3A_36] {strides = array<i32>} : memref<80x80xf32, #tpu.memory_space<vmem>>, vector<1x16xf32>,
      %swap3A_38 = vector.shape_cast %swap3A_37 : vector<1x16xf32> to vector<16xf32>
      %swap3A_39 = vector.shape_cast %broadcast_in_dim3A_3 : vector<16xf32> to vector<1x16xf32>
      tpu.vector_store %arg11[%swap3A, %swap3A_36], %swap3A_39 {strides = array<i32>} : memref<80x80xf32, #tpu.memory_space<vmem>>, vector<1x16xf32>,
      %swap3A_40 = arith.index_cast %add3A_35 : i32 to index
      %swap3A_41 = arith.constant 16 : index
      %swap3A_42 = tpu.vector_load %arg11[%swap3A_40, %swap3A_41] {strides = array<i32>} : memref<80x80xf32, #tpu.memory_space<vmem>>, vector<1x16xf32>,
      %swap3A_43 = vector.shape_cast %swap3A_42 : vector<1x16xf32> to vector<16xf32>
      %swap3A_44 = vector.shape_cast %broadcast_in_dim3A_3 : vector<16xf32> to vector<1x16xf32>
      tpu.vector_store %arg11[%swap3A_40, %swap3A_41], %swap3A_44 {strides = array<i32>} : memref<80x80xf32, #tpu.memory_space<vmem>>, vector<1x16xf32>,
      %swap3A_45 = arith.index_cast %add3A_35 : i32 to index
      %swap3A_46 = arith.constant 32 : index
      %swap3A_47 = tpu.vector_load %arg11[%swap3A_45, %swap3A_46] {strides = array<i32>} : memref<80x80xf32, #tpu.memory_space<vmem>>, vector<1x16xf32>,
      %swap3A_48 = vector.shape_cast %swap3A_47 : vector<1x16xf32> to vector<16xf32>
      %swap3A_49 = vector.shape_cast %broadcast_in_dim3A_3 : vector<16xf32> to vector<1x16xf32>
      tpu.vector_store %arg11[%swap3A_45, %swap3A_46], %swap3A_49 {strides = array<i32>} : memref<80x80xf32, #tpu.memory_space<vmem>>, vector<1x16xf32>,
      %swap3A_50 = arith.index_cast %add3A_35 : i32 to index
      %swap3A_51 = arith.constant 48 : index
      %swap3A_52 = tpu.vector_load %arg11[%swap3A_50, %swap3A_51] {strides = array<i32>} : memref<80x80xf32, #tpu.memory_space<vmem>>, vector<1x16xf32>,
      %swap3A_53 = vector.shape_cast %swap3A_52 : vector<1x16xf32> to vector<16xf32>
      %swap3A_54 = vector.shape_cast %broadcast_in_dim3A_3 : vector<16xf32> to vector<1x16xf32>
      tpu.vector_store %arg11[%swap3A_50, %swap3A_51], %swap3A_54 {strides = array<i32>} : memref<80x80xf32, #tpu.memory_space<vmem>>, vector<1x16xf32>,
      %swap3A_55 = arith.index_cast %add3A_35 : i32 to index
      %swap3A_56 = arith.constant 64 : index
      %swap3A_57 = tpu.vector_load %arg11[%swap3A_55, %swap3A_56] {strides = array<i32>} : memref<80x80xf32, #tpu.memory_space<vmem>>, vector<1x16xf32>,
      %swap3A_58 = vector.shape_cast %swap3A_57 : vector<1x16xf32> to vector<16xf32>
      %swap3A_59 = vector.shape_cast %broadcast_in_dim3A_3 : vector<16xf32> to vector<1x16xf32>
      tpu.vector_store %arg11[%swap3A_55, %swap3A_56], %swap3A_59 {strides = array<i32>} : memref<80x80xf32, #tpu.memory_space<vmem>>, vector<1x16xf32>,
    }
    %scan3A_9 = arith.constant 80 : i32
    "tpu.region"() ({
      %run_scoped3A = tpu.sem_alloc : memref<!tpu.dma_semaphore, #tpu.memory_space<semaphore_mem>>
      tpu.enqueue_dma source(%arg6 : memref<1920xf32, #tpu.memory_space<hbm>>) target(%arg16 : memref<1920xf32, #tpu.memory_space<vmem>>) target_semaphore(%run_scoped3A : memref<!tpu.dma_semaphore, #tpu.memory_space<semaphore_mem>>)
      tpu.wait_dma2 semaphore(%run_scoped3A : memref<!tpu.dma_semaphore, #tpu.memory_space<semaphore_mem>>) src(%arg6 : memref<1920xf32, #tpu.memory_space<hbm>>) dst(%arg16 : memref<1920xf32, #tpu.memory_space<vmem>>)
      tpu.yield
    }) : () -> ()
    "tpu.region"() ({
      %run_scoped3A = tpu.sem_alloc : memref<!tpu.dma_semaphore, #tpu.memory_space<semaphore_mem>>
      %dma_start3A = arith.constant 0 : i32
      %dma_start3A_32 = tpu.memref_slice %arg17[%mul3A_2, %dma_start3A] : memref<10000x80xf32, #tpu.memory_space<vmem_shared>> -> memref<624x80xf32, #tpu.memory_space<vmem_shared>>
      %dma_start3A_33 = arith.constant 0 : i32
      %dma_start3A_34 = tpu.memref_slice %arg7[%mul3A_2, %dma_start3A_33] : memref<10000x80xf32, #tpu.memory_space<hbm>> -> memref<624x80xf32, #tpu.memory_space<hbm>>
      tpu.enqueue_dma source(%dma_start3A_34 : memref<624x80xf32, #tpu.memory_space<hbm>>) target(%dma_start3A_32 : memref<624x80xf32, #tpu.memory_space<vmem_shared>>) target_semaphore(%run_scoped3A : memref<!tpu.dma_semaphore, #tpu.memory_space<semaphore_mem>>)
      %dma_wait3A = arith.constant 0 : i32
      %dma_wait3A_35 = tpu.memref_slice %arg17[%mul3A_2, %dma_wait3A] : memref<10000x80xf32, #tpu.memory_space<vmem_shared>> -> memref<624x80xf32, #tpu.memory_space<vmem_shared>>
      %dma_wait3A_36 = arith.constant 0 : i32
      %dma_wait3A_37 = tpu.memref_slice %arg7[%mul3A_2, %dma_wait3A_36] : memref<10000x80xf32, #tpu.memory_space<hbm>> -> memref<624x80xf32, #tpu.memory_space<hbm>>
      tpu.wait_dma2 semaphore(%run_scoped3A : memref<!tpu.dma_semaphore, #tpu.memory_space<semaphore_mem>>) src(%dma_wait3A_37 : memref<624x80xf32, #tpu.memory_space<hbm>>) dst(%dma_wait3A_35 : memref<624x80xf32, #tpu.memory_space<vmem_shared>>)
      tpu.yield
    }) : () -> ()
    %eq3A = arith.constant 15 : i32
    %eq3A_10 = arith.cmpi eq, %arg1, %eq3A : i32
    %convert_element_type3A = arith.extui %eq3A_10 : i1 to i32
    %cond3A = arith.constant 0 : i32
    %cond3A_11 = arith.cmpi ne, %convert_element_type3A, %cond3A : i32
    scf.if %cond3A_11 {
      "tpu.region"() ({
        %run_scoped3A = tpu.sem_alloc : memref<!tpu.dma_semaphore, #tpu.memory_space<semaphore_mem>>
        %dma_start3A = arith.constant 9984 : i32
        %dma_start3A_32 = arith.constant 0 : i32
        %dma_start3A_33 = tpu.memref_slice %arg17[%dma_start3A, %dma_start3A_32] : memref<10000x80xf32, #tpu.memory_space<vmem_shared>> -> memref<16x80xf32, #tpu.memory_space<vmem_shared>>
        %dma_start3A_34 = arith.constant 9984 : i32
        %dma_start3A_35 = arith.constant 0 : i32
        %dma_start3A_36 = tpu.memref_slice %arg7[%dma_start3A_34, %dma_start3A_35] : memref<10000x80xf32, #tpu.memory_space<hbm>> -> memref<16x80xf32, #tpu.memory_space<hbm>>
        tpu.enqueue_dma source(%dma_start3A_36 : memref<16x80xf32, #tpu.memory_space<hbm>>) target(%dma_start3A_33 : memref<16x80xf32, #tpu.memory_space<vmem_shared>>) target_semaphore(%run_scoped3A : memref<!tpu.dma_semaphore, #tpu.memory_space<semaphore_mem>>)
        %dma_wait3A = arith.constant 9984 : i32
        %dma_wait3A_37 = arith.constant 0 : i32
        %dma_wait3A_38 = tpu.memref_slice %arg17[%dma_wait3A, %dma_wait3A_37] : memref<10000x80xf32, #tpu.memory_space<vmem_shared>> -> memref<16x80xf32, #tpu.memory_space<vmem_shared>>
        %dma_wait3A_39 = arith.constant 9984 : i32
        %dma_wait3A_40 = arith.constant 0 : i32
        %dma_wait3A_41 = tpu.memref_slice %arg7[%dma_wait3A_39, %dma_wait3A_40] : memref<10000x80xf32, #tpu.memory_space<hbm>> -> memref<16x80xf32, #tpu.memory_space<hbm>>
        tpu.wait_dma2 semaphore(%run_scoped3A : memref<!tpu.dma_semaphore, #tpu.memory_space<semaphore_mem>>) src(%dma_wait3A_41 : memref<16x80xf32, #tpu.memory_space<hbm>>) dst(%dma_wait3A_38 : memref<16x80xf32, #tpu.memory_space<vmem_shared>>)
        tpu.yield
      }) : () -> ()
    } else {
    }
    %scan3A_12 = arith.constant 0 : i32
    %scan3A_13 = arith.constant 80 : i32
    %scan3A_14 = arith.addi %scan3A_12, %scan3A_13 : i32
    %scan3A_15 = arith.constant 1 : i32
    scf.for %scan3A_32 = %scan3A_12 to %scan3A_14 step %scan3A_15  : i32 {
      %mul3A_33 = arith.constant 1 : i32
      %mul3A_34 = arith.muli %scan3A_32, %mul3A_33 : i32
      %add3A = arith.constant 0 : i32
      %add3A_35 = arith.addi %add3A, %mul3A_34 : i32
      %swap3A = arith.index_cast %add3A_35 : i32 to index
      %swap3A_36 = arith.constant 64 : index
      %swap3A_37 = tpu.vector_load %arg11[%swap3A, %swap3A_36] {strides = array<i32>} : memref<80x80xf32, #tpu.memory_space<vmem>>, vector<1x16xf32>,
      %swap3A_38 = vector.shape_cast %swap3A_37 : vector<1x16xf32> to vector<16xf32>
      %swap3A_39 = vector.shape_cast %broadcast_in_dim3A_5 : vector<16xf32> to vector<1x16xf32>
      tpu.vector_store %arg11[%swap3A, %swap3A_36], %swap3A_39 {strides = array<i32>} : memref<80x80xf32, #tpu.memory_space<vmem>>, vector<1x16xf32>,
    }
    %scan3A_16 = arith.constant 80 : i32
    %barrier3A = arith.constant 0 : index
    tpu.barrier barrier_id(%barrier3A)
    %mul3A_17 = arith.constant 64 : i32
    %mul3A_18 = arith.muli %arg0, %mul3A_17 : i32
    %mul3A_19 = arith.constant 250 : i32
    %mul3A_20 = arith.muli %arg1, %mul3A_19 : i32
    %scan3A_21 = arith.constant 0 : i32
    %scan3A_22 = arith.constant 5 : i32
    %scan3A_23 = arith.addi %scan3A_21, %scan3A_22 : i32
    %scan3A_24 = arith.constant 1 : i32
    scf.for %scan3A_32 = %scan3A_21 to %scan3A_23 step %scan3A_24  : i32 {
      %mul3A_33 = arith.constant 1 : i32
      %mul3A_34 = arith.muli %scan3A_32, %mul3A_33 : i32
      %add3A = arith.constant 0 : i32
      %add3A_35 = arith.addi %add3A, %mul3A_34 : i32
      %mul3A_36 = arith.constant 50 : i32
      %mul3A_37 = arith.muli %add3A_35, %mul3A_36 : i32
      %add3A_38 = arith.addi %mul3A_20, %mul3A_37 : i32
      "tpu.region"() ({
        %run_scoped3A = tpu.sem_alloc : memref<!tpu.dma_semaphore, #tpu.memory_space<semaphore_mem>>
        %dma_start3A_50 = arith.constant 0 : i32
        %dma_start3A_51 = tpu.memref_slice %arg3[%add3A_38, %dma_start3A_50] : memref<4000x80xi32, #tpu.memory_space<hbm>> -> memref<50x80xi32, #tpu.memory_space<hbm>>
        %dma_start3A_52 = arith.constant 0 : i32
        %dma_start3A_53 = tpu.memref_slice %arg3[%add3A_38, %dma_start3A_52] : memref<4000x80xi32, #tpu.memory_space<hbm>> -> memref<50x80xi32, #tpu.memory_space<hbm>>
        tpu.enqueue_dma source(%dma_start3A_53 : memref<50x80xi32, #tpu.memory_space<hbm>>) target(%arg12 : memref<50x80xi32, #tpu.memory_space<vmem>>) target_semaphore(%run_scoped3A : memref<!tpu.dma_semaphore, #tpu.memory_space<semaphore_mem>>)
        %dma_wait3A = arith.constant 0 : i32
        %dma_wait3A_54 = tpu.memref_slice %arg3[%add3A_38, %dma_wait3A] : memref<4000x80xi32, #tpu.memory_space<hbm>> -> memref<50x80xi32, #tpu.memory_space<hbm>>
        %dma_wait3A_55 = arith.constant 0 : i32
        %dma_wait3A_56 = tpu.memref_slice %arg3[%add3A_38, %dma_wait3A_55] : memref<4000x80xi32, #tpu.memory_space<hbm>> -> memref<50x80xi32, #tpu.memory_space<hbm>>
        tpu.wait_dma2 semaphore(%run_scoped3A : memref<!tpu.dma_semaphore, #tpu.memory_space<semaphore_mem>>) src(%dma_wait3A_56 : memref<50x80xi32, #tpu.memory_space<hbm>>) dst(%arg12 : memref<50x80xi32, #tpu.memory_space<vmem>>)
        tpu.yield
      }) : () -> ()
      "tpu.region"() ({
        %run_scoped3A = tpu.sem_alloc : memref<!tpu.dma_semaphore, #tpu.memory_space<semaphore_mem>>
        %dma_start3A_50 = arith.constant 0 : i32
        %dma_start3A_51 = tpu.memref_slice %arg4[%add3A_38, %dma_start3A_50] : memref<4000x80xi32, #tpu.memory_space<hbm>> -> memref<50x80xi32, #tpu.memory_space<hbm>>
        %dma_start3A_52 = arith.constant 0 : i32
        %dma_start3A_53 = tpu.memref_slice %arg4[%add3A_38, %dma_start3A_52] : memref<4000x80xi32, #tpu.memory_space<hbm>> -> memref<50x80xi32, #tpu.memory_space<hbm>>
        tpu.enqueue_dma source(%dma_start3A_53 : memref<50x80xi32, #tpu.memory_space<hbm>>) target(%arg13 : memref<50x80xi32, #tpu.memory_space<vmem>>) target_semaphore(%run_scoped3A : memref<!tpu.dma_semaphore, #tpu.memory_space<semaphore_mem>>)
        %dma_wait3A = arith.constant 0 : i32
        %dma_wait3A_54 = tpu.memref_slice %arg4[%add3A_38, %dma_wait3A] : memref<4000x80xi32, #tpu.memory_space<hbm>> -> memref<50x80xi32, #tpu.memory_space<hbm>>
        %dma_wait3A_55 = arith.constant 0 : i32
        %dma_wait3A_56 = tpu.memref_slice %arg4[%add3A_38, %dma_wait3A_55] : memref<4000x80xi32, #tpu.memory_space<hbm>> -> memref<50x80xi32, #tpu.memory_space<hbm>>
        tpu.wait_dma2 semaphore(%run_scoped3A : memref<!tpu.dma_semaphore, #tpu.memory_space<semaphore_mem>>) src(%dma_wait3A_56 : memref<50x80xi32, #tpu.memory_space<hbm>>) dst(%arg13 : memref<50x80xi32, #tpu.memory_space<vmem>>)
        tpu.yield
      }) : () -> ()
      "tpu.region"() ({
        %run_scoped3A = tpu.sem_alloc : memref<!tpu.dma_semaphore, #tpu.memory_space<semaphore_mem>>
        %dma_start3A_50 = arith.constant 0 : i32
        %dma_start3A_51 = tpu.memref_slice %arg5[%add3A_38, %dma_start3A_50] : memref<4000x80xi32, #tpu.memory_space<hbm>> -> memref<50x80xi32, #tpu.memory_space<hbm>>
        %dma_start3A_52 = arith.constant 0 : i32
        %dma_start3A_53 = tpu.memref_slice %arg5[%add3A_38, %dma_start3A_52] : memref<4000x80xi32, #tpu.memory_space<hbm>> -> memref<50x80xi32, #tpu.memory_space<hbm>>
        tpu.enqueue_dma source(%dma_start3A_53 : memref<50x80xi32, #tpu.memory_space<hbm>>) target(%arg14 : memref<50x80xi32, #tpu.memory_space<vmem>>) target_semaphore(%run_scoped3A : memref<!tpu.dma_semaphore, #tpu.memory_space<semaphore_mem>>)
        %dma_wait3A = arith.constant 0 : i32
        %dma_wait3A_54 = tpu.memref_slice %arg5[%add3A_38, %dma_wait3A] : memref<4000x80xi32, #tpu.memory_space<hbm>> -> memref<50x80xi32, #tpu.memory_space<hbm>>
        %dma_wait3A_55 = arith.constant 0 : i32
        %dma_wait3A_56 = tpu.memref_slice %arg5[%add3A_38, %dma_wait3A_55] : memref<4000x80xi32, #tpu.memory_space<hbm>> -> memref<50x80xi32, #tpu.memory_space<hbm>>
        tpu.wait_dma2 semaphore(%run_scoped3A : memref<!tpu.dma_semaphore, #tpu.memory_space<semaphore_mem>>) src(%dma_wait3A_56 : memref<50x80xi32, #tpu.memory_space<hbm>>) dst(%arg14 : memref<50x80xi32, #tpu.memory_space<vmem>>)
        tpu.yield
      }) : () -> ()
      %dma_start3A = arith.constant 0 : i32
      %dma_start3A_39 = arith.constant 0 : i32
      %dma_start3A_40 = tpu.memref_slice %arg12[%dma_start3A, %dma_start3A_39] : memref<50x80xi32, #tpu.memory_space<vmem>> -> memref<1x80xi32, #tpu.memory_space<vmem>>
      %dma_start3A_41 = tpu.memref_squeeze %dma_start3A_40 : memref<1x80xi32, #tpu.memory_space<vmem>> -> memref<80xi32, #tpu.memory_space<vmem>>
      %dma_start3A_42 = arith.constant 0 : i32
      %dma_start3A_43 = arith.constant 0 : i32
      %dma_start3A_44 = tpu.memref_slice %arg2[%dma_start3A_42, %dma_start3A_43] : memref<10000x128xf32, #tpu.memory_space<hbm>> -> memref<10000x128xf32, #tpu.memory_space<hbm>>
      tpu.enqueue_indirect_dma source(%dma_start3A_44 : memref<10000x128xf32, #tpu.memory_space<hbm>>) target(%arg9 : memref<80x128xf32, #tpu.memory_space<vmem>>) offsets(%dma_start3A_41 : memref<80xi32, #tpu.memory_space<vmem>>) semaphore(%arg18 : memref<!tpu.dma_semaphore, #tpu.memory_space<semaphore_mem>>)
      %scan3A_45 = arith.constant 0 : i32
      %scan3A_46 = arith.constant 25 : i32
      %scan3A_47 = arith.addi %scan3A_45, %scan3A_46 : i32
      %scan3A_48 = arith.constant 1 : i32
      scf.for %scan3A_50 = %scan3A_45 to %scan3A_47 step %scan3A_48  : i32 {
        %mul3A_51 = arith.constant 1 : i32
        %mul3A_52 = arith.muli %scan3A_50, %mul3A_51 : i32
        %add3A_53 = arith.constant 0 : i32
        %add3A_54 = arith.addi %add3A_53, %mul3A_52 : i32
        %mul3A_55 = arith.constant 2 : i32
        %mul3A_56 = arith.muli %mul3A_55, %add3A_54 : i32
        %dma_wait3A = arith.constant 0 : i32
        %dma_wait3A_57 = tpu.memref_slice %arg12[%mul3A_56, %dma_wait3A] : memref<50x80xi32, #tpu.memory_space<vmem>> -> memref<1x80xi32, #tpu.memory_space<vmem>>
        %dma_wait3A_58 = tpu.memref_squeeze %dma_wait3A_57 : memref<1x80xi32, #tpu.memory_space<vmem>> -> memref<80xi32, #tpu.memory_space<vmem>>
        %dma_wait3A_59 = arith.constant 0 : i32
        %dma_wait3A_60 = arith.constant 0 : i32
        %dma_wait3A_61 = tpu.memref_slice %arg2[%dma_wait3A_59, %dma_wait3A_60] : memref<10000x128xf32, #tpu.memory_space<hbm>> -> memref<10000x128xf32, #tpu.memory_space<hbm>>
        tpu.wait_indirect_dma semaphore(%arg18 : memref<!tpu.dma_semaphore, #tpu.memory_space<semaphore_mem>>) src(%dma_wait3A_61 : memref<10000x128xf32, #tpu.memory_space<hbm>>) dst(%arg9 : memref<80x128xf32, #tpu.memory_space<vmem>>)
        %add3A_62 = arith.constant 1 : i32
        %add3A_63 = arith.addi %mul3A_56, %add3A_62 : i32
        %dma_start3A_64 = arith.constant 0 : i32
        %dma_start3A_65 = tpu.memref_slice %arg12[%add3A_63, %dma_start3A_64] : memref<50x80xi32, #tpu.memory_space<vmem>> -> memref<1x80xi32, #tpu.memory_space<vmem>>
        %dma_start3A_66 = tpu.memref_squeeze %dma_start3A_65 : memref<1x80xi32, #tpu.memory_space<vmem>> -> memref<80xi32, #tpu.memory_space<vmem>>
        %dma_start3A_67 = arith.constant 0 : i32
        %dma_start3A_68 = arith.constant 0 : i32
        %dma_start3A_69 = tpu.memref_slice %arg2[%dma_start3A_67, %dma_start3A_68] : memref<10000x128xf32, #tpu.memory_space<hbm>> -> memref<10000x128xf32, #tpu.memory_space<hbm>>
        tpu.enqueue_indirect_dma source(%dma_start3A_69 : memref<10000x128xf32, #tpu.memory_space<hbm>>) target(%arg10 : memref<80x128xf32, #tpu.memory_space<vmem>>) offsets(%dma_start3A_66 : memref<80xi32, #tpu.memory_space<vmem>>) semaphore(%arg19 : memref<!tpu.dma_semaphore, #tpu.memory_space<semaphore_mem>>)
        %scan3A_70 = arith.constant 0 : i32
        %scan3A_71 = arith.constant 5 : i32
        %scan3A_72 = arith.addi %scan3A_70, %scan3A_71 : i32
        %scan3A_73 = arith.constant 1 : i32
        scf.for %scan3A_104 = %scan3A_70 to %scan3A_72 step %scan3A_73  : i32 {
          %mul3A_105 = arith.constant 1 : i32
          %mul3A_106 = arith.muli %scan3A_104, %mul3A_105 : i32
          %add3A_107 = arith.constant 0 : i32
          %add3A_108 = arith.addi %add3A_107, %mul3A_106 : i32
          %mul3A_109 = arith.constant 16 : i32
          %mul3A_110 = arith.muli %add3A_108, %mul3A_109 : i32
          %get3A = arith.index_cast %mul3A_56 : i32 to index
          %get3A_111 = arith.index_cast %mul3A_110 : i32 to index
          %get3A_112 = tpu.vector_load %arg14[%get3A, %get3A_111] {strides = array<i32>} : memref<50x80xi32, #tpu.memory_space<vmem>>, vector<1x16xi32>,
          %get3A_113 = vector.shape_cast %get3A_112 : vector<1x16xi32> to vector<16xi32>
          %add3A_114 = arith.constant 14 : i32
          %add3A_115 = vector.broadcast %add3A_114 : i32 to vector<16xi32>
          %add3A_116 = arith.addi %get3A_113, %add3A_115 : vector<16xi32>
          %jit3A = arith.constant 15 : i32
          %eq3A_117 = arith.constant 0 : i32
          %eq3A_118 = arith.cmpi eq, %jit3A, %eq3A_117 : i32
          %jit3A_119 = arith.constant 1 : i32
          %select_n3A = arith.select %eq3A_118, %jit3A_119, %jit3A : i32
          %rem3A = vector.broadcast %select_n3A : i32 to vector<16xi32>
          %rem3A_120 = arith.remsi %add3A_116, %rem3A : vector<16xi32>
          %ne3A = arith.constant 0 : i32
          %ne3A_121 = vector.broadcast %ne3A : i32 to vector<16xi32>
          %ne3A_122 = arith.cmpi ne, %rem3A_120, %ne3A_121 : vector<16xi32>
          %lt3A_123 = arith.constant 0 : i32
          %lt3A_124 = vector.broadcast %lt3A_123 : i32 to vector<16xi32>
          %lt3A_125 = arith.cmpi slt, %rem3A_120, %lt3A_124 : vector<16xi32>
          %lt3A_126 = arith.constant 0 : i32
          %lt3A_127 = arith.cmpi slt, %select_n3A, %lt3A_126 : i32
          %ne3A_128 = vector.broadcast %lt3A_127 : i1 to vector<16xi1>
          %ne3A_129 = vector.broadcast %ne3A_128 : vector<16xi1> to vector<16xi1>
          %ne3A_130 = arith.xori %lt3A_125, %ne3A_129 : vector<16xi1>
          %and3A = arith.andi %ne3A_130, %ne3A_122 : vector<16xi1>
          %add3A_131 = vector.broadcast %select_n3A : i32 to vector<16xi32>
          %add3A_132 = arith.addi %rem3A_120, %add3A_131 : vector<16xi32>
          %select_n3A_133 = arith.select %and3A, %add3A_132, %rem3A_120 : vector<16xi1>, vector<16xi32>
          %mul3A_134 = arith.constant 128 : i32
          %mul3A_135 = vector.broadcast %mul3A_134 : i32 to vector<16xi32>
          %mul3A_136 = arith.muli %select_n3A_133, %mul3A_135 : vector<16xi32>
          %mul3A_137 = arith.constant 64 : i32
          %mul3A_138 = arith.muli %arg0, %mul3A_137 : i32
          %add3A_139 = vector.broadcast %mul3A_138 : i32 to vector<16xi32>
          %add3A_140 = arith.addi %mul3A_136, %add3A_139 : vector<16xi32>
          %mul3A_141 = arith.constant 16 : i32
          %mul3A_142 = arith.muli %add3A_108, %mul3A_141 : i32
          %swap3A = arith.index_cast %mul3A_142 : i32 to index
          %swap3A_143 = tpu.vector_load %arg15[%swap3A] {strides = array<i32>} : memref<80xi32, #tpu.memory_space<vmem>>, vector<16xi32>,
          %swap3A_144 = vector.shape_cast %swap3A_143 : vector<16xi32> to vector<16xi32>
          %swap3A_145 = vector.shape_cast %add3A_140 : vector<16xi32> to vector<16xi32>
          tpu.vector_store %arg15[%swap3A], %swap3A_145 {strides = array<i32>} : memref<80xi32, #tpu.memory_space<vmem>>, vector<16xi32>,
        }
        %scan3A_74 = arith.constant 5 : i32
        %scan3A_75 = arith.constant 0 : i32
        %scan3A_76 = arith.constant 5 : i32
        %scan3A_77 = arith.addi %scan3A_75, %scan3A_76 : i32
        %scan3A_78 = arith.constant 1 : i32
        scf.for %scan3A_104 = %scan3A_75 to %scan3A_77 step %scan3A_78  : i32 {
          %mul3A_105 = arith.constant 1 : i32
          %mul3A_106 = arith.muli %scan3A_104, %mul3A_105 : i32
          %add3A_107 = arith.constant 0 : i32
          %add3A_108 = arith.addi %add3A_107, %mul3A_106 : i32
          %mul3A_109 = arith.constant 16 : i32
          %mul3A_110 = arith.muli %add3A_108, %mul3A_109 : i32
          %get3A = arith.index_cast %mul3A_110 : i32 to index
          %get3A_111 = tpu.vector_load %arg15[%get3A] {strides = array<i32>} : memref<80xi32, #tpu.memory_space<vmem>>, vector<16xi32>,
          %get3A_112 = vector.shape_cast %get3A_111 : vector<16xi32> to vector<16xi32>
          %mul3A_113 = arith.constant 16 : i32
          %mul3A_114 = arith.muli %add3A_108, %mul3A_113 : i32
          %add3A_115 = arith.constant 0 : i32
          %add3A_116 = arith.addi %mul3A_114, %add3A_115 : i32
          %slice3A = vector.extract_strided_slice %get3A_112 {offsets = [0], sizes = [1], strides = [1]} : vector<16xi32> to vector<1xi32>
          %squeeze3A = vector.extract %slice3A[0] : i32 from vector<1xi32>
          %add3A_117 = arith.constant 0 : i32
          %add3A_118 = arith.addi %squeeze3A, %add3A_117 : i32
          %get3A_119 = arith.index_cast %add3A_118 : i32 to index
          %get3A_120 = tpu.vector_load %arg16[%get3A_119] {strides = array<i32>} : memref<1920xf32, #tpu.memory_space<vmem>>, vector<16xf32>,
          %get3A_121 = vector.shape_cast %get3A_120 : vector<16xf32> to vector<16xf32>
          %add3A_122 = arith.constant 0 : i32
          %add3A_123 = arith.addi %mul3A_18, %add3A_122 : i32
          %get3A_124 = arith.index_cast %add3A_116 : i32 to index
          %get3A_125 = arith.index_cast %add3A_123 : i32 to index
          %get3A_126 = tpu.vector_load %arg9[%get3A_124, %get3A_125] {strides = array<i32>} : memref<80x128xf32, #tpu.memory_space<vmem>>, vector<1x16xf32>,
          %get3A_127 = vector.shape_cast %get3A_126 : vector<1x16xf32> to vector<16xf32>
          %mul3A_128 = arith.mulf %get3A_127, %get3A_121 : vector<16xf32>
          %swap3A = arith.index_cast %add3A_116 : i32 to index
          %swap3A_129 = arith.constant 0 : index
          %swap3A_130 = tpu.vector_load %arg11[%swap3A, %swap3A_129] {strides = array<i32>} : memref<80x80xf32, #tpu.memory_space<vmem>>, vector<1x16xf32>,
          %swap3A_131 = vector.shape_cast %swap3A_130 : vector<1x16xf32> to vector<16xf32>
          %swap3A_132 = vector.shape_cast %mul3A_128 : vector<16xf32> to vector<1x16xf32>
          tpu.vector_store %arg11[%swap3A, %swap3A_129], %swap3A_132 {strides = array<i32>} : memref<80x80xf32, #tpu.memory_space<vmem>>, vector<1x16xf32>,
          %add3A_133 = arith.constant 16 : i32
          %add3A_134 = arith.addi %squeeze3A, %add3A_133 : i32
          %get3A_135 = arith.index_cast %add3A_134 : i32 to index
          %get3A_136 = tpu.vector_load %arg16[%get3A_135] {strides = array<i32>} : memref<1920xf32, #tpu.memory_space<vmem>>, vector<16xf32>,
          %get3A_137 = vector.shape_cast %get3A_136 : vector<16xf32> to vector<16xf32>
          %add3A_138 = arith.constant 16 : i32
          %add3A_139 = arith.addi %mul3A_18, %add3A_138 : i32
          %get3A_140 = arith.index_cast %add3A_116 : i32 to index
          %get3A_141 = arith.index_cast %add3A_139 : i32 to index
          %get3A_142 = tpu.vector_load %arg9[%get3A_140, %get3A_141] {strides = array<i32>} : memref<80x128xf32, #tpu.memory_space<vmem>>, vector<1x16xf32>,
          %get3A_143 = vector.shape_cast %get3A_142 : vector<1x16xf32> to vector<16xf32>
          %mul3A_144 = arith.mulf %get3A_143, %get3A_137 : vector<16xf32>
          %swap3A_145 = arith.index_cast %add3A_116 : i32 to index
          %swap3A_146 = arith.constant 16 : index
          %swap3A_147 = tpu.vector_load %arg11[%swap3A_145, %swap3A_146] {strides = array<i32>} : memref<80x80xf32, #tpu.memory_space<vmem>>, vector<1x16xf32>,
          %swap3A_148 = vector.shape_cast %swap3A_147 : vector<1x16xf32> to vector<16xf32>
          %swap3A_149 = vector.shape_cast %mul3A_144 : vector<16xf32> to vector<1x16xf32>
          tpu.vector_store %arg11[%swap3A_145, %swap3A_146], %swap3A_149 {strides = array<i32>} : memref<80x80xf32, #tpu.memory_space<vmem>>, vector<1x16xf32>,
          %add3A_150 = arith.constant 32 : i32
          %add3A_151 = arith.addi %squeeze3A, %add3A_150 : i32
          %get3A_152 = arith.index_cast %add3A_151 : i32 to index
          %get3A_153 = tpu.vector_load %arg16[%get3A_152] {strides = array<i32>} : memref<1920xf32, #tpu.memory_space<vmem>>, vector<16xf32>,
          %get3A_154 = vector.shape_cast %get3A_153 : vector<16xf32> to vector<16xf32>
          %add3A_155 = arith.constant 32 : i32
          %add3A_156 = arith.addi %mul3A_18, %add3A_155 : i32
          %get3A_157 = arith.index_cast %add3A_116 : i32 to index
          %get3A_158 = arith.index_cast %add3A_156 : i32 to index
          %get3A_159 = tpu.vector_load %arg9[%get3A_157, %get3A_158] {strides = array<i32>} : memref<80x128xf32, #tpu.memory_space<vmem>>, vector<1x16xf32>,
          %get3A_160 = vector.shape_cast %get3A_159 : vector<1x16xf32> to vector<16xf32>
          %mul3A_161 = arith.mulf %get3A_160, %get3A_154 : vector<16xf32>
          %swap3A_162 = arith.index_cast %add3A_116 : i32 to index
          %swap3A_163 = arith.constant 32 : index
          %swap3A_164 = tpu.vector_load %arg11[%swap3A_162, %swap3A_163] {strides = array<i32>} : memref<80x80xf32, #tpu.memory_space<vmem>>, vector<1x16xf32>,
          %swap3A_165 = vector.shape_cast %swap3A_164 : vector<1x16xf32> to vector<16xf32>
          %swap3A_166 = vector.shape_cast %mul3A_161 : vector<16xf32> to vector<1x16xf32>
          tpu.vector_store %arg11[%swap3A_162, %swap3A_163], %swap3A_166 {strides = array<i32>} : memref<80x80xf32, #tpu.memory_space<vmem>>, vector<1x16xf32>,
          %add3A_167 = arith.constant 48 : i32
          %add3A_168 = arith.addi %squeeze3A, %add3A_167 : i32
          %get3A_169 = arith.index_cast %add3A_168 : i32 to index
          %get3A_170 = tpu.vector_load %arg16[%get3A_169] {strides = array<i32>} : memref<1920xf32, #tpu.memory_space<vmem>>, vector<16xf32>,
          %get3A_171 = vector.shape_cast %get3A_170 : vector<16xf32> to vector<16xf32>
          %add3A_172 = arith.constant 48 : i32
          %add3A_173 = arith.addi %mul3A_18, %add3A_172 : i32
          %get3A_174 = arith.index_cast %add3A_116 : i32 to index
          %get3A_175 = arith.index_cast %add3A_173 : i32 to index
          %get3A_176 = tpu.vector_load %arg9[%get3A_174, %get3A_175] {strides = array<i32>} : memref<80x128xf32, #tpu.memory_space<vmem>>, vector<1x16xf32>,
          %get3A_177 = vector.shape_cast %get3A_176 : vector<1x16xf32> to vector<16xf32>
          %mul3A_178 = arith.mulf %get3A_177, %get3A_171 : vector<16xf32>
          %swap3A_179 = arith.index_cast %add3A_116 : i32 to index
          %swap3A_180 = arith.constant 48 : index
          %swap3A_181 = tpu.vector_load %arg11[%swap3A_179, %swap3A_180] {strides = array<i32>} : memref<80x80xf32, #tpu.memory_space<vmem>>, vector<1x16xf32>,
          %swap3A_182 = vector.shape_cast %swap3A_181 : vector<1x16xf32> to vector<16xf32>
          %swap3A_183 = vector.shape_cast %mul3A_178 : vector<16xf32> to vector<1x16xf32>
          tpu.vector_store %arg11[%swap3A_179, %swap3A_180], %swap3A_183 {strides = array<i32>} : memref<80x80xf32, #tpu.memory_space<vmem>>, vector<1x16xf32>,
          %mul3A_184 = arith.constant 16 : i32
          %mul3A_185 = arith.muli %add3A_108, %mul3A_184 : i32
          %add3A_186 = arith.constant 1 : i32
          %add3A_187 = arith.addi %mul3A_185, %add3A_186 : i32
          %slice3A_188 = vector.extract_strided_slice %get3A_112 {offsets = [1], sizes = [1], strides = [1]} : vector<16xi32> to vector<1xi32>
          %squeeze3A_189 = vector.extract %slice3A_188[0] : i32 from vector<1xi32>
          %add3A_190 = arith.constant 0 : i32
          %add3A_191 = arith.addi %squeeze3A_189, %add3A_190 : i32
          %get3A_192 = arith.index_cast %add3A_191 : i32 to index
          %get3A_193 = tpu.vector_load %arg16[%get3A_192] {strides = array<i32>} : memref<1920xf32, #tpu.memory_space<vmem>>, vector<16xf32>,
          %get3A_194 = vector.shape_cast %get3A_193 : vector<16xf32> to vector<16xf32>
          %add3A_195 = arith.constant 0 : i32
          %add3A_196 = arith.addi %mul3A_18, %add3A_195 : i32
          %get3A_197 = arith.index_cast %add3A_187 : i32 to index
          %get3A_198 = arith.index_cast %add3A_196 : i32 to index
          %get3A_199 = tpu.vector_load %arg9[%get3A_197, %get3A_198] {strides = array<i32>} : memref<80x128xf32, #tpu.memory_space<vmem>>, vector<1x16xf32>,
          %get3A_200 = vector.shape_cast %get3A_199 : vector<1x16xf32> to vector<16xf32>
          %mul3A_201 = arith.mulf %get3A_200, %get3A_194 : vector<16xf32>
          %swap3A_202 = arith.index_cast %add3A_187 : i32 to index
          %swap3A_203 = arith.constant 0 : index
          %swap3A_204 = tpu.vector_load %arg11[%swap3A_202, %swap3A_203] {strides = array<i32>} : memref<80x80xf32, #tpu.memory_space<vmem>>, vector<1x16xf32>,
          %swap3A_205 = vector.shape_cast %swap3A_204 : vector<1x16xf32> to vector<16xf32>
          %swap3A_206 = vector.shape_cast %mul3A_201 : vector<16xf32> to vector<1x16xf32>
          tpu.vector_store %arg11[%swap3A_202, %swap3A_203], %swap3A_206 {strides = array<i32>} : memref<80x80xf32, #tpu.memory_space<vmem>>, vector<1x16xf32>,
          %add3A_207 = arith.constant 16 : i32
          %add3A_208 = arith.addi %squeeze3A_189, %add3A_207 : i32
          %get3A_209 = arith.index_cast %add3A_208 : i32 to index
          %get3A_210 = tpu.vector_load %arg16[%get3A_209] {strides = array<i32>} : memref<1920xf32, #tpu.memory_space<vmem>>, vector<16xf32>,
          %get3A_211 = vector.shape_cast %get3A_210 : vector<16xf32> to vector<16xf32>
          %add3A_212 = arith.constant 16 : i32
          %add3A_213 = arith.addi %mul3A_18, %add3A_212 : i32
          %get3A_214 = arith.index_cast %add3A_187 : i32 to index
          %get3A_215 = arith.index_cast %add3A_213 : i32 to index
          %get3A_216 = tpu.vector_load %arg9[%get3A_214, %get3A_215] {strides = array<i32>} : memref<80x128xf32, #tpu.memory_space<vmem>>, vector<1x16xf32>,
          %get3A_217 = vector.shape_cast %get3A_216 : vector<1x16xf32> to vector<16xf32>
          %mul3A_218 = arith.mulf %get3A_217, %get3A_211 : vector<16xf32>
          %swap3A_219 = arith.index_cast %add3A_187 : i32 to index
          %swap3A_220 = arith.constant 16 : index
          %swap3A_221 = tpu.vector_load %arg11[%swap3A_219, %swap3A_220] {strides = array<i32>} : memref<80x80xf32, #tpu.memory_space<vmem>>, vector<1x16xf32>,
          %swap3A_222 = vector.shape_cast %swap3A_221 : vector<1x16xf32> to vector<16xf32>
          %swap3A_223 = vector.shape_cast %mul3A_218 : vector<16xf32> to vector<1x16xf32>
          tpu.vector_store %arg11[%swap3A_219, %swap3A_220], %swap3A_223 {strides = array<i32>} : memref<80x80xf32, #tpu.memory_space<vmem>>, vector<1x16xf32>,
          %add3A_224 = arith.constant 32 : i32
          %add3A_225 = arith.addi %squeeze3A_189, %add3A_224 : i32
          %get3A_226 = arith.index_cast %add3A_225 : i32 to index
          %get3A_227 = tpu.vector_load %arg16[%get3A_226] {strides = array<i32>} : memref<1920xf32, #tpu.memory_space<vmem>>, vector<16xf32>,
          %get3A_228 = vector.shape_cast %get3A_227 : vector<16xf32> to vector<16xf32>
          %add3A_229 = arith.constant 32 : i32
          %add3A_230 = arith.addi %mul3A_18, %add3A_229 : i32
          %get3A_231 = arith.index_cast %add3A_187 : i32 to index
          %get3A_232 = arith.index_cast %add3A_230 : i32 to index
          %get3A_233 = tpu.vector_load %arg9[%get3A_231, %get3A_232] {strides = array<i32>} : memref<80x128xf32, #tpu.memory_space<vmem>>, vector<1x16xf32>,
          %get3A_234 = vector.shape_cast %get3A_233 : vector<1x16xf32> to vector<16xf32>
          %mul3A_235 = arith.mulf %get3A_234, %get3A_228 : vector<16xf32>
          %swap3A_236 = arith.index_cast %add3A_187 : i32 to index
          %swap3A_237 = arith.constant 32 : index
          %swap3A_238 = tpu.vector_load %arg11[%swap3A_236, %swap3A_237] {strides = array<i32>} : memref<80x80xf32, #tpu.memory_space<vmem>>, vector<1x16xf32>,
          %swap3A_239 = vector.shape_cast %swap3A_238 : vector<1x16xf32> to vector<16xf32>
          %swap3A_240 = vector.shape_cast %mul3A_235 : vector<16xf32> to vector<1x16xf32>
          tpu.vector_store %arg11[%swap3A_236, %swap3A_237], %swap3A_240 {strides = array<i32>} : memref<80x80xf32, #tpu.memory_space<vmem>>, vector<1x16xf32>,
          %add3A_241 = arith.constant 48 : i32
          %add3A_242 = arith.addi %squeeze3A_189, %add3A_241 : i32
          %get3A_243 = arith.index_cast %add3A_242 : i32 to index
          %get3A_244 = tpu.vector_load %arg16[%get3A_243] {strides = array<i32>} : memref<1920xf32, #tpu.memory_space<vmem>>, vector<16xf32>,
          %get3A_245 = vector.shape_cast %get3A_244 : vector<16xf32> to vector<16xf32>
          %add3A_246 = arith.constant 48 : i32
          %add3A_247 = arith.addi %mul3A_18, %add3A_246 : i32
          %get3A_248 = arith.index_cast %add3A_187 : i32 to index
          %get3A_249 = arith.index_cast %add3A_247 : i32 to index
          %get3A_250 = tpu.vector_load %arg9[%get3A_248, %get3A_249] {strides = array<i32>} : memref<80x128xf32, #tpu.memory_space<vmem>>, vector<1x16xf32>,
          %get3A_251 = vector.shape_cast %get3A_250 : vector<1x16xf32> to vector<16xf32>
          %mul3A_252 = arith.mulf %get3A_251, %get3A_245 : vector<16xf32>
          %swap3A_253 = arith.index_cast %add3A_187 : i32 to index
          %swap3A_254 = arith.constant 48 : index
          %swap3A_255 = tpu.vector_load %arg11[%swap3A_253, %swap3A_254] {strides = array<i32>} : memref<80x80xf32, #tpu.memory_space<vmem>>, vector<1x16xf32>,
          %swap3A_256 = vector.shape_cast %swap3A_255 : vector<1x16xf32> to vector<16xf32>
          %swap3A_257 = vector.shape_cast %mul3A_252 : vector<16xf32> to vector<1x16xf32>
          tpu.vector_store %arg11[%swap3A_253, %swap3A_254], %swap3A_257 {strides = array<i32>} : memref<80x80xf32, #tpu.memory_space<vmem>>, vector<1x16xf32>,
          %mul3A_258 = arith.constant 16 : i32
          %mul3A_259 = arith.muli %add3A_108, %mul3A_258 : i32
          %add3A_260 = arith.constant 2 : i32
          %add3A_261 = arith.addi %mul3A_259, %add3A_260 : i32
          %slice3A_262 = vector.extract_strided_slice %get3A_112 {offsets = [2], sizes = [1], strides = [1]} : vector<16xi32> to vector<1xi32>
          %squeeze3A_263 = vector.extract %slice3A_262[0] : i32 from vector<1xi32>
          %add3A_264 = arith.constant 0 : i32
          %add3A_265 = arith.addi %squeeze3A_263, %add3A_264 : i32
          %get3A_266 = arith.index_cast %add3A_265 : i32 to index
          %get3A_267 = tpu.vector_load %arg16[%get3A_266] {strides = array<i32>} : memref<1920xf32, #tpu.memory_space<vmem>>, vector<16xf32>,
          %get3A_268 = vector.shape_cast %get3A_267 : vector<16xf32> to vector<16xf32>
          %add3A_269 = arith.constant 0 : i32
          %add3A_270 = arith.addi %mul3A_18, %add3A_269 : i32
          %get3A_271 = arith.index_cast %add3A_261 : i32 to index
          %get3A_272 = arith.index_cast %add3A_270 : i32 to index
          %get3A_273 = tpu.vector_load %arg9[%get3A_271, %get3A_272] {strides = array<i32>} : memref<80x128xf32, #tpu.memory_space<vmem>>, vector<1x16xf32>,
          %get3A_274 = vector.shape_cast %get3A_273 : vector<1x16xf32> to vector<16xf32>
          %mul3A_275 = arith.mulf %get3A_274, %get3A_268 : vector<16xf32>
          %swap3A_276 = arith.index_cast %add3A_261 : i32 to index
          %swap3A_277 = arith.constant 0 : index
          %swap3A_278 = tpu.vector_load %arg11[%swap3A_276, %swap3A_277] {strides = array<i32>} : memref<80x80xf32, #tpu.memory_space<vmem>>, vector<1x16xf32>,
          %swap3A_279 = vector.shape_cast %swap3A_278 : vector<1x16xf32> to vector<16xf32>
          %swap3A_280 = vector.shape_cast %mul3A_275 : vector<16xf32> to vector<1x16xf32>
          tpu.vector_store %arg11[%swap3A_276, %swap3A_277], %swap3A_280 {strides = array<i32>} : memref<80x80xf32, #tpu.memory_space<vmem>>, vector<1x16xf32>,
          %add3A_281 = arith.constant 16 : i32
          %add3A_282 = arith.addi %squeeze3A_263, %add3A_281 : i32
          %get3A_283 = arith.index_cast %add3A_282 : i32 to index
          %get3A_284 = tpu.vector_load %arg16[%get3A_283] {strides = array<i32>} : memref<1920xf32, #tpu.memory_space<vmem>>, vector<16xf32>,
          %get3A_285 = vector.shape_cast %get3A_284 : vector<16xf32> to vector<16xf32>
          %add3A_286 = arith.constant 16 : i32
          %add3A_287 = arith.addi %mul3A_18, %add3A_286 : i32
          %get3A_288 = arith.index_cast %add3A_261 : i32 to index
          %get3A_289 = arith.index_cast %add3A_287 : i32 to index
          %get3A_290 = tpu.vector_load %arg9[%get3A_288, %get3A_289] {strides = array<i32>} : memref<80x128xf32, #tpu.memory_space<vmem>>, vector<1x16xf32>,
          %get3A_291 = vector.shape_cast %get3A_290 : vector<1x16xf32> to vector<16xf32>
          %mul3A_292 = arith.mulf %get3A_291, %get3A_285 : vector<16xf32>
          %swap3A_293 = arith.index_cast %add3A_261 : i32 to index
          %swap3A_294 = arith.constant 16 : index
          %swap3A_295 = tpu.vector_load %arg11[%swap3A_293, %swap3A_294] {strides = array<i32>} : memref<80x80xf32, #tpu.memory_space<vmem>>, vector<1x16xf32>,
          %swap3A_296 = vector.shape_cast %swap3A_295 : vector<1x16xf32> to vector<16xf32>
          %swap3A_297 = vector.shape_cast %mul3A_292 : vector<16xf32> to vector<1x16xf32>
          tpu.vector_store %arg11[%swap3A_293, %swap3A_294], %swap3A_297 {strides = array<i32>} : memref<80x80xf32, #tpu.memory_space<vmem>>, vector<1x16xf32>,
          %add3A_298 = arith.constant 32 : i32
          %add3A_299 = arith.addi %squeeze3A_263, %add3A_298 : i32
          %get3A_300 = arith.index_cast %add3A_299 : i32 to index
          %get3A_301 = tpu.vector_load %arg16[%get3A_300] {strides = array<i32>} : memref<1920xf32, #tpu.memory_space<vmem>>, vector<16xf32>,
          %get3A_302 = vector.shape_cast %get3A_301 : vector<16xf32> to vector<16xf32>
          %add3A_303 = arith.constant 32 : i32
          %add3A_304 = arith.addi %mul3A_18, %add3A_303 : i32
          %get3A_305 = arith.index_cast %add3A_261 : i32 to index
          %get3A_306 = arith.index_cast %add3A_304 : i32 to index
          %get3A_307 = tpu.vector_load %arg9[%get3A_305, %get3A_306] {strides = array<i32>} : memref<80x128xf32, #tpu.memory_space<vmem>>, vector<1x16xf32>,
          %get3A_308 = vector.shape_cast %get3A_307 : vector<1x16xf32> to vector<16xf32>
          %mul3A_309 = arith.mulf %get3A_308, %get3A_302 : vector<16xf32>
          %swap3A_310 = arith.index_cast %add3A_261 : i32 to index
          %swap3A_311 = arith.constant 32 : index
          %swap3A_312 = tpu.vector_load %arg11[%swap3A_310, %swap3A_311] {strides = array<i32>} : memref<80x80xf32, #tpu.memory_space<vmem>>, vector<1x16xf32>,
          %swap3A_313 = vector.shape_cast %swap3A_312 : vector<1x16xf32> to vector<16xf32>
          %swap3A_314 = vector.shape_cast %mul3A_309 : vector<16xf32> to vector<1x16xf32>
          tpu.vector_store %arg11[%swap3A_310, %swap3A_311], %swap3A_314 {strides = array<i32>} : memref<80x80xf32, #tpu.memory_space<vmem>>, vector<1x16xf32>,
          %add3A_315 = arith.constant 48 : i32
          %add3A_316 = arith.addi %squeeze3A_263, %add3A_315 : i32
          %get3A_317 = arith.index_cast %add3A_316 : i32 to index
          %get3A_318 = tpu.vector_load %arg16[%get3A_317] {strides = array<i32>} : memref<1920xf32, #tpu.memory_space<vmem>>, vector<16xf32>,
          %get3A_319 = vector.shape_cast %get3A_318 : vector<16xf32> to vector<16xf32>
          %add3A_320 = arith.constant 48 : i32
          %add3A_321 = arith.addi %mul3A_18, %add3A_320 : i32
          %get3A_322 = arith.index_cast %add3A_261 : i32 to index
          %get3A_323 = arith.index_cast %add3A_321 : i32 to index
          %get3A_324 = tpu.vector_load %arg9[%get3A_322, %get3A_323] {strides = array<i32>} : memref<80x128xf32, #tpu.memory_space<vmem>>, vector<1x16xf32>,
          %get3A_325 = vector.shape_cast %get3A_324 : vector<1x16xf32> to vector<16xf32>
          %mul3A_326 = arith.mulf %get3A_325, %get3A_319 : vector<16xf32>
          %swap3A_327 = arith.index_cast %add3A_261 : i32 to index
          %swap3A_328 = arith.constant 48 : index
          %swap3A_329 = tpu.vector_load %arg11[%swap3A_327, %swap3A_328] {strides = array<i32>} : memref<80x80xf32, #tpu.memory_space<vmem>>, vector<1x16xf32>,
          %swap3A_330 = vector.shape_cast %swap3A_329 : vector<1x16xf32> to vector<16xf32>
          %swap3A_331 = vector.shape_cast %mul3A_326 : vector<16xf32> to vector<1x16xf32>
          tpu.vector_store %arg11[%swap3A_327, %swap3A_328], %swap3A_331 {strides = array<i32>} : memref<80x80xf32, #tpu.memory_space<vmem>>, vector<1x16xf32>,
          %mul3A_332 = arith.constant 16 : i32
          %mul3A_333 = arith.muli %add3A_108, %mul3A_332 : i32
          %add3A_334 = arith.constant 3 : i32
          %add3A_335 = arith.addi %mul3A_333, %add3A_334 : i32
          %slice3A_336 = vector.extract_strided_slice %get3A_112 {offsets = [3], sizes = [1], strides = [1]} : vector<16xi32> to vector<1xi32>
          %squeeze3A_337 = vector.extract %slice3A_336[0] : i32 from vector<1xi32>
          %add3A_338 = arith.constant 0 : i32
          %add3A_339 = arith.addi %squeeze3A_337, %add3A_338 : i32
          %get3A_340 = arith.index_cast %add3A_339 : i32 to index
          %get3A_341 = tpu.vector_load %arg16[%get3A_340] {strides = array<i32>} : memref<1920xf32, #tpu.memory_space<vmem>>, vector<16xf32>,
          %get3A_342 = vector.shape_cast %get3A_341 : vector<16xf32> to vector<16xf32>
          %add3A_343 = arith.constant 0 : i32
          %add3A_344 = arith.addi %mul3A_18, %add3A_343 : i32
          %get3A_345 = arith.index_cast %add3A_335 : i32 to index
          %get3A_346 = arith.index_cast %add3A_344 : i32 to index
          %get3A_347 = tpu.vector_load %arg9[%get3A_345, %get3A_346] {strides = array<i32>} : memref<80x128xf32, #tpu.memory_space<vmem>>, vector<1x16xf32>,
          %get3A_348 = vector.shape_cast %get3A_347 : vector<1x16xf32> to vector<16xf32>
          %mul3A_349 = arith.mulf %get3A_348, %get3A_342 : vector<16xf32>
          %swap3A_350 = arith.index_cast %add3A_335 : i32 to index
          %swap3A_351 = arith.constant 0 : index
          %swap3A_352 = tpu.vector_load %arg11[%swap3A_350, %swap3A_351] {strides = array<i32>} : memref<80x80xf32, #tpu.memory_space<vmem>>, vector<1x16xf32>,
          %swap3A_353 = vector.shape_cast %swap3A_352 : vector<1x16xf32> to vector<16xf32>
          %swap3A_354 = vector.shape_cast %mul3A_349 : vector<16xf32> to vector<1x16xf32>
          tpu.vector_store %arg11[%swap3A_350, %swap3A_351], %swap3A_354 {strides = array<i32>} : memref<80x80xf32, #tpu.memory_space<vmem>>, vector<1x16xf32>,
          %add3A_355 = arith.constant 16 : i32
          %add3A_356 = arith.addi %squeeze3A_337, %add3A_355 : i32
          %get3A_357 = arith.index_cast %add3A_356 : i32 to index
          %get3A_358 = tpu.vector_load %arg16[%get3A_357] {strides = array<i32>} : memref<1920xf32, #tpu.memory_space<vmem>>, vector<16xf32>,
          %get3A_359 = vector.shape_cast %get3A_358 : vector<16xf32> to vector<16xf32>
          %add3A_360 = arith.constant 16 : i32
          %add3A_361 = arith.addi %mul3A_18, %add3A_360 : i32
          %get3A_362 = arith.index_cast %add3A_335 : i32 to index
          %get3A_363 = arith.index_cast %add3A_361 : i32 to index
          %get3A_364 = tpu.vector_load %arg9[%get3A_362, %get3A_363] {strides = array<i32>} : memref<80x128xf32, #tpu.memory_space<vmem>>, vector<1x16xf32>,
          %get3A_365 = vector.shape_cast %get3A_364 : vector<1x16xf32> to vector<16xf32>
          %mul3A_366 = arith.mulf %get3A_365, %get3A_359 : vector<16xf32>
          %swap3A_367 = arith.index_cast %add3A_335 : i32 to index
          %swap3A_368 = arith.constant 16 : index
          %swap3A_369 = tpu.vector_load %arg11[%swap3A_367, %swap3A_368] {strides = array<i32>} : memref<80x80xf32, #tpu.memory_space<vmem>>, vector<1x16xf32>,
          %swap3A_370 = vector.shape_cast %swap3A_369 : vector<1x16xf32> to vector<16xf32>
          %swap3A_371 = vector.shape_cast %mul3A_366 : vector<16xf32> to vector<1x16xf32>
          tpu.vector_store %arg11[%swap3A_367, %swap3A_368], %swap3A_371 {strides = array<i32>} : memref<80x80xf32, #tpu.memory_space<vmem>>, vector<1x16xf32>,
          %add3A_372 = arith.constant 32 : i32
          %add3A_373 = arith.addi %squeeze3A_337, %add3A_372 : i32
          %get3A_374 = arith.index_cast %add3A_373 : i32 to index
          %get3A_375 = tpu.vector_load %arg16[%get3A_374] {strides = array<i32>} : memref<1920xf32, #tpu.memory_space<vmem>>, vector<16xf32>,
          %get3A_376 = vector.shape_cast %get3A_375 : vector<16xf32> to vector<16xf32>
          %add3A_377 = arith.constant 32 : i32
          %add3A_378 = arith.addi %mul3A_18, %add3A_377 : i32
          %get3A_379 = arith.index_cast %add3A_335 : i32 to index
          %get3A_380 = arith.index_cast %add3A_378 : i32 to index
          %get3A_381 = tpu.vector_load %arg9[%get3A_379, %get3A_380] {strides = array<i32>} : memref<80x128xf32, #tpu.memory_space<vmem>>, vector<1x16xf32>,
          %get3A_382 = vector.shape_cast %get3A_381 : vector<1x16xf32> to vector<16xf32>
          %mul3A_383 = arith.mulf %get3A_382, %get3A_376 : vector<16xf32>
          %swap3A_384 = arith.index_cast %add3A_335 : i32 to index
          %swap3A_385 = arith.constant 32 : index
          %swap3A_386 = tpu.vector_load %arg11[%swap3A_384, %swap3A_385] {strides = array<i32>} : memref<80x80xf32, #tpu.memory_space<vmem>>, vector<1x16xf32>,
          %swap3A_387 = vector.shape_cast %swap3A_386 : vector<1x16xf32> to vector<16xf32>
          %swap3A_388 = vector.shape_cast %mul3A_383 : vector<16xf32> to vector<1x16xf32>
          tpu.vector_store %arg11[%swap3A_384, %swap3A_385], %swap3A_388 {strides = array<i32>} : memref<80x80xf32, #tpu.memory_space<vmem>>, vector<1x16xf32>,
          %add3A_389 = arith.constant 48 : i32
          %add3A_390 = arith.addi %squeeze3A_337, %add3A_389 : i32
          %get3A_391 = arith.index_cast %add3A_390 : i32 to index
          %get3A_392 = tpu.vector_load %arg16[%get3A_391] {strides = array<i32>} : memref<1920xf32, #tpu.memory_space<vmem>>, vector<16xf32>,
          %get3A_393 = vector.shape_cast %get3A_392 : vector<16xf32> to vector<16xf32>
          %add3A_394 = arith.constant 48 : i32
          %add3A_395 = arith.addi %mul3A_18, %add3A_394 : i32
          %get3A_396 = arith.index_cast %add3A_335 : i32 to index
          %get3A_397 = arith.index_cast %add3A_395 : i32 to index
          %get3A_398 = tpu.vector_load %arg9[%get3A_396, %get3A_397] {strides = array<i32>} : memref<80x128xf32, #tpu.memory_space<vmem>>, vector<1x16xf32>,
          %get3A_399 = vector.shape_cast %get3A_398 : vector<1x16xf32> to vector<16xf32>
          %mul3A_400 = arith.mulf %get3A_399, %get3A_393 : vector<16xf32>
          %swap3A_401 = arith.index_cast %add3A_335 : i32 to index
          %swap3A_402 = arith.constant 48 : index
          %swap3A_403 = tpu.vector_load %arg11[%swap3A_401, %swap3A_402] {strides = array<i32>} : memref<80x80xf32, #tpu.memory_space<vmem>>, vector<1x16xf32>,
          %swap3A_404 = vector.shape_cast %swap3A_403 : vector<1x16xf32> to vector<16xf32>
          %swap3A_405 = vector.shape_cast %mul3A_400 : vector<16xf32> to vector<1x16xf32>
          tpu.vector_store %arg11[%swap3A_401, %swap3A_402], %swap3A_405 {strides = array<i32>} : memref<80x80xf32, #tpu.memory_space<vmem>>, vector<1x16xf32>,
          %mul3A_406 = arith.constant 16 : i32
          %mul3A_407 = arith.muli %add3A_108, %mul3A_406 : i32
          %add3A_408 = arith.constant 4 : i32
          %add3A_409 = arith.addi %mul3A_407, %add3A_408 : i32
          %slice3A_410 = vector.extract_strided_slice %get3A_112 {offsets = [4], sizes = [1], strides = [1]} : vector<16xi32> to vector<1xi32>
          %squeeze3A_411 = vector.extract %slice3A_410[0] : i32 from vector<1xi32>
          %add3A_412 = arith.constant 0 : i32
          %add3A_413 = arith.addi %squeeze3A_411, %add3A_412 : i32
          %get3A_414 = arith.index_cast %add3A_413 : i32 to index
          %get3A_415 = tpu.vector_load %arg16[%get3A_414] {strides = array<i32>} : memref<1920xf32, #tpu.memory_space<vmem>>, vector<16xf32>,
          %get3A_416 = vector.shape_cast %get3A_415 : vector<16xf32> to vector<16xf32>
          %add3A_417 = arith.constant 0 : i32
          %add3A_418 = arith.addi %mul3A_18, %add3A_417 : i32
          %get3A_419 = arith.index_cast %add3A_409 : i32 to index
          %get3A_420 = arith.index_cast %add3A_418 : i32 to index
          %get3A_421 = tpu.vector_load %arg9[%get3A_419, %get3A_420] {strides = array<i32>} : memref<80x128xf32, #tpu.memory_space<vmem>>, vector<1x16xf32>,
          %get3A_422 = vector.shape_cast %get3A_421 : vector<1x16xf32> to vector<16xf32>
          %mul3A_423 = arith.mulf %get3A_422, %get3A_416 : vector<16xf32>
          %swap3A_424 = arith.index_cast %add3A_409 : i32 to index
          %swap3A_425 = arith.constant 0 : index
          %swap3A_426 = tpu.vector_load %arg11[%swap3A_424, %swap3A_425] {strides = array<i32>} : memref<80x80xf32, #tpu.memory_space<vmem>>, vector<1x16xf32>,
          %swap3A_427 = vector.shape_cast %swap3A_426 : vector<1x16xf32> to vector<16xf32>
          %swap3A_428 = vector.shape_cast %mul3A_423 : vector<16xf32> to vector<1x16xf32>
          tpu.vector_store %arg11[%swap3A_424, %swap3A_425], %swap3A_428 {strides = array<i32>} : memref<80x80xf32, #tpu.memory_space<vmem>>, vector<1x16xf32>,
          %add3A_429 = arith.constant 16 : i32
          %add3A_430 = arith.addi %squeeze3A_411, %add3A_429 : i32
          %get3A_431 = arith.index_cast %add3A_430 : i32 to index
          %get3A_432 = tpu.vector_load %arg16[%get3A_431] {strides = array<i32>} : memref<1920xf32, #tpu.memory_space<vmem>>, vector<16xf32>,
          %get3A_433 = vector.shape_cast %get3A_432 : vector<16xf32> to vector<16xf32>
          %add3A_434 = arith.constant 16 : i32
          %add3A_435 = arith.addi %mul3A_18, %add3A_434 : i32
          %get3A_436 = arith.index_cast %add3A_409 : i32 to index
          %get3A_437 = arith.index_cast %add3A_435 : i32 to index
          %get3A_438 = tpu.vector_load %arg9[%get3A_436, %get3A_437] {strides = array<i32>} : memref<80x128xf32, #tpu.memory_space<vmem>>, vector<1x16xf32>,
          %get3A_439 = vector.shape_cast %get3A_438 : vector<1x16xf32> to vector<16xf32>
          %mul3A_440 = arith.mulf %get3A_439, %get3A_433 : vector<16xf32>
          %swap3A_441 = arith.index_cast %add3A_409 : i32 to index
          %swap3A_442 = arith.constant 16 : index
          %swap3A_443 = tpu.vector_load %arg11[%swap3A_441, %swap3A_442] {strides = array<i32>} : memref<80x80xf32, #tpu.memory_space<vmem>>, vector<1x16xf32>,
          %swap3A_444 = vector.shape_cast %swap3A_443 : vector<1x16xf32> to vector<16xf32>
          %swap3A_445 = vector.shape_cast %mul3A_440 : vector<16xf32> to vector<1x16xf32>
          tpu.vector_store %arg11[%swap3A_441, %swap3A_442], %swap3A_445 {strides = array<i32>} : memref<80x80xf32, #tpu.memory_space<vmem>>, vector<1x16xf32>,
          %add3A_446 = arith.constant 32 : i32
          %add3A_447 = arith.addi %squeeze3A_411, %add3A_446 : i32
          %get3A_448 = arith.index_cast %add3A_447 : i32 to index
          %get3A_449 = tpu.vector_load %arg16[%get3A_448] {strides = array<i32>} : memref<1920xf32, #tpu.memory_space<vmem>>, vector<16xf32>,
          %get3A_450 = vector.shape_cast %get3A_449 : vector<16xf32> to vector<16xf32>
          %add3A_451 = arith.constant 32 : i32
          %add3A_452 = arith.addi %mul3A_18, %add3A_451 : i32
          %get3A_453 = arith.index_cast %add3A_409 : i32 to index
          %get3A_454 = arith.index_cast %add3A_452 : i32 to index
          %get3A_455 = tpu.vector_load %arg9[%get3A_453, %get3A_454] {strides = array<i32>} : memref<80x128xf32, #tpu.memory_space<vmem>>, vector<1x16xf32>,
          %get3A_456 = vector.shape_cast %get3A_455 : vector<1x16xf32> to vector<16xf32>
          %mul3A_457 = arith.mulf %get3A_456, %get3A_450 : vector<16xf32>
          %swap3A_458 = arith.index_cast %add3A_409 : i32 to index
          %swap3A_459 = arith.constant 32 : index
          %swap3A_460 = tpu.vector_load %arg11[%swap3A_458, %swap3A_459] {strides = array<i32>} : memref<80x80xf32, #tpu.memory_space<vmem>>, vector<1x16xf32>,
          %swap3A_461 = vector.shape_cast %swap3A_460 : vector<1x16xf32> to vector<16xf32>
          %swap3A_462 = vector.shape_cast %mul3A_457 : vector<16xf32> to vector<1x16xf32>
          tpu.vector_store %arg11[%swap3A_458, %swap3A_459], %swap3A_462 {strides = array<i32>} : memref<80x80xf32, #tpu.memory_space<vmem>>, vector<1x16xf32>,
          %add3A_463 = arith.constant 48 : i32
          %add3A_464 = arith.addi %squeeze3A_411, %add3A_463 : i32
          %get3A_465 = arith.index_cast %add3A_464 : i32 to index
          %get3A_466 = tpu.vector_load %arg16[%get3A_465] {strides = array<i32>} : memref<1920xf32, #tpu.memory_space<vmem>>, vector<16xf32>,
          %get3A_467 = vector.shape_cast %get3A_466 : vector<16xf32> to vector<16xf32>
          %add3A_468 = arith.constant 48 : i32
          %add3A_469 = arith.addi %mul3A_18, %add3A_468 : i32
          %get3A_470 = arith.index_cast %add3A_409 : i32 to index
          %get3A_471 = arith.index_cast %add3A_469 : i32 to index
          %get3A_472 = tpu.vector_load %arg9[%get3A_470, %get3A_471] {strides = array<i32>} : memref<80x128xf32, #tpu.memory_space<vmem>>, vector<1x16xf32>,
          %get3A_473 = vector.shape_cast %get3A_472 : vector<1x16xf32> to vector<16xf32>
          %mul3A_474 = arith.mulf %get3A_473, %get3A_467 : vector<16xf32>
          %swap3A_475 = arith.index_cast %add3A_409 : i32 to index
          %swap3A_476 = arith.constant 48 : index
          %swap3A_477 = tpu.vector_load %arg11[%swap3A_475, %swap3A_476] {strides = array<i32>} : memref<80x80xf32, #tpu.memory_space<vmem>>, vector<1x16xf32>,
          %swap3A_478 = vector.shape_cast %swap3A_477 : vector<1x16xf32> to vector<16xf32>
          %swap3A_479 = vector.shape_cast %mul3A_474 : vector<16xf32> to vector<1x16xf32>
          tpu.vector_store %arg11[%swap3A_475, %swap3A_476], %swap3A_479 {strides = array<i32>} : memref<80x80xf32, #tpu.memory_space<vmem>>, vector<1x16xf32>,
          %mul3A_480 = arith.constant 16 : i32
          %mul3A_481 = arith.muli %add3A_108, %mul3A_480 : i32
          %add3A_482 = arith.constant 5 : i32
          %add3A_483 = arith.addi %mul3A_481, %add3A_482 : i32
          %slice3A_484 = vector.extract_strided_slice %get3A_112 {offsets = [5], sizes = [1], strides = [1]} : vector<16xi32> to vector<1xi32>
          %squeeze3A_485 = vector.extract %slice3A_484[0] : i32 from vector<1xi32>
          %add3A_486 = arith.constant 0 : i32
          %add3A_487 = arith.addi %squeeze3A_485, %add3A_486 : i32
          %get3A_488 = arith.index_cast %add3A_487 : i32 to index
          %get3A_489 = tpu.vector_load %arg16[%get3A_488] {strides = array<i32>} : memref<1920xf32, #tpu.memory_space<vmem>>, vector<16xf32>,
          %get3A_490 = vector.shape_cast %get3A_489 : vector<16xf32> to vector<16xf32>
          %add3A_491 = arith.constant 0 : i32
          %add3A_492 = arith.addi %mul3A_18, %add3A_491 : i32
          %get3A_493 = arith.index_cast %add3A_483 : i32 to index
          %get3A_494 = arith.index_cast %add3A_492 : i32 to index
          %get3A_495 = tpu.vector_load %arg9[%get3A_493, %get3A_494] {strides = array<i32>} : memref<80x128xf32, #tpu.memory_space<vmem>>, vector<1x16xf32>,
          %get3A_496 = vector.shape_cast %get3A_495 : vector<1x16xf32> to vector<16xf32>
          %mul3A_497 = arith.mulf %get3A_496, %get3A_490 : vector<16xf32>
          %swap3A_498 = arith.index_cast %add3A_483 : i32 to index
          %swap3A_499 = arith.constant 0 : index
          %swap3A_500 = tpu.vector_load %arg11[%swap3A_498, %swap3A_499] {strides = array<i32>} : memref<80x80xf32, #tpu.memory_space<vmem>>, vector<1x16xf32>,
          %swap3A_501 = vector.shape_cast %swap3A_500 : vector<1x16xf32> to vector<16xf32>
          %swap3A_502 = vector.shape_cast %mul3A_497 : vector<16xf32> to vector<1x16xf32>
          tpu.vector_store %arg11[%swap3A_498, %swap3A_499], %swap3A_502 {strides = array<i32>} : memref<80x80xf32, #tpu.memory_space<vmem>>, vector<1x16xf32>,
          %add3A_503 = arith.constant 16 : i32
          %add3A_504 = arith.addi %squeeze3A_485, %add3A_503 : i32
          %get3A_505 = arith.index_cast %add3A_504 : i32 to index
          %get3A_506 = tpu.vector_load %arg16[%get3A_505] {strides = array<i32>} : memref<1920xf32, #tpu.memory_space<vmem>>, vector<16xf32>,
          %get3A_507 = vector.shape_cast %get3A_506 : vector<16xf32> to vector<16xf32>
          %add3A_508 = arith.constant 16 : i32
          %add3A_509 = arith.addi %mul3A_18, %add3A_508 : i32
          %get3A_510 = arith.index_cast %add3A_483 : i32 to index
          %get3A_511 = arith.index_cast %add3A_509 : i32 to index
          %get3A_512 = tpu.vector_load %arg9[%get3A_510, %get3A_511] {strides = array<i32>} : memref<80x128xf32, #tpu.memory_space<vmem>>, vector<1x16xf32>,
          %get3A_513 = vector.shape_cast %get3A_512 : vector<1x16xf32> to vector<16xf32>
          %mul3A_514 = arith.mulf %get3A_513, %get3A_507 : vector<16xf32>
          %swap3A_515 = arith.index_cast %add3A_483 : i32 to index
          %swap3A_516 = arith.constant 16 : index
          %swap3A_517 = tpu.vector_load %arg11[%swap3A_515, %swap3A_516] {strides = array<i32>} : memref<80x80xf32, #tpu.memory_space<vmem>>, vector<1x16xf32>,
          %swap3A_518 = vector.shape_cast %swap3A_517 : vector<1x16xf32> to vector<16xf32>
          %swap3A_519 = vector.shape_cast %mul3A_514 : vector<16xf32> to vector<1x16xf32>
          tpu.vector_store %arg11[%swap3A_515, %swap3A_516], %swap3A_519 {strides = array<i32>} : memref<80x80xf32, #tpu.memory_space<vmem>>, vector<1x16xf32>,
          %add3A_520 = arith.constant 32 : i32
          %add3A_521 = arith.addi %squeeze3A_485, %add3A_520 : i32
          %get3A_522 = arith.index_cast %add3A_521 : i32 to index
          %get3A_523 = tpu.vector_load %arg16[%get3A_522] {strides = array<i32>} : memref<1920xf32, #tpu.memory_space<vmem>>, vector<16xf32>,
          %get3A_524 = vector.shape_cast %get3A_523 : vector<16xf32> to vector<16xf32>
          %add3A_525 = arith.constant 32 : i32
          %add3A_526 = arith.addi %mul3A_18, %add3A_525 : i32
          %get3A_527 = arith.index_cast %add3A_483 : i32 to index
          %get3A_528 = arith.index_cast %add3A_526 : i32 to index
          %get3A_529 = tpu.vector_load %arg9[%get3A_527, %get3A_528] {strides = array<i32>} : memref<80x128xf32, #tpu.memory_space<vmem>>, vector<1x16xf32>,
          %get3A_530 = vector.shape_cast %get3A_529 : vector<1x16xf32> to vector<16xf32>
          %mul3A_531 = arith.mulf %get3A_530, %get3A_524 : vector<16xf32>
          %swap3A_532 = arith.index_cast %add3A_483 : i32 to index
          %swap3A_533 = arith.constant 32 : index
          %swap3A_534 = tpu.vector_load %arg11[%swap3A_532, %swap3A_533] {strides = array<i32>} : memref<80x80xf32, #tpu.memory_space<vmem>>, vector<1x16xf32>,
          %swap3A_535 = vector.shape_cast %swap3A_534 : vector<1x16xf32> to vector<16xf32>
          %swap3A_536 = vector.shape_cast %mul3A_531 : vector<16xf32> to vector<1x16xf32>
          tpu.vector_store %arg11[%swap3A_532, %swap3A_533], %swap3A_536 {strides = array<i32>} : memref<80x80xf32, #tpu.memory_space<vmem>>, vector<1x16xf32>,
          %add3A_537 = arith.constant 48 : i32
          %add3A_538 = arith.addi %squeeze3A_485, %add3A_537 : i32
          %get3A_539 = arith.index_cast %add3A_538 : i32 to index
          %get3A_540 = tpu.vector_load %arg16[%get3A_539] {strides = array<i32>} : memref<1920xf32, #tpu.memory_space<vmem>>, vector<16xf32>,
          %get3A_541 = vector.shape_cast %get3A_540 : vector<16xf32> to vector<16xf32>
          %add3A_542 = arith.constant 48 : i32
          %add3A_543 = arith.addi %mul3A_18, %add3A_542 : i32
          %get3A_544 = arith.index_cast %add3A_483 : i32 to index
          %get3A_545 = arith.index_cast %add3A_543 : i32 to index
          %get3A_546 = tpu.vector_load %arg9[%get3A_544, %get3A_545] {strides = array<i32>} : memref<80x128xf32, #tpu.memory_space<vmem>>, vector<1x16xf32>,
          %get3A_547 = vector.shape_cast %get3A_546 : vector<1x16xf32> to vector<16xf32>
          %mul3A_548 = arith.mulf %get3A_547, %get3A_541 : vector<16xf32>
          %swap3A_549 = arith.index_cast %add3A_483 : i32 to index
          %swap3A_550 = arith.constant 48 : index
          %swap3A_551 = tpu.vector_load %arg11[%swap3A_549, %swap3A_550] {strides = array<i32>} : memref<80x80xf32, #tpu.memory_space<vmem>>, vector<1x16xf32>,
          %swap3A_552 = vector.shape_cast %swap3A_551 : vector<1x16xf32> to vector<16xf32>
          %swap3A_553 = vector.shape_cast %mul3A_548 : vector<16xf32> to vector<1x16xf32>
          tpu.vector_store %arg11[%swap3A_549, %swap3A_550], %swap3A_553 {strides = array<i32>} : memref<80x80xf32, #tpu.memory_space<vmem>>, vector<1x16xf32>,
          %mul3A_554 = arith.constant 16 : i32
          %mul3A_555 = arith.muli %add3A_108, %mul3A_554 : i32
          %add3A_556 = arith.constant 6 : i32
          %add3A_557 = arith.addi %mul3A_555, %add3A_556 : i32
          %slice3A_558 = vector.extract_strided_slice %get3A_112 {offsets = [6], sizes = [1], strides = [1]} : vector<16xi32> to vector<1xi32>
          %squeeze3A_559 = vector.extract %slice3A_558[0] : i32 from vector<1xi32>
          %add3A_560 = arith.constant 0 : i32
          %add3A_561 = arith.addi %squeeze3A_559, %add3A_560 : i32
          %get3A_562 = arith.index_cast %add3A_561 : i32 to index
          %get3A_563 = tpu.vector_load %arg16[%get3A_562] {strides = array<i32>} : memref<1920xf32, #tpu.memory_space<vmem>>, vector<16xf32>,
          %get3A_564 = vector.shape_cast %get3A_563 : vector<16xf32> to vector<16xf32>
          %add3A_565 = arith.constant 0 : i32
          %add3A_566 = arith.addi %mul3A_18, %add3A_565 : i32
          %get3A_567 = arith.index_cast %add3A_557 : i32 to index
          %get3A_568 = arith.index_cast %add3A_566 : i32 to index
          %get3A_569 = tpu.vector_load %arg9[%get3A_567, %get3A_568] {strides = array<i32>} : memref<80x128xf32, #tpu.memory_space<vmem>>, vector<1x16xf32>,
          %get3A_570 = vector.shape_cast %get3A_569 : vector<1x16xf32> to vector<16xf32>
          %mul3A_571 = arith.mulf %get3A_570, %get3A_564 : vector<16xf32>
          %swap3A_572 = arith.index_cast %add3A_557 : i32 to index
          %swap3A_573 = arith.constant 0 : index
          %swap3A_574 = tpu.vector_load %arg11[%swap3A_572, %swap3A_573] {strides = array<i32>} : memref<80x80xf32, #tpu.memory_space<vmem>>, vector<1x16xf32>,
          %swap3A_575 = vector.shape_cast %swap3A_574 : vector<1x16xf32> to vector<16xf32>
          %swap3A_576 = vector.shape_cast %mul3A_571 : vector<16xf32> to vector<1x16xf32>
          tpu.vector_store %arg11[%swap3A_572, %swap3A_573], %swap3A_576 {strides = array<i32>} : memref<80x80xf32, #tpu.memory_space<vmem>>, vector<1x16xf32>,
          %add3A_577 = arith.constant 16 : i32
          %add3A_578 = arith.addi %squeeze3A_559, %add3A_577 : i32
          %get3A_579 = arith.index_cast %add3A_578 : i32 to index
          %get3A_580 = tpu.vector_load %arg16[%get3A_579] {strides = array<i32>} : memref<1920xf32, #tpu.memory_space<vmem>>, vector<16xf32>,
          %get3A_581 = vector.shape_cast %get3A_580 : vector<16xf32> to vector<16xf32>
          %add3A_582 = arith.constant 16 : i32
          %add3A_583 = arith.addi %mul3A_18, %add3A_582 : i32
          %get3A_584 = arith.index_cast %add3A_557 : i32 to index
          %get3A_585 = arith.index_cast %add3A_583 : i32 to index
          %get3A_586 = tpu.vector_load %arg9[%get3A_584, %get3A_585] {strides = array<i32>} : memref<80x128xf32, #tpu.memory_space<vmem>>, vector<1x16xf32>,
          %get3A_587 = vector.shape_cast %get3A_586 : vector<1x16xf32> to vector<16xf32>
          %mul3A_588 = arith.mulf %get3A_587, %get3A_581 : vector<16xf32>
          %swap3A_589 = arith.index_cast %add3A_557 : i32 to index
          %swap3A_590 = arith.constant 16 : index
          %swap3A_591 = tpu.vector_load %arg11[%swap3A_589, %swap3A_590] {strides = array<i32>} : memref<80x80xf32, #tpu.memory_space<vmem>>, vector<1x16xf32>,
          %swap3A_592 = vector.shape_cast %swap3A_591 : vector<1x16xf32> to vector<16xf32>
          %swap3A_593 = vector.shape_cast %mul3A_588 : vector<16xf32> to vector<1x16xf32>
          tpu.vector_store %arg11[%swap3A_589, %swap3A_590], %swap3A_593 {strides = array<i32>} : memref<80x80xf32, #tpu.memory_space<vmem>>, vector<1x16xf32>,
          %add3A_594 = arith.constant 32 : i32
          %add3A_595 = arith.addi %squeeze3A_559, %add3A_594 : i32
          %get3A_596 = arith.index_cast %add3A_595 : i32 to index
          %get3A_597 = tpu.vector_load %arg16[%get3A_596] {strides = array<i32>} : memref<1920xf32, #tpu.memory_space<vmem>>, vector<16xf32>,
          %get3A_598 = vector.shape_cast %get3A_597 : vector<16xf32> to vector<16xf32>
          %add3A_599 = arith.constant 32 : i32
          %add3A_600 = arith.addi %mul3A_18, %add3A_599 : i32
          %get3A_601 = arith.index_cast %add3A_557 : i32 to index
          %get3A_602 = arith.index_cast %add3A_600 : i32 to index
          %get3A_603 = tpu.vector_load %arg9[%get3A_601, %get3A_602] {strides = array<i32>} : memref<80x128xf32, #tpu.memory_space<vmem>>, vector<1x16xf32>,
          %get3A_604 = vector.shape_cast %get3A_603 : vector<1x16xf32> to vector<16xf32>
          %mul3A_605 = arith.mulf %get3A_604, %get3A_598 : vector<16xf32>
          %swap3A_606 = arith.index_cast %add3A_557 : i32 to index
          %swap3A_607 = arith.constant 32 : index
          %swap3A_608 = tpu.vector_load %arg11[%swap3A_606, %swap3A_607] {strides = array<i32>} : memref<80x80xf32, #tpu.memory_space<vmem>>, vector<1x16xf32>,
          %swap3A_609 = vector.shape_cast %swap3A_608 : vector<1x16xf32> to vector<16xf32>
          %swap3A_610 = vector.shape_cast %mul3A_605 : vector<16xf32> to vector<1x16xf32>
          tpu.vector_store %arg11[%swap3A_606, %swap3A_607], %swap3A_610 {strides = array<i32>} : memref<80x80xf32, #tpu.memory_space<vmem>>, vector<1x16xf32>,
          %add3A_611 = arith.constant 48 : i32
          %add3A_612 = arith.addi %squeeze3A_559, %add3A_611 : i32
          %get3A_613 = arith.index_cast %add3A_612 : i32 to index
          %get3A_614 = tpu.vector_load %arg16[%get3A_613] {strides = array<i32>} : memref<1920xf32, #tpu.memory_space<vmem>>, vector<16xf32>,
          %get3A_615 = vector.shape_cast %get3A_614 : vector<16xf32> to vector<16xf32>
          %add3A_616 = arith.constant 48 : i32
          %add3A_617 = arith.addi %mul3A_18, %add3A_616 : i32
          %get3A_618 = arith.index_cast %add3A_557 : i32 to index
          %get3A_619 = arith.index_cast %add3A_617 : i32 to index
          %get3A_620 = tpu.vector_load %arg9[%get3A_618, %get3A_619] {strides = array<i32>} : memref<80x128xf32, #tpu.memory_space<vmem>>, vector<1x16xf32>,
          %get3A_621 = vector.shape_cast %get3A_620 : vector<1x16xf32> to vector<16xf32>
          %mul3A_622 = arith.mulf %get3A_621, %get3A_615 : vector<16xf32>
          %swap3A_623 = arith.index_cast %add3A_557 : i32 to index
          %swap3A_624 = arith.constant 48 : index
          %swap3A_625 = tpu.vector_load %arg11[%swap3A_623, %swap3A_624] {strides = array<i32>} : memref<80x80xf32, #tpu.memory_space<vmem>>, vector<1x16xf32>,
          %swap3A_626 = vector.shape_cast %swap3A_625 : vector<1x16xf32> to vector<16xf32>
          %swap3A_627 = vector.shape_cast %mul3A_622 : vector<16xf32> to vector<1x16xf32>
          tpu.vector_store %arg11[%swap3A_623, %swap3A_624], %swap3A_627 {strides = array<i32>} : memref<80x80xf32, #tpu.memory_space<vmem>>, vector<1x16xf32>,
          %mul3A_628 = arith.constant 16 : i32
          %mul3A_629 = arith.muli %add3A_108, %mul3A_628 : i32
          %add3A_630 = arith.constant 7 : i32
          %add3A_631 = arith.addi %mul3A_629, %add3A_630 : i32
          %slice3A_632 = vector.extract_strided_slice %get3A_112 {offsets = [7], sizes = [1], strides = [1]} : vector<16xi32> to vector<1xi32>
          %squeeze3A_633 = vector.extract %slice3A_632[0] : i32 from vector<1xi32>
          %add3A_634 = arith.constant 0 : i32
          %add3A_635 = arith.addi %squeeze3A_633, %add3A_634 : i32
          %get3A_636 = arith.index_cast %add3A_635 : i32 to index
          %get3A_637 = tpu.vector_load %arg16[%get3A_636] {strides = array<i32>} : memref<1920xf32, #tpu.memory_space<vmem>>, vector<16xf32>,
          %get3A_638 = vector.shape_cast %get3A_637 : vector<16xf32> to vector<16xf32>
          %add3A_639 = arith.constant 0 : i32
          %add3A_640 = arith.addi %mul3A_18, %add3A_639 : i32
          %get3A_641 = arith.index_cast %add3A_631 : i32 to index
          %get3A_642 = arith.index_cast %add3A_640 : i32 to index
          %get3A_643 = tpu.vector_load %arg9[%get3A_641, %get3A_642] {strides = array<i32>} : memref<80x128xf32, #tpu.memory_space<vmem>>, vector<1x16xf32>,
          %get3A_644 = vector.shape_cast %get3A_643 : vector<1x16xf32> to vector<16xf32>
          %mul3A_645 = arith.mulf %get3A_644, %get3A_638 : vector<16xf32>
          %swap3A_646 = arith.index_cast %add3A_631 : i32 to index
          %swap3A_647 = arith.constant 0 : index
          %swap3A_648 = tpu.vector_load %arg11[%swap3A_646, %swap3A_647] {strides = array<i32>} : memref<80x80xf32, #tpu.memory_space<vmem>>, vector<1x16xf32>,
          %swap3A_649 = vector.shape_cast %swap3A_648 : vector<1x16xf32> to vector<16xf32>
          %swap3A_650 = vector.shape_cast %mul3A_645 : vector<16xf32> to vector<1x16xf32>
          tpu.vector_store %arg11[%swap3A_646, %swap3A_647], %swap3A_650 {strides = array<i32>} : memref<80x80xf32, #tpu.memory_space<vmem>>, vector<1x16xf32>,
          %add3A_651 = arith.constant 16 : i32
          %add3A_652 = arith.addi %squeeze3A_633, %add3A_651 : i32
          %get3A_653 = arith.index_cast %add3A_652 : i32 to index
          %get3A_654 = tpu.vector_load %arg16[%get3A_653] {strides = array<i32>} : memref<1920xf32, #tpu.memory_space<vmem>>, vector<16xf32>,
          %get3A_655 = vector.shape_cast %get3A_654 : vector<16xf32> to vector<16xf32>
          %add3A_656 = arith.constant 16 : i32
          %add3A_657 = arith.addi %mul3A_18, %add3A_656 : i32
          %get3A_658 = arith.index_cast %add3A_631 : i32 to index
          %get3A_659 = arith.index_cast %add3A_657 : i32 to index
          %get3A_660 = tpu.vector_load %arg9[%get3A_658, %get3A_659] {strides = array<i32>} : memref<80x128xf32, #tpu.memory_space<vmem>>, vector<1x16xf32>,
          %get3A_661 = vector.shape_cast %get3A_660 : vector<1x16xf32> to vector<16xf32>
          %mul3A_662 = arith.mulf %get3A_661, %get3A_655 : vector<16xf32>
          %swap3A_663 = arith.index_cast %add3A_631 : i32 to index
          %swap3A_664 = arith.constant 16 : index
          %swap3A_665 = tpu.vector_load %arg11[%swap3A_663, %swap3A_664] {strides = array<i32>} : memref<80x80xf32, #tpu.memory_space<vmem>>, vector<1x16xf32>,
          %swap3A_666 = vector.shape_cast %swap3A_665 : vector<1x16xf32> to vector<16xf32>
          %swap3A_667 = vector.shape_cast %mul3A_662 : vector<16xf32> to vector<1x16xf32>
          tpu.vector_store %arg11[%swap3A_663, %swap3A_664], %swap3A_667 {strides = array<i32>} : memref<80x80xf32, #tpu.memory_space<vmem>>, vector<1x16xf32>,
          %add3A_668 = arith.constant 32 : i32
          %add3A_669 = arith.addi %squeeze3A_633, %add3A_668 : i32
          %get3A_670 = arith.index_cast %add3A_669 : i32 to index
          %get3A_671 = tpu.vector_load %arg16[%get3A_670] {strides = array<i32>} : memref<1920xf32, #tpu.memory_space<vmem>>, vector<16xf32>,
          %get3A_672 = vector.shape_cast %get3A_671 : vector<16xf32> to vector<16xf32>
          %add3A_673 = arith.constant 32 : i32
          %add3A_674 = arith.addi %mul3A_18, %add3A_673 : i32
          %get3A_675 = arith.index_cast %add3A_631 : i32 to index
          %get3A_676 = arith.index_cast %add3A_674 : i32 to index
          %get3A_677 = tpu.vector_load %arg9[%get3A_675, %get3A_676] {strides = array<i32>} : memref<80x128xf32, #tpu.memory_space<vmem>>, vector<1x16xf32>,
          %get3A_678 = vector.shape_cast %get3A_677 : vector<1x16xf32> to vector<16xf32>
          %mul3A_679 = arith.mulf %get3A_678, %get3A_672 : vector<16xf32>
          %swap3A_680 = arith.index_cast %add3A_631 : i32 to index
          %swap3A_681 = arith.constant 32 : index
          %swap3A_682 = tpu.vector_load %arg11[%swap3A_680, %swap3A_681] {strides = array<i32>} : memref<80x80xf32, #tpu.memory_space<vmem>>, vector<1x16xf32>,
          %swap3A_683 = vector.shape_cast %swap3A_682 : vector<1x16xf32> to vector<16xf32>
          %swap3A_684 = vector.shape_cast %mul3A_679 : vector<16xf32> to vector<1x16xf32>
          tpu.vector_store %arg11[%swap3A_680, %swap3A_681], %swap3A_684 {strides = array<i32>} : memref<80x80xf32, #tpu.memory_space<vmem>>, vector<1x16xf32>,
          %add3A_685 = arith.constant 48 : i32
          %add3A_686 = arith.addi %squeeze3A_633, %add3A_685 : i32
          %get3A_687 = arith.index_cast %add3A_686 : i32 to index
          %get3A_688 = tpu.vector_load %arg16[%get3A_687] {strides = array<i32>} : memref<1920xf32, #tpu.memory_space<vmem>>, vector<16xf32>,
          %get3A_689 = vector.shape_cast %get3A_688 : vector<16xf32> to vector<16xf32>
          %add3A_690 = arith.constant 48 : i32
          %add3A_691 = arith.addi %mul3A_18, %add3A_690 : i32
          %get3A_692 = arith.index_cast %add3A_631 : i32 to index
          %get3A_693 = arith.index_cast %add3A_691 : i32 to index
          %get3A_694 = tpu.vector_load %arg9[%get3A_692, %get3A_693] {strides = array<i32>} : memref<80x128xf32, #tpu.memory_space<vmem>>, vector<1x16xf32>,
          %get3A_695 = vector.shape_cast %get3A_694 : vector<1x16xf32> to vector<16xf32>
          %mul3A_696 = arith.mulf %get3A_695, %get3A_689 : vector<16xf32>
          %swap3A_697 = arith.index_cast %add3A_631 : i32 to index
          %swap3A_698 = arith.constant 48 : index
          %swap3A_699 = tpu.vector_load %arg11[%swap3A_697, %swap3A_698] {strides = array<i32>} : memref<80x80xf32, #tpu.memory_space<vmem>>, vector<1x16xf32>,
          %swap3A_700 = vector.shape_cast %swap3A_699 : vector<1x16xf32> to vector<16xf32>
          %swap3A_701 = vector.shape_cast %mul3A_696 : vector<16xf32> to vector<1x16xf32>
          tpu.vector_store %arg11[%swap3A_697, %swap3A_698], %swap3A_701 {strides = array<i32>} : memref<80x80xf32, #tpu.memory_space<vmem>>, vector<1x16xf32>,
          %mul3A_702 = arith.constant 16 : i32
          %mul3A_703 = arith.muli %add3A_108, %mul3A_702 : i32
          %add3A_704 = arith.constant 8 : i32
          %add3A_705 = arith.addi %mul3A_703, %add3A_704 : i32
          %slice3A_706 = vector.extract_strided_slice %get3A_112 {offsets = [8], sizes = [1], strides = [1]} : vector<16xi32> to vector<1xi32>
          %squeeze3A_707 = vector.extract %slice3A_706[0] : i32 from vector<1xi32>
          %add3A_708 = arith.constant 0 : i32
          %add3A_709 = arith.addi %squeeze3A_707, %add3A_708 : i32
          %get3A_710 = arith.index_cast %add3A_709 : i32 to index
          %get3A_711 = tpu.vector_load %arg16[%get3A_710] {strides = array<i32>} : memref<1920xf32, #tpu.memory_space<vmem>>, vector<16xf32>,
          %get3A_712 = vector.shape_cast %get3A_711 : vector<16xf32> to vector<16xf32>
          %add3A_713 = arith.constant 0 : i32
          %add3A_714 = arith.addi %mul3A_18, %add3A_713 : i32
          %get3A_715 = arith.index_cast %add3A_705 : i32 to index
          %get3A_716 = arith.index_cast %add3A_714 : i32 to index
          %get3A_717 = tpu.vector_load %arg9[%get3A_715, %get3A_716] {strides = array<i32>} : memref<80x128xf32, #tpu.memory_space<vmem>>, vector<1x16xf32>,
          %get3A_718 = vector.shape_cast %get3A_717 : vector<1x16xf32> to vector<16xf32>
          %mul3A_719 = arith.mulf %get3A_718, %get3A_712 : vector<16xf32>
          %swap3A_720 = arith.index_cast %add3A_705 : i32 to index
          %swap3A_721 = arith.constant 0 : index
          %swap3A_722 = tpu.vector_load %arg11[%swap3A_720, %swap3A_721] {strides = array<i32>} : memref<80x80xf32, #tpu.memory_space<vmem>>, vector<1x16xf32>,
          %swap3A_723 = vector.shape_cast %swap3A_722 : vector<1x16xf32> to vector<16xf32>
          %swap3A_724 = vector.shape_cast %mul3A_719 : vector<16xf32> to vector<1x16xf32>
          tpu.vector_store %arg11[%swap3A_720, %swap3A_721], %swap3A_724 {strides = array<i32>} : memref<80x80xf32, #tpu.memory_space<vmem>>, vector<1x16xf32>,
          %add3A_725 = arith.constant 16 : i32
          %add3A_726 = arith.addi %squeeze3A_707, %add3A_725 : i32
          %get3A_727 = arith.index_cast %add3A_726 : i32 to index
          %get3A_728 = tpu.vector_load %arg16[%get3A_727] {strides = array<i32>} : memref<1920xf32, #tpu.memory_space<vmem>>, vector<16xf32>,
          %get3A_729 = vector.shape_cast %get3A_728 : vector<16xf32> to vector<16xf32>
          %add3A_730 = arith.constant 16 : i32
          %add3A_731 = arith.addi %mul3A_18, %add3A_730 : i32
          %get3A_732 = arith.index_cast %add3A_705 : i32 to index
          %get3A_733 = arith.index_cast %add3A_731 : i32 to index
          %get3A_734 = tpu.vector_load %arg9[%get3A_732, %get3A_733] {strides = array<i32>} : memref<80x128xf32, #tpu.memory_space<vmem>>, vector<1x16xf32>,
          %get3A_735 = vector.shape_cast %get3A_734 : vector<1x16xf32> to vector<16xf32>
          %mul3A_736 = arith.mulf %get3A_735, %get3A_729 : vector<16xf32>
          %swap3A_737 = arith.index_cast %add3A_705 : i32 to index
          %swap3A_738 = arith.constant 16 : index
          %swap3A_739 = tpu.vector_load %arg11[%swap3A_737, %swap3A_738] {strides = array<i32>} : memref<80x80xf32, #tpu.memory_space<vmem>>, vector<1x16xf32>,
          %swap3A_740 = vector.shape_cast %swap3A_739 : vector<1x16xf32> to vector<16xf32>
          %swap3A_741 = vector.shape_cast %mul3A_736 : vector<16xf32> to vector<1x16xf32>
          tpu.vector_store %arg11[%swap3A_737, %swap3A_738], %swap3A_741 {strides = array<i32>} : memref<80x80xf32, #tpu.memory_space<vmem>>, vector<1x16xf32>,
          %add3A_742 = arith.constant 32 : i32
          %add3A_743 = arith.addi %squeeze3A_707, %add3A_742 : i32
          %get3A_744 = arith.index_cast %add3A_743 : i32 to index
          %get3A_745 = tpu.vector_load %arg16[%get3A_744] {strides = array<i32>} : memref<1920xf32, #tpu.memory_space<vmem>>, vector<16xf32>,
          %get3A_746 = vector.shape_cast %get3A_745 : vector<16xf32> to vector<16xf32>
          %add3A_747 = arith.constant 32 : i32
          %add3A_748 = arith.addi %mul3A_18, %add3A_747 : i32
          %get3A_749 = arith.index_cast %add3A_705 : i32 to index
          %get3A_750 = arith.index_cast %add3A_748 : i32 to index
          %get3A_751 = tpu.vector_load %arg9[%get3A_749, %get3A_750] {strides = array<i32>} : memref<80x128xf32, #tpu.memory_space<vmem>>, vector<1x16xf32>,
          %get3A_752 = vector.shape_cast %get3A_751 : vector<1x16xf32> to vector<16xf32>
          %mul3A_753 = arith.mulf %get3A_752, %get3A_746 : vector<16xf32>
          %swap3A_754 = arith.index_cast %add3A_705 : i32 to index
          %swap3A_755 = arith.constant 32 : index
          %swap3A_756 = tpu.vector_load %arg11[%swap3A_754, %swap3A_755] {strides = array<i32>} : memref<80x80xf32, #tpu.memory_space<vmem>>, vector<1x16xf32>,
          %swap3A_757 = vector.shape_cast %swap3A_756 : vector<1x16xf32> to vector<16xf32>
          %swap3A_758 = vector.shape_cast %mul3A_753 : vector<16xf32> to vector<1x16xf32>
          tpu.vector_store %arg11[%swap3A_754, %swap3A_755], %swap3A_758 {strides = array<i32>} : memref<80x80xf32, #tpu.memory_space<vmem>>, vector<1x16xf32>,
          %add3A_759 = arith.constant 48 : i32
          %add3A_760 = arith.addi %squeeze3A_707, %add3A_759 : i32
          %get3A_761 = arith.index_cast %add3A_760 : i32 to index
          %get3A_762 = tpu.vector_load %arg16[%get3A_761] {strides = array<i32>} : memref<1920xf32, #tpu.memory_space<vmem>>, vector<16xf32>,
          %get3A_763 = vector.shape_cast %get3A_762 : vector<16xf32> to vector<16xf32>
          %add3A_764 = arith.constant 48 : i32
          %add3A_765 = arith.addi %mul3A_18, %add3A_764 : i32
          %get3A_766 = arith.index_cast %add3A_705 : i32 to index
          %get3A_767 = arith.index_cast %add3A_765 : i32 to index
          %get3A_768 = tpu.vector_load %arg9[%get3A_766, %get3A_767] {strides = array<i32>} : memref<80x128xf32, #tpu.memory_space<vmem>>, vector<1x16xf32>,
          %get3A_769 = vector.shape_cast %get3A_768 : vector<1x16xf32> to vector<16xf32>
          %mul3A_770 = arith.mulf %get3A_769, %get3A_763 : vector<16xf32>
          %swap3A_771 = arith.index_cast %add3A_705 : i32 to index
          %swap3A_772 = arith.constant 48 : index
          %swap3A_773 = tpu.vector_load %arg11[%swap3A_771, %swap3A_772] {strides = array<i32>} : memref<80x80xf32, #tpu.memory_space<vmem>>, vector<1x16xf32>,
          %swap3A_774 = vector.shape_cast %swap3A_773 : vector<1x16xf32> to vector<16xf32>
          %swap3A_775 = vector.shape_cast %mul3A_770 : vector<16xf32> to vector<1x16xf32>
          tpu.vector_store %arg11[%swap3A_771, %swap3A_772], %swap3A_775 {strides = array<i32>} : memref<80x80xf32, #tpu.memory_space<vmem>>, vector<1x16xf32>,
          %mul3A_776 = arith.constant 16 : i32
          %mul3A_777 = arith.muli %add3A_108, %mul3A_776 : i32
          %add3A_778 = arith.constant 9 : i32
          %add3A_779 = arith.addi %mul3A_777, %add3A_778 : i32
          %slice3A_780 = vector.extract_strided_slice %get3A_112 {offsets = [9], sizes = [1], strides = [1]} : vector<16xi32> to vector<1xi32>
          %squeeze3A_781 = vector.extract %slice3A_780[0] : i32 from vector<1xi32>
          %add3A_782 = arith.constant 0 : i32
          %add3A_783 = arith.addi %squeeze3A_781, %add3A_782 : i32
          %get3A_784 = arith.index_cast %add3A_783 : i32 to index
          %get3A_785 = tpu.vector_load %arg16[%get3A_784] {strides = array<i32>} : memref<1920xf32, #tpu.memory_space<vmem>>, vector<16xf32>,
          %get3A_786 = vector.shape_cast %get3A_785 : vector<16xf32> to vector<16xf32>
          %add3A_787 = arith.constant 0 : i32
          %add3A_788 = arith.addi %mul3A_18, %add3A_787 : i32
          %get3A_789 = arith.index_cast %add3A_779 : i32 to index
          %get3A_790 = arith.index_cast %add3A_788 : i32 to index
          %get3A_791 = tpu.vector_load %arg9[%get3A_789, %get3A_790] {strides = array<i32>} : memref<80x128xf32, #tpu.memory_space<vmem>>, vector<1x16xf32>,
          %get3A_792 = vector.shape_cast %get3A_791 : vector<1x16xf32> to vector<16xf32>
          %mul3A_793 = arith.mulf %get3A_792, %get3A_786 : vector<16xf32>
          %swap3A_794 = arith.index_cast %add3A_779 : i32 to index
          %swap3A_795 = arith.constant 0 : index
          %swap3A_796 = tpu.vector_load %arg11[%swap3A_794, %swap3A_795] {strides = array<i32>} : memref<80x80xf32, #tpu.memory_space<vmem>>, vector<1x16xf32>,
          %swap3A_797 = vector.shape_cast %swap3A_796 : vector<1x16xf32> to vector<16xf32>
          %swap3A_798 = vector.shape_cast %mul3A_793 : vector<16xf32> to vector<1x16xf32>
          tpu.vector_store %arg11[%swap3A_794, %swap3A_795], %swap3A_798 {strides = array<i32>} : memref<80x80xf32, #tpu.memory_space<vmem>>, vector<1x16xf32>,
          %add3A_799 = arith.constant 16 : i32
          %add3A_800 = arith.addi %squeeze3A_781, %add3A_799 : i32
          %get3A_801 = arith.index_cast %add3A_800 : i32 to index
          %get3A_802 = tpu.vector_load %arg16[%get3A_801] {strides = array<i32>} : memref<1920xf32, #tpu.memory_space<vmem>>, vector<16xf32>,
          %get3A_803 = vector.shape_cast %get3A_802 : vector<16xf32> to vector<16xf32>
          %add3A_804 = arith.constant 16 : i32
          %add3A_805 = arith.addi %mul3A_18, %add3A_804 : i32
          %get3A_806 = arith.index_cast %add3A_779 : i32 to index
          %get3A_807 = arith.index_cast %add3A_805 : i32 to index
          %get3A_808 = tpu.vector_load %arg9[%get3A_806, %get3A_807] {strides = array<i32>} : memref<80x128xf32, #tpu.memory_space<vmem>>, vector<1x16xf32>,
          %get3A_809 = vector.shape_cast %get3A_808 : vector<1x16xf32> to vector<16xf32>
          %mul3A_810 = arith.mulf %get3A_809, %get3A_803 : vector<16xf32>
          %swap3A_811 = arith.index_cast %add3A_779 : i32 to index
          %swap3A_812 = arith.constant 16 : index
          %swap3A_813 = tpu.vector_load %arg11[%swap3A_811, %swap3A_812] {strides = array<i32>} : memref<80x80xf32, #tpu.memory_space<vmem>>, vector<1x16xf32>,
          %swap3A_814 = vector.shape_cast %swap3A_813 : vector<1x16xf32> to vector<16xf32>
          %swap3A_815 = vector.shape_cast %mul3A_810 : vector<16xf32> to vector<1x16xf32>
          tpu.vector_store %arg11[%swap3A_811, %swap3A_812], %swap3A_815 {strides = array<i32>} : memref<80x80xf32, #tpu.memory_space<vmem>>, vector<1x16xf32>,
          %add3A_816 = arith.constant 32 : i32
          %add3A_817 = arith.addi %squeeze3A_781, %add3A_816 : i32
          %get3A_818 = arith.index_cast %add3A_817 : i32 to index
          %get3A_819 = tpu.vector_load %arg16[%get3A_818] {strides = array<i32>} : memref<1920xf32, #tpu.memory_space<vmem>>, vector<16xf32>,
          %get3A_820 = vector.shape_cast %get3A_819 : vector<16xf32> to vector<16xf32>
          %add3A_821 = arith.constant 32 : i32
          %add3A_822 = arith.addi %mul3A_18, %add3A_821 : i32
          %get3A_823 = arith.index_cast %add3A_779 : i32 to index
          %get3A_824 = arith.index_cast %add3A_822 : i32 to index
          %get3A_825 = tpu.vector_load %arg9[%get3A_823, %get3A_824] {strides = array<i32>} : memref<80x128xf32, #tpu.memory_space<vmem>>, vector<1x16xf32>,
          %get3A_826 = vector.shape_cast %get3A_825 : vector<1x16xf32> to vector<16xf32>
          %mul3A_827 = arith.mulf %get3A_826, %get3A_820 : vector<16xf32>
          %swap3A_828 = arith.index_cast %add3A_779 : i32 to index
          %swap3A_829 = arith.constant 32 : index
          %swap3A_830 = tpu.vector_load %arg11[%swap3A_828, %swap3A_829] {strides = array<i32>} : memref<80x80xf32, #tpu.memory_space<vmem>>, vector<1x16xf32>,
          %swap3A_831 = vector.shape_cast %swap3A_830 : vector<1x16xf32> to vector<16xf32>
          %swap3A_832 = vector.shape_cast %mul3A_827 : vector<16xf32> to vector<1x16xf32>
          tpu.vector_store %arg11[%swap3A_828, %swap3A_829], %swap3A_832 {strides = array<i32>} : memref<80x80xf32, #tpu.memory_space<vmem>>, vector<1x16xf32>,
          %add3A_833 = arith.constant 48 : i32
          %add3A_834 = arith.addi %squeeze3A_781, %add3A_833 : i32
          %get3A_835 = arith.index_cast %add3A_834 : i32 to index
          %get3A_836 = tpu.vector_load %arg16[%get3A_835] {strides = array<i32>} : memref<1920xf32, #tpu.memory_space<vmem>>, vector<16xf32>,
          %get3A_837 = vector.shape_cast %get3A_836 : vector<16xf32> to vector<16xf32>
          %add3A_838 = arith.constant 48 : i32
          %add3A_839 = arith.addi %mul3A_18, %add3A_838 : i32
          %get3A_840 = arith.index_cast %add3A_779 : i32 to index
          %get3A_841 = arith.index_cast %add3A_839 : i32 to index
          %get3A_842 = tpu.vector_load %arg9[%get3A_840, %get3A_841] {strides = array<i32>} : memref<80x128xf32, #tpu.memory_space<vmem>>, vector<1x16xf32>,
          %get3A_843 = vector.shape_cast %get3A_842 : vector<1x16xf32> to vector<16xf32>
          %mul3A_844 = arith.mulf %get3A_843, %get3A_837 : vector<16xf32>
          %swap3A_845 = arith.index_cast %add3A_779 : i32 to index
          %swap3A_846 = arith.constant 48 : index
          %swap3A_847 = tpu.vector_load %arg11[%swap3A_845, %swap3A_846] {strides = array<i32>} : memref<80x80xf32, #tpu.memory_space<vmem>>, vector<1x16xf32>,
          %swap3A_848 = vector.shape_cast %swap3A_847 : vector<1x16xf32> to vector<16xf32>
          %swap3A_849 = vector.shape_cast %mul3A_844 : vector<16xf32> to vector<1x16xf32>
          tpu.vector_store %arg11[%swap3A_845, %swap3A_846], %swap3A_849 {strides = array<i32>} : memref<80x80xf32, #tpu.memory_space<vmem>>, vector<1x16xf32>,
          %mul3A_850 = arith.constant 16 : i32
          %mul3A_851 = arith.muli %add3A_108, %mul3A_850 : i32
          %add3A_852 = arith.constant 10 : i32
          %add3A_853 = arith.addi %mul3A_851, %add3A_852 : i32
          %slice3A_854 = vector.extract_strided_slice %get3A_112 {offsets = [10], sizes = [1], strides = [1]} : vector<16xi32> to vector<1xi32>
          %squeeze3A_855 = vector.extract %slice3A_854[0] : i32 from vector<1xi32>
          %add3A_856 = arith.constant 0 : i32
          %add3A_857 = arith.addi %squeeze3A_855, %add3A_856 : i32
          %get3A_858 = arith.index_cast %add3A_857 : i32 to index
          %get3A_859 = tpu.vector_load %arg16[%get3A_858] {strides = array<i32>} : memref<1920xf32, #tpu.memory_space<vmem>>, vector<16xf32>,
          %get3A_860 = vector.shape_cast %get3A_859 : vector<16xf32> to vector<16xf32>
          %add3A_861 = arith.constant 0 : i32
          %add3A_862 = arith.addi %mul3A_18, %add3A_861 : i32
          %get3A_863 = arith.index_cast %add3A_853 : i32 to index
          %get3A_864 = arith.index_cast %add3A_862 : i32 to index
          %get3A_865 = tpu.vector_load %arg9[%get3A_863, %get3A_864] {strides = array<i32>} : memref<80x128xf32, #tpu.memory_space<vmem>>, vector<1x16xf32>,
          %get3A_866 = vector.shape_cast %get3A_865 : vector<1x16xf32> to vector<16xf32>
          %mul3A_867 = arith.mulf %get3A_866, %get3A_860 : vector<16xf32>
          %swap3A_868 = arith.index_cast %add3A_853 : i32 to index
          %swap3A_869 = arith.constant 0 : index
          %swap3A_870 = tpu.vector_load %arg11[%swap3A_868, %swap3A_869] {strides = array<i32>} : memref<80x80xf32, #tpu.memory_space<vmem>>, vector<1x16xf32>,
          %swap3A_871 = vector.shape_cast %swap3A_870 : vector<1x16xf32> to vector<16xf32>
          %swap3A_872 = vector.shape_cast %mul3A_867 : vector<16xf32> to vector<1x16xf32>
          tpu.vector_store %arg11[%swap3A_868, %swap3A_869], %swap3A_872 {strides = array<i32>} : memref<80x80xf32, #tpu.memory_space<vmem>>, vector<1x16xf32>,
          %add3A_873 = arith.constant 16 : i32
          %add3A_874 = arith.addi %squeeze3A_855, %add3A_873 : i32
          %get3A_875 = arith.index_cast %add3A_874 : i32 to index
          %get3A_876 = tpu.vector_load %arg16[%get3A_875] {strides = array<i32>} : memref<1920xf32, #tpu.memory_space<vmem>>, vector<16xf32>,
          %get3A_877 = vector.shape_cast %get3A_876 : vector<16xf32> to vector<16xf32>
          %add3A_878 = arith.constant 16 : i32
          %add3A_879 = arith.addi %mul3A_18, %add3A_878 : i32
          %get3A_880 = arith.index_cast %add3A_853 : i32 to index
          %get3A_881 = arith.index_cast %add3A_879 : i32 to index
          %get3A_882 = tpu.vector_load %arg9[%get3A_880, %get3A_881] {strides = array<i32>} : memref<80x128xf32, #tpu.memory_space<vmem>>, vector<1x16xf32>,
          %get3A_883 = vector.shape_cast %get3A_882 : vector<1x16xf32> to vector<16xf32>
          %mul3A_884 = arith.mulf %get3A_883, %get3A_877 : vector<16xf32>
          %swap3A_885 = arith.index_cast %add3A_853 : i32 to index
          %swap3A_886 = arith.constant 16 : index
          %swap3A_887 = tpu.vector_load %arg11[%swap3A_885, %swap3A_886] {strides = array<i32>} : memref<80x80xf32, #tpu.memory_space<vmem>>, vector<1x16xf32>,
          %swap3A_888 = vector.shape_cast %swap3A_887 : vector<1x16xf32> to vector<16xf32>
          %swap3A_889 = vector.shape_cast %mul3A_884 : vector<16xf32> to vector<1x16xf32>
          tpu.vector_store %arg11[%swap3A_885, %swap3A_886], %swap3A_889 {strides = array<i32>} : memref<80x80xf32, #tpu.memory_space<vmem>>, vector<1x16xf32>,
          %add3A_890 = arith.constant 32 : i32
          %add3A_891 = arith.addi %squeeze3A_855, %add3A_890 : i32
          %get3A_892 = arith.index_cast %add3A_891 : i32 to index
          %get3A_893 = tpu.vector_load %arg16[%get3A_892] {strides = array<i32>} : memref<1920xf32, #tpu.memory_space<vmem>>, vector<16xf32>,
          %get3A_894 = vector.shape_cast %get3A_893 : vector<16xf32> to vector<16xf32>
          %add3A_895 = arith.constant 32 : i32
          %add3A_896 = arith.addi %mul3A_18, %add3A_895 : i32
          %get3A_897 = arith.index_cast %add3A_853 : i32 to index
          %get3A_898 = arith.index_cast %add3A_896 : i32 to index
          %get3A_899 = tpu.vector_load %arg9[%get3A_897, %get3A_898] {strides = array<i32>} : memref<80x128xf32, #tpu.memory_space<vmem>>, vector<1x16xf32>,
          %get3A_900 = vector.shape_cast %get3A_899 : vector<1x16xf32> to vector<16xf32>
          %mul3A_901 = arith.mulf %get3A_900, %get3A_894 : vector<16xf32>
          %swap3A_902 = arith.index_cast %add3A_853 : i32 to index
          %swap3A_903 = arith.constant 32 : index
          %swap3A_904 = tpu.vector_load %arg11[%swap3A_902, %swap3A_903] {strides = array<i32>} : memref<80x80xf32, #tpu.memory_space<vmem>>, vector<1x16xf32>,
          %swap3A_905 = vector.shape_cast %swap3A_904 : vector<1x16xf32> to vector<16xf32>
          %swap3A_906 = vector.shape_cast %mul3A_901 : vector<16xf32> to vector<1x16xf32>
          tpu.vector_store %arg11[%swap3A_902, %swap3A_903], %swap3A_906 {strides = array<i32>} : memref<80x80xf32, #tpu.memory_space<vmem>>, vector<1x16xf32>,
          %add3A_907 = arith.constant 48 : i32
          %add3A_908 = arith.addi %squeeze3A_855, %add3A_907 : i32
          %get3A_909 = arith.index_cast %add3A_908 : i32 to index
          %get3A_910 = tpu.vector_load %arg16[%get3A_909] {strides = array<i32>} : memref<1920xf32, #tpu.memory_space<vmem>>, vector<16xf32>,
          %get3A_911 = vector.shape_cast %get3A_910 : vector<16xf32> to vector<16xf32>
          %add3A_912 = arith.constant 48 : i32
          %add3A_913 = arith.addi %mul3A_18, %add3A_912 : i32
          %get3A_914 = arith.index_cast %add3A_853 : i32 to index
          %get3A_915 = arith.index_cast %add3A_913 : i32 to index
          %get3A_916 = tpu.vector_load %arg9[%get3A_914, %get3A_915] {strides = array<i32>} : memref<80x128xf32, #tpu.memory_space<vmem>>, vector<1x16xf32>,
          %get3A_917 = vector.shape_cast %get3A_916 : vector<1x16xf32> to vector<16xf32>
          %mul3A_918 = arith.mulf %get3A_917, %get3A_911 : vector<16xf32>
          %swap3A_919 = arith.index_cast %add3A_853 : i32 to index
          %swap3A_920 = arith.constant 48 : index
          %swap3A_921 = tpu.vector_load %arg11[%swap3A_919, %swap3A_920] {strides = array<i32>} : memref<80x80xf32, #tpu.memory_space<vmem>>, vector<1x16xf32>,
          %swap3A_922 = vector.shape_cast %swap3A_921 : vector<1x16xf32> to vector<16xf32>
          %swap3A_923 = vector.shape_cast %mul3A_918 : vector<16xf32> to vector<1x16xf32>
          tpu.vector_store %arg11[%swap3A_919, %swap3A_920], %swap3A_923 {strides = array<i32>} : memref<80x80xf32, #tpu.memory_space<vmem>>, vector<1x16xf32>,
          %mul3A_924 = arith.constant 16 : i32
          %mul3A_925 = arith.muli %add3A_108, %mul3A_924 : i32
          %add3A_926 = arith.constant 11 : i32
          %add3A_927 = arith.addi %mul3A_925, %add3A_926 : i32
          %slice3A_928 = vector.extract_strided_slice %get3A_112 {offsets = [11], sizes = [1], strides = [1]} : vector<16xi32> to vector<1xi32>
          %squeeze3A_929 = vector.extract %slice3A_928[0] : i32 from vector<1xi32>
          %add3A_930 = arith.constant 0 : i32
          %add3A_931 = arith.addi %squeeze3A_929, %add3A_930 : i32
          %get3A_932 = arith.index_cast %add3A_931 : i32 to index
          %get3A_933 = tpu.vector_load %arg16[%get3A_932] {strides = array<i32>} : memref<1920xf32, #tpu.memory_space<vmem>>, vector<16xf32>,
          %get3A_934 = vector.shape_cast %get3A_933 : vector<16xf32> to vector<16xf32>
          %add3A_935 = arith.constant 0 : i32
          %add3A_936 = arith.addi %mul3A_18, %add3A_935 : i32
          %get3A_937 = arith.index_cast %add3A_927 : i32 to index
          %get3A_938 = arith.index_cast %add3A_936 : i32 to index
          %get3A_939 = tpu.vector_load %arg9[%get3A_937, %get3A_938] {strides = array<i32>} : memref<80x128xf32, #tpu.memory_space<vmem>>, vector<1x16xf32>,
          %get3A_940 = vector.shape_cast %get3A_939 : vector<1x16xf32> to vector<16xf32>
          %mul3A_941 = arith.mulf %get3A_940, %get3A_934 : vector<16xf32>
          %swap3A_942 = arith.index_cast %add3A_927 : i32 to index
          %swap3A_943 = arith.constant 0 : index
          %swap3A_944 = tpu.vector_load %arg11[%swap3A_942, %swap3A_943] {strides = array<i32>} : memref<80x80xf32, #tpu.memory_space<vmem>>, vector<1x16xf32>,
          %swap3A_945 = vector.shape_cast %swap3A_944 : vector<1x16xf32> to vector<16xf32>
          %swap3A_946 = vector.shape_cast %mul3A_941 : vector<16xf32> to vector<1x16xf32>
          tpu.vector_store %arg11[%swap3A_942, %swap3A_943], %swap3A_946 {strides = array<i32>} : memref<80x80xf32, #tpu.memory_space<vmem>>, vector<1x16xf32>,
          %add3A_947 = arith.constant 16 : i32
          %add3A_948 = arith.addi %squeeze3A_929, %add3A_947 : i32
          %get3A_949 = arith.index_cast %add3A_948 : i32 to index
          %get3A_950 = tpu.vector_load %arg16[%get3A_949] {strides = array<i32>} : memref<1920xf32, #tpu.memory_space<vmem>>, vector<16xf32>,
          %get3A_951 = vector.shape_cast %get3A_950 : vector<16xf32> to vector<16xf32>
          %add3A_952 = arith.constant 16 : i32
          %add3A_953 = arith.addi %mul3A_18, %add3A_952 : i32
          %get3A_954 = arith.index_cast %add3A_927 : i32 to index
          %get3A_955 = arith.index_cast %add3A_953 : i32 to index
          %get3A_956 = tpu.vector_load %arg9[%get3A_954, %get3A_955] {strides = array<i32>} : memref<80x128xf32, #tpu.memory_space<vmem>>, vector<1x16xf32>,
          %get3A_957 = vector.shape_cast %get3A_956 : vector<1x16xf32> to vector<16xf32>
          %mul3A_958 = arith.mulf %get3A_957, %get3A_951 : vector<16xf32>
          %swap3A_959 = arith.index_cast %add3A_927 : i32 to index
          %swap3A_960 = arith.constant 16 : index
          %swap3A_961 = tpu.vector_load %arg11[%swap3A_959, %swap3A_960] {strides = array<i32>} : memref<80x80xf32, #tpu.memory_space<vmem>>, vector<1x16xf32>,
          %swap3A_962 = vector.shape_cast %swap3A_961 : vector<1x16xf32> to vector<16xf32>
          %swap3A_963 = vector.shape_cast %mul3A_958 : vector<16xf32> to vector<1x16xf32>
          tpu.vector_store %arg11[%swap3A_959, %swap3A_960], %swap3A_963 {strides = array<i32>} : memref<80x80xf32, #tpu.memory_space<vmem>>, vector<1x16xf32>,
          %add3A_964 = arith.constant 32 : i32
          %add3A_965 = arith.addi %squeeze3A_929, %add3A_964 : i32
          %get3A_966 = arith.index_cast %add3A_965 : i32 to index
          %get3A_967 = tpu.vector_load %arg16[%get3A_966] {strides = array<i32>} : memref<1920xf32, #tpu.memory_space<vmem>>, vector<16xf32>,
          %get3A_968 = vector.shape_cast %get3A_967 : vector<16xf32> to vector<16xf32>
          %add3A_969 = arith.constant 32 : i32
          %add3A_970 = arith.addi %mul3A_18, %add3A_969 : i32
          %get3A_971 = arith.index_cast %add3A_927 : i32 to index
          %get3A_972 = arith.index_cast %add3A_970 : i32 to index
          %get3A_973 = tpu.vector_load %arg9[%get3A_971, %get3A_972] {strides = array<i32>} : memref<80x128xf32, #tpu.memory_space<vmem>>, vector<1x16xf32>,
          %get3A_974 = vector.shape_cast %get3A_973 : vector<1x16xf32> to vector<16xf32>
          %mul3A_975 = arith.mulf %get3A_974, %get3A_968 : vector<16xf32>
          %swap3A_976 = arith.index_cast %add3A_927 : i32 to index
          %swap3A_977 = arith.constant 32 : index
          %swap3A_978 = tpu.vector_load %arg11[%swap3A_976, %swap3A_977] {strides = array<i32>} : memref<80x80xf32, #tpu.memory_space<vmem>>, vector<1x16xf32>,
          %swap3A_979 = vector.shape_cast %swap3A_978 : vector<1x16xf32> to vector<16xf32>
          %swap3A_980 = vector.shape_cast %mul3A_975 : vector<16xf32> to vector<1x16xf32>
          tpu.vector_store %arg11[%swap3A_976, %swap3A_977], %swap3A_980 {strides = array<i32>} : memref<80x80xf32, #tpu.memory_space<vmem>>, vector<1x16xf32>,
          %add3A_981 = arith.constant 48 : i32
          %add3A_982 = arith.addi %squeeze3A_929, %add3A_981 : i32
          %get3A_983 = arith.index_cast %add3A_982 : i32 to index
          %get3A_984 = tpu.vector_load %arg16[%get3A_983] {strides = array<i32>} : memref<1920xf32, #tpu.memory_space<vmem>>, vector<16xf32>,
          %get3A_985 = vector.shape_cast %get3A_984 : vector<16xf32> to vector<16xf32>
          %add3A_986 = arith.constant 48 : i32
          %add3A_987 = arith.addi %mul3A_18, %add3A_986 : i32
          %get3A_988 = arith.index_cast %add3A_927 : i32 to index
          %get3A_989 = arith.index_cast %add3A_987 : i32 to index
          %get3A_990 = tpu.vector_load %arg9[%get3A_988, %get3A_989] {strides = array<i32>} : memref<80x128xf32, #tpu.memory_space<vmem>>, vector<1x16xf32>,
          %get3A_991 = vector.shape_cast %get3A_990 : vector<1x16xf32> to vector<16xf32>
          %mul3A_992 = arith.mulf %get3A_991, %get3A_985 : vector<16xf32>
          %swap3A_993 = arith.index_cast %add3A_927 : i32 to index
          %swap3A_994 = arith.constant 48 : index
          %swap3A_995 = tpu.vector_load %arg11[%swap3A_993, %swap3A_994] {strides = array<i32>} : memref<80x80xf32, #tpu.memory_space<vmem>>, vector<1x16xf32>,
          %swap3A_996 = vector.shape_cast %swap3A_995 : vector<1x16xf32> to vector<16xf32>
          %swap3A_997 = vector.shape_cast %mul3A_992 : vector<16xf32> to vector<1x16xf32>
          tpu.vector_store %arg11[%swap3A_993, %swap3A_994], %swap3A_997 {strides = array<i32>} : memref<80x80xf32, #tpu.memory_space<vmem>>, vector<1x16xf32>,
          %mul3A_998 = arith.constant 16 : i32
          %mul3A_999 = arith.muli %add3A_108, %mul3A_998 : i32
          %add3A_1000 = arith.constant 12 : i32
          %add3A_1001 = arith.addi %mul3A_999, %add3A_1000 : i32
          %slice3A_1002 = vector.extract_strided_slice %get3A_112 {offsets = [12], sizes = [1], strides = [1]} : vector<16xi32> to vector<1xi32>
          %squeeze3A_1003 = vector.extract %slice3A_1002[0] : i32 from vector<1xi32>
          %add3A_1004 = arith.constant 0 : i32
          %add3A_1005 = arith.addi %squeeze3A_1003, %add3A_1004 : i32
          %get3A_1006 = arith.index_cast %add3A_1005 : i32 to index
          %get3A_1007 = tpu.vector_load %arg16[%get3A_1006] {strides = array<i32>} : memref<1920xf32, #tpu.memory_space<vmem>>, vector<16xf32>,
          %get3A_1008 = vector.shape_cast %get3A_1007 : vector<16xf32> to vector<16xf32>
          %add3A_1009 = arith.constant 0 : i32
          %add3A_1010 = arith.addi %mul3A_18, %add3A_1009 : i32
          %get3A_1011 = arith.index_cast %add3A_1001 : i32 to index
          %get3A_1012 = arith.index_cast %add3A_1010 : i32 to index
          %get3A_1013 = tpu.vector_load %arg9[%get3A_1011, %get3A_1012] {strides = array<i32>} : memref<80x128xf32, #tpu.memory_space<vmem>>, vector<1x16xf32>,
          %get3A_1014 = vector.shape_cast %get3A_1013 : vector<1x16xf32> to vector<16xf32>
          %mul3A_1015 = arith.mulf %get3A_1014, %get3A_1008 : vector<16xf32>
          %swap3A_1016 = arith.index_cast %add3A_1001 : i32 to index
          %swap3A_1017 = arith.constant 0 : index
          %swap3A_1018 = tpu.vector_load %arg11[%swap3A_1016, %swap3A_1017] {strides = array<i32>} : memref<80x80xf32, #tpu.memory_space<vmem>>, vector<1x16xf32>,
          %swap3A_1019 = vector.shape_cast %swap3A_1018 : vector<1x16xf32> to vector<16xf32>
          %swap3A_1020 = vector.shape_cast %mul3A_1015 : vector<16xf32> to vector<1x16xf32>
          tpu.vector_store %arg11[%swap3A_1016, %swap3A_1017], %swap3A_1020 {strides = array<i32>} : memref<80x80xf32, #tpu.memory_space<vmem>>, vector<1x16xf32>,
          %add3A_1021 = arith.constant 16 : i32
          %add3A_1022 = arith.addi %squeeze3A_1003, %add3A_1021 : i32
          %get3A_1023 = arith.index_cast %add3A_1022 : i32 to index
          %get3A_1024 = tpu.vector_load %arg16[%get3A_1023] {strides = array<i32>} : memref<1920xf32, #tpu.memory_space<vmem>>, vector<16xf32>,
          %get3A_1025 = vector.shape_cast %get3A_1024 : vector<16xf32> to vector<16xf32>
          %add3A_1026 = arith.constant 16 : i32
          %add3A_1027 = arith.addi %mul3A_18, %add3A_1026 : i32
          %get3A_1028 = arith.index_cast %add3A_1001 : i32 to index
          %get3A_1029 = arith.index_cast %add3A_1027 : i32 to index
          %get3A_1030 = tpu.vector_load %arg9[%get3A_1028, %get3A_1029] {strides = array<i32>} : memref<80x128xf32, #tpu.memory_space<vmem>>, vector<1x16xf32>,
          %get3A_1031 = vector.shape_cast %get3A_1030 : vector<1x16xf32> to vector<16xf32>
          %mul3A_1032 = arith.mulf %get3A_1031, %get3A_1025 : vector<16xf32>
          %swap3A_1033 = arith.index_cast %add3A_1001 : i32 to index
          %swap3A_1034 = arith.constant 16 : index
          %swap3A_1035 = tpu.vector_load %arg11[%swap3A_1033, %swap3A_1034] {strides = array<i32>} : memref<80x80xf32, #tpu.memory_space<vmem>>, vector<1x16xf32>,
          %swap3A_1036 = vector.shape_cast %swap3A_1035 : vector<1x16xf32> to vector<16xf32>
          %swap3A_1037 = vector.shape_cast %mul3A_1032 : vector<16xf32> to vector<1x16xf32>
          tpu.vector_store %arg11[%swap3A_1033, %swap3A_1034], %swap3A_1037 {strides = array<i32>} : memref<80x80xf32, #tpu.memory_space<vmem>>, vector<1x16xf32>,
          %add3A_1038 = arith.constant 32 : i32
          %add3A_1039 = arith.addi %squeeze3A_1003, %add3A_1038 : i32
          %get3A_1040 = arith.index_cast %add3A_1039 : i32 to index
          %get3A_1041 = tpu.vector_load %arg16[%get3A_1040] {strides = array<i32>} : memref<1920xf32, #tpu.memory_space<vmem>>, vector<16xf32>,
          %get3A_1042 = vector.shape_cast %get3A_1041 : vector<16xf32> to vector<16xf32>
          %add3A_1043 = arith.constant 32 : i32
          %add3A_1044 = arith.addi %mul3A_18, %add3A_1043 : i32
          %get3A_1045 = arith.index_cast %add3A_1001 : i32 to index
          %get3A_1046 = arith.index_cast %add3A_1044 : i32 to index
          %get3A_1047 = tpu.vector_load %arg9[%get3A_1045, %get3A_1046] {strides = array<i32>} : memref<80x128xf32, #tpu.memory_space<vmem>>, vector<1x16xf32>,
          %get3A_1048 = vector.shape_cast %get3A_1047 : vector<1x16xf32> to vector<16xf32>
          %mul3A_1049 = arith.mulf %get3A_1048, %get3A_1042 : vector<16xf32>
          %swap3A_1050 = arith.index_cast %add3A_1001 : i32 to index
          %swap3A_1051 = arith.constant 32 : index
          %swap3A_1052 = tpu.vector_load %arg11[%swap3A_1050, %swap3A_1051] {strides = array<i32>} : memref<80x80xf32, #tpu.memory_space<vmem>>, vector<1x16xf32>,
          %swap3A_1053 = vector.shape_cast %swap3A_1052 : vector<1x16xf32> to vector<16xf32>
          %swap3A_1054 = vector.shape_cast %mul3A_1049 : vector<16xf32> to vector<1x16xf32>
          tpu.vector_store %arg11[%swap3A_1050, %swap3A_1051], %swap3A_1054 {strides = array<i32>} : memref<80x80xf32, #tpu.memory_space<vmem>>, vector<1x16xf32>,
          %add3A_1055 = arith.constant 48 : i32
          %add3A_1056 = arith.addi %squeeze3A_1003, %add3A_1055 : i32
          %get3A_1057 = arith.index_cast %add3A_1056 : i32 to index
          %get3A_1058 = tpu.vector_load %arg16[%get3A_1057] {strides = array<i32>} : memref<1920xf32, #tpu.memory_space<vmem>>, vector<16xf32>,
          %get3A_1059 = vector.shape_cast %get3A_1058 : vector<16xf32> to vector<16xf32>
          %add3A_1060 = arith.constant 48 : i32
          %add3A_1061 = arith.addi %mul3A_18, %add3A_1060 : i32
          %get3A_1062 = arith.index_cast %add3A_1001 : i32 to index
          %get3A_1063 = arith.index_cast %add3A_1061 : i32 to index
          %get3A_1064 = tpu.vector_load %arg9[%get3A_1062, %get3A_1063] {strides = array<i32>} : memref<80x128xf32, #tpu.memory_space<vmem>>, vector<1x16xf32>,
          %get3A_1065 = vector.shape_cast %get3A_1064 : vector<1x16xf32> to vector<16xf32>
          %mul3A_1066 = arith.mulf %get3A_1065, %get3A_1059 : vector<16xf32>
          %swap3A_1067 = arith.index_cast %add3A_1001 : i32 to index
          %swap3A_1068 = arith.constant 48 : index
          %swap3A_1069 = tpu.vector_load %arg11[%swap3A_1067, %swap3A_1068] {strides = array<i32>} : memref<80x80xf32, #tpu.memory_space<vmem>>, vector<1x16xf32>,
          %swap3A_1070 = vector.shape_cast %swap3A_1069 : vector<1x16xf32> to vector<16xf32>
          %swap3A_1071 = vector.shape_cast %mul3A_1066 : vector<16xf32> to vector<1x16xf32>
          tpu.vector_store %arg11[%swap3A_1067, %swap3A_1068], %swap3A_1071 {strides = array<i32>} : memref<80x80xf32, #tpu.memory_space<vmem>>, vector<1x16xf32>,
          %mul3A_1072 = arith.constant 16 : i32
          %mul3A_1073 = arith.muli %add3A_108, %mul3A_1072 : i32
          %add3A_1074 = arith.constant 13 : i32
          %add3A_1075 = arith.addi %mul3A_1073, %add3A_1074 : i32
          %slice3A_1076 = vector.extract_strided_slice %get3A_112 {offsets = [13], sizes = [1], strides = [1]} : vector<16xi32> to vector<1xi32>
          %squeeze3A_1077 = vector.extract %slice3A_1076[0] : i32 from vector<1xi32>
          %add3A_1078 = arith.constant 0 : i32
          %add3A_1079 = arith.addi %squeeze3A_1077, %add3A_1078 : i32
          %get3A_1080 = arith.index_cast %add3A_1079 : i32 to index
          %get3A_1081 = tpu.vector_load %arg16[%get3A_1080] {strides = array<i32>} : memref<1920xf32, #tpu.memory_space<vmem>>, vector<16xf32>,
          %get3A_1082 = vector.shape_cast %get3A_1081 : vector<16xf32> to vector<16xf32>
          %add3A_1083 = arith.constant 0 : i32
          %add3A_1084 = arith.addi %mul3A_18, %add3A_1083 : i32
          %get3A_1085 = arith.index_cast %add3A_1075 : i32 to index
          %get3A_1086 = arith.index_cast %add3A_1084 : i32 to index
          %get3A_1087 = tpu.vector_load %arg9[%get3A_1085, %get3A_1086] {strides = array<i32>} : memref<80x128xf32, #tpu.memory_space<vmem>>, vector<1x16xf32>,
          %get3A_1088 = vector.shape_cast %get3A_1087 : vector<1x16xf32> to vector<16xf32>
          %mul3A_1089 = arith.mulf %get3A_1088, %get3A_1082 : vector<16xf32>
          %swap3A_1090 = arith.index_cast %add3A_1075 : i32 to index
          %swap3A_1091 = arith.constant 0 : index
          %swap3A_1092 = tpu.vector_load %arg11[%swap3A_1090, %swap3A_1091] {strides = array<i32>} : memref<80x80xf32, #tpu.memory_space<vmem>>, vector<1x16xf32>,
          %swap3A_1093 = vector.shape_cast %swap3A_1092 : vector<1x16xf32> to vector<16xf32>
          %swap3A_1094 = vector.shape_cast %mul3A_1089 : vector<16xf32> to vector<1x16xf32>
          tpu.vector_store %arg11[%swap3A_1090, %swap3A_1091], %swap3A_1094 {strides = array<i32>} : memref<80x80xf32, #tpu.memory_space<vmem>>, vector<1x16xf32>,
          %add3A_1095 = arith.constant 16 : i32
          %add3A_1096 = arith.addi %squeeze3A_1077, %add3A_1095 : i32
          %get3A_1097 = arith.index_cast %add3A_1096 : i32 to index
          %get3A_1098 = tpu.vector_load %arg16[%get3A_1097] {strides = array<i32>} : memref<1920xf32, #tpu.memory_space<vmem>>, vector<16xf32>,
          %get3A_1099 = vector.shape_cast %get3A_1098 : vector<16xf32> to vector<16xf32>
          %add3A_1100 = arith.constant 16 : i32
          %add3A_1101 = arith.addi %mul3A_18, %add3A_1100 : i32
          %get3A_1102 = arith.index_cast %add3A_1075 : i32 to index
          %get3A_1103 = arith.index_cast %add3A_1101 : i32 to index
          %get3A_1104 = tpu.vector_load %arg9[%get3A_1102, %get3A_1103] {strides = array<i32>} : memref<80x128xf32, #tpu.memory_space<vmem>>, vector<1x16xf32>,
          %get3A_1105 = vector.shape_cast %get3A_1104 : vector<1x16xf32> to vector<16xf32>
          %mul3A_1106 = arith.mulf %get3A_1105, %get3A_1099 : vector<16xf32>
          %swap3A_1107 = arith.index_cast %add3A_1075 : i32 to index
          %swap3A_1108 = arith.constant 16 : index
          %swap3A_1109 = tpu.vector_load %arg11[%swap3A_1107, %swap3A_1108] {strides = array<i32>} : memref<80x80xf32, #tpu.memory_space<vmem>>, vector<1x16xf32>,
          %swap3A_1110 = vector.shape_cast %swap3A_1109 : vector<1x16xf32> to vector<16xf32>
          %swap3A_1111 = vector.shape_cast %mul3A_1106 : vector<16xf32> to vector<1x16xf32>
          tpu.vector_store %arg11[%swap3A_1107, %swap3A_1108], %swap3A_1111 {strides = array<i32>} : memref<80x80xf32, #tpu.memory_space<vmem>>, vector<1x16xf32>,
          %add3A_1112 = arith.constant 32 : i32
          %add3A_1113 = arith.addi %squeeze3A_1077, %add3A_1112 : i32
          %get3A_1114 = arith.index_cast %add3A_1113 : i32 to index
          %get3A_1115 = tpu.vector_load %arg16[%get3A_1114] {strides = array<i32>} : memref<1920xf32, #tpu.memory_space<vmem>>, vector<16xf32>,
          %get3A_1116 = vector.shape_cast %get3A_1115 : vector<16xf32> to vector<16xf32>
          %add3A_1117 = arith.constant 32 : i32
          %add3A_1118 = arith.addi %mul3A_18, %add3A_1117 : i32
          %get3A_1119 = arith.index_cast %add3A_1075 : i32 to index
          %get3A_1120 = arith.index_cast %add3A_1118 : i32 to index
          %get3A_1121 = tpu.vector_load %arg9[%get3A_1119, %get3A_1120] {strides = array<i32>} : memref<80x128xf32, #tpu.memory_space<vmem>>, vector<1x16xf32>,
          %get3A_1122 = vector.shape_cast %get3A_1121 : vector<1x16xf32> to vector<16xf32>
          %mul3A_1123 = arith.mulf %get3A_1122, %get3A_1116 : vector<16xf32>
          %swap3A_1124 = arith.index_cast %add3A_1075 : i32 to index
          %swap3A_1125 = arith.constant 32 : index
          %swap3A_1126 = tpu.vector_load %arg11[%swap3A_1124, %swap3A_1125] {strides = array<i32>} : memref<80x80xf32, #tpu.memory_space<vmem>>, vector<1x16xf32>,
          %swap3A_1127 = vector.shape_cast %swap3A_1126 : vector<1x16xf32> to vector<16xf32>
          %swap3A_1128 = vector.shape_cast %mul3A_1123 : vector<16xf32> to vector<1x16xf32>
          tpu.vector_store %arg11[%swap3A_1124, %swap3A_1125], %swap3A_1128 {strides = array<i32>} : memref<80x80xf32, #tpu.memory_space<vmem>>, vector<1x16xf32>,
          %add3A_1129 = arith.constant 48 : i32
          %add3A_1130 = arith.addi %squeeze3A_1077, %add3A_1129 : i32
          %get3A_1131 = arith.index_cast %add3A_1130 : i32 to index
          %get3A_1132 = tpu.vector_load %arg16[%get3A_1131] {strides = array<i32>} : memref<1920xf32, #tpu.memory_space<vmem>>, vector<16xf32>,
          %get3A_1133 = vector.shape_cast %get3A_1132 : vector<16xf32> to vector<16xf32>
          %add3A_1134 = arith.constant 48 : i32
          %add3A_1135 = arith.addi %mul3A_18, %add3A_1134 : i32
          %get3A_1136 = arith.index_cast %add3A_1075 : i32 to index
          %get3A_1137 = arith.index_cast %add3A_1135 : i32 to index
          %get3A_1138 = tpu.vector_load %arg9[%get3A_1136, %get3A_1137] {strides = array<i32>} : memref<80x128xf32, #tpu.memory_space<vmem>>, vector<1x16xf32>,
          %get3A_1139 = vector.shape_cast %get3A_1138 : vector<1x16xf32> to vector<16xf32>
          %mul3A_1140 = arith.mulf %get3A_1139, %get3A_1133 : vector<16xf32>
          %swap3A_1141 = arith.index_cast %add3A_1075 : i32 to index
          %swap3A_1142 = arith.constant 48 : index
          %swap3A_1143 = tpu.vector_load %arg11[%swap3A_1141, %swap3A_1142] {strides = array<i32>} : memref<80x80xf32, #tpu.memory_space<vmem>>, vector<1x16xf32>,
          %swap3A_1144 = vector.shape_cast %swap3A_1143 : vector<1x16xf32> to vector<16xf32>
          %swap3A_1145 = vector.shape_cast %mul3A_1140 : vector<16xf32> to vector<1x16xf32>
          tpu.vector_store %arg11[%swap3A_1141, %swap3A_1142], %swap3A_1145 {strides = array<i32>} : memref<80x80xf32, #tpu.memory_space<vmem>>, vector<1x16xf32>,
          %mul3A_1146 = arith.constant 16 : i32
          %mul3A_1147 = arith.muli %add3A_108, %mul3A_1146 : i32
          %add3A_1148 = arith.constant 14 : i32
          %add3A_1149 = arith.addi %mul3A_1147, %add3A_1148 : i32
          %slice3A_1150 = vector.extract_strided_slice %get3A_112 {offsets = [14], sizes = [1], strides = [1]} : vector<16xi32> to vector<1xi32>
          %squeeze3A_1151 = vector.extract %slice3A_1150[0] : i32 from vector<1xi32>
          %add3A_1152 = arith.constant 0 : i32
          %add3A_1153 = arith.addi %squeeze3A_1151, %add3A_1152 : i32
          %get3A_1154 = arith.index_cast %add3A_1153 : i32 to index
          %get3A_1155 = tpu.vector_load %arg16[%get3A_1154] {strides = array<i32>} : memref<1920xf32, #tpu.memory_space<vmem>>, vector<16xf32>,
          %get3A_1156 = vector.shape_cast %get3A_1155 : vector<16xf32> to vector<16xf32>
          %add3A_1157 = arith.constant 0 : i32
          %add3A_1158 = arith.addi %mul3A_18, %add3A_1157 : i32
          %get3A_1159 = arith.index_cast %add3A_1149 : i32 to index
          %get3A_1160 = arith.index_cast %add3A_1158 : i32 to index
          %get3A_1161 = tpu.vector_load %arg9[%get3A_1159, %get3A_1160] {strides = array<i32>} : memref<80x128xf32, #tpu.memory_space<vmem>>, vector<1x16xf32>,
          %get3A_1162 = vector.shape_cast %get3A_1161 : vector<1x16xf32> to vector<16xf32>
          %mul3A_1163 = arith.mulf %get3A_1162, %get3A_1156 : vector<16xf32>
          %swap3A_1164 = arith.index_cast %add3A_1149 : i32 to index
          %swap3A_1165 = arith.constant 0 : index
          %swap3A_1166 = tpu.vector_load %arg11[%swap3A_1164, %swap3A_1165] {strides = array<i32>} : memref<80x80xf32, #tpu.memory_space<vmem>>, vector<1x16xf32>,
          %swap3A_1167 = vector.shape_cast %swap3A_1166 : vector<1x16xf32> to vector<16xf32>
          %swap3A_1168 = vector.shape_cast %mul3A_1163 : vector<16xf32> to vector<1x16xf32>
          tpu.vector_store %arg11[%swap3A_1164, %swap3A_1165], %swap3A_1168 {strides = array<i32>} : memref<80x80xf32, #tpu.memory_space<vmem>>, vector<1x16xf32>,
          %add3A_1169 = arith.constant 16 : i32
          %add3A_1170 = arith.addi %squeeze3A_1151, %add3A_1169 : i32
          %get3A_1171 = arith.index_cast %add3A_1170 : i32 to index
          %get3A_1172 = tpu.vector_load %arg16[%get3A_1171] {strides = array<i32>} : memref<1920xf32, #tpu.memory_space<vmem>>, vector<16xf32>,
          %get3A_1173 = vector.shape_cast %get3A_1172 : vector<16xf32> to vector<16xf32>
          %add3A_1174 = arith.constant 16 : i32
          %add3A_1175 = arith.addi %mul3A_18, %add3A_1174 : i32
          %get3A_1176 = arith.index_cast %add3A_1149 : i32 to index
          %get3A_1177 = arith.index_cast %add3A_1175 : i32 to index
          %get3A_1178 = tpu.vector_load %arg9[%get3A_1176, %get3A_1177] {strides = array<i32>} : memref<80x128xf32, #tpu.memory_space<vmem>>, vector<1x16xf32>,
          %get3A_1179 = vector.shape_cast %get3A_1178 : vector<1x16xf32> to vector<16xf32>
          %mul3A_1180 = arith.mulf %get3A_1179, %get3A_1173 : vector<16xf32>
          %swap3A_1181 = arith.index_cast %add3A_1149 : i32 to index
          %swap3A_1182 = arith.constant 16 : index
          %swap3A_1183 = tpu.vector_load %arg11[%swap3A_1181, %swap3A_1182] {strides = array<i32>} : memref<80x80xf32, #tpu.memory_space<vmem>>, vector<1x16xf32>,
          %swap3A_1184 = vector.shape_cast %swap3A_1183 : vector<1x16xf32> to vector<16xf32>
          %swap3A_1185 = vector.shape_cast %mul3A_1180 : vector<16xf32> to vector<1x16xf32>
          tpu.vector_store %arg11[%swap3A_1181, %swap3A_1182], %swap3A_1185 {strides = array<i32>} : memref<80x80xf32, #tpu.memory_space<vmem>>, vector<1x16xf32>,
          %add3A_1186 = arith.constant 32 : i32
          %add3A_1187 = arith.addi %squeeze3A_1151, %add3A_1186 : i32
          %get3A_1188 = arith.index_cast %add3A_1187 : i32 to index
          %get3A_1189 = tpu.vector_load %arg16[%get3A_1188] {strides = array<i32>} : memref<1920xf32, #tpu.memory_space<vmem>>, vector<16xf32>,
          %get3A_1190 = vector.shape_cast %get3A_1189 : vector<16xf32> to vector<16xf32>
          %add3A_1191 = arith.constant 32 : i32
          %add3A_1192 = arith.addi %mul3A_18, %add3A_1191 : i32
          %get3A_1193 = arith.index_cast %add3A_1149 : i32 to index
          %get3A_1194 = arith.index_cast %add3A_1192 : i32 to index
          %get3A_1195 = tpu.vector_load %arg9[%get3A_1193, %get3A_1194] {strides = array<i32>} : memref<80x128xf32, #tpu.memory_space<vmem>>, vector<1x16xf32>,
          %get3A_1196 = vector.shape_cast %get3A_1195 : vector<1x16xf32> to vector<16xf32>
          %mul3A_1197 = arith.mulf %get3A_1196, %get3A_1190 : vector<16xf32>
          %swap3A_1198 = arith.index_cast %add3A_1149 : i32 to index
          %swap3A_1199 = arith.constant 32 : index
          %swap3A_1200 = tpu.vector_load %arg11[%swap3A_1198, %swap3A_1199] {strides = array<i32>} : memref<80x80xf32, #tpu.memory_space<vmem>>, vector<1x16xf32>,
          %swap3A_1201 = vector.shape_cast %swap3A_1200 : vector<1x16xf32> to vector<16xf32>
          %swap3A_1202 = vector.shape_cast %mul3A_1197 : vector<16xf32> to vector<1x16xf32>
          tpu.vector_store %arg11[%swap3A_1198, %swap3A_1199], %swap3A_1202 {strides = array<i32>} : memref<80x80xf32, #tpu.memory_space<vmem>>, vector<1x16xf32>,
          %add3A_1203 = arith.constant 48 : i32
          %add3A_1204 = arith.addi %squeeze3A_1151, %add3A_1203 : i32
          %get3A_1205 = arith.index_cast %add3A_1204 : i32 to index
          %get3A_1206 = tpu.vector_load %arg16[%get3A_1205] {strides = array<i32>} : memref<1920xf32, #tpu.memory_space<vmem>>, vector<16xf32>,
          %get3A_1207 = vector.shape_cast %get3A_1206 : vector<16xf32> to vector<16xf32>
          %add3A_1208 = arith.constant 48 : i32
          %add3A_1209 = arith.addi %mul3A_18, %add3A_1208 : i32
          %get3A_1210 = arith.index_cast %add3A_1149 : i32 to index
          %get3A_1211 = arith.index_cast %add3A_1209 : i32 to index
          %get3A_1212 = tpu.vector_load %arg9[%get3A_1210, %get3A_1211] {strides = array<i32>} : memref<80x128xf32, #tpu.memory_space<vmem>>, vector<1x16xf32>,
          %get3A_1213 = vector.shape_cast %get3A_1212 : vector<1x16xf32> to vector<16xf32>
          %mul3A_1214 = arith.mulf %get3A_1213, %get3A_1207 : vector<16xf32>
          %swap3A_1215 = arith.index_cast %add3A_1149 : i32 to index
          %swap3A_1216 = arith.constant 48 : index
          %swap3A_1217 = tpu.vector_load %arg11[%swap3A_1215, %swap3A_1216] {strides = array<i32>} : memref<80x80xf32, #tpu.memory_space<vmem>>, vector<1x16xf32>,
          %swap3A_1218 = vector.shape_cast %swap3A_1217 : vector<1x16xf32> to vector<16xf32>
          %swap3A_1219 = vector.shape_cast %mul3A_1214 : vector<16xf32> to vector<1x16xf32>
          tpu.vector_store %arg11[%swap3A_1215, %swap3A_1216], %swap3A_1219 {strides = array<i32>} : memref<80x80xf32, #tpu.memory_space<vmem>>, vector<1x16xf32>,
          %mul3A_1220 = arith.constant 16 : i32
          %mul3A_1221 = arith.muli %add3A_108, %mul3A_1220 : i32
          %add3A_1222 = arith.constant 15 : i32
          %add3A_1223 = arith.addi %mul3A_1221, %add3A_1222 : i32
          %slice3A_1224 = vector.extract_strided_slice %get3A_112 {offsets = [15], sizes = [1], strides = [1]} : vector<16xi32> to vector<1xi32>
          %squeeze3A_1225 = vector.extract %slice3A_1224[0] : i32 from vector<1xi32>
          %add3A_1226 = arith.constant 0 : i32
          %add3A_1227 = arith.addi %squeeze3A_1225, %add3A_1226 : i32
          %get3A_1228 = arith.index_cast %add3A_1227 : i32 to index
          %get3A_1229 = tpu.vector_load %arg16[%get3A_1228] {strides = array<i32>} : memref<1920xf32, #tpu.memory_space<vmem>>, vector<16xf32>,
          %get3A_1230 = vector.shape_cast %get3A_1229 : vector<16xf32> to vector<16xf32>
          %add3A_1231 = arith.constant 0 : i32
          %add3A_1232 = arith.addi %mul3A_18, %add3A_1231 : i32
          %get3A_1233 = arith.index_cast %add3A_1223 : i32 to index
          %get3A_1234 = arith.index_cast %add3A_1232 : i32 to index
          %get3A_1235 = tpu.vector_load %arg9[%get3A_1233, %get3A_1234] {strides = array<i32>} : memref<80x128xf32, #tpu.memory_space<vmem>>, vector<1x16xf32>,
          %get3A_1236 = vector.shape_cast %get3A_1235 : vector<1x16xf32> to vector<16xf32>
          %mul3A_1237 = arith.mulf %get3A_1236, %get3A_1230 : vector<16xf32>
          %swap3A_1238 = arith.index_cast %add3A_1223 : i32 to index
          %swap3A_1239 = arith.constant 0 : index
          %swap3A_1240 = tpu.vector_load %arg11[%swap3A_1238, %swap3A_1239] {strides = array<i32>} : memref<80x80xf32, #tpu.memory_space<vmem>>, vector<1x16xf32>,
          %swap3A_1241 = vector.shape_cast %swap3A_1240 : vector<1x16xf32> to vector<16xf32>
          %swap3A_1242 = vector.shape_cast %mul3A_1237 : vector<16xf32> to vector<1x16xf32>
          tpu.vector_store %arg11[%swap3A_1238, %swap3A_1239], %swap3A_1242 {strides = array<i32>} : memref<80x80xf32, #tpu.memory_space<vmem>>, vector<1x16xf32>,
          %add3A_1243 = arith.constant 16 : i32
          %add3A_1244 = arith.addi %squeeze3A_1225, %add3A_1243 : i32
          %get3A_1245 = arith.index_cast %add3A_1244 : i32 to index
          %get3A_1246 = tpu.vector_load %arg16[%get3A_1245] {strides = array<i32>} : memref<1920xf32, #tpu.memory_space<vmem>>, vector<16xf32>,
          %get3A_1247 = vector.shape_cast %get3A_1246 : vector<16xf32> to vector<16xf32>
          %add3A_1248 = arith.constant 16 : i32
          %add3A_1249 = arith.addi %mul3A_18, %add3A_1248 : i32
          %get3A_1250 = arith.index_cast %add3A_1223 : i32 to index
          %get3A_1251 = arith.index_cast %add3A_1249 : i32 to index
          %get3A_1252 = tpu.vector_load %arg9[%get3A_1250, %get3A_1251] {strides = array<i32>} : memref<80x128xf32, #tpu.memory_space<vmem>>, vector<1x16xf32>,
          %get3A_1253 = vector.shape_cast %get3A_1252 : vector<1x16xf32> to vector<16xf32>
          %mul3A_1254 = arith.mulf %get3A_1253, %get3A_1247 : vector<16xf32>
          %swap3A_1255 = arith.index_cast %add3A_1223 : i32 to index
          %swap3A_1256 = arith.constant 16 : index
          %swap3A_1257 = tpu.vector_load %arg11[%swap3A_1255, %swap3A_1256] {strides = array<i32>} : memref<80x80xf32, #tpu.memory_space<vmem>>, vector<1x16xf32>,
          %swap3A_1258 = vector.shape_cast %swap3A_1257 : vector<1x16xf32> to vector<16xf32>
          %swap3A_1259 = vector.shape_cast %mul3A_1254 : vector<16xf32> to vector<1x16xf32>
          tpu.vector_store %arg11[%swap3A_1255, %swap3A_1256], %swap3A_1259 {strides = array<i32>} : memref<80x80xf32, #tpu.memory_space<vmem>>, vector<1x16xf32>,
          %add3A_1260 = arith.constant 32 : i32
          %add3A_1261 = arith.addi %squeeze3A_1225, %add3A_1260 : i32
          %get3A_1262 = arith.index_cast %add3A_1261 : i32 to index
          %get3A_1263 = tpu.vector_load %arg16[%get3A_1262] {strides = array<i32>} : memref<1920xf32, #tpu.memory_space<vmem>>, vector<16xf32>,
          %get3A_1264 = vector.shape_cast %get3A_1263 : vector<16xf32> to vector<16xf32>
          %add3A_1265 = arith.constant 32 : i32
          %add3A_1266 = arith.addi %mul3A_18, %add3A_1265 : i32
          %get3A_1267 = arith.index_cast %add3A_1223 : i32 to index
          %get3A_1268 = arith.index_cast %add3A_1266 : i32 to index
          %get3A_1269 = tpu.vector_load %arg9[%get3A_1267, %get3A_1268] {strides = array<i32>} : memref<80x128xf32, #tpu.memory_space<vmem>>, vector<1x16xf32>,
          %get3A_1270 = vector.shape_cast %get3A_1269 : vector<1x16xf32> to vector<16xf32>
          %mul3A_1271 = arith.mulf %get3A_1270, %get3A_1264 : vector<16xf32>
          %swap3A_1272 = arith.index_cast %add3A_1223 : i32 to index
          %swap3A_1273 = arith.constant 32 : index
          %swap3A_1274 = tpu.vector_load %arg11[%swap3A_1272, %swap3A_1273] {strides = array<i32>} : memref<80x80xf32, #tpu.memory_space<vmem>>, vector<1x16xf32>,
          %swap3A_1275 = vector.shape_cast %swap3A_1274 : vector<1x16xf32> to vector<16xf32>
          %swap3A_1276 = vector.shape_cast %mul3A_1271 : vector<16xf32> to vector<1x16xf32>
          tpu.vector_store %arg11[%swap3A_1272, %swap3A_1273], %swap3A_1276 {strides = array<i32>} : memref<80x80xf32, #tpu.memory_space<vmem>>, vector<1x16xf32>,
          %add3A_1277 = arith.constant 48 : i32
          %add3A_1278 = arith.addi %squeeze3A_1225, %add3A_1277 : i32
          %get3A_1279 = arith.index_cast %add3A_1278 : i32 to index
          %get3A_1280 = tpu.vector_load %arg16[%get3A_1279] {strides = array<i32>} : memref<1920xf32, #tpu.memory_space<vmem>>, vector<16xf32>,
          %get3A_1281 = vector.shape_cast %get3A_1280 : vector<16xf32> to vector<16xf32>
          %add3A_1282 = arith.constant 48 : i32
          %add3A_1283 = arith.addi %mul3A_18, %add3A_1282 : i32
          %get3A_1284 = arith.index_cast %add3A_1223 : i32 to index
          %get3A_1285 = arith.index_cast %add3A_1283 : i32 to index
          %get3A_1286 = tpu.vector_load %arg9[%get3A_1284, %get3A_1285] {strides = array<i32>} : memref<80x128xf32, #tpu.memory_space<vmem>>, vector<1x16xf32>,
          %get3A_1287 = vector.shape_cast %get3A_1286 : vector<1x16xf32> to vector<16xf32>
          %mul3A_1288 = arith.mulf %get3A_1287, %get3A_1281 : vector<16xf32>
          %swap3A_1289 = arith.index_cast %add3A_1223 : i32 to index
          %swap3A_1290 = arith.constant 48 : index
          %swap3A_1291 = tpu.vector_load %arg11[%swap3A_1289, %swap3A_1290] {strides = array<i32>} : memref<80x80xf32, #tpu.memory_space<vmem>>, vector<1x16xf32>,
          %swap3A_1292 = vector.shape_cast %swap3A_1291 : vector<1x16xf32> to vector<16xf32>
          %swap3A_1293 = vector.shape_cast %mul3A_1288 : vector<16xf32> to vector<1x16xf32>
          tpu.vector_store %arg11[%swap3A_1289, %swap3A_1290], %swap3A_1293 {strides = array<i32>} : memref<80x80xf32, #tpu.memory_space<vmem>>, vector<1x16xf32>,
        }
        %scan3A_79 = arith.constant 5 : i32
        "tpu.region"() ({
          %run_scoped3A = tpu.sem_alloc : memref<!tpu.dma_semaphore, #tpu.memory_space<semaphore_mem>>
          %dma_start3A_104 = arith.constant 0 : i32
          %dma_start3A_105 = tpu.memref_slice %arg13[%mul3A_56, %dma_start3A_104] : memref<50x80xi32, #tpu.memory_space<vmem>> -> memref<1x80xi32, #tpu.memory_space<vmem>>
          %dma_start3A_106 = tpu.memref_squeeze %dma_start3A_105 : memref<1x80xi32, #tpu.memory_space<vmem>> -> memref<80xi32, #tpu.memory_space<vmem>>
          %dma_start3A_107 = arith.constant 0 : i32
          %dma_start3A_108 = arith.constant 0 : i32
          %dma_start3A_109 = tpu.memref_slice %arg17[%dma_start3A_107, %dma_start3A_108] : memref<10000x80xf32, #tpu.memory_space<vmem_shared>> -> memref<10000x80xf32, #tpu.memory_space<vmem_shared>>
          tpu.enqueue_indirect_dma source(%arg11 : memref<80x80xf32, #tpu.memory_space<vmem>>) target(%dma_start3A_109 : memref<10000x80xf32, #tpu.memory_space<vmem_shared>>) offsets(%dma_start3A_106 : memref<80xi32, #tpu.memory_space<vmem>>) semaphore(%run_scoped3A : memref<!tpu.dma_semaphore, #tpu.memory_space<semaphore_mem>>) {add = true}
          %dma_wait3A_110 = arith.constant 0 : i32
          %dma_wait3A_111 = tpu.memref_slice %arg13[%mul3A_56, %dma_wait3A_110] : memref<50x80xi32, #tpu.memory_space<vmem>> -> memref<1x80xi32, #tpu.memory_space<vmem>>
          %dma_wait3A_112 = tpu.memref_squeeze %dma_wait3A_111 : memref<1x80xi32, #tpu.memory_space<vmem>> -> memref<80xi32, #tpu.memory_space<vmem>>
          %dma_wait3A_113 = arith.constant 0 : i32
          %dma_wait3A_114 = arith.constant 0 : i32
          %dma_wait3A_115 = tpu.memref_slice %arg17[%dma_wait3A_113, %dma_wait3A_114] : memref<10000x80xf32, #tpu.memory_space<vmem_shared>> -> memref<10000x80xf32, #tpu.memory_space<vmem_shared>>
          tpu.wait_indirect_dma semaphore(%run_scoped3A : memref<!tpu.dma_semaphore, #tpu.memory_space<semaphore_mem>>) src(%arg11 : memref<80x80xf32, #tpu.memory_space<vmem>>) dst(%dma_wait3A_115 : memref<10000x80xf32, #tpu.memory_space<vmem_shared>>)
          tpu.yield
        }) : () -> ()
        %add3A_80 = arith.constant 1 : i32
        %add3A_81 = arith.addi %mul3A_56, %add3A_80 : i32
        %dma_wait3A_82 = arith.constant 0 : i32
        %dma_wait3A_83 = tpu.memref_slice %arg12[%add3A_81, %dma_wait3A_82] : memref<50x80xi32, #tpu.memory_space<vmem>> -> memref<1x80xi32, #tpu.memory_space<vmem>>
        %dma_wait3A_84 = tpu.memref_squeeze %dma_wait3A_83 : memref<1x80xi32, #tpu.memory_space<vmem>> -> memref<80xi32, #tpu.memory_space<vmem>>
        %dma_wait3A_85 = arith.constant 0 : i32
        %dma_wait3A_86 = arith.constant 0 : i32
        %dma_wait3A_87 = tpu.memref_slice %arg2[%dma_wait3A_85, %dma_wait3A_86] : memref<10000x128xf32, #tpu.memory_space<hbm>> -> memref<10000x128xf32, #tpu.memory_space<hbm>>
        tpu.wait_indirect_dma semaphore(%arg19 : memref<!tpu.dma_semaphore, #tpu.memory_space<semaphore_mem>>) src(%dma_wait3A_87 : memref<10000x128xf32, #tpu.memory_space<hbm>>) dst(%arg10 : memref<80x128xf32, #tpu.memory_space<vmem>>)
        %lt3A = arith.constant 24 : i32
        %lt3A_88 = arith.cmpi slt, %add3A_54, %lt3A : i32
        %convert_element_type3A_89 = arith.extui %lt3A_88 : i1 to i32
        %cond3A_90 = arith.constant 0 : i32
        %cond3A_91 = arith.cmpi ne, %convert_element_type3A_89, %cond3A_90 : i32
        scf.if %cond3A_91 {
          %add3A_104 = arith.constant 2 : i32
          %add3A_105 = arith.addi %mul3A_56, %add3A_104 : i32
          %dma_start3A_106 = arith.constant 0 : i32
          %dma_start3A_107 = tpu.memref_slice %arg12[%add3A_105, %dma_start3A_106] : memref<50x80xi32, #tpu.memory_space<vmem>> -> memref<1x80xi32, #tpu.memory_space<vmem>>
          %dma_start3A_108 = tpu.memref_squeeze %dma_start3A_107 : memref<1x80xi32, #tpu.memory_space<vmem>> -> memref<80xi32, #tpu.memory_space<vmem>>
          %dma_start3A_109 = arith.constant 0 : i32
          %dma_start3A_110 = arith.constant 0 : i32
          %dma_start3A_111 = tpu.memref_slice %arg2[%dma_start3A_109, %dma_start3A_110] : memref<10000x128xf32, #tpu.memory_space<hbm>> -> memref<10000x128xf32, #tpu.memory_space<hbm>>
          tpu.enqueue_indirect_dma source(%dma_start3A_111 : memref<10000x128xf32, #tpu.memory_space<hbm>>) target(%arg9 : memref<80x128xf32, #tpu.memory_space<vmem>>) offsets(%dma_start3A_108 : memref<80xi32, #tpu.memory_space<vmem>>) semaphore(%arg18 : memref<!tpu.dma_semaphore, #tpu.memory_space<semaphore_mem>>)
        } else {
        }
        %add3A_92 = arith.constant 1 : i32
        %add3A_93 = arith.addi %mul3A_56, %add3A_92 : i32
        %scan3A_94 = arith.constant 0 : i32
        %scan3A_95 = arith.constant 5 : i32
        %scan3A_96 = arith.addi %scan3A_94, %scan3A_95 : i32
        %scan3A_97 = arith.constant 1 : i32
        scf.for %scan3A_104 = %scan3A_94 to %scan3A_96 step %scan3A_97  : i32 {
          %mul3A_105 = arith.constant 1 : i32
          %mul3A_106 = arith.muli %scan3A_104, %mul3A_105 : i32
          %add3A_107 = arith.constant 0 : i32
          %add3A_108 = arith.addi %add3A_107, %mul3A_106 : i32
          %mul3A_109 = arith.constant 16 : i32
          %mul3A_110 = arith.muli %add3A_108, %mul3A_109 : i32
          %get3A = arith.index_cast %add3A_93 : i32 to index
          %get3A_111 = arith.index_cast %mul3A_110 : i32 to index
          %get3A_112 = tpu.vector_load %arg14[%get3A, %get3A_111] {strides = array<i32>} : memref<50x80xi32, #tpu.memory_space<vmem>>, vector<1x16xi32>,
          %get3A_113 = vector.shape_cast %get3A_112 : vector<1x16xi32> to vector<16xi32>
          %add3A_114 = arith.constant 14 : i32
          %add3A_115 = vector.broadcast %add3A_114 : i32 to vector<16xi32>
          %add3A_116 = arith.addi %get3A_113, %add3A_115 : vector<16xi32>
          %jit3A = arith.constant 15 : i32
          %eq3A_117 = arith.constant 0 : i32
          %eq3A_118 = arith.cmpi eq, %jit3A, %eq3A_117 : i32
          %jit3A_119 = arith.constant 1 : i32
          %select_n3A = arith.select %eq3A_118, %jit3A_119, %jit3A : i32
          %rem3A = vector.broadcast %select_n3A : i32 to vector<16xi32>
          %rem3A_120 = arith.remsi %add3A_116, %rem3A : vector<16xi32>
          %ne3A = arith.constant 0 : i32
          %ne3A_121 = vector.broadcast %ne3A : i32 to vector<16xi32>
          %ne3A_122 = arith.cmpi ne, %rem3A_120, %ne3A_121 : vector<16xi32>
          %lt3A_123 = arith.constant 0 : i32
          %lt3A_124 = vector.broadcast %lt3A_123 : i32 to vector<16xi32>
          %lt3A_125 = arith.cmpi slt, %rem3A_120, %lt3A_124 : vector<16xi32>
          %lt3A_126 = arith.constant 0 : i32
          %lt3A_127 = arith.cmpi slt, %select_n3A, %lt3A_126 : i32
          %ne3A_128 = vector.broadcast %lt3A_127 : i1 to vector<16xi1>
          %ne3A_129 = vector.broadcast %ne3A_128 : vector<16xi1> to vector<16xi1>
          %ne3A_130 = arith.xori %lt3A_125, %ne3A_129 : vector<16xi1>
          %and3A = arith.andi %ne3A_130, %ne3A_122 : vector<16xi1>
          %add3A_131 = vector.broadcast %select_n3A : i32 to vector<16xi32>
          %add3A_132 = arith.addi %rem3A_120, %add3A_131 : vector<16xi32>
          %select_n3A_133 = arith.select %and3A, %add3A_132, %rem3A_120 : vector<16xi1>, vector<16xi32>
          %mul3A_134 = arith.constant 128 : i32
          %mul3A_135 = vector.broadcast %mul3A_134 : i32 to vector<16xi32>
          %mul3A_136 = arith.muli %select_n3A_133, %mul3A_135 : vector<16xi32>
          %mul3A_137 = arith.constant 64 : i32
          %mul3A_138 = arith.muli %arg0, %mul3A_137 : i32
          %add3A_139 = vector.broadcast %mul3A_138 : i32 to vector<16xi32>
          %add3A_140 = arith.addi %mul3A_136, %add3A_139 : vector<16xi32>
          %mul3A_141 = arith.constant 16 : i32
          %mul3A_142 = arith.muli %add3A_108, %mul3A_141 : i32
          %swap3A = arith.index_cast %mul3A_142 : i32 to index
          %swap3A_143 = tpu.vector_load %arg15[%swap3A] {strides = array<i32>} : memref<80xi32, #tpu.memory_space<vmem>>, vector<16xi32>,
          %swap3A_144 = vector.shape_cast %swap3A_143 : vector<16xi32> to vector<16xi32>
          %swap3A_145 = vector.shape_cast %add3A_140 : vector<16xi32> to vector<16xi32>
          tpu.vector_store %arg15[%swap3A], %swap3A_145 {strides = array<i32>} : memref<80xi32, #tpu.memory_space<vmem>>, vector<16xi32>,
        }
        %scan3A_98 = arith.constant 5 : i32
        %scan3A_99 = arith.constant 0 : i32
        %scan3A_100 = arith.constant 5 : i32
        %scan3A_101 = arith.addi %scan3A_99, %scan3A_100 : i32
        %scan3A_102 = arith.constant 1 : i32
        scf.for %scan3A_104 = %scan3A_99 to %scan3A_101 step %scan3A_102  : i32 {
          %mul3A_105 = arith.constant 1 : i32
          %mul3A_106 = arith.muli %scan3A_104, %mul3A_105 : i32
          %add3A_107 = arith.constant 0 : i32
          %add3A_108 = arith.addi %add3A_107, %mul3A_106 : i32
          %mul3A_109 = arith.constant 16 : i32
          %mul3A_110 = arith.muli %add3A_108, %mul3A_109 : i32
          %get3A = arith.index_cast %mul3A_110 : i32 to index
          %get3A_111 = tpu.vector_load %arg15[%get3A] {strides = array<i32>} : memref<80xi32, #tpu.memory_space<vmem>>, vector<16xi32>,
          %get3A_112 = vector.shape_cast %get3A_111 : vector<16xi32> to vector<16xi32>
          %mul3A_113 = arith.constant 16 : i32
          %mul3A_114 = arith.muli %add3A_108, %mul3A_113 : i32
          %add3A_115 = arith.constant 0 : i32
          %add3A_116 = arith.addi %mul3A_114, %add3A_115 : i32
          %slice3A = vector.extract_strided_slice %get3A_112 {offsets = [0], sizes = [1], strides = [1]} : vector<16xi32> to vector<1xi32>
          %squeeze3A = vector.extract %slice3A[0] : i32 from vector<1xi32>
          %add3A_117 = arith.constant 0 : i32
          %add3A_118 = arith.addi %squeeze3A, %add3A_117 : i32
          %get3A_119 = arith.index_cast %add3A_118 : i32 to index
          %get3A_120 = tpu.vector_load %arg16[%get3A_119] {strides = array<i32>} : memref<1920xf32, #tpu.memory_space<vmem>>, vector<16xf32>,
          %get3A_121 = vector.shape_cast %get3A_120 : vector<16xf32> to vector<16xf32>
          %add3A_122 = arith.constant 0 : i32
          %add3A_123 = arith.addi %mul3A_18, %add3A_122 : i32
          %get3A_124 = arith.index_cast %add3A_116 : i32 to index
          %get3A_125 = arith.index_cast %add3A_123 : i32 to index
          %get3A_126 = tpu.vector_load %arg10[%get3A_124, %get3A_125] {strides = array<i32>} : memref<80x128xf32, #tpu.memory_space<vmem>>, vector<1x16xf32>,
          %get3A_127 = vector.shape_cast %get3A_126 : vector<1x16xf32> to vector<16xf32>
          %mul3A_128 = arith.mulf %get3A_127, %get3A_121 : vector<16xf32>
          %swap3A = arith.index_cast %add3A_116 : i32 to index
          %swap3A_129 = arith.constant 0 : index
          %swap3A_130 = tpu.vector_load %arg11[%swap3A, %swap3A_129] {strides = array<i32>} : memref<80x80xf32, #tpu.memory_space<vmem>>, vector<1x16xf32>,
          %swap3A_131 = vector.shape_cast %swap3A_130 : vector<1x16xf32> to vector<16xf32>
          %swap3A_132 = vector.shape_cast %mul3A_128 : vector<16xf32> to vector<1x16xf32>
          tpu.vector_store %arg11[%swap3A, %swap3A_129], %swap3A_132 {strides = array<i32>} : memref<80x80xf32, #tpu.memory_space<vmem>>, vector<1x16xf32>,
          %add3A_133 = arith.constant 16 : i32
          %add3A_134 = arith.addi %squeeze3A, %add3A_133 : i32
          %get3A_135 = arith.index_cast %add3A_134 : i32 to index
          %get3A_136 = tpu.vector_load %arg16[%get3A_135] {strides = array<i32>} : memref<1920xf32, #tpu.memory_space<vmem>>, vector<16xf32>,
          %get3A_137 = vector.shape_cast %get3A_136 : vector<16xf32> to vector<16xf32>
          %add3A_138 = arith.constant 16 : i32
          %add3A_139 = arith.addi %mul3A_18, %add3A_138 : i32
          %get3A_140 = arith.index_cast %add3A_116 : i32 to index
          %get3A_141 = arith.index_cast %add3A_139 : i32 to index
          %get3A_142 = tpu.vector_load %arg10[%get3A_140, %get3A_141] {strides = array<i32>} : memref<80x128xf32, #tpu.memory_space<vmem>>, vector<1x16xf32>,
          %get3A_143 = vector.shape_cast %get3A_142 : vector<1x16xf32> to vector<16xf32>
          %mul3A_144 = arith.mulf %get3A_143, %get3A_137 : vector<16xf32>
          %swap3A_145 = arith.index_cast %add3A_116 : i32 to index
          %swap3A_146 = arith.constant 16 : index
          %swap3A_147 = tpu.vector_load %arg11[%swap3A_145, %swap3A_146] {strides = array<i32>} : memref<80x80xf32, #tpu.memory_space<vmem>>, vector<1x16xf32>,
          %swap3A_148 = vector.shape_cast %swap3A_147 : vector<1x16xf32> to vector<16xf32>
          %swap3A_149 = vector.shape_cast %mul3A_144 : vector<16xf32> to vector<1x16xf32>
          tpu.vector_store %arg11[%swap3A_145, %swap3A_146], %swap3A_149 {strides = array<i32>} : memref<80x80xf32, #tpu.memory_space<vmem>>, vector<1x16xf32>,
          %add3A_150 = arith.constant 32 : i32
          %add3A_151 = arith.addi %squeeze3A, %add3A_150 : i32
          %get3A_152 = arith.index_cast %add3A_151 : i32 to index
          %get3A_153 = tpu.vector_load %arg16[%get3A_152] {strides = array<i32>} : memref<1920xf32, #tpu.memory_space<vmem>>, vector<16xf32>,
          %get3A_154 = vector.shape_cast %get3A_153 : vector<16xf32> to vector<16xf32>
          %add3A_155 = arith.constant 32 : i32
          %add3A_156 = arith.addi %mul3A_18, %add3A_155 : i32
          %get3A_157 = arith.index_cast %add3A_116 : i32 to index
          %get3A_158 = arith.index_cast %add3A_156 : i32 to index
          %get3A_159 = tpu.vector_load %arg10[%get3A_157, %get3A_158] {strides = array<i32>} : memref<80x128xf32, #tpu.memory_space<vmem>>, vector<1x16xf32>,
          %get3A_160 = vector.shape_cast %get3A_159 : vector<1x16xf32> to vector<16xf32>
          %mul3A_161 = arith.mulf %get3A_160, %get3A_154 : vector<16xf32>
          %swap3A_162 = arith.index_cast %add3A_116 : i32 to index
          %swap3A_163 = arith.constant 32 : index
          %swap3A_164 = tpu.vector_load %arg11[%swap3A_162, %swap3A_163] {strides = array<i32>} : memref<80x80xf32, #tpu.memory_space<vmem>>, vector<1x16xf32>,
          %swap3A_165 = vector.shape_cast %swap3A_164 : vector<1x16xf32> to vector<16xf32>
          %swap3A_166 = vector.shape_cast %mul3A_161 : vector<16xf32> to vector<1x16xf32>
          tpu.vector_store %arg11[%swap3A_162, %swap3A_163], %swap3A_166 {strides = array<i32>} : memref<80x80xf32, #tpu.memory_space<vmem>>, vector<1x16xf32>,
          %add3A_167 = arith.constant 48 : i32
          %add3A_168 = arith.addi %squeeze3A, %add3A_167 : i32
          %get3A_169 = arith.index_cast %add3A_168 : i32 to index
          %get3A_170 = tpu.vector_load %arg16[%get3A_169] {strides = array<i32>} : memref<1920xf32, #tpu.memory_space<vmem>>, vector<16xf32>,
          %get3A_171 = vector.shape_cast %get3A_170 : vector<16xf32> to vector<16xf32>
          %add3A_172 = arith.constant 48 : i32
          %add3A_173 = arith.addi %mul3A_18, %add3A_172 : i32
          %get3A_174 = arith.index_cast %add3A_116 : i32 to index
          %get3A_175 = arith.index_cast %add3A_173 : i32 to index
          %get3A_176 = tpu.vector_load %arg10[%get3A_174, %get3A_175] {strides = array<i32>} : memref<80x128xf32, #tpu.memory_space<vmem>>, vector<1x16xf32>,
          %get3A_177 = vector.shape_cast %get3A_176 : vector<1x16xf32> to vector<16xf32>
          %mul3A_178 = arith.mulf %get3A_177, %get3A_171 : vector<16xf32>
          %swap3A_179 = arith.index_cast %add3A_116 : i32 to index
          %swap3A_180 = arith.constant 48 : index
          %swap3A_181 = tpu.vector_load %arg11[%swap3A_179, %swap3A_180] {strides = array<i32>} : memref<80x80xf32, #tpu.memory_space<vmem>>, vector<1x16xf32>,
          %swap3A_182 = vector.shape_cast %swap3A_181 : vector<1x16xf32> to vector<16xf32>
          %swap3A_183 = vector.shape_cast %mul3A_178 : vector<16xf32> to vector<1x16xf32>
          tpu.vector_store %arg11[%swap3A_179, %swap3A_180], %swap3A_183 {strides = array<i32>} : memref<80x80xf32, #tpu.memory_space<vmem>>, vector<1x16xf32>,
          %mul3A_184 = arith.constant 16 : i32
          %mul3A_185 = arith.muli %add3A_108, %mul3A_184 : i32
          %add3A_186 = arith.constant 1 : i32
          %add3A_187 = arith.addi %mul3A_185, %add3A_186 : i32
          %slice3A_188 = vector.extract_strided_slice %get3A_112 {offsets = [1], sizes = [1], strides = [1]} : vector<16xi32> to vector<1xi32>
          %squeeze3A_189 = vector.extract %slice3A_188[0] : i32 from vector<1xi32>
          %add3A_190 = arith.constant 0 : i32
          %add3A_191 = arith.addi %squeeze3A_189, %add3A_190 : i32
          %get3A_192 = arith.index_cast %add3A_191 : i32 to index
          %get3A_193 = tpu.vector_load %arg16[%get3A_192] {strides = array<i32>} : memref<1920xf32, #tpu.memory_space<vmem>>, vector<16xf32>,
          %get3A_194 = vector.shape_cast %get3A_193 : vector<16xf32> to vector<16xf32>
          %add3A_195 = arith.constant 0 : i32
          %add3A_196 = arith.addi %mul3A_18, %add3A_195 : i32
          %get3A_197 = arith.index_cast %add3A_187 : i32 to index
          %get3A_198 = arith.index_cast %add3A_196 : i32 to index
          %get3A_199 = tpu.vector_load %arg10[%get3A_197, %get3A_198] {strides = array<i32>} : memref<80x128xf32, #tpu.memory_space<vmem>>, vector<1x16xf32>,
          %get3A_200 = vector.shape_cast %get3A_199 : vector<1x16xf32> to vector<16xf32>
          %mul3A_201 = arith.mulf %get3A_200, %get3A_194 : vector<16xf32>
          %swap3A_202 = arith.index_cast %add3A_187 : i32 to index
          %swap3A_203 = arith.constant 0 : index
          %swap3A_204 = tpu.vector_load %arg11[%swap3A_202, %swap3A_203] {strides = array<i32>} : memref<80x80xf32, #tpu.memory_space<vmem>>, vector<1x16xf32>,
          %swap3A_205 = vector.shape_cast %swap3A_204 : vector<1x16xf32> to vector<16xf32>
          %swap3A_206 = vector.shape_cast %mul3A_201 : vector<16xf32> to vector<1x16xf32>
          tpu.vector_store %arg11[%swap3A_202, %swap3A_203], %swap3A_206 {strides = array<i32>} : memref<80x80xf32, #tpu.memory_space<vmem>>, vector<1x16xf32>,
          %add3A_207 = arith.constant 16 : i32
          %add3A_208 = arith.addi %squeeze3A_189, %add3A_207 : i32
          %get3A_209 = arith.index_cast %add3A_208 : i32 to index
          %get3A_210 = tpu.vector_load %arg16[%get3A_209] {strides = array<i32>} : memref<1920xf32, #tpu.memory_space<vmem>>, vector<16xf32>,
          %get3A_211 = vector.shape_cast %get3A_210 : vector<16xf32> to vector<16xf32>
          %add3A_212 = arith.constant 16 : i32
          %add3A_213 = arith.addi %mul3A_18, %add3A_212 : i32
          %get3A_214 = arith.index_cast %add3A_187 : i32 to index
          %get3A_215 = arith.index_cast %add3A_213 : i32 to index
          %get3A_216 = tpu.vector_load %arg10[%get3A_214, %get3A_215] {strides = array<i32>} : memref<80x128xf32, #tpu.memory_space<vmem>>, vector<1x16xf32>,
          %get3A_217 = vector.shape_cast %get3A_216 : vector<1x16xf32> to vector<16xf32>
          %mul3A_218 = arith.mulf %get3A_217, %get3A_211 : vector<16xf32>
          %swap3A_219 = arith.index_cast %add3A_187 : i32 to index
          %swap3A_220 = arith.constant 16 : index
          %swap3A_221 = tpu.vector_load %arg11[%swap3A_219, %swap3A_220] {strides = array<i32>} : memref<80x80xf32, #tpu.memory_space<vmem>>, vector<1x16xf32>,
          %swap3A_222 = vector.shape_cast %swap3A_221 : vector<1x16xf32> to vector<16xf32>
          %swap3A_223 = vector.shape_cast %mul3A_218 : vector<16xf32> to vector<1x16xf32>
          tpu.vector_store %arg11[%swap3A_219, %swap3A_220], %swap3A_223 {strides = array<i32>} : memref<80x80xf32, #tpu.memory_space<vmem>>, vector<1x16xf32>,
          %add3A_224 = arith.constant 32 : i32
          %add3A_225 = arith.addi %squeeze3A_189, %add3A_224 : i32
          %get3A_226 = arith.index_cast %add3A_225 : i32 to index
          %get3A_227 = tpu.vector_load %arg16[%get3A_226] {strides = array<i32>} : memref<1920xf32, #tpu.memory_space<vmem>>, vector<16xf32>,
          %get3A_228 = vector.shape_cast %get3A_227 : vector<16xf32> to vector<16xf32>
          %add3A_229 = arith.constant 32 : i32
          %add3A_230 = arith.addi %mul3A_18, %add3A_229 : i32
          %get3A_231 = arith.index_cast %add3A_187 : i32 to index
          %get3A_232 = arith.index_cast %add3A_230 : i32 to index
          %get3A_233 = tpu.vector_load %arg10[%get3A_231, %get3A_232] {strides = array<i32>} : memref<80x128xf32, #tpu.memory_space<vmem>>, vector<1x16xf32>,
          %get3A_234 = vector.shape_cast %get3A_233 : vector<1x16xf32> to vector<16xf32>
          %mul3A_235 = arith.mulf %get3A_234, %get3A_228 : vector<16xf32>
          %swap3A_236 = arith.index_cast %add3A_187 : i32 to index
          %swap3A_237 = arith.constant 32 : index
          %swap3A_238 = tpu.vector_load %arg11[%swap3A_236, %swap3A_237] {strides = array<i32>} : memref<80x80xf32, #tpu.memory_space<vmem>>, vector<1x16xf32>,
          %swap3A_239 = vector.shape_cast %swap3A_238 : vector<1x16xf32> to vector<16xf32>
          %swap3A_240 = vector.shape_cast %mul3A_235 : vector<16xf32> to vector<1x16xf32>
          tpu.vector_store %arg11[%swap3A_236, %swap3A_237], %swap3A_240 {strides = array<i32>} : memref<80x80xf32, #tpu.memory_space<vmem>>, vector<1x16xf32>,
          %add3A_241 = arith.constant 48 : i32
          %add3A_242 = arith.addi %squeeze3A_189, %add3A_241 : i32
          %get3A_243 = arith.index_cast %add3A_242 : i32 to index
          %get3A_244 = tpu.vector_load %arg16[%get3A_243] {strides = array<i32>} : memref<1920xf32, #tpu.memory_space<vmem>>, vector<16xf32>,
          %get3A_245 = vector.shape_cast %get3A_244 : vector<16xf32> to vector<16xf32>
          %add3A_246 = arith.constant 48 : i32
          %add3A_247 = arith.addi %mul3A_18, %add3A_246 : i32
          %get3A_248 = arith.index_cast %add3A_187 : i32 to index
          %get3A_249 = arith.index_cast %add3A_247 : i32 to index
          %get3A_250 = tpu.vector_load %arg10[%get3A_248, %get3A_249] {strides = array<i32>} : memref<80x128xf32, #tpu.memory_space<vmem>>, vector<1x16xf32>,
          %get3A_251 = vector.shape_cast %get3A_250 : vector<1x16xf32> to vector<16xf32>
          %mul3A_252 = arith.mulf %get3A_251, %get3A_245 : vector<16xf32>
          %swap3A_253 = arith.index_cast %add3A_187 : i32 to index
          %swap3A_254 = arith.constant 48 : index
          %swap3A_255 = tpu.vector_load %arg11[%swap3A_253, %swap3A_254] {strides = array<i32>} : memref<80x80xf32, #tpu.memory_space<vmem>>, vector<1x16xf32>,
          %swap3A_256 = vector.shape_cast %swap3A_255 : vector<1x16xf32> to vector<16xf32>
          %swap3A_257 = vector.shape_cast %mul3A_252 : vector<16xf32> to vector<1x16xf32>
          tpu.vector_store %arg11[%swap3A_253, %swap3A_254], %swap3A_257 {strides = array<i32>} : memref<80x80xf32, #tpu.memory_space<vmem>>, vector<1x16xf32>,
          %mul3A_258 = arith.constant 16 : i32
          %mul3A_259 = arith.muli %add3A_108, %mul3A_258 : i32
          %add3A_260 = arith.constant 2 : i32
          %add3A_261 = arith.addi %mul3A_259, %add3A_260 : i32
          %slice3A_262 = vector.extract_strided_slice %get3A_112 {offsets = [2], sizes = [1], strides = [1]} : vector<16xi32> to vector<1xi32>
          %squeeze3A_263 = vector.extract %slice3A_262[0] : i32 from vector<1xi32>
          %add3A_264 = arith.constant 0 : i32
          %add3A_265 = arith.addi %squeeze3A_263, %add3A_264 : i32
          %get3A_266 = arith.index_cast %add3A_265 : i32 to index
          %get3A_267 = tpu.vector_load %arg16[%get3A_266] {strides = array<i32>} : memref<1920xf32, #tpu.memory_space<vmem>>, vector<16xf32>,
          %get3A_268 = vector.shape_cast %get3A_267 : vector<16xf32> to vector<16xf32>
          %add3A_269 = arith.constant 0 : i32
          %add3A_270 = arith.addi %mul3A_18, %add3A_269 : i32
          %get3A_271 = arith.index_cast %add3A_261 : i32 to index
          %get3A_272 = arith.index_cast %add3A_270 : i32 to index
          %get3A_273 = tpu.vector_load %arg10[%get3A_271, %get3A_272] {strides = array<i32>} : memref<80x128xf32, #tpu.memory_space<vmem>>, vector<1x16xf32>,
          %get3A_274 = vector.shape_cast %get3A_273 : vector<1x16xf32> to vector<16xf32>
          %mul3A_275 = arith.mulf %get3A_274, %get3A_268 : vector<16xf32>
          %swap3A_276 = arith.index_cast %add3A_261 : i32 to index
          %swap3A_277 = arith.constant 0 : index
          %swap3A_278 = tpu.vector_load %arg11[%swap3A_276, %swap3A_277] {strides = array<i32>} : memref<80x80xf32, #tpu.memory_space<vmem>>, vector<1x16xf32>,
          %swap3A_279 = vector.shape_cast %swap3A_278 : vector<1x16xf32> to vector<16xf32>
          %swap3A_280 = vector.shape_cast %mul3A_275 : vector<16xf32> to vector<1x16xf32>
          tpu.vector_store %arg11[%swap3A_276, %swap3A_277], %swap3A_280 {strides = array<i32>} : memref<80x80xf32, #tpu.memory_space<vmem>>, vector<1x16xf32>,
          %add3A_281 = arith.constant 16 : i32
          %add3A_282 = arith.addi %squeeze3A_263, %add3A_281 : i32
          %get3A_283 = arith.index_cast %add3A_282 : i32 to index
          %get3A_284 = tpu.vector_load %arg16[%get3A_283] {strides = array<i32>} : memref<1920xf32, #tpu.memory_space<vmem>>, vector<16xf32>,
          %get3A_285 = vector.shape_cast %get3A_284 : vector<16xf32> to vector<16xf32>
          %add3A_286 = arith.constant 16 : i32
          %add3A_287 = arith.addi %mul3A_18, %add3A_286 : i32
          %get3A_288 = arith.index_cast %add3A_261 : i32 to index
          %get3A_289 = arith.index_cast %add3A_287 : i32 to index
          %get3A_290 = tpu.vector_load %arg10[%get3A_288, %get3A_289] {strides = array<i32>} : memref<80x128xf32, #tpu.memory_space<vmem>>, vector<1x16xf32>,
          %get3A_291 = vector.shape_cast %get3A_290 : vector<1x16xf32> to vector<16xf32>
          %mul3A_292 = arith.mulf %get3A_291, %get3A_285 : vector<16xf32>
          %swap3A_293 = arith.index_cast %add3A_261 : i32 to index
          %swap3A_294 = arith.constant 16 : index
          %swap3A_295 = tpu.vector_load %arg11[%swap3A_293, %swap3A_294] {strides = array<i32>} : memref<80x80xf32, #tpu.memory_space<vmem>>, vector<1x16xf32>,
          %swap3A_296 = vector.shape_cast %swap3A_295 : vector<1x16xf32> to vector<16xf32>
          %swap3A_297 = vector.shape_cast %mul3A_292 : vector<16xf32> to vector<1x16xf32>
          tpu.vector_store %arg11[%swap3A_293, %swap3A_294], %swap3A_297 {strides = array<i32>} : memref<80x80xf32, #tpu.memory_space<vmem>>, vector<1x16xf32>,
          %add3A_298 = arith.constant 32 : i32
          %add3A_299 = arith.addi %squeeze3A_263, %add3A_298 : i32
          %get3A_300 = arith.index_cast %add3A_299 : i32 to index
          %get3A_301 = tpu.vector_load %arg16[%get3A_300] {strides = array<i32>} : memref<1920xf32, #tpu.memory_space<vmem>>, vector<16xf32>,
          %get3A_302 = vector.shape_cast %get3A_301 : vector<16xf32> to vector<16xf32>
          %add3A_303 = arith.constant 32 : i32
          %add3A_304 = arith.addi %mul3A_18, %add3A_303 : i32
          %get3A_305 = arith.index_cast %add3A_261 : i32 to index
          %get3A_306 = arith.index_cast %add3A_304 : i32 to index
          %get3A_307 = tpu.vector_load %arg10[%get3A_305, %get3A_306] {strides = array<i32>} : memref<80x128xf32, #tpu.memory_space<vmem>>, vector<1x16xf32>,
          %get3A_308 = vector.shape_cast %get3A_307 : vector<1x16xf32> to vector<16xf32>
          %mul3A_309 = arith.mulf %get3A_308, %get3A_302 : vector<16xf32>
          %swap3A_310 = arith.index_cast %add3A_261 : i32 to index
          %swap3A_311 = arith.constant 32 : index
          %swap3A_312 = tpu.vector_load %arg11[%swap3A_310, %swap3A_311] {strides = array<i32>} : memref<80x80xf32, #tpu.memory_space<vmem>>, vector<1x16xf32>,
          %swap3A_313 = vector.shape_cast %swap3A_312 : vector<1x16xf32> to vector<16xf32>
          %swap3A_314 = vector.shape_cast %mul3A_309 : vector<16xf32> to vector<1x16xf32>
          tpu.vector_store %arg11[%swap3A_310, %swap3A_311], %swap3A_314 {strides = array<i32>} : memref<80x80xf32, #tpu.memory_space<vmem>>, vector<1x16xf32>,
          %add3A_315 = arith.constant 48 : i32
          %add3A_316 = arith.addi %squeeze3A_263, %add3A_315 : i32
          %get3A_317 = arith.index_cast %add3A_316 : i32 to index
          %get3A_318 = tpu.vector_load %arg16[%get3A_317] {strides = array<i32>} : memref<1920xf32, #tpu.memory_space<vmem>>, vector<16xf32>,
          %get3A_319 = vector.shape_cast %get3A_318 : vector<16xf32> to vector<16xf32>
          %add3A_320 = arith.constant 48 : i32
          %add3A_321 = arith.addi %mul3A_18, %add3A_320 : i32
          %get3A_322 = arith.index_cast %add3A_261 : i32 to index
          %get3A_323 = arith.index_cast %add3A_321 : i32 to index
          %get3A_324 = tpu.vector_load %arg10[%get3A_322, %get3A_323] {strides = array<i32>} : memref<80x128xf32, #tpu.memory_space<vmem>>, vector<1x16xf32>,
          %get3A_325 = vector.shape_cast %get3A_324 : vector<1x16xf32> to vector<16xf32>
          %mul3A_326 = arith.mulf %get3A_325, %get3A_319 : vector<16xf32>
          %swap3A_327 = arith.index_cast %add3A_261 : i32 to index
          %swap3A_328 = arith.constant 48 : index
          %swap3A_329 = tpu.vector_load %arg11[%swap3A_327, %swap3A_328] {strides = array<i32>} : memref<80x80xf32, #tpu.memory_space<vmem>>, vector<1x16xf32>,
          %swap3A_330 = vector.shape_cast %swap3A_329 : vector<1x16xf32> to vector<16xf32>
          %swap3A_331 = vector.shape_cast %mul3A_326 : vector<16xf32> to vector<1x16xf32>
          tpu.vector_store %arg11[%swap3A_327, %swap3A_328], %swap3A_331 {strides = array<i32>} : memref<80x80xf32, #tpu.memory_space<vmem>>, vector<1x16xf32>,
          %mul3A_332 = arith.constant 16 : i32
          %mul3A_333 = arith.muli %add3A_108, %mul3A_332 : i32
          %add3A_334 = arith.constant 3 : i32
          %add3A_335 = arith.addi %mul3A_333, %add3A_334 : i32
          %slice3A_336 = vector.extract_strided_slice %get3A_112 {offsets = [3], sizes = [1], strides = [1]} : vector<16xi32> to vector<1xi32>
          %squeeze3A_337 = vector.extract %slice3A_336[0] : i32 from vector<1xi32>
          %add3A_338 = arith.constant 0 : i32
          %add3A_339 = arith.addi %squeeze3A_337, %add3A_338 : i32
          %get3A_340 = arith.index_cast %add3A_339 : i32 to index
          %get3A_341 = tpu.vector_load %arg16[%get3A_340] {strides = array<i32>} : memref<1920xf32, #tpu.memory_space<vmem>>, vector<16xf32>,
          %get3A_342 = vector.shape_cast %get3A_341 : vector<16xf32> to vector<16xf32>
          %add3A_343 = arith.constant 0 : i32
          %add3A_344 = arith.addi %mul3A_18, %add3A_343 : i32
          %get3A_345 = arith.index_cast %add3A_335 : i32 to index
          %get3A_346 = arith.index_cast %add3A_344 : i32 to index
          %get3A_347 = tpu.vector_load %arg10[%get3A_345, %get3A_346] {strides = array<i32>} : memref<80x128xf32, #tpu.memory_space<vmem>>, vector<1x16xf32>,
          %get3A_348 = vector.shape_cast %get3A_347 : vector<1x16xf32> to vector<16xf32>
          %mul3A_349 = arith.mulf %get3A_348, %get3A_342 : vector<16xf32>
          %swap3A_350 = arith.index_cast %add3A_335 : i32 to index
          %swap3A_351 = arith.constant 0 : index
          %swap3A_352 = tpu.vector_load %arg11[%swap3A_350, %swap3A_351] {strides = array<i32>} : memref<80x80xf32, #tpu.memory_space<vmem>>, vector<1x16xf32>,
          %swap3A_353 = vector.shape_cast %swap3A_352 : vector<1x16xf32> to vector<16xf32>
          %swap3A_354 = vector.shape_cast %mul3A_349 : vector<16xf32> to vector<1x16xf32>
          tpu.vector_store %arg11[%swap3A_350, %swap3A_351], %swap3A_354 {strides = array<i32>} : memref<80x80xf32, #tpu.memory_space<vmem>>, vector<1x16xf32>,
          %add3A_355 = arith.constant 16 : i32
          %add3A_356 = arith.addi %squeeze3A_337, %add3A_355 : i32
          %get3A_357 = arith.index_cast %add3A_356 : i32 to index
          %get3A_358 = tpu.vector_load %arg16[%get3A_357] {strides = array<i32>} : memref<1920xf32, #tpu.memory_space<vmem>>, vector<16xf32>,
          %get3A_359 = vector.shape_cast %get3A_358 : vector<16xf32> to vector<16xf32>
          %add3A_360 = arith.constant 16 : i32
          %add3A_361 = arith.addi %mul3A_18, %add3A_360 : i32
          %get3A_362 = arith.index_cast %add3A_335 : i32 to index
          %get3A_363 = arith.index_cast %add3A_361 : i32 to index
          %get3A_364 = tpu.vector_load %arg10[%get3A_362, %get3A_363] {strides = array<i32>} : memref<80x128xf32, #tpu.memory_space<vmem>>, vector<1x16xf32>,
          %get3A_365 = vector.shape_cast %get3A_364 : vector<1x16xf32> to vector<16xf32>
          %mul3A_366 = arith.mulf %get3A_365, %get3A_359 : vector<16xf32>
          %swap3A_367 = arith.index_cast %add3A_335 : i32 to index
          %swap3A_368 = arith.constant 16 : index
          %swap3A_369 = tpu.vector_load %arg11[%swap3A_367, %swap3A_368] {strides = array<i32>} : memref<80x80xf32, #tpu.memory_space<vmem>>, vector<1x16xf32>,
          %swap3A_370 = vector.shape_cast %swap3A_369 : vector<1x16xf32> to vector<16xf32>
          %swap3A_371 = vector.shape_cast %mul3A_366 : vector<16xf32> to vector<1x16xf32>
          tpu.vector_store %arg11[%swap3A_367, %swap3A_368], %swap3A_371 {strides = array<i32>} : memref<80x80xf32, #tpu.memory_space<vmem>>, vector<1x16xf32>,
          %add3A_372 = arith.constant 32 : i32
          %add3A_373 = arith.addi %squeeze3A_337, %add3A_372 : i32
          %get3A_374 = arith.index_cast %add3A_373 : i32 to index
          %get3A_375 = tpu.vector_load %arg16[%get3A_374] {strides = array<i32>} : memref<1920xf32, #tpu.memory_space<vmem>>, vector<16xf32>,
          %get3A_376 = vector.shape_cast %get3A_375 : vector<16xf32> to vector<16xf32>
          %add3A_377 = arith.constant 32 : i32
          %add3A_378 = arith.addi %mul3A_18, %add3A_377 : i32
          %get3A_379 = arith.index_cast %add3A_335 : i32 to index
          %get3A_380 = arith.index_cast %add3A_378 : i32 to index
          %get3A_381 = tpu.vector_load %arg10[%get3A_379, %get3A_380] {strides = array<i32>} : memref<80x128xf32, #tpu.memory_space<vmem>>, vector<1x16xf32>,
          %get3A_382 = vector.shape_cast %get3A_381 : vector<1x16xf32> to vector<16xf32>
          %mul3A_383 = arith.mulf %get3A_382, %get3A_376 : vector<16xf32>
          %swap3A_384 = arith.index_cast %add3A_335 : i32 to index
          %swap3A_385 = arith.constant 32 : index
          %swap3A_386 = tpu.vector_load %arg11[%swap3A_384, %swap3A_385] {strides = array<i32>} : memref<80x80xf32, #tpu.memory_space<vmem>>, vector<1x16xf32>,
          %swap3A_387 = vector.shape_cast %swap3A_386 : vector<1x16xf32> to vector<16xf32>
          %swap3A_388 = vector.shape_cast %mul3A_383 : vector<16xf32> to vector<1x16xf32>
          tpu.vector_store %arg11[%swap3A_384, %swap3A_385], %swap3A_388 {strides = array<i32>} : memref<80x80xf32, #tpu.memory_space<vmem>>, vector<1x16xf32>,
          %add3A_389 = arith.constant 48 : i32
          %add3A_390 = arith.addi %squeeze3A_337, %add3A_389 : i32
          %get3A_391 = arith.index_cast %add3A_390 : i32 to index
          %get3A_392 = tpu.vector_load %arg16[%get3A_391] {strides = array<i32>} : memref<1920xf32, #tpu.memory_space<vmem>>, vector<16xf32>,
          %get3A_393 = vector.shape_cast %get3A_392 : vector<16xf32> to vector<16xf32>
          %add3A_394 = arith.constant 48 : i32
          %add3A_395 = arith.addi %mul3A_18, %add3A_394 : i32
          %get3A_396 = arith.index_cast %add3A_335 : i32 to index
          %get3A_397 = arith.index_cast %add3A_395 : i32 to index
          %get3A_398 = tpu.vector_load %arg10[%get3A_396, %get3A_397] {strides = array<i32>} : memref<80x128xf32, #tpu.memory_space<vmem>>, vector<1x16xf32>,
          %get3A_399 = vector.shape_cast %get3A_398 : vector<1x16xf32> to vector<16xf32>
          %mul3A_400 = arith.mulf %get3A_399, %get3A_393 : vector<16xf32>
          %swap3A_401 = arith.index_cast %add3A_335 : i32 to index
          %swap3A_402 = arith.constant 48 : index
          %swap3A_403 = tpu.vector_load %arg11[%swap3A_401, %swap3A_402] {strides = array<i32>} : memref<80x80xf32, #tpu.memory_space<vmem>>, vector<1x16xf32>,
          %swap3A_404 = vector.shape_cast %swap3A_403 : vector<1x16xf32> to vector<16xf32>
          %swap3A_405 = vector.shape_cast %mul3A_400 : vector<16xf32> to vector<1x16xf32>
          tpu.vector_store %arg11[%swap3A_401, %swap3A_402], %swap3A_405 {strides = array<i32>} : memref<80x80xf32, #tpu.memory_space<vmem>>, vector<1x16xf32>,
          %mul3A_406 = arith.constant 16 : i32
          %mul3A_407 = arith.muli %add3A_108, %mul3A_406 : i32
          %add3A_408 = arith.constant 4 : i32
          %add3A_409 = arith.addi %mul3A_407, %add3A_408 : i32
          %slice3A_410 = vector.extract_strided_slice %get3A_112 {offsets = [4], sizes = [1], strides = [1]} : vector<16xi32> to vector<1xi32>
          %squeeze3A_411 = vector.extract %slice3A_410[0] : i32 from vector<1xi32>
          %add3A_412 = arith.constant 0 : i32
          %add3A_413 = arith.addi %squeeze3A_411, %add3A_412 : i32
          %get3A_414 = arith.index_cast %add3A_413 : i32 to index
          %get3A_415 = tpu.vector_load %arg16[%get3A_414] {strides = array<i32>} : memref<1920xf32, #tpu.memory_space<vmem>>, vector<16xf32>,
          %get3A_416 = vector.shape_cast %get3A_415 : vector<16xf32> to vector<16xf32>
          %add3A_417 = arith.constant 0 : i32
          %add3A_418 = arith.addi %mul3A_18, %add3A_417 : i32
          %get3A_419 = arith.index_cast %add3A_409 : i32 to index
          %get3A_420 = arith.index_cast %add3A_418 : i32 to index
          %get3A_421 = tpu.vector_load %arg10[%get3A_419, %get3A_420] {strides = array<i32>} : memref<80x128xf32, #tpu.memory_space<vmem>>, vector<1x16xf32>,
          %get3A_422 = vector.shape_cast %get3A_421 : vector<1x16xf32> to vector<16xf32>
          %mul3A_423 = arith.mulf %get3A_422, %get3A_416 : vector<16xf32>
          %swap3A_424 = arith.index_cast %add3A_409 : i32 to index
          %swap3A_425 = arith.constant 0 : index
          %swap3A_426 = tpu.vector_load %arg11[%swap3A_424, %swap3A_425] {strides = array<i32>} : memref<80x80xf32, #tpu.memory_space<vmem>>, vector<1x16xf32>,
          %swap3A_427 = vector.shape_cast %swap3A_426 : vector<1x16xf32> to vector<16xf32>
          %swap3A_428 = vector.shape_cast %mul3A_423 : vector<16xf32> to vector<1x16xf32>
          tpu.vector_store %arg11[%swap3A_424, %swap3A_425], %swap3A_428 {strides = array<i32>} : memref<80x80xf32, #tpu.memory_space<vmem>>, vector<1x16xf32>,
          %add3A_429 = arith.constant 16 : i32
          %add3A_430 = arith.addi %squeeze3A_411, %add3A_429 : i32
          %get3A_431 = arith.index_cast %add3A_430 : i32 to index
          %get3A_432 = tpu.vector_load %arg16[%get3A_431] {strides = array<i32>} : memref<1920xf32, #tpu.memory_space<vmem>>, vector<16xf32>,
          %get3A_433 = vector.shape_cast %get3A_432 : vector<16xf32> to vector<16xf32>
          %add3A_434 = arith.constant 16 : i32
          %add3A_435 = arith.addi %mul3A_18, %add3A_434 : i32
          %get3A_436 = arith.index_cast %add3A_409 : i32 to index
          %get3A_437 = arith.index_cast %add3A_435 : i32 to index
          %get3A_438 = tpu.vector_load %arg10[%get3A_436, %get3A_437] {strides = array<i32>} : memref<80x128xf32, #tpu.memory_space<vmem>>, vector<1x16xf32>,
          %get3A_439 = vector.shape_cast %get3A_438 : vector<1x16xf32> to vector<16xf32>
          %mul3A_440 = arith.mulf %get3A_439, %get3A_433 : vector<16xf32>
          %swap3A_441 = arith.index_cast %add3A_409 : i32 to index
          %swap3A_442 = arith.constant 16 : index
          %swap3A_443 = tpu.vector_load %arg11[%swap3A_441, %swap3A_442] {strides = array<i32>} : memref<80x80xf32, #tpu.memory_space<vmem>>, vector<1x16xf32>,
          %swap3A_444 = vector.shape_cast %swap3A_443 : vector<1x16xf32> to vector<16xf32>
          %swap3A_445 = vector.shape_cast %mul3A_440 : vector<16xf32> to vector<1x16xf32>
          tpu.vector_store %arg11[%swap3A_441, %swap3A_442], %swap3A_445 {strides = array<i32>} : memref<80x80xf32, #tpu.memory_space<vmem>>, vector<1x16xf32>,
          %add3A_446 = arith.constant 32 : i32
          %add3A_447 = arith.addi %squeeze3A_411, %add3A_446 : i32
          %get3A_448 = arith.index_cast %add3A_447 : i32 to index
          %get3A_449 = tpu.vector_load %arg16[%get3A_448] {strides = array<i32>} : memref<1920xf32, #tpu.memory_space<vmem>>, vector<16xf32>,
          %get3A_450 = vector.shape_cast %get3A_449 : vector<16xf32> to vector<16xf32>
          %add3A_451 = arith.constant 32 : i32
          %add3A_452 = arith.addi %mul3A_18, %add3A_451 : i32
          %get3A_453 = arith.index_cast %add3A_409 : i32 to index
          %get3A_454 = arith.index_cast %add3A_452 : i32 to index
          %get3A_455 = tpu.vector_load %arg10[%get3A_453, %get3A_454] {strides = array<i32>} : memref<80x128xf32, #tpu.memory_space<vmem>>, vector<1x16xf32>,
          %get3A_456 = vector.shape_cast %get3A_455 : vector<1x16xf32> to vector<16xf32>
          %mul3A_457 = arith.mulf %get3A_456, %get3A_450 : vector<16xf32>
          %swap3A_458 = arith.index_cast %add3A_409 : i32 to index
          %swap3A_459 = arith.constant 32 : index
          %swap3A_460 = tpu.vector_load %arg11[%swap3A_458, %swap3A_459] {strides = array<i32>} : memref<80x80xf32, #tpu.memory_space<vmem>>, vector<1x16xf32>,
          %swap3A_461 = vector.shape_cast %swap3A_460 : vector<1x16xf32> to vector<16xf32>
          %swap3A_462 = vector.shape_cast %mul3A_457 : vector<16xf32> to vector<1x16xf32>
          tpu.vector_store %arg11[%swap3A_458, %swap3A_459], %swap3A_462 {strides = array<i32>} : memref<80x80xf32, #tpu.memory_space<vmem>>, vector<1x16xf32>,
          %add3A_463 = arith.constant 48 : i32
          %add3A_464 = arith.addi %squeeze3A_411, %add3A_463 : i32
          %get3A_465 = arith.index_cast %add3A_464 : i32 to index
          %get3A_466 = tpu.vector_load %arg16[%get3A_465] {strides = array<i32>} : memref<1920xf32, #tpu.memory_space<vmem>>, vector<16xf32>,
          %get3A_467 = vector.shape_cast %get3A_466 : vector<16xf32> to vector<16xf32>
          %add3A_468 = arith.constant 48 : i32
          %add3A_469 = arith.addi %mul3A_18, %add3A_468 : i32
          %get3A_470 = arith.index_cast %add3A_409 : i32 to index
          %get3A_471 = arith.index_cast %add3A_469 : i32 to index
          %get3A_472 = tpu.vector_load %arg10[%get3A_470, %get3A_471] {strides = array<i32>} : memref<80x128xf32, #tpu.memory_space<vmem>>, vector<1x16xf32>,
          %get3A_473 = vector.shape_cast %get3A_472 : vector<1x16xf32> to vector<16xf32>
          %mul3A_474 = arith.mulf %get3A_473, %get3A_467 : vector<16xf32>
          %swap3A_475 = arith.index_cast %add3A_409 : i32 to index
          %swap3A_476 = arith.constant 48 : index
          %swap3A_477 = tpu.vector_load %arg11[%swap3A_475, %swap3A_476] {strides = array<i32>} : memref<80x80xf32, #tpu.memory_space<vmem>>, vector<1x16xf32>,
          %swap3A_478 = vector.shape_cast %swap3A_477 : vector<1x16xf32> to vector<16xf32>
          %swap3A_479 = vector.shape_cast %mul3A_474 : vector<16xf32> to vector<1x16xf32>
          tpu.vector_store %arg11[%swap3A_475, %swap3A_476], %swap3A_479 {strides = array<i32>} : memref<80x80xf32, #tpu.memory_space<vmem>>, vector<1x16xf32>,
          %mul3A_480 = arith.constant 16 : i32
          %mul3A_481 = arith.muli %add3A_108, %mul3A_480 : i32
          %add3A_482 = arith.constant 5 : i32
          %add3A_483 = arith.addi %mul3A_481, %add3A_482 : i32
          %slice3A_484 = vector.extract_strided_slice %get3A_112 {offsets = [5], sizes = [1], strides = [1]} : vector<16xi32> to vector<1xi32>
          %squeeze3A_485 = vector.extract %slice3A_484[0] : i32 from vector<1xi32>
          %add3A_486 = arith.constant 0 : i32
          %add3A_487 = arith.addi %squeeze3A_485, %add3A_486 : i32
          %get3A_488 = arith.index_cast %add3A_487 : i32 to index
          %get3A_489 = tpu.vector_load %arg16[%get3A_488] {strides = array<i32>} : memref<1920xf32, #tpu.memory_space<vmem>>, vector<16xf32>,
          %get3A_490 = vector.shape_cast %get3A_489 : vector<16xf32> to vector<16xf32>
          %add3A_491 = arith.constant 0 : i32
          %add3A_492 = arith.addi %mul3A_18, %add3A_491 : i32
          %get3A_493 = arith.index_cast %add3A_483 : i32 to index
          %get3A_494 = arith.index_cast %add3A_492 : i32 to index
          %get3A_495 = tpu.vector_load %arg10[%get3A_493, %get3A_494] {strides = array<i32>} : memref<80x128xf32, #tpu.memory_space<vmem>>, vector<1x16xf32>,
          %get3A_496 = vector.shape_cast %get3A_495 : vector<1x16xf32> to vector<16xf32>
          %mul3A_497 = arith.mulf %get3A_496, %get3A_490 : vector<16xf32>
          %swap3A_498 = arith.index_cast %add3A_483 : i32 to index
          %swap3A_499 = arith.constant 0 : index
          %swap3A_500 = tpu.vector_load %arg11[%swap3A_498, %swap3A_499] {strides = array<i32>} : memref<80x80xf32, #tpu.memory_space<vmem>>, vector<1x16xf32>,
          %swap3A_501 = vector.shape_cast %swap3A_500 : vector<1x16xf32> to vector<16xf32>
          %swap3A_502 = vector.shape_cast %mul3A_497 : vector<16xf32> to vector<1x16xf32>
          tpu.vector_store %arg11[%swap3A_498, %swap3A_499], %swap3A_502 {strides = array<i32>} : memref<80x80xf32, #tpu.memory_space<vmem>>, vector<1x16xf32>,
          %add3A_503 = arith.constant 16 : i32
          %add3A_504 = arith.addi %squeeze3A_485, %add3A_503 : i32
          %get3A_505 = arith.index_cast %add3A_504 : i32 to index
          %get3A_506 = tpu.vector_load %arg16[%get3A_505] {strides = array<i32>} : memref<1920xf32, #tpu.memory_space<vmem>>, vector<16xf32>,
          %get3A_507 = vector.shape_cast %get3A_506 : vector<16xf32> to vector<16xf32>
          %add3A_508 = arith.constant 16 : i32
          %add3A_509 = arith.addi %mul3A_18, %add3A_508 : i32
          %get3A_510 = arith.index_cast %add3A_483 : i32 to index
          %get3A_511 = arith.index_cast %add3A_509 : i32 to index
          %get3A_512 = tpu.vector_load %arg10[%get3A_510, %get3A_511] {strides = array<i32>} : memref<80x128xf32, #tpu.memory_space<vmem>>, vector<1x16xf32>,
          %get3A_513 = vector.shape_cast %get3A_512 : vector<1x16xf32> to vector<16xf32>
          %mul3A_514 = arith.mulf %get3A_513, %get3A_507 : vector<16xf32>
          %swap3A_515 = arith.index_cast %add3A_483 : i32 to index
          %swap3A_516 = arith.constant 16 : index
          %swap3A_517 = tpu.vector_load %arg11[%swap3A_515, %swap3A_516] {strides = array<i32>} : memref<80x80xf32, #tpu.memory_space<vmem>>, vector<1x16xf32>,
          %swap3A_518 = vector.shape_cast %swap3A_517 : vector<1x16xf32> to vector<16xf32>
          %swap3A_519 = vector.shape_cast %mul3A_514 : vector<16xf32> to vector<1x16xf32>
          tpu.vector_store %arg11[%swap3A_515, %swap3A_516], %swap3A_519 {strides = array<i32>} : memref<80x80xf32, #tpu.memory_space<vmem>>, vector<1x16xf32>,
          %add3A_520 = arith.constant 32 : i32
          %add3A_521 = arith.addi %squeeze3A_485, %add3A_520 : i32
          %get3A_522 = arith.index_cast %add3A_521 : i32 to index
          %get3A_523 = tpu.vector_load %arg16[%get3A_522] {strides = array<i32>} : memref<1920xf32, #tpu.memory_space<vmem>>, vector<16xf32>,
          %get3A_524 = vector.shape_cast %get3A_523 : vector<16xf32> to vector<16xf32>
          %add3A_525 = arith.constant 32 : i32
          %add3A_526 = arith.addi %mul3A_18, %add3A_525 : i32
          %get3A_527 = arith.index_cast %add3A_483 : i32 to index
          %get3A_528 = arith.index_cast %add3A_526 : i32 to index
          %get3A_529 = tpu.vector_load %arg10[%get3A_527, %get3A_528] {strides = array<i32>} : memref<80x128xf32, #tpu.memory_space<vmem>>, vector<1x16xf32>,
          %get3A_530 = vector.shape_cast %get3A_529 : vector<1x16xf32> to vector<16xf32>
          %mul3A_531 = arith.mulf %get3A_530, %get3A_524 : vector<16xf32>
          %swap3A_532 = arith.index_cast %add3A_483 : i32 to index
          %swap3A_533 = arith.constant 32 : index
          %swap3A_534 = tpu.vector_load %arg11[%swap3A_532, %swap3A_533] {strides = array<i32>} : memref<80x80xf32, #tpu.memory_space<vmem>>, vector<1x16xf32>,
          %swap3A_535 = vector.shape_cast %swap3A_534 : vector<1x16xf32> to vector<16xf32>
          %swap3A_536 = vector.shape_cast %mul3A_531 : vector<16xf32> to vector<1x16xf32>
          tpu.vector_store %arg11[%swap3A_532, %swap3A_533], %swap3A_536 {strides = array<i32>} : memref<80x80xf32, #tpu.memory_space<vmem>>, vector<1x16xf32>,
          %add3A_537 = arith.constant 48 : i32
          %add3A_538 = arith.addi %squeeze3A_485, %add3A_537 : i32
          %get3A_539 = arith.index_cast %add3A_538 : i32 to index
          %get3A_540 = tpu.vector_load %arg16[%get3A_539] {strides = array<i32>} : memref<1920xf32, #tpu.memory_space<vmem>>, vector<16xf32>,
          %get3A_541 = vector.shape_cast %get3A_540 : vector<16xf32> to vector<16xf32>
          %add3A_542 = arith.constant 48 : i32
          %add3A_543 = arith.addi %mul3A_18, %add3A_542 : i32
          %get3A_544 = arith.index_cast %add3A_483 : i32 to index
          %get3A_545 = arith.index_cast %add3A_543 : i32 to index
          %get3A_546 = tpu.vector_load %arg10[%get3A_544, %get3A_545] {strides = array<i32>} : memref<80x128xf32, #tpu.memory_space<vmem>>, vector<1x16xf32>,
          %get3A_547 = vector.shape_cast %get3A_546 : vector<1x16xf32> to vector<16xf32>
          %mul3A_548 = arith.mulf %get3A_547, %get3A_541 : vector<16xf32>
          %swap3A_549 = arith.index_cast %add3A_483 : i32 to index
          %swap3A_550 = arith.constant 48 : index
          %swap3A_551 = tpu.vector_load %arg11[%swap3A_549, %swap3A_550] {strides = array<i32>} : memref<80x80xf32, #tpu.memory_space<vmem>>, vector<1x16xf32>,
          %swap3A_552 = vector.shape_cast %swap3A_551 : vector<1x16xf32> to vector<16xf32>
          %swap3A_553 = vector.shape_cast %mul3A_548 : vector<16xf32> to vector<1x16xf32>
          tpu.vector_store %arg11[%swap3A_549, %swap3A_550], %swap3A_553 {strides = array<i32>} : memref<80x80xf32, #tpu.memory_space<vmem>>, vector<1x16xf32>,
          %mul3A_554 = arith.constant 16 : i32
          %mul3A_555 = arith.muli %add3A_108, %mul3A_554 : i32
          %add3A_556 = arith.constant 6 : i32
          %add3A_557 = arith.addi %mul3A_555, %add3A_556 : i32
          %slice3A_558 = vector.extract_strided_slice %get3A_112 {offsets = [6], sizes = [1], strides = [1]} : vector<16xi32> to vector<1xi32>
          %squeeze3A_559 = vector.extract %slice3A_558[0] : i32 from vector<1xi32>
          %add3A_560 = arith.constant 0 : i32
          %add3A_561 = arith.addi %squeeze3A_559, %add3A_560 : i32
          %get3A_562 = arith.index_cast %add3A_561 : i32 to index
          %get3A_563 = tpu.vector_load %arg16[%get3A_562] {strides = array<i32>} : memref<1920xf32, #tpu.memory_space<vmem>>, vector<16xf32>,
          %get3A_564 = vector.shape_cast %get3A_563 : vector<16xf32> to vector<16xf32>
          %add3A_565 = arith.constant 0 : i32
          %add3A_566 = arith.addi %mul3A_18, %add3A_565 : i32
          %get3A_567 = arith.index_cast %add3A_557 : i32 to index
          %get3A_568 = arith.index_cast %add3A_566 : i32 to index
          %get3A_569 = tpu.vector_load %arg10[%get3A_567, %get3A_568] {strides = array<i32>} : memref<80x128xf32, #tpu.memory_space<vmem>>, vector<1x16xf32>,
          %get3A_570 = vector.shape_cast %get3A_569 : vector<1x16xf32> to vector<16xf32>
          %mul3A_571 = arith.mulf %get3A_570, %get3A_564 : vector<16xf32>
          %swap3A_572 = arith.index_cast %add3A_557 : i32 to index
          %swap3A_573 = arith.constant 0 : index
          %swap3A_574 = tpu.vector_load %arg11[%swap3A_572, %swap3A_573] {strides = array<i32>} : memref<80x80xf32, #tpu.memory_space<vmem>>, vector<1x16xf32>,
          %swap3A_575 = vector.shape_cast %swap3A_574 : vector<1x16xf32> to vector<16xf32>
          %swap3A_576 = vector.shape_cast %mul3A_571 : vector<16xf32> to vector<1x16xf32>
          tpu.vector_store %arg11[%swap3A_572, %swap3A_573], %swap3A_576 {strides = array<i32>} : memref<80x80xf32, #tpu.memory_space<vmem>>, vector<1x16xf32>,
          %add3A_577 = arith.constant 16 : i32
          %add3A_578 = arith.addi %squeeze3A_559, %add3A_577 : i32
          %get3A_579 = arith.index_cast %add3A_578 : i32 to index
          %get3A_580 = tpu.vector_load %arg16[%get3A_579] {strides = array<i32>} : memref<1920xf32, #tpu.memory_space<vmem>>, vector<16xf32>,
          %get3A_581 = vector.shape_cast %get3A_580 : vector<16xf32> to vector<16xf32>
          %add3A_582 = arith.constant 16 : i32
          %add3A_583 = arith.addi %mul3A_18, %add3A_582 : i32
          %get3A_584 = arith.index_cast %add3A_557 : i32 to index
          %get3A_585 = arith.index_cast %add3A_583 : i32 to index
          %get3A_586 = tpu.vector_load %arg10[%get3A_584, %get3A_585] {strides = array<i32>} : memref<80x128xf32, #tpu.memory_space<vmem>>, vector<1x16xf32>,
          %get3A_587 = vector.shape_cast %get3A_586 : vector<1x16xf32> to vector<16xf32>
          %mul3A_588 = arith.mulf %get3A_587, %get3A_581 : vector<16xf32>
          %swap3A_589 = arith.index_cast %add3A_557 : i32 to index
          %swap3A_590 = arith.constant 16 : index
          %swap3A_591 = tpu.vector_load %arg11[%swap3A_589, %swap3A_590] {strides = array<i32>} : memref<80x80xf32, #tpu.memory_space<vmem>>, vector<1x16xf32>,
          %swap3A_592 = vector.shape_cast %swap3A_591 : vector<1x16xf32> to vector<16xf32>
          %swap3A_593 = vector.shape_cast %mul3A_588 : vector<16xf32> to vector<1x16xf32>
          tpu.vector_store %arg11[%swap3A_589, %swap3A_590], %swap3A_593 {strides = array<i32>} : memref<80x80xf32, #tpu.memory_space<vmem>>, vector<1x16xf32>,
          %add3A_594 = arith.constant 32 : i32
          %add3A_595 = arith.addi %squeeze3A_559, %add3A_594 : i32
          %get3A_596 = arith.index_cast %add3A_595 : i32 to index
          %get3A_597 = tpu.vector_load %arg16[%get3A_596] {strides = array<i32>} : memref<1920xf32, #tpu.memory_space<vmem>>, vector<16xf32>,
          %get3A_598 = vector.shape_cast %get3A_597 : vector<16xf32> to vector<16xf32>
          %add3A_599 = arith.constant 32 : i32
          %add3A_600 = arith.addi %mul3A_18, %add3A_599 : i32
          %get3A_601 = arith.index_cast %add3A_557 : i32 to index
          %get3A_602 = arith.index_cast %add3A_600 : i32 to index
          %get3A_603 = tpu.vector_load %arg10[%get3A_601, %get3A_602] {strides = array<i32>} : memref<80x128xf32, #tpu.memory_space<vmem>>, vector<1x16xf32>,
          %get3A_604 = vector.shape_cast %get3A_603 : vector<1x16xf32> to vector<16xf32>
          %mul3A_605 = arith.mulf %get3A_604, %get3A_598 : vector<16xf32>
          %swap3A_606 = arith.index_cast %add3A_557 : i32 to index
          %swap3A_607 = arith.constant 32 : index
          %swap3A_608 = tpu.vector_load %arg11[%swap3A_606, %swap3A_607] {strides = array<i32>} : memref<80x80xf32, #tpu.memory_space<vmem>>, vector<1x16xf32>,
          %swap3A_609 = vector.shape_cast %swap3A_608 : vector<1x16xf32> to vector<16xf32>
          %swap3A_610 = vector.shape_cast %mul3A_605 : vector<16xf32> to vector<1x16xf32>
          tpu.vector_store %arg11[%swap3A_606, %swap3A_607], %swap3A_610 {strides = array<i32>} : memref<80x80xf32, #tpu.memory_space<vmem>>, vector<1x16xf32>,
          %add3A_611 = arith.constant 48 : i32
          %add3A_612 = arith.addi %squeeze3A_559, %add3A_611 : i32
          %get3A_613 = arith.index_cast %add3A_612 : i32 to index
          %get3A_614 = tpu.vector_load %arg16[%get3A_613] {strides = array<i32>} : memref<1920xf32, #tpu.memory_space<vmem>>, vector<16xf32>,
          %get3A_615 = vector.shape_cast %get3A_614 : vector<16xf32> to vector<16xf32>
          %add3A_616 = arith.constant 48 : i32
          %add3A_617 = arith.addi %mul3A_18, %add3A_616 : i32
          %get3A_618 = arith.index_cast %add3A_557 : i32 to index
          %get3A_619 = arith.index_cast %add3A_617 : i32 to index
          %get3A_620 = tpu.vector_load %arg10[%get3A_618, %get3A_619] {strides = array<i32>} : memref<80x128xf32, #tpu.memory_space<vmem>>, vector<1x16xf32>,
          %get3A_621 = vector.shape_cast %get3A_620 : vector<1x16xf32> to vector<16xf32>
          %mul3A_622 = arith.mulf %get3A_621, %get3A_615 : vector<16xf32>
          %swap3A_623 = arith.index_cast %add3A_557 : i32 to index
          %swap3A_624 = arith.constant 48 : index
          %swap3A_625 = tpu.vector_load %arg11[%swap3A_623, %swap3A_624] {strides = array<i32>} : memref<80x80xf32, #tpu.memory_space<vmem>>, vector<1x16xf32>,
          %swap3A_626 = vector.shape_cast %swap3A_625 : vector<1x16xf32> to vector<16xf32>
          %swap3A_627 = vector.shape_cast %mul3A_622 : vector<16xf32> to vector<1x16xf32>
          tpu.vector_store %arg11[%swap3A_623, %swap3A_624], %swap3A_627 {strides = array<i32>} : memref<80x80xf32, #tpu.memory_space<vmem>>, vector<1x16xf32>,
          %mul3A_628 = arith.constant 16 : i32
          %mul3A_629 = arith.muli %add3A_108, %mul3A_628 : i32
          %add3A_630 = arith.constant 7 : i32
          %add3A_631 = arith.addi %mul3A_629, %add3A_630 : i32
          %slice3A_632 = vector.extract_strided_slice %get3A_112 {offsets = [7], sizes = [1], strides = [1]} : vector<16xi32> to vector<1xi32>
          %squeeze3A_633 = vector.extract %slice3A_632[0] : i32 from vector<1xi32>
          %add3A_634 = arith.constant 0 : i32
          %add3A_635 = arith.addi %squeeze3A_633, %add3A_634 : i32
          %get3A_636 = arith.index_cast %add3A_635 : i32 to index
          %get3A_637 = tpu.vector_load %arg16[%get3A_636] {strides = array<i32>} : memref<1920xf32, #tpu.memory_space<vmem>>, vector<16xf32>,
          %get3A_638 = vector.shape_cast %get3A_637 : vector<16xf32> to vector<16xf32>
          %add3A_639 = arith.constant 0 : i32
          %add3A_640 = arith.addi %mul3A_18, %add3A_639 : i32
          %get3A_641 = arith.index_cast %add3A_631 : i32 to index
          %get3A_642 = arith.index_cast %add3A_640 : i32 to index
          %get3A_643 = tpu.vector_load %arg10[%get3A_641, %get3A_642] {strides = array<i32>} : memref<80x128xf32, #tpu.memory_space<vmem>>, vector<1x16xf32>,
          %get3A_644 = vector.shape_cast %get3A_643 : vector<1x16xf32> to vector<16xf32>
          %mul3A_645 = arith.mulf %get3A_644, %get3A_638 : vector<16xf32>
          %swap3A_646 = arith.index_cast %add3A_631 : i32 to index
          %swap3A_647 = arith.constant 0 : index
          %swap3A_648 = tpu.vector_load %arg11[%swap3A_646, %swap3A_647] {strides = array<i32>} : memref<80x80xf32, #tpu.memory_space<vmem>>, vector<1x16xf32>,
          %swap3A_649 = vector.shape_cast %swap3A_648 : vector<1x16xf32> to vector<16xf32>
          %swap3A_650 = vector.shape_cast %mul3A_645 : vector<16xf32> to vector<1x16xf32>
          tpu.vector_store %arg11[%swap3A_646, %swap3A_647], %swap3A_650 {strides = array<i32>} : memref<80x80xf32, #tpu.memory_space<vmem>>, vector<1x16xf32>,
          %add3A_651 = arith.constant 16 : i32
          %add3A_652 = arith.addi %squeeze3A_633, %add3A_651 : i32
          %get3A_653 = arith.index_cast %add3A_652 : i32 to index
          %get3A_654 = tpu.vector_load %arg16[%get3A_653] {strides = array<i32>} : memref<1920xf32, #tpu.memory_space<vmem>>, vector<16xf32>,
          %get3A_655 = vector.shape_cast %get3A_654 : vector<16xf32> to vector<16xf32>
          %add3A_656 = arith.constant 16 : i32
          %add3A_657 = arith.addi %mul3A_18, %add3A_656 : i32
          %get3A_658 = arith.index_cast %add3A_631 : i32 to index
          %get3A_659 = arith.index_cast %add3A_657 : i32 to index
          %get3A_660 = tpu.vector_load %arg10[%get3A_658, %get3A_659] {strides = array<i32>} : memref<80x128xf32, #tpu.memory_space<vmem>>, vector<1x16xf32>,
          %get3A_661 = vector.shape_cast %get3A_660 : vector<1x16xf32> to vector<16xf32>
          %mul3A_662 = arith.mulf %get3A_661, %get3A_655 : vector<16xf32>
          %swap3A_663 = arith.index_cast %add3A_631 : i32 to index
          %swap3A_664 = arith.constant 16 : index
          %swap3A_665 = tpu.vector_load %arg11[%swap3A_663, %swap3A_664] {strides = array<i32>} : memref<80x80xf32, #tpu.memory_space<vmem>>, vector<1x16xf32>,
          %swap3A_666 = vector.shape_cast %swap3A_665 : vector<1x16xf32> to vector<16xf32>
          %swap3A_667 = vector.shape_cast %mul3A_662 : vector<16xf32> to vector<1x16xf32>
          tpu.vector_store %arg11[%swap3A_663, %swap3A_664], %swap3A_667 {strides = array<i32>} : memref<80x80xf32, #tpu.memory_space<vmem>>, vector<1x16xf32>,
          %add3A_668 = arith.constant 32 : i32
          %add3A_669 = arith.addi %squeeze3A_633, %add3A_668 : i32
          %get3A_670 = arith.index_cast %add3A_669 : i32 to index
          %get3A_671 = tpu.vector_load %arg16[%get3A_670] {strides = array<i32>} : memref<1920xf32, #tpu.memory_space<vmem>>, vector<16xf32>,
          %get3A_672 = vector.shape_cast %get3A_671 : vector<16xf32> to vector<16xf32>
          %add3A_673 = arith.constant 32 : i32
          %add3A_674 = arith.addi %mul3A_18, %add3A_673 : i32
          %get3A_675 = arith.index_cast %add3A_631 : i32 to index
          %get3A_676 = arith.index_cast %add3A_674 : i32 to index
          %get3A_677 = tpu.vector_load %arg10[%get3A_675, %get3A_676] {strides = array<i32>} : memref<80x128xf32, #tpu.memory_space<vmem>>, vector<1x16xf32>,
          %get3A_678 = vector.shape_cast %get3A_677 : vector<1x16xf32> to vector<16xf32>
          %mul3A_679 = arith.mulf %get3A_678, %get3A_672 : vector<16xf32>
          %swap3A_680 = arith.index_cast %add3A_631 : i32 to index
          %swap3A_681 = arith.constant 32 : index
          %swap3A_682 = tpu.vector_load %arg11[%swap3A_680, %swap3A_681] {strides = array<i32>} : memref<80x80xf32, #tpu.memory_space<vmem>>, vector<1x16xf32>,
          %swap3A_683 = vector.shape_cast %swap3A_682 : vector<1x16xf32> to vector<16xf32>
          %swap3A_684 = vector.shape_cast %mul3A_679 : vector<16xf32> to vector<1x16xf32>
          tpu.vector_store %arg11[%swap3A_680, %swap3A_681], %swap3A_684 {strides = array<i32>} : memref<80x80xf32, #tpu.memory_space<vmem>>, vector<1x16xf32>,
          %add3A_685 = arith.constant 48 : i32
          %add3A_686 = arith.addi %squeeze3A_633, %add3A_685 : i32
          %get3A_687 = arith.index_cast %add3A_686 : i32 to index
          %get3A_688 = tpu.vector_load %arg16[%get3A_687] {strides = array<i32>} : memref<1920xf32, #tpu.memory_space<vmem>>, vector<16xf32>,
          %get3A_689 = vector.shape_cast %get3A_688 : vector<16xf32> to vector<16xf32>
          %add3A_690 = arith.constant 48 : i32
          %add3A_691 = arith.addi %mul3A_18, %add3A_690 : i32
          %get3A_692 = arith.index_cast %add3A_631 : i32 to index
          %get3A_693 = arith.index_cast %add3A_691 : i32 to index
          %get3A_694 = tpu.vector_load %arg10[%get3A_692, %get3A_693] {strides = array<i32>} : memref<80x128xf32, #tpu.memory_space<vmem>>, vector<1x16xf32>,
          %get3A_695 = vector.shape_cast %get3A_694 : vector<1x16xf32> to vector<16xf32>
          %mul3A_696 = arith.mulf %get3A_695, %get3A_689 : vector<16xf32>
          %swap3A_697 = arith.index_cast %add3A_631 : i32 to index
          %swap3A_698 = arith.constant 48 : index
          %swap3A_699 = tpu.vector_load %arg11[%swap3A_697, %swap3A_698] {strides = array<i32>} : memref<80x80xf32, #tpu.memory_space<vmem>>, vector<1x16xf32>,
          %swap3A_700 = vector.shape_cast %swap3A_699 : vector<1x16xf32> to vector<16xf32>
          %swap3A_701 = vector.shape_cast %mul3A_696 : vector<16xf32> to vector<1x16xf32>
          tpu.vector_store %arg11[%swap3A_697, %swap3A_698], %swap3A_701 {strides = array<i32>} : memref<80x80xf32, #tpu.memory_space<vmem>>, vector<1x16xf32>,
          %mul3A_702 = arith.constant 16 : i32
          %mul3A_703 = arith.muli %add3A_108, %mul3A_702 : i32
          %add3A_704 = arith.constant 8 : i32
          %add3A_705 = arith.addi %mul3A_703, %add3A_704 : i32
          %slice3A_706 = vector.extract_strided_slice %get3A_112 {offsets = [8], sizes = [1], strides = [1]} : vector<16xi32> to vector<1xi32>
          %squeeze3A_707 = vector.extract %slice3A_706[0] : i32 from vector<1xi32>
          %add3A_708 = arith.constant 0 : i32
          %add3A_709 = arith.addi %squeeze3A_707, %add3A_708 : i32
          %get3A_710 = arith.index_cast %add3A_709 : i32 to index
          %get3A_711 = tpu.vector_load %arg16[%get3A_710] {strides = array<i32>} : memref<1920xf32, #tpu.memory_space<vmem>>, vector<16xf32>,
          %get3A_712 = vector.shape_cast %get3A_711 : vector<16xf32> to vector<16xf32>
          %add3A_713 = arith.constant 0 : i32
          %add3A_714 = arith.addi %mul3A_18, %add3A_713 : i32
          %get3A_715 = arith.index_cast %add3A_705 : i32 to index
          %get3A_716 = arith.index_cast %add3A_714 : i32 to index
          %get3A_717 = tpu.vector_load %arg10[%get3A_715, %get3A_716] {strides = array<i32>} : memref<80x128xf32, #tpu.memory_space<vmem>>, vector<1x16xf32>,
          %get3A_718 = vector.shape_cast %get3A_717 : vector<1x16xf32> to vector<16xf32>
          %mul3A_719 = arith.mulf %get3A_718, %get3A_712 : vector<16xf32>
          %swap3A_720 = arith.index_cast %add3A_705 : i32 to index
          %swap3A_721 = arith.constant 0 : index
          %swap3A_722 = tpu.vector_load %arg11[%swap3A_720, %swap3A_721] {strides = array<i32>} : memref<80x80xf32, #tpu.memory_space<vmem>>, vector<1x16xf32>,
          %swap3A_723 = vector.shape_cast %swap3A_722 : vector<1x16xf32> to vector<16xf32>
          %swap3A_724 = vector.shape_cast %mul3A_719 : vector<16xf32> to vector<1x16xf32>
          tpu.vector_store %arg11[%swap3A_720, %swap3A_721], %swap3A_724 {strides = array<i32>} : memref<80x80xf32, #tpu.memory_space<vmem>>, vector<1x16xf32>,
          %add3A_725 = arith.constant 16 : i32
          %add3A_726 = arith.addi %squeeze3A_707, %add3A_725 : i32
          %get3A_727 = arith.index_cast %add3A_726 : i32 to index
          %get3A_728 = tpu.vector_load %arg16[%get3A_727] {strides = array<i32>} : memref<1920xf32, #tpu.memory_space<vmem>>, vector<16xf32>,
          %get3A_729 = vector.shape_cast %get3A_728 : vector<16xf32> to vector<16xf32>
          %add3A_730 = arith.constant 16 : i32
          %add3A_731 = arith.addi %mul3A_18, %add3A_730 : i32
          %get3A_732 = arith.index_cast %add3A_705 : i32 to index
          %get3A_733 = arith.index_cast %add3A_731 : i32 to index
          %get3A_734 = tpu.vector_load %arg10[%get3A_732, %get3A_733] {strides = array<i32>} : memref<80x128xf32, #tpu.memory_space<vmem>>, vector<1x16xf32>,
          %get3A_735 = vector.shape_cast %get3A_734 : vector<1x16xf32> to vector<16xf32>
          %mul3A_736 = arith.mulf %get3A_735, %get3A_729 : vector<16xf32>
          %swap3A_737 = arith.index_cast %add3A_705 : i32 to index
          %swap3A_738 = arith.constant 16 : index
          %swap3A_739 = tpu.vector_load %arg11[%swap3A_737, %swap3A_738] {strides = array<i32>} : memref<80x80xf32, #tpu.memory_space<vmem>>, vector<1x16xf32>,
          %swap3A_740 = vector.shape_cast %swap3A_739 : vector<1x16xf32> to vector<16xf32>
          %swap3A_741 = vector.shape_cast %mul3A_736 : vector<16xf32> to vector<1x16xf32>
          tpu.vector_store %arg11[%swap3A_737, %swap3A_738], %swap3A_741 {strides = array<i32>} : memref<80x80xf32, #tpu.memory_space<vmem>>, vector<1x16xf32>,
          %add3A_742 = arith.constant 32 : i32
          %add3A_743 = arith.addi %squeeze3A_707, %add3A_742 : i32
          %get3A_744 = arith.index_cast %add3A_743 : i32 to index
          %get3A_745 = tpu.vector_load %arg16[%get3A_744] {strides = array<i32>} : memref<1920xf32, #tpu.memory_space<vmem>>, vector<16xf32>,
          %get3A_746 = vector.shape_cast %get3A_745 : vector<16xf32> to vector<16xf32>
          %add3A_747 = arith.constant 32 : i32
          %add3A_748 = arith.addi %mul3A_18, %add3A_747 : i32
          %get3A_749 = arith.index_cast %add3A_705 : i32 to index
          %get3A_750 = arith.index_cast %add3A_748 : i32 to index
          %get3A_751 = tpu.vector_load %arg10[%get3A_749, %get3A_750] {strides = array<i32>} : memref<80x128xf32, #tpu.memory_space<vmem>>, vector<1x16xf32>,
          %get3A_752 = vector.shape_cast %get3A_751 : vector<1x16xf32> to vector<16xf32>
          %mul3A_753 = arith.mulf %get3A_752, %get3A_746 : vector<16xf32>
          %swap3A_754 = arith.index_cast %add3A_705 : i32 to index
          %swap3A_755 = arith.constant 32 : index
          %swap3A_756 = tpu.vector_load %arg11[%swap3A_754, %swap3A_755] {strides = array<i32>} : memref<80x80xf32, #tpu.memory_space<vmem>>, vector<1x16xf32>,
          %swap3A_757 = vector.shape_cast %swap3A_756 : vector<1x16xf32> to vector<16xf32>
          %swap3A_758 = vector.shape_cast %mul3A_753 : vector<16xf32> to vector<1x16xf32>
          tpu.vector_store %arg11[%swap3A_754, %swap3A_755], %swap3A_758 {strides = array<i32>} : memref<80x80xf32, #tpu.memory_space<vmem>>, vector<1x16xf32>,
          %add3A_759 = arith.constant 48 : i32
          %add3A_760 = arith.addi %squeeze3A_707, %add3A_759 : i32
          %get3A_761 = arith.index_cast %add3A_760 : i32 to index
          %get3A_762 = tpu.vector_load %arg16[%get3A_761] {strides = array<i32>} : memref<1920xf32, #tpu.memory_space<vmem>>, vector<16xf32>,
          %get3A_763 = vector.shape_cast %get3A_762 : vector<16xf32> to vector<16xf32>
          %add3A_764 = arith.constant 48 : i32
          %add3A_765 = arith.addi %mul3A_18, %add3A_764 : i32
          %get3A_766 = arith.index_cast %add3A_705 : i32 to index
          %get3A_767 = arith.index_cast %add3A_765 : i32 to index
          %get3A_768 = tpu.vector_load %arg10[%get3A_766, %get3A_767] {strides = array<i32>} : memref<80x128xf32, #tpu.memory_space<vmem>>, vector<1x16xf32>,
          %get3A_769 = vector.shape_cast %get3A_768 : vector<1x16xf32> to vector<16xf32>
          %mul3A_770 = arith.mulf %get3A_769, %get3A_763 : vector<16xf32>
          %swap3A_771 = arith.index_cast %add3A_705 : i32 to index
          %swap3A_772 = arith.constant 48 : index
          %swap3A_773 = tpu.vector_load %arg11[%swap3A_771, %swap3A_772] {strides = array<i32>} : memref<80x80xf32, #tpu.memory_space<vmem>>, vector<1x16xf32>,
          %swap3A_774 = vector.shape_cast %swap3A_773 : vector<1x16xf32> to vector<16xf32>
          %swap3A_775 = vector.shape_cast %mul3A_770 : vector<16xf32> to vector<1x16xf32>
          tpu.vector_store %arg11[%swap3A_771, %swap3A_772], %swap3A_775 {strides = array<i32>} : memref<80x80xf32, #tpu.memory_space<vmem>>, vector<1x16xf32>,
          %mul3A_776 = arith.constant 16 : i32
          %mul3A_777 = arith.muli %add3A_108, %mul3A_776 : i32
          %add3A_778 = arith.constant 9 : i32
          %add3A_779 = arith.addi %mul3A_777, %add3A_778 : i32
          %slice3A_780 = vector.extract_strided_slice %get3A_112 {offsets = [9], sizes = [1], strides = [1]} : vector<16xi32> to vector<1xi32>
          %squeeze3A_781 = vector.extract %slice3A_780[0] : i32 from vector<1xi32>
          %add3A_782 = arith.constant 0 : i32
          %add3A_783 = arith.addi %squeeze3A_781, %add3A_782 : i32
          %get3A_784 = arith.index_cast %add3A_783 : i32 to index
          %get3A_785 = tpu.vector_load %arg16[%get3A_784] {strides = array<i32>} : memref<1920xf32, #tpu.memory_space<vmem>>, vector<16xf32>,
          %get3A_786 = vector.shape_cast %get3A_785 : vector<16xf32> to vector<16xf32>
          %add3A_787 = arith.constant 0 : i32
          %add3A_788 = arith.addi %mul3A_18, %add3A_787 : i32
          %get3A_789 = arith.index_cast %add3A_779 : i32 to index
          %get3A_790 = arith.index_cast %add3A_788 : i32 to index
          %get3A_791 = tpu.vector_load %arg10[%get3A_789, %get3A_790] {strides = array<i32>} : memref<80x128xf32, #tpu.memory_space<vmem>>, vector<1x16xf32>,
          %get3A_792 = vector.shape_cast %get3A_791 : vector<1x16xf32> to vector<16xf32>
          %mul3A_793 = arith.mulf %get3A_792, %get3A_786 : vector<16xf32>
          %swap3A_794 = arith.index_cast %add3A_779 : i32 to index
          %swap3A_795 = arith.constant 0 : index
          %swap3A_796 = tpu.vector_load %arg11[%swap3A_794, %swap3A_795] {strides = array<i32>} : memref<80x80xf32, #tpu.memory_space<vmem>>, vector<1x16xf32>,
          %swap3A_797 = vector.shape_cast %swap3A_796 : vector<1x16xf32> to vector<16xf32>
          %swap3A_798 = vector.shape_cast %mul3A_793 : vector<16xf32> to vector<1x16xf32>
          tpu.vector_store %arg11[%swap3A_794, %swap3A_795], %swap3A_798 {strides = array<i32>} : memref<80x80xf32, #tpu.memory_space<vmem>>, vector<1x16xf32>,
          %add3A_799 = arith.constant 16 : i32
          %add3A_800 = arith.addi %squeeze3A_781, %add3A_799 : i32
          %get3A_801 = arith.index_cast %add3A_800 : i32 to index
          %get3A_802 = tpu.vector_load %arg16[%get3A_801] {strides = array<i32>} : memref<1920xf32, #tpu.memory_space<vmem>>, vector<16xf32>,
          %get3A_803 = vector.shape_cast %get3A_802 : vector<16xf32> to vector<16xf32>
          %add3A_804 = arith.constant 16 : i32
          %add3A_805 = arith.addi %mul3A_18, %add3A_804 : i32
          %get3A_806 = arith.index_cast %add3A_779 : i32 to index
          %get3A_807 = arith.index_cast %add3A_805 : i32 to index
          %get3A_808 = tpu.vector_load %arg10[%get3A_806, %get3A_807] {strides = array<i32>} : memref<80x128xf32, #tpu.memory_space<vmem>>, vector<1x16xf32>,
          %get3A_809 = vector.shape_cast %get3A_808 : vector<1x16xf32> to vector<16xf32>
          %mul3A_810 = arith.mulf %get3A_809, %get3A_803 : vector<16xf32>
          %swap3A_811 = arith.index_cast %add3A_779 : i32 to index
          %swap3A_812 = arith.constant 16 : index
          %swap3A_813 = tpu.vector_load %arg11[%swap3A_811, %swap3A_812] {strides = array<i32>} : memref<80x80xf32, #tpu.memory_space<vmem>>, vector<1x16xf32>,
          %swap3A_814 = vector.shape_cast %swap3A_813 : vector<1x16xf32> to vector<16xf32>
          %swap3A_815 = vector.shape_cast %mul3A_810 : vector<16xf32> to vector<1x16xf32>
          tpu.vector_store %arg11[%swap3A_811, %swap3A_812], %swap3A_815 {strides = array<i32>} : memref<80x80xf32, #tpu.memory_space<vmem>>, vector<1x16xf32>,
          %add3A_816 = arith.constant 32 : i32
          %add3A_817 = arith.addi %squeeze3A_781, %add3A_816 : i32
          %get3A_818 = arith.index_cast %add3A_817 : i32 to index
          %get3A_819 = tpu.vector_load %arg16[%get3A_818] {strides = array<i32>} : memref<1920xf32, #tpu.memory_space<vmem>>, vector<16xf32>,
          %get3A_820 = vector.shape_cast %get3A_819 : vector<16xf32> to vector<16xf32>
          %add3A_821 = arith.constant 32 : i32
          %add3A_822 = arith.addi %mul3A_18, %add3A_821 : i32
          %get3A_823 = arith.index_cast %add3A_779 : i32 to index
          %get3A_824 = arith.index_cast %add3A_822 : i32 to index
          %get3A_825 = tpu.vector_load %arg10[%get3A_823, %get3A_824] {strides = array<i32>} : memref<80x128xf32, #tpu.memory_space<vmem>>, vector<1x16xf32>,
          %get3A_826 = vector.shape_cast %get3A_825 : vector<1x16xf32> to vector<16xf32>
          %mul3A_827 = arith.mulf %get3A_826, %get3A_820 : vector<16xf32>
          %swap3A_828 = arith.index_cast %add3A_779 : i32 to index
          %swap3A_829 = arith.constant 32 : index
          %swap3A_830 = tpu.vector_load %arg11[%swap3A_828, %swap3A_829] {strides = array<i32>} : memref<80x80xf32, #tpu.memory_space<vmem>>, vector<1x16xf32>,
          %swap3A_831 = vector.shape_cast %swap3A_830 : vector<1x16xf32> to vector<16xf32>
          %swap3A_832 = vector.shape_cast %mul3A_827 : vector<16xf32> to vector<1x16xf32>
          tpu.vector_store %arg11[%swap3A_828, %swap3A_829], %swap3A_832 {strides = array<i32>} : memref<80x80xf32, #tpu.memory_space<vmem>>, vector<1x16xf32>,
          %add3A_833 = arith.constant 48 : i32
          %add3A_834 = arith.addi %squeeze3A_781, %add3A_833 : i32
          %get3A_835 = arith.index_cast %add3A_834 : i32 to index
          %get3A_836 = tpu.vector_load %arg16[%get3A_835] {strides = array<i32>} : memref<1920xf32, #tpu.memory_space<vmem>>, vector<16xf32>,
          %get3A_837 = vector.shape_cast %get3A_836 : vector<16xf32> to vector<16xf32>
          %add3A_838 = arith.constant 48 : i32
          %add3A_839 = arith.addi %mul3A_18, %add3A_838 : i32
          %get3A_840 = arith.index_cast %add3A_779 : i32 to index
          %get3A_841 = arith.index_cast %add3A_839 : i32 to index
          %get3A_842 = tpu.vector_load %arg10[%get3A_840, %get3A_841] {strides = array<i32>} : memref<80x128xf32, #tpu.memory_space<vmem>>, vector<1x16xf32>,
          %get3A_843 = vector.shape_cast %get3A_842 : vector<1x16xf32> to vector<16xf32>
          %mul3A_844 = arith.mulf %get3A_843, %get3A_837 : vector<16xf32>
          %swap3A_845 = arith.index_cast %add3A_779 : i32 to index
          %swap3A_846 = arith.constant 48 : index
          %swap3A_847 = tpu.vector_load %arg11[%swap3A_845, %swap3A_846] {strides = array<i32>} : memref<80x80xf32, #tpu.memory_space<vmem>>, vector<1x16xf32>,
          %swap3A_848 = vector.shape_cast %swap3A_847 : vector<1x16xf32> to vector<16xf32>
          %swap3A_849 = vector.shape_cast %mul3A_844 : vector<16xf32> to vector<1x16xf32>
          tpu.vector_store %arg11[%swap3A_845, %swap3A_846], %swap3A_849 {strides = array<i32>} : memref<80x80xf32, #tpu.memory_space<vmem>>, vector<1x16xf32>,
          %mul3A_850 = arith.constant 16 : i32
          %mul3A_851 = arith.muli %add3A_108, %mul3A_850 : i32
          %add3A_852 = arith.constant 10 : i32
          %add3A_853 = arith.addi %mul3A_851, %add3A_852 : i32
          %slice3A_854 = vector.extract_strided_slice %get3A_112 {offsets = [10], sizes = [1], strides = [1]} : vector<16xi32> to vector<1xi32>
          %squeeze3A_855 = vector.extract %slice3A_854[0] : i32 from vector<1xi32>
          %add3A_856 = arith.constant 0 : i32
          %add3A_857 = arith.addi %squeeze3A_855, %add3A_856 : i32
          %get3A_858 = arith.index_cast %add3A_857 : i32 to index
          %get3A_859 = tpu.vector_load %arg16[%get3A_858] {strides = array<i32>} : memref<1920xf32, #tpu.memory_space<vmem>>, vector<16xf32>,
          %get3A_860 = vector.shape_cast %get3A_859 : vector<16xf32> to vector<16xf32>
          %add3A_861 = arith.constant 0 : i32
          %add3A_862 = arith.addi %mul3A_18, %add3A_861 : i32
          %get3A_863 = arith.index_cast %add3A_853 : i32 to index
          %get3A_864 = arith.index_cast %add3A_862 : i32 to index
          %get3A_865 = tpu.vector_load %arg10[%get3A_863, %get3A_864] {strides = array<i32>} : memref<80x128xf32, #tpu.memory_space<vmem>>, vector<1x16xf32>,
          %get3A_866 = vector.shape_cast %get3A_865 : vector<1x16xf32> to vector<16xf32>
          %mul3A_867 = arith.mulf %get3A_866, %get3A_860 : vector<16xf32>
          %swap3A_868 = arith.index_cast %add3A_853 : i32 to index
          %swap3A_869 = arith.constant 0 : index
          %swap3A_870 = tpu.vector_load %arg11[%swap3A_868, %swap3A_869] {strides = array<i32>} : memref<80x80xf32, #tpu.memory_space<vmem>>, vector<1x16xf32>,
          %swap3A_871 = vector.shape_cast %swap3A_870 : vector<1x16xf32> to vector<16xf32>
          %swap3A_872 = vector.shape_cast %mul3A_867 : vector<16xf32> to vector<1x16xf32>
          tpu.vector_store %arg11[%swap3A_868, %swap3A_869], %swap3A_872 {strides = array<i32>} : memref<80x80xf32, #tpu.memory_space<vmem>>, vector<1x16xf32>,
          %add3A_873 = arith.constant 16 : i32
          %add3A_874 = arith.addi %squeeze3A_855, %add3A_873 : i32
          %get3A_875 = arith.index_cast %add3A_874 : i32 to index
          %get3A_876 = tpu.vector_load %arg16[%get3A_875] {strides = array<i32>} : memref<1920xf32, #tpu.memory_space<vmem>>, vector<16xf32>,
          %get3A_877 = vector.shape_cast %get3A_876 : vector<16xf32> to vector<16xf32>
          %add3A_878 = arith.constant 16 : i32
          %add3A_879 = arith.addi %mul3A_18, %add3A_878 : i32
          %get3A_880 = arith.index_cast %add3A_853 : i32 to index
          %get3A_881 = arith.index_cast %add3A_879 : i32 to index
          %get3A_882 = tpu.vector_load %arg10[%get3A_880, %get3A_881] {strides = array<i32>} : memref<80x128xf32, #tpu.memory_space<vmem>>, vector<1x16xf32>,
          %get3A_883 = vector.shape_cast %get3A_882 : vector<1x16xf32> to vector<16xf32>
          %mul3A_884 = arith.mulf %get3A_883, %get3A_877 : vector<16xf32>
          %swap3A_885 = arith.index_cast %add3A_853 : i32 to index
          %swap3A_886 = arith.constant 16 : index
          %swap3A_887 = tpu.vector_load %arg11[%swap3A_885, %swap3A_886] {strides = array<i32>} : memref<80x80xf32, #tpu.memory_space<vmem>>, vector<1x16xf32>,
          %swap3A_888 = vector.shape_cast %swap3A_887 : vector<1x16xf32> to vector<16xf32>
          %swap3A_889 = vector.shape_cast %mul3A_884 : vector<16xf32> to vector<1x16xf32>
          tpu.vector_store %arg11[%swap3A_885, %swap3A_886], %swap3A_889 {strides = array<i32>} : memref<80x80xf32, #tpu.memory_space<vmem>>, vector<1x16xf32>,
          %add3A_890 = arith.constant 32 : i32
          %add3A_891 = arith.addi %squeeze3A_855, %add3A_890 : i32
          %get3A_892 = arith.index_cast %add3A_891 : i32 to index
          %get3A_893 = tpu.vector_load %arg16[%get3A_892] {strides = array<i32>} : memref<1920xf32, #tpu.memory_space<vmem>>, vector<16xf32>,
          %get3A_894 = vector.shape_cast %get3A_893 : vector<16xf32> to vector<16xf32>
          %add3A_895 = arith.constant 32 : i32
          %add3A_896 = arith.addi %mul3A_18, %add3A_895 : i32
          %get3A_897 = arith.index_cast %add3A_853 : i32 to index
          %get3A_898 = arith.index_cast %add3A_896 : i32 to index
          %get3A_899 = tpu.vector_load %arg10[%get3A_897, %get3A_898] {strides = array<i32>} : memref<80x128xf32, #tpu.memory_space<vmem>>, vector<1x16xf32>,
          %get3A_900 = vector.shape_cast %get3A_899 : vector<1x16xf32> to vector<16xf32>
          %mul3A_901 = arith.mulf %get3A_900, %get3A_894 : vector<16xf32>
          %swap3A_902 = arith.index_cast %add3A_853 : i32 to index
          %swap3A_903 = arith.constant 32 : index
          %swap3A_904 = tpu.vector_load %arg11[%swap3A_902, %swap3A_903] {strides = array<i32>} : memref<80x80xf32, #tpu.memory_space<vmem>>, vector<1x16xf32>,
          %swap3A_905 = vector.shape_cast %swap3A_904 : vector<1x16xf32> to vector<16xf32>
          %swap3A_906 = vector.shape_cast %mul3A_901 : vector<16xf32> to vector<1x16xf32>
          tpu.vector_store %arg11[%swap3A_902, %swap3A_903], %swap3A_906 {strides = array<i32>} : memref<80x80xf32, #tpu.memory_space<vmem>>, vector<1x16xf32>,
          %add3A_907 = arith.constant 48 : i32
          %add3A_908 = arith.addi %squeeze3A_855, %add3A_907 : i32
          %get3A_909 = arith.index_cast %add3A_908 : i32 to index
          %get3A_910 = tpu.vector_load %arg16[%get3A_909] {strides = array<i32>} : memref<1920xf32, #tpu.memory_space<vmem>>, vector<16xf32>,
          %get3A_911 = vector.shape_cast %get3A_910 : vector<16xf32> to vector<16xf32>
          %add3A_912 = arith.constant 48 : i32
          %add3A_913 = arith.addi %mul3A_18, %add3A_912 : i32
          %get3A_914 = arith.index_cast %add3A_853 : i32 to index
          %get3A_915 = arith.index_cast %add3A_913 : i32 to index
          %get3A_916 = tpu.vector_load %arg10[%get3A_914, %get3A_915] {strides = array<i32>} : memref<80x128xf32, #tpu.memory_space<vmem>>, vector<1x16xf32>,
          %get3A_917 = vector.shape_cast %get3A_916 : vector<1x16xf32> to vector<16xf32>
          %mul3A_918 = arith.mulf %get3A_917, %get3A_911 : vector<16xf32>
          %swap3A_919 = arith.index_cast %add3A_853 : i32 to index
          %swap3A_920 = arith.constant 48 : index
          %swap3A_921 = tpu.vector_load %arg11[%swap3A_919, %swap3A_920] {strides = array<i32>} : memref<80x80xf32, #tpu.memory_space<vmem>>, vector<1x16xf32>,
          %swap3A_922 = vector.shape_cast %swap3A_921 : vector<1x16xf32> to vector<16xf32>
          %swap3A_923 = vector.shape_cast %mul3A_918 : vector<16xf32> to vector<1x16xf32>
          tpu.vector_store %arg11[%swap3A_919, %swap3A_920], %swap3A_923 {strides = array<i32>} : memref<80x80xf32, #tpu.memory_space<vmem>>, vector<1x16xf32>,
          %mul3A_924 = arith.constant 16 : i32
          %mul3A_925 = arith.muli %add3A_108, %mul3A_924 : i32
          %add3A_926 = arith.constant 11 : i32
          %add3A_927 = arith.addi %mul3A_925, %add3A_926 : i32
          %slice3A_928 = vector.extract_strided_slice %get3A_112 {offsets = [11], sizes = [1], strides = [1]} : vector<16xi32> to vector<1xi32>
          %squeeze3A_929 = vector.extract %slice3A_928[0] : i32 from vector<1xi32>
          %add3A_930 = arith.constant 0 : i32
          %add3A_931 = arith.addi %squeeze3A_929, %add3A_930 : i32
          %get3A_932 = arith.index_cast %add3A_931 : i32 to index
          %get3A_933 = tpu.vector_load %arg16[%get3A_932] {strides = array<i32>} : memref<1920xf32, #tpu.memory_space<vmem>>, vector<16xf32>,
          %get3A_934 = vector.shape_cast %get3A_933 : vector<16xf32> to vector<16xf32>
          %add3A_935 = arith.constant 0 : i32
          %add3A_936 = arith.addi %mul3A_18, %add3A_935 : i32
          %get3A_937 = arith.index_cast %add3A_927 : i32 to index
          %get3A_938 = arith.index_cast %add3A_936 : i32 to index
          %get3A_939 = tpu.vector_load %arg10[%get3A_937, %get3A_938] {strides = array<i32>} : memref<80x128xf32, #tpu.memory_space<vmem>>, vector<1x16xf32>,
          %get3A_940 = vector.shape_cast %get3A_939 : vector<1x16xf32> to vector<16xf32>
          %mul3A_941 = arith.mulf %get3A_940, %get3A_934 : vector<16xf32>
          %swap3A_942 = arith.index_cast %add3A_927 : i32 to index
          %swap3A_943 = arith.constant 0 : index
          %swap3A_944 = tpu.vector_load %arg11[%swap3A_942, %swap3A_943] {strides = array<i32>} : memref<80x80xf32, #tpu.memory_space<vmem>>, vector<1x16xf32>,
          %swap3A_945 = vector.shape_cast %swap3A_944 : vector<1x16xf32> to vector<16xf32>
          %swap3A_946 = vector.shape_cast %mul3A_941 : vector<16xf32> to vector<1x16xf32>
          tpu.vector_store %arg11[%swap3A_942, %swap3A_943], %swap3A_946 {strides = array<i32>} : memref<80x80xf32, #tpu.memory_space<vmem>>, vector<1x16xf32>,
          %add3A_947 = arith.constant 16 : i32
          %add3A_948 = arith.addi %squeeze3A_929, %add3A_947 : i32
          %get3A_949 = arith.index_cast %add3A_948 : i32 to index
          %get3A_950 = tpu.vector_load %arg16[%get3A_949] {strides = array<i32>} : memref<1920xf32, #tpu.memory_space<vmem>>, vector<16xf32>,
          %get3A_951 = vector.shape_cast %get3A_950 : vector<16xf32> to vector<16xf32>
          %add3A_952 = arith.constant 16 : i32
          %add3A_953 = arith.addi %mul3A_18, %add3A_952 : i32
          %get3A_954 = arith.index_cast %add3A_927 : i32 to index
          %get3A_955 = arith.index_cast %add3A_953 : i32 to index
          %get3A_956 = tpu.vector_load %arg10[%get3A_954, %get3A_955] {strides = array<i32>} : memref<80x128xf32, #tpu.memory_space<vmem>>, vector<1x16xf32>,
          %get3A_957 = vector.shape_cast %get3A_956 : vector<1x16xf32> to vector<16xf32>
          %mul3A_958 = arith.mulf %get3A_957, %get3A_951 : vector<16xf32>
          %swap3A_959 = arith.index_cast %add3A_927 : i32 to index
          %swap3A_960 = arith.constant 16 : index
          %swap3A_961 = tpu.vector_load %arg11[%swap3A_959, %swap3A_960] {strides = array<i32>} : memref<80x80xf32, #tpu.memory_space<vmem>>, vector<1x16xf32>,
          %swap3A_962 = vector.shape_cast %swap3A_961 : vector<1x16xf32> to vector<16xf32>
          %swap3A_963 = vector.shape_cast %mul3A_958 : vector<16xf32> to vector<1x16xf32>
          tpu.vector_store %arg11[%swap3A_959, %swap3A_960], %swap3A_963 {strides = array<i32>} : memref<80x80xf32, #tpu.memory_space<vmem>>, vector<1x16xf32>,
          %add3A_964 = arith.constant 32 : i32
          %add3A_965 = arith.addi %squeeze3A_929, %add3A_964 : i32
          %get3A_966 = arith.index_cast %add3A_965 : i32 to index
          %get3A_967 = tpu.vector_load %arg16[%get3A_966] {strides = array<i32>} : memref<1920xf32, #tpu.memory_space<vmem>>, vector<16xf32>,
          %get3A_968 = vector.shape_cast %get3A_967 : vector<16xf32> to vector<16xf32>
          %add3A_969 = arith.constant 32 : i32
          %add3A_970 = arith.addi %mul3A_18, %add3A_969 : i32
          %get3A_971 = arith.index_cast %add3A_927 : i32 to index
          %get3A_972 = arith.index_cast %add3A_970 : i32 to index
          %get3A_973 = tpu.vector_load %arg10[%get3A_971, %get3A_972] {strides = array<i32>} : memref<80x128xf32, #tpu.memory_space<vmem>>, vector<1x16xf32>,
          %get3A_974 = vector.shape_cast %get3A_973 : vector<1x16xf32> to vector<16xf32>
          %mul3A_975 = arith.mulf %get3A_974, %get3A_968 : vector<16xf32>
          %swap3A_976 = arith.index_cast %add3A_927 : i32 to index
          %swap3A_977 = arith.constant 32 : index
          %swap3A_978 = tpu.vector_load %arg11[%swap3A_976, %swap3A_977] {strides = array<i32>} : memref<80x80xf32, #tpu.memory_space<vmem>>, vector<1x16xf32>,
          %swap3A_979 = vector.shape_cast %swap3A_978 : vector<1x16xf32> to vector<16xf32>
          %swap3A_980 = vector.shape_cast %mul3A_975 : vector<16xf32> to vector<1x16xf32>
          tpu.vector_store %arg11[%swap3A_976, %swap3A_977], %swap3A_980 {strides = array<i32>} : memref<80x80xf32, #tpu.memory_space<vmem>>, vector<1x16xf32>,
          %add3A_981 = arith.constant 48 : i32
          %add3A_982 = arith.addi %squeeze3A_929, %add3A_981 : i32
          %get3A_983 = arith.index_cast %add3A_982 : i32 to index
          %get3A_984 = tpu.vector_load %arg16[%get3A_983] {strides = array<i32>} : memref<1920xf32, #tpu.memory_space<vmem>>, vector<16xf32>,
          %get3A_985 = vector.shape_cast %get3A_984 : vector<16xf32> to vector<16xf32>
          %add3A_986 = arith.constant 48 : i32
          %add3A_987 = arith.addi %mul3A_18, %add3A_986 : i32
          %get3A_988 = arith.index_cast %add3A_927 : i32 to index
          %get3A_989 = arith.index_cast %add3A_987 : i32 to index
          %get3A_990 = tpu.vector_load %arg10[%get3A_988, %get3A_989] {strides = array<i32>} : memref<80x128xf32, #tpu.memory_space<vmem>>, vector<1x16xf32>,
          %get3A_991 = vector.shape_cast %get3A_990 : vector<1x16xf32> to vector<16xf32>
          %mul3A_992 = arith.mulf %get3A_991, %get3A_985 : vector<16xf32>
          %swap3A_993 = arith.index_cast %add3A_927 : i32 to index
          %swap3A_994 = arith.constant 48 : index
          %swap3A_995 = tpu.vector_load %arg11[%swap3A_993, %swap3A_994] {strides = array<i32>} : memref<80x80xf32, #tpu.memory_space<vmem>>, vector<1x16xf32>,
          %swap3A_996 = vector.shape_cast %swap3A_995 : vector<1x16xf32> to vector<16xf32>
          %swap3A_997 = vector.shape_cast %mul3A_992 : vector<16xf32> to vector<1x16xf32>
          tpu.vector_store %arg11[%swap3A_993, %swap3A_994], %swap3A_997 {strides = array<i32>} : memref<80x80xf32, #tpu.memory_space<vmem>>, vector<1x16xf32>,
          %mul3A_998 = arith.constant 16 : i32
          %mul3A_999 = arith.muli %add3A_108, %mul3A_998 : i32
          %add3A_1000 = arith.constant 12 : i32
          %add3A_1001 = arith.addi %mul3A_999, %add3A_1000 : i32
          %slice3A_1002 = vector.extract_strided_slice %get3A_112 {offsets = [12], sizes = [1], strides = [1]} : vector<16xi32> to vector<1xi32>
          %squeeze3A_1003 = vector.extract %slice3A_1002[0] : i32 from vector<1xi32>
          %add3A_1004 = arith.constant 0 : i32
          %add3A_1005 = arith.addi %squeeze3A_1003, %add3A_1004 : i32
          %get3A_1006 = arith.index_cast %add3A_1005 : i32 to index
          %get3A_1007 = tpu.vector_load %arg16[%get3A_1006] {strides = array<i32>} : memref<1920xf32, #tpu.memory_space<vmem>>, vector<16xf32>,
          %get3A_1008 = vector.shape_cast %get3A_1007 : vector<16xf32> to vector<16xf32>
          %add3A_1009 = arith.constant 0 : i32
          %add3A_1010 = arith.addi %mul3A_18, %add3A_1009 : i32
          %get3A_1011 = arith.index_cast %add3A_1001 : i32 to index
          %get3A_1012 = arith.index_cast %add3A_1010 : i32 to index
          %get3A_1013 = tpu.vector_load %arg10[%get3A_1011, %get3A_1012] {strides = array<i32>} : memref<80x128xf32, #tpu.memory_space<vmem>>, vector<1x16xf32>,
          %get3A_1014 = vector.shape_cast %get3A_1013 : vector<1x16xf32> to vector<16xf32>
          %mul3A_1015 = arith.mulf %get3A_1014, %get3A_1008 : vector<16xf32>
          %swap3A_1016 = arith.index_cast %add3A_1001 : i32 to index
          %swap3A_1017 = arith.constant 0 : index
          %swap3A_1018 = tpu.vector_load %arg11[%swap3A_1016, %swap3A_1017] {strides = array<i32>} : memref<80x80xf32, #tpu.memory_space<vmem>>, vector<1x16xf32>,
          %swap3A_1019 = vector.shape_cast %swap3A_1018 : vector<1x16xf32> to vector<16xf32>
          %swap3A_1020 = vector.shape_cast %mul3A_1015 : vector<16xf32> to vector<1x16xf32>
          tpu.vector_store %arg11[%swap3A_1016, %swap3A_1017], %swap3A_1020 {strides = array<i32>} : memref<80x80xf32, #tpu.memory_space<vmem>>, vector<1x16xf32>,
          %add3A_1021 = arith.constant 16 : i32
          %add3A_1022 = arith.addi %squeeze3A_1003, %add3A_1021 : i32
          %get3A_1023 = arith.index_cast %add3A_1022 : i32 to index
          %get3A_1024 = tpu.vector_load %arg16[%get3A_1023] {strides = array<i32>} : memref<1920xf32, #tpu.memory_space<vmem>>, vector<16xf32>,
          %get3A_1025 = vector.shape_cast %get3A_1024 : vector<16xf32> to vector<16xf32>
          %add3A_1026 = arith.constant 16 : i32
          %add3A_1027 = arith.addi %mul3A_18, %add3A_1026 : i32
          %get3A_1028 = arith.index_cast %add3A_1001 : i32 to index
          %get3A_1029 = arith.index_cast %add3A_1027 : i32 to index
          %get3A_1030 = tpu.vector_load %arg10[%get3A_1028, %get3A_1029] {strides = array<i32>} : memref<80x128xf32, #tpu.memory_space<vmem>>, vector<1x16xf32>,
          %get3A_1031 = vector.shape_cast %get3A_1030 : vector<1x16xf32> to vector<16xf32>
          %mul3A_1032 = arith.mulf %get3A_1031, %get3A_1025 : vector<16xf32>
          %swap3A_1033 = arith.index_cast %add3A_1001 : i32 to index
          %swap3A_1034 = arith.constant 16 : index
          %swap3A_1035 = tpu.vector_load %arg11[%swap3A_1033, %swap3A_1034] {strides = array<i32>} : memref<80x80xf32, #tpu.memory_space<vmem>>, vector<1x16xf32>,
          %swap3A_1036 = vector.shape_cast %swap3A_1035 : vector<1x16xf32> to vector<16xf32>
          %swap3A_1037 = vector.shape_cast %mul3A_1032 : vector<16xf32> to vector<1x16xf32>
          tpu.vector_store %arg11[%swap3A_1033, %swap3A_1034], %swap3A_1037 {strides = array<i32>} : memref<80x80xf32, #tpu.memory_space<vmem>>, vector<1x16xf32>,
          %add3A_1038 = arith.constant 32 : i32
          %add3A_1039 = arith.addi %squeeze3A_1003, %add3A_1038 : i32
          %get3A_1040 = arith.index_cast %add3A_1039 : i32 to index
          %get3A_1041 = tpu.vector_load %arg16[%get3A_1040] {strides = array<i32>} : memref<1920xf32, #tpu.memory_space<vmem>>, vector<16xf32>,
          %get3A_1042 = vector.shape_cast %get3A_1041 : vector<16xf32> to vector<16xf32>
          %add3A_1043 = arith.constant 32 : i32
          %add3A_1044 = arith.addi %mul3A_18, %add3A_1043 : i32
          %get3A_1045 = arith.index_cast %add3A_1001 : i32 to index
          %get3A_1046 = arith.index_cast %add3A_1044 : i32 to index
          %get3A_1047 = tpu.vector_load %arg10[%get3A_1045, %get3A_1046] {strides = array<i32>} : memref<80x128xf32, #tpu.memory_space<vmem>>, vector<1x16xf32>,
          %get3A_1048 = vector.shape_cast %get3A_1047 : vector<1x16xf32> to vector<16xf32>
          %mul3A_1049 = arith.mulf %get3A_1048, %get3A_1042 : vector<16xf32>
          %swap3A_1050 = arith.index_cast %add3A_1001 : i32 to index
          %swap3A_1051 = arith.constant 32 : index
          %swap3A_1052 = tpu.vector_load %arg11[%swap3A_1050, %swap3A_1051] {strides = array<i32>} : memref<80x80xf32, #tpu.memory_space<vmem>>, vector<1x16xf32>,
          %swap3A_1053 = vector.shape_cast %swap3A_1052 : vector<1x16xf32> to vector<16xf32>
          %swap3A_1054 = vector.shape_cast %mul3A_1049 : vector<16xf32> to vector<1x16xf32>
          tpu.vector_store %arg11[%swap3A_1050, %swap3A_1051], %swap3A_1054 {strides = array<i32>} : memref<80x80xf32, #tpu.memory_space<vmem>>, vector<1x16xf32>,
          %add3A_1055 = arith.constant 48 : i32
          %add3A_1056 = arith.addi %squeeze3A_1003, %add3A_1055 : i32
          %get3A_1057 = arith.index_cast %add3A_1056 : i32 to index
          %get3A_1058 = tpu.vector_load %arg16[%get3A_1057] {strides = array<i32>} : memref<1920xf32, #tpu.memory_space<vmem>>, vector<16xf32>,
          %get3A_1059 = vector.shape_cast %get3A_1058 : vector<16xf32> to vector<16xf32>
          %add3A_1060 = arith.constant 48 : i32
          %add3A_1061 = arith.addi %mul3A_18, %add3A_1060 : i32
          %get3A_1062 = arith.index_cast %add3A_1001 : i32 to index
          %get3A_1063 = arith.index_cast %add3A_1061 : i32 to index
          %get3A_1064 = tpu.vector_load %arg10[%get3A_1062, %get3A_1063] {strides = array<i32>} : memref<80x128xf32, #tpu.memory_space<vmem>>, vector<1x16xf32>,
          %get3A_1065 = vector.shape_cast %get3A_1064 : vector<1x16xf32> to vector<16xf32>
          %mul3A_1066 = arith.mulf %get3A_1065, %get3A_1059 : vector<16xf32>
          %swap3A_1067 = arith.index_cast %add3A_1001 : i32 to index
          %swap3A_1068 = arith.constant 48 : index
          %swap3A_1069 = tpu.vector_load %arg11[%swap3A_1067, %swap3A_1068] {strides = array<i32>} : memref<80x80xf32, #tpu.memory_space<vmem>>, vector<1x16xf32>,
          %swap3A_1070 = vector.shape_cast %swap3A_1069 : vector<1x16xf32> to vector<16xf32>
          %swap3A_1071 = vector.shape_cast %mul3A_1066 : vector<16xf32> to vector<1x16xf32>
          tpu.vector_store %arg11[%swap3A_1067, %swap3A_1068], %swap3A_1071 {strides = array<i32>} : memref<80x80xf32, #tpu.memory_space<vmem>>, vector<1x16xf32>,
          %mul3A_1072 = arith.constant 16 : i32
          %mul3A_1073 = arith.muli %add3A_108, %mul3A_1072 : i32
          %add3A_1074 = arith.constant 13 : i32
          %add3A_1075 = arith.addi %mul3A_1073, %add3A_1074 : i32
          %slice3A_1076 = vector.extract_strided_slice %get3A_112 {offsets = [13], sizes = [1], strides = [1]} : vector<16xi32> to vector<1xi32>
          %squeeze3A_1077 = vector.extract %slice3A_1076[0] : i32 from vector<1xi32>
          %add3A_1078 = arith.constant 0 : i32
          %add3A_1079 = arith.addi %squeeze3A_1077, %add3A_1078 : i32
          %get3A_1080 = arith.index_cast %add3A_1079 : i32 to index
          %get3A_1081 = tpu.vector_load %arg16[%get3A_1080] {strides = array<i32>} : memref<1920xf32, #tpu.memory_space<vmem>>, vector<16xf32>,
          %get3A_1082 = vector.shape_cast %get3A_1081 : vector<16xf32> to vector<16xf32>
          %add3A_1083 = arith.constant 0 : i32
          %add3A_1084 = arith.addi %mul3A_18, %add3A_1083 : i32
          %get3A_1085 = arith.index_cast %add3A_1075 : i32 to index
          %get3A_1086 = arith.index_cast %add3A_1084 : i32 to index
          %get3A_1087 = tpu.vector_load %arg10[%get3A_1085, %get3A_1086] {strides = array<i32>} : memref<80x128xf32, #tpu.memory_space<vmem>>, vector<1x16xf32>,
          %get3A_1088 = vector.shape_cast %get3A_1087 : vector<1x16xf32> to vector<16xf32>
          %mul3A_1089 = arith.mulf %get3A_1088, %get3A_1082 : vector<16xf32>
          %swap3A_1090 = arith.index_cast %add3A_1075 : i32 to index
          %swap3A_1091 = arith.constant 0 : index
          %swap3A_1092 = tpu.vector_load %arg11[%swap3A_1090, %swap3A_1091] {strides = array<i32>} : memref<80x80xf32, #tpu.memory_space<vmem>>, vector<1x16xf32>,
          %swap3A_1093 = vector.shape_cast %swap3A_1092 : vector<1x16xf32> to vector<16xf32>
          %swap3A_1094 = vector.shape_cast %mul3A_1089 : vector<16xf32> to vector<1x16xf32>
          tpu.vector_store %arg11[%swap3A_1090, %swap3A_1091], %swap3A_1094 {strides = array<i32>} : memref<80x80xf32, #tpu.memory_space<vmem>>, vector<1x16xf32>,
          %add3A_1095 = arith.constant 16 : i32
          %add3A_1096 = arith.addi %squeeze3A_1077, %add3A_1095 : i32
          %get3A_1097 = arith.index_cast %add3A_1096 : i32 to index
          %get3A_1098 = tpu.vector_load %arg16[%get3A_1097] {strides = array<i32>} : memref<1920xf32, #tpu.memory_space<vmem>>, vector<16xf32>,
          %get3A_1099 = vector.shape_cast %get3A_1098 : vector<16xf32> to vector<16xf32>
          %add3A_1100 = arith.constant 16 : i32
          %add3A_1101 = arith.addi %mul3A_18, %add3A_1100 : i32
          %get3A_1102 = arith.index_cast %add3A_1075 : i32 to index
          %get3A_1103 = arith.index_cast %add3A_1101 : i32 to index
          %get3A_1104 = tpu.vector_load %arg10[%get3A_1102, %get3A_1103] {strides = array<i32>} : memref<80x128xf32, #tpu.memory_space<vmem>>, vector<1x16xf32>,
          %get3A_1105 = vector.shape_cast %get3A_1104 : vector<1x16xf32> to vector<16xf32>
          %mul3A_1106 = arith.mulf %get3A_1105, %get3A_1099 : vector<16xf32>
          %swap3A_1107 = arith.index_cast %add3A_1075 : i32 to index
          %swap3A_1108 = arith.constant 16 : index
          %swap3A_1109 = tpu.vector_load %arg11[%swap3A_1107, %swap3A_1108] {strides = array<i32>} : memref<80x80xf32, #tpu.memory_space<vmem>>, vector<1x16xf32>,
          %swap3A_1110 = vector.shape_cast %swap3A_1109 : vector<1x16xf32> to vector<16xf32>
          %swap3A_1111 = vector.shape_cast %mul3A_1106 : vector<16xf32> to vector<1x16xf32>
          tpu.vector_store %arg11[%swap3A_1107, %swap3A_1108], %swap3A_1111 {strides = array<i32>} : memref<80x80xf32, #tpu.memory_space<vmem>>, vector<1x16xf32>,
          %add3A_1112 = arith.constant 32 : i32
          %add3A_1113 = arith.addi %squeeze3A_1077, %add3A_1112 : i32
          %get3A_1114 = arith.index_cast %add3A_1113 : i32 to index
          %get3A_1115 = tpu.vector_load %arg16[%get3A_1114] {strides = array<i32>} : memref<1920xf32, #tpu.memory_space<vmem>>, vector<16xf32>,
          %get3A_1116 = vector.shape_cast %get3A_1115 : vector<16xf32> to vector<16xf32>
          %add3A_1117 = arith.constant 32 : i32
          %add3A_1118 = arith.addi %mul3A_18, %add3A_1117 : i32
          %get3A_1119 = arith.index_cast %add3A_1075 : i32 to index
          %get3A_1120 = arith.index_cast %add3A_1118 : i32 to index
          %get3A_1121 = tpu.vector_load %arg10[%get3A_1119, %get3A_1120] {strides = array<i32>} : memref<80x128xf32, #tpu.memory_space<vmem>>, vector<1x16xf32>,
          %get3A_1122 = vector.shape_cast %get3A_1121 : vector<1x16xf32> to vector<16xf32>
          %mul3A_1123 = arith.mulf %get3A_1122, %get3A_1116 : vector<16xf32>
          %swap3A_1124 = arith.index_cast %add3A_1075 : i32 to index
          %swap3A_1125 = arith.constant 32 : index
          %swap3A_1126 = tpu.vector_load %arg11[%swap3A_1124, %swap3A_1125] {strides = array<i32>} : memref<80x80xf32, #tpu.memory_space<vmem>>, vector<1x16xf32>,
          %swap3A_1127 = vector.shape_cast %swap3A_1126 : vector<1x16xf32> to vector<16xf32>
          %swap3A_1128 = vector.shape_cast %mul3A_1123 : vector<16xf32> to vector<1x16xf32>
          tpu.vector_store %arg11[%swap3A_1124, %swap3A_1125], %swap3A_1128 {strides = array<i32>} : memref<80x80xf32, #tpu.memory_space<vmem>>, vector<1x16xf32>,
          %add3A_1129 = arith.constant 48 : i32
          %add3A_1130 = arith.addi %squeeze3A_1077, %add3A_1129 : i32
          %get3A_1131 = arith.index_cast %add3A_1130 : i32 to index
          %get3A_1132 = tpu.vector_load %arg16[%get3A_1131] {strides = array<i32>} : memref<1920xf32, #tpu.memory_space<vmem>>, vector<16xf32>,
          %get3A_1133 = vector.shape_cast %get3A_1132 : vector<16xf32> to vector<16xf32>
          %add3A_1134 = arith.constant 48 : i32
          %add3A_1135 = arith.addi %mul3A_18, %add3A_1134 : i32
          %get3A_1136 = arith.index_cast %add3A_1075 : i32 to index
          %get3A_1137 = arith.index_cast %add3A_1135 : i32 to index
          %get3A_1138 = tpu.vector_load %arg10[%get3A_1136, %get3A_1137] {strides = array<i32>} : memref<80x128xf32, #tpu.memory_space<vmem>>, vector<1x16xf32>,
          %get3A_1139 = vector.shape_cast %get3A_1138 : vector<1x16xf32> to vector<16xf32>
          %mul3A_1140 = arith.mulf %get3A_1139, %get3A_1133 : vector<16xf32>
          %swap3A_1141 = arith.index_cast %add3A_1075 : i32 to index
          %swap3A_1142 = arith.constant 48 : index
          %swap3A_1143 = tpu.vector_load %arg11[%swap3A_1141, %swap3A_1142] {strides = array<i32>} : memref<80x80xf32, #tpu.memory_space<vmem>>, vector<1x16xf32>,
          %swap3A_1144 = vector.shape_cast %swap3A_1143 : vector<1x16xf32> to vector<16xf32>
          %swap3A_1145 = vector.shape_cast %mul3A_1140 : vector<16xf32> to vector<1x16xf32>
          tpu.vector_store %arg11[%swap3A_1141, %swap3A_1142], %swap3A_1145 {strides = array<i32>} : memref<80x80xf32, #tpu.memory_space<vmem>>, vector<1x16xf32>,
          %mul3A_1146 = arith.constant 16 : i32
          %mul3A_1147 = arith.muli %add3A_108, %mul3A_1146 : i32
          %add3A_1148 = arith.constant 14 : i32
          %add3A_1149 = arith.addi %mul3A_1147, %add3A_1148 : i32
          %slice3A_1150 = vector.extract_strided_slice %get3A_112 {offsets = [14], sizes = [1], strides = [1]} : vector<16xi32> to vector<1xi32>
          %squeeze3A_1151 = vector.extract %slice3A_1150[0] : i32 from vector<1xi32>
          %add3A_1152 = arith.constant 0 : i32
          %add3A_1153 = arith.addi %squeeze3A_1151, %add3A_1152 : i32
          %get3A_1154 = arith.index_cast %add3A_1153 : i32 to index
          %get3A_1155 = tpu.vector_load %arg16[%get3A_1154] {strides = array<i32>} : memref<1920xf32, #tpu.memory_space<vmem>>, vector<16xf32>,
          %get3A_1156 = vector.shape_cast %get3A_1155 : vector<16xf32> to vector<16xf32>
          %add3A_1157 = arith.constant 0 : i32
          %add3A_1158 = arith.addi %mul3A_18, %add3A_1157 : i32
          %get3A_1159 = arith.index_cast %add3A_1149 : i32 to index
          %get3A_1160 = arith.index_cast %add3A_1158 : i32 to index
          %get3A_1161 = tpu.vector_load %arg10[%get3A_1159, %get3A_1160] {strides = array<i32>} : memref<80x128xf32, #tpu.memory_space<vmem>>, vector<1x16xf32>,
          %get3A_1162 = vector.shape_cast %get3A_1161 : vector<1x16xf32> to vector<16xf32>
          %mul3A_1163 = arith.mulf %get3A_1162, %get3A_1156 : vector<16xf32>
          %swap3A_1164 = arith.index_cast %add3A_1149 : i32 to index
          %swap3A_1165 = arith.constant 0 : index
          %swap3A_1166 = tpu.vector_load %arg11[%swap3A_1164, %swap3A_1165] {strides = array<i32>} : memref<80x80xf32, #tpu.memory_space<vmem>>, vector<1x16xf32>,
          %swap3A_1167 = vector.shape_cast %swap3A_1166 : vector<1x16xf32> to vector<16xf32>
          %swap3A_1168 = vector.shape_cast %mul3A_1163 : vector<16xf32> to vector<1x16xf32>
          tpu.vector_store %arg11[%swap3A_1164, %swap3A_1165], %swap3A_1168 {strides = array<i32>} : memref<80x80xf32, #tpu.memory_space<vmem>>, vector<1x16xf32>,
          %add3A_1169 = arith.constant 16 : i32
          %add3A_1170 = arith.addi %squeeze3A_1151, %add3A_1169 : i32
          %get3A_1171 = arith.index_cast %add3A_1170 : i32 to index
          %get3A_1172 = tpu.vector_load %arg16[%get3A_1171] {strides = array<i32>} : memref<1920xf32, #tpu.memory_space<vmem>>, vector<16xf32>,
          %get3A_1173 = vector.shape_cast %get3A_1172 : vector<16xf32> to vector<16xf32>
          %add3A_1174 = arith.constant 16 : i32
          %add3A_1175 = arith.addi %mul3A_18, %add3A_1174 : i32
          %get3A_1176 = arith.index_cast %add3A_1149 : i32 to index
          %get3A_1177 = arith.index_cast %add3A_1175 : i32 to index
          %get3A_1178 = tpu.vector_load %arg10[%get3A_1176, %get3A_1177] {strides = array<i32>} : memref<80x128xf32, #tpu.memory_space<vmem>>, vector<1x16xf32>,
          %get3A_1179 = vector.shape_cast %get3A_1178 : vector<1x16xf32> to vector<16xf32>
          %mul3A_1180 = arith.mulf %get3A_1179, %get3A_1173 : vector<16xf32>
          %swap3A_1181 = arith.index_cast %add3A_1149 : i32 to index
          %swap3A_1182 = arith.constant 16 : index
          %swap3A_1183 = tpu.vector_load %arg11[%swap3A_1181, %swap3A_1182] {strides = array<i32>} : memref<80x80xf32, #tpu.memory_space<vmem>>, vector<1x16xf32>,
          %swap3A_1184 = vector.shape_cast %swap3A_1183 : vector<1x16xf32> to vector<16xf32>
          %swap3A_1185 = vector.shape_cast %mul3A_1180 : vector<16xf32> to vector<1x16xf32>
          tpu.vector_store %arg11[%swap3A_1181, %swap3A_1182], %swap3A_1185 {strides = array<i32>} : memref<80x80xf32, #tpu.memory_space<vmem>>, vector<1x16xf32>,
          %add3A_1186 = arith.constant 32 : i32
          %add3A_1187 = arith.addi %squeeze3A_1151, %add3A_1186 : i32
          %get3A_1188 = arith.index_cast %add3A_1187 : i32 to index
          %get3A_1189 = tpu.vector_load %arg16[%get3A_1188] {strides = array<i32>} : memref<1920xf32, #tpu.memory_space<vmem>>, vector<16xf32>,
          %get3A_1190 = vector.shape_cast %get3A_1189 : vector<16xf32> to vector<16xf32>
          %add3A_1191 = arith.constant 32 : i32
          %add3A_1192 = arith.addi %mul3A_18, %add3A_1191 : i32
          %get3A_1193 = arith.index_cast %add3A_1149 : i32 to index
          %get3A_1194 = arith.index_cast %add3A_1192 : i32 to index
          %get3A_1195 = tpu.vector_load %arg10[%get3A_1193, %get3A_1194] {strides = array<i32>} : memref<80x128xf32, #tpu.memory_space<vmem>>, vector<1x16xf32>,
          %get3A_1196 = vector.shape_cast %get3A_1195 : vector<1x16xf32> to vector<16xf32>
          %mul3A_1197 = arith.mulf %get3A_1196, %get3A_1190 : vector<16xf32>
          %swap3A_1198 = arith.index_cast %add3A_1149 : i32 to index
          %swap3A_1199 = arith.constant 32 : index
          %swap3A_1200 = tpu.vector_load %arg11[%swap3A_1198, %swap3A_1199] {strides = array<i32>} : memref<80x80xf32, #tpu.memory_space<vmem>>, vector<1x16xf32>,
          %swap3A_1201 = vector.shape_cast %swap3A_1200 : vector<1x16xf32> to vector<16xf32>
          %swap3A_1202 = vector.shape_cast %mul3A_1197 : vector<16xf32> to vector<1x16xf32>
          tpu.vector_store %arg11[%swap3A_1198, %swap3A_1199], %swap3A_1202 {strides = array<i32>} : memref<80x80xf32, #tpu.memory_space<vmem>>, vector<1x16xf32>,
          %add3A_1203 = arith.constant 48 : i32
          %add3A_1204 = arith.addi %squeeze3A_1151, %add3A_1203 : i32
          %get3A_1205 = arith.index_cast %add3A_1204 : i32 to index
          %get3A_1206 = tpu.vector_load %arg16[%get3A_1205] {strides = array<i32>} : memref<1920xf32, #tpu.memory_space<vmem>>, vector<16xf32>,
          %get3A_1207 = vector.shape_cast %get3A_1206 : vector<16xf32> to vector<16xf32>
          %add3A_1208 = arith.constant 48 : i32
          %add3A_1209 = arith.addi %mul3A_18, %add3A_1208 : i32
          %get3A_1210 = arith.index_cast %add3A_1149 : i32 to index
          %get3A_1211 = arith.index_cast %add3A_1209 : i32 to index
          %get3A_1212 = tpu.vector_load %arg10[%get3A_1210, %get3A_1211] {strides = array<i32>} : memref<80x128xf32, #tpu.memory_space<vmem>>, vector<1x16xf32>,
          %get3A_1213 = vector.shape_cast %get3A_1212 : vector<1x16xf32> to vector<16xf32>
          %mul3A_1214 = arith.mulf %get3A_1213, %get3A_1207 : vector<16xf32>
          %swap3A_1215 = arith.index_cast %add3A_1149 : i32 to index
          %swap3A_1216 = arith.constant 48 : index
          %swap3A_1217 = tpu.vector_load %arg11[%swap3A_1215, %swap3A_1216] {strides = array<i32>} : memref<80x80xf32, #tpu.memory_space<vmem>>, vector<1x16xf32>,
          %swap3A_1218 = vector.shape_cast %swap3A_1217 : vector<1x16xf32> to vector<16xf32>
          %swap3A_1219 = vector.shape_cast %mul3A_1214 : vector<16xf32> to vector<1x16xf32>
          tpu.vector_store %arg11[%swap3A_1215, %swap3A_1216], %swap3A_1219 {strides = array<i32>} : memref<80x80xf32, #tpu.memory_space<vmem>>, vector<1x16xf32>,
          %mul3A_1220 = arith.constant 16 : i32
          %mul3A_1221 = arith.muli %add3A_108, %mul3A_1220 : i32
          %add3A_1222 = arith.constant 15 : i32
          %add3A_1223 = arith.addi %mul3A_1221, %add3A_1222 : i32
          %slice3A_1224 = vector.extract_strided_slice %get3A_112 {offsets = [15], sizes = [1], strides = [1]} : vector<16xi32> to vector<1xi32>
          %squeeze3A_1225 = vector.extract %slice3A_1224[0] : i32 from vector<1xi32>
          %add3A_1226 = arith.constant 0 : i32
          %add3A_1227 = arith.addi %squeeze3A_1225, %add3A_1226 : i32
          %get3A_1228 = arith.index_cast %add3A_1227 : i32 to index
          %get3A_1229 = tpu.vector_load %arg16[%get3A_1228] {strides = array<i32>} : memref<1920xf32, #tpu.memory_space<vmem>>, vector<16xf32>,
          %get3A_1230 = vector.shape_cast %get3A_1229 : vector<16xf32> to vector<16xf32>
          %add3A_1231 = arith.constant 0 : i32
          %add3A_1232 = arith.addi %mul3A_18, %add3A_1231 : i32
          %get3A_1233 = arith.index_cast %add3A_1223 : i32 to index
          %get3A_1234 = arith.index_cast %add3A_1232 : i32 to index
          %get3A_1235 = tpu.vector_load %arg10[%get3A_1233, %get3A_1234] {strides = array<i32>} : memref<80x128xf32, #tpu.memory_space<vmem>>, vector<1x16xf32>,
          %get3A_1236 = vector.shape_cast %get3A_1235 : vector<1x16xf32> to vector<16xf32>
          %mul3A_1237 = arith.mulf %get3A_1236, %get3A_1230 : vector<16xf32>
          %swap3A_1238 = arith.index_cast %add3A_1223 : i32 to index
          %swap3A_1239 = arith.constant 0 : index
          %swap3A_1240 = tpu.vector_load %arg11[%swap3A_1238, %swap3A_1239] {strides = array<i32>} : memref<80x80xf32, #tpu.memory_space<vmem>>, vector<1x16xf32>,
          %swap3A_1241 = vector.shape_cast %swap3A_1240 : vector<1x16xf32> to vector<16xf32>
          %swap3A_1242 = vector.shape_cast %mul3A_1237 : vector<16xf32> to vector<1x16xf32>
          tpu.vector_store %arg11[%swap3A_1238, %swap3A_1239], %swap3A_1242 {strides = array<i32>} : memref<80x80xf32, #tpu.memory_space<vmem>>, vector<1x16xf32>,
          %add3A_1243 = arith.constant 16 : i32
          %add3A_1244 = arith.addi %squeeze3A_1225, %add3A_1243 : i32
          %get3A_1245 = arith.index_cast %add3A_1244 : i32 to index
          %get3A_1246 = tpu.vector_load %arg16[%get3A_1245] {strides = array<i32>} : memref<1920xf32, #tpu.memory_space<vmem>>, vector<16xf32>,
          %get3A_1247 = vector.shape_cast %get3A_1246 : vector<16xf32> to vector<16xf32>
          %add3A_1248 = arith.constant 16 : i32
          %add3A_1249 = arith.addi %mul3A_18, %add3A_1248 : i32
          %get3A_1250 = arith.index_cast %add3A_1223 : i32 to index
          %get3A_1251 = arith.index_cast %add3A_1249 : i32 to index
          %get3A_1252 = tpu.vector_load %arg10[%get3A_1250, %get3A_1251] {strides = array<i32>} : memref<80x128xf32, #tpu.memory_space<vmem>>, vector<1x16xf32>,
          %get3A_1253 = vector.shape_cast %get3A_1252 : vector<1x16xf32> to vector<16xf32>
          %mul3A_1254 = arith.mulf %get3A_1253, %get3A_1247 : vector<16xf32>
          %swap3A_1255 = arith.index_cast %add3A_1223 : i32 to index
          %swap3A_1256 = arith.constant 16 : index
          %swap3A_1257 = tpu.vector_load %arg11[%swap3A_1255, %swap3A_1256] {strides = array<i32>} : memref<80x80xf32, #tpu.memory_space<vmem>>, vector<1x16xf32>,
          %swap3A_1258 = vector.shape_cast %swap3A_1257 : vector<1x16xf32> to vector<16xf32>
          %swap3A_1259 = vector.shape_cast %mul3A_1254 : vector<16xf32> to vector<1x16xf32>
          tpu.vector_store %arg11[%swap3A_1255, %swap3A_1256], %swap3A_1259 {strides = array<i32>} : memref<80x80xf32, #tpu.memory_space<vmem>>, vector<1x16xf32>,
          %add3A_1260 = arith.constant 32 : i32
          %add3A_1261 = arith.addi %squeeze3A_1225, %add3A_1260 : i32
          %get3A_1262 = arith.index_cast %add3A_1261 : i32 to index
          %get3A_1263 = tpu.vector_load %arg16[%get3A_1262] {strides = array<i32>} : memref<1920xf32, #tpu.memory_space<vmem>>, vector<16xf32>,
          %get3A_1264 = vector.shape_cast %get3A_1263 : vector<16xf32> to vector<16xf32>
          %add3A_1265 = arith.constant 32 : i32
          %add3A_1266 = arith.addi %mul3A_18, %add3A_1265 : i32
          %get3A_1267 = arith.index_cast %add3A_1223 : i32 to index
          %get3A_1268 = arith.index_cast %add3A_1266 : i32 to index
          %get3A_1269 = tpu.vector_load %arg10[%get3A_1267, %get3A_1268] {strides = array<i32>} : memref<80x128xf32, #tpu.memory_space<vmem>>, vector<1x16xf32>,
          %get3A_1270 = vector.shape_cast %get3A_1269 : vector<1x16xf32> to vector<16xf32>
          %mul3A_1271 = arith.mulf %get3A_1270, %get3A_1264 : vector<16xf32>
          %swap3A_1272 = arith.index_cast %add3A_1223 : i32 to index
          %swap3A_1273 = arith.constant 32 : index
          %swap3A_1274 = tpu.vector_load %arg11[%swap3A_1272, %swap3A_1273] {strides = array<i32>} : memref<80x80xf32, #tpu.memory_space<vmem>>, vector<1x16xf32>,
          %swap3A_1275 = vector.shape_cast %swap3A_1274 : vector<1x16xf32> to vector<16xf32>
          %swap3A_1276 = vector.shape_cast %mul3A_1271 : vector<16xf32> to vector<1x16xf32>
          tpu.vector_store %arg11[%swap3A_1272, %swap3A_1273], %swap3A_1276 {strides = array<i32>} : memref<80x80xf32, #tpu.memory_space<vmem>>, vector<1x16xf32>,
          %add3A_1277 = arith.constant 48 : i32
          %add3A_1278 = arith.addi %squeeze3A_1225, %add3A_1277 : i32
          %get3A_1279 = arith.index_cast %add3A_1278 : i32 to index
          %get3A_1280 = tpu.vector_load %arg16[%get3A_1279] {strides = array<i32>} : memref<1920xf32, #tpu.memory_space<vmem>>, vector<16xf32>,
          %get3A_1281 = vector.shape_cast %get3A_1280 : vector<16xf32> to vector<16xf32>
          %add3A_1282 = arith.constant 48 : i32
          %add3A_1283 = arith.addi %mul3A_18, %add3A_1282 : i32
          %get3A_1284 = arith.index_cast %add3A_1223 : i32 to index
          %get3A_1285 = arith.index_cast %add3A_1283 : i32 to index
          %get3A_1286 = tpu.vector_load %arg10[%get3A_1284, %get3A_1285] {strides = array<i32>} : memref<80x128xf32, #tpu.memory_space<vmem>>, vector<1x16xf32>,
          %get3A_1287 = vector.shape_cast %get3A_1286 : vector<1x16xf32> to vector<16xf32>
          %mul3A_1288 = arith.mulf %get3A_1287, %get3A_1281 : vector<16xf32>
          %swap3A_1289 = arith.index_cast %add3A_1223 : i32 to index
          %swap3A_1290 = arith.constant 48 : index
          %swap3A_1291 = tpu.vector_load %arg11[%swap3A_1289, %swap3A_1290] {strides = array<i32>} : memref<80x80xf32, #tpu.memory_space<vmem>>, vector<1x16xf32>,
          %swap3A_1292 = vector.shape_cast %swap3A_1291 : vector<1x16xf32> to vector<16xf32>
          %swap3A_1293 = vector.shape_cast %mul3A_1288 : vector<16xf32> to vector<1x16xf32>
          tpu.vector_store %arg11[%swap3A_1289, %swap3A_1290], %swap3A_1293 {strides = array<i32>} : memref<80x80xf32, #tpu.memory_space<vmem>>, vector<1x16xf32>,
        }
        %scan3A_103 = arith.constant 5 : i32
        "tpu.region"() ({
          %run_scoped3A = tpu.sem_alloc : memref<!tpu.dma_semaphore, #tpu.memory_space<semaphore_mem>>
          %dma_start3A_104 = arith.constant 0 : i32
          %dma_start3A_105 = tpu.memref_slice %arg13[%add3A_93, %dma_start3A_104] : memref<50x80xi32, #tpu.memory_space<vmem>> -> memref<1x80xi32, #tpu.memory_space<vmem>>
          %dma_start3A_106 = tpu.memref_squeeze %dma_start3A_105 : memref<1x80xi32, #tpu.memory_space<vmem>> -> memref<80xi32, #tpu.memory_space<vmem>>
          %dma_start3A_107 = arith.constant 0 : i32
          %dma_start3A_108 = arith.constant 0 : i32
          %dma_start3A_109 = tpu.memref_slice %arg17[%dma_start3A_107, %dma_start3A_108] : memref<10000x80xf32, #tpu.memory_space<vmem_shared>> -> memref<10000x80xf32, #tpu.memory_space<vmem_shared>>
          tpu.enqueue_indirect_dma source(%arg11 : memref<80x80xf32, #tpu.memory_space<vmem>>) target(%dma_start3A_109 : memref<10000x80xf32, #tpu.memory_space<vmem_shared>>) offsets(%dma_start3A_106 : memref<80xi32, #tpu.memory_space<vmem>>) semaphore(%run_scoped3A : memref<!tpu.dma_semaphore, #tpu.memory_space<semaphore_mem>>) {add = true}
          %dma_wait3A_110 = arith.constant 0 : i32
          %dma_wait3A_111 = tpu.memref_slice %arg13[%add3A_93, %dma_wait3A_110] : memref<50x80xi32, #tpu.memory_space<vmem>> -> memref<1x80xi32, #tpu.memory_space<vmem>>
          %dma_wait3A_112 = tpu.memref_squeeze %dma_wait3A_111 : memref<1x80xi32, #tpu.memory_space<vmem>> -> memref<80xi32, #tpu.memory_space<vmem>>
          %dma_wait3A_113 = arith.constant 0 : i32
          %dma_wait3A_114 = arith.constant 0 : i32
          %dma_wait3A_115 = tpu.memref_slice %arg17[%dma_wait3A_113, %dma_wait3A_114] : memref<10000x80xf32, #tpu.memory_space<vmem_shared>> -> memref<10000x80xf32, #tpu.memory_space<vmem_shared>>
          tpu.wait_indirect_dma semaphore(%run_scoped3A : memref<!tpu.dma_semaphore, #tpu.memory_space<semaphore_mem>>) src(%arg11 : memref<80x80xf32, #tpu.memory_space<vmem>>) dst(%dma_wait3A_115 : memref<10000x80xf32, #tpu.memory_space<vmem_shared>>)
          tpu.yield
        }) : () -> ()
      }
      %scan3A_49 = arith.constant 25 : i32
    }
    %scan3A_25 = arith.constant 5 : i32
    %barrier3A_26 = arith.constant 0 : index
    tpu.barrier barrier_id(%barrier3A_26)
    "tpu.region"() ({
      %run_scoped3A = tpu.sem_alloc : memref<!tpu.dma_semaphore, #tpu.memory_space<semaphore_mem>>
      %dma_start3A = arith.constant 0 : i32
      %dma_start3A_32 = tpu.memref_slice %arg8[%arg0, %mul3A_2, %dma_start3A] : memref<2x10000x80xf32, #tpu.memory_space<hbm>> -> memref<1x624x80xf32, #tpu.memory_space<hbm>>
      %dma_start3A_33 = tpu.memref_squeeze %dma_start3A_32 : memref<1x624x80xf32, #tpu.memory_space<hbm>> -> memref<624x80xf32, #tpu.memory_space<hbm>>
      %dma_start3A_34 = arith.constant 0 : i32
      %dma_start3A_35 = tpu.memref_slice %arg17[%mul3A_2, %dma_start3A_34] : memref<10000x80xf32, #tpu.memory_space<vmem_shared>> -> memref<624x80xf32, #tpu.memory_space<vmem_shared>>
      tpu.enqueue_dma source(%dma_start3A_35 : memref<624x80xf32, #tpu.memory_space<vmem_shared>>) target(%dma_start3A_33 : memref<624x80xf32, #tpu.memory_space<hbm>>) target_semaphore(%run_scoped3A : memref<!tpu.dma_semaphore, #tpu.memory_space<semaphore_mem>>)
      %dma_wait3A = arith.constant 0 : i32
      %dma_wait3A_36 = tpu.memref_slice %arg8[%arg0, %mul3A_2, %dma_wait3A] : memref<2x10000x80xf32, #tpu.memory_space<hbm>> -> memref<1x624x80xf32, #tpu.memory_space<hbm>>
      %dma_wait3A_37 = tpu.memref_squeeze %dma_wait3A_36 : memref<1x624x80xf32, #tpu.memory_space<hbm>> -> memref<624x80xf32, #tpu.memory_space<hbm>>
      %dma_wait3A_38 = arith.constant 0 : i32
      %dma_wait3A_39 = tpu.memref_slice %arg17[%mul3A_2, %dma_wait3A_38] : memref<10000x80xf32, #tpu.memory_space<vmem_shared>> -> memref<624x80xf32, #tpu.memory_space<vmem_shared>>
      tpu.wait_dma2 semaphore(%run_scoped3A : memref<!tpu.dma_semaphore, #tpu.memory_space<semaphore_mem>>) src(%dma_wait3A_39 : memref<624x80xf32, #tpu.memory_space<vmem_shared>>) dst(%dma_wait3A_37 : memref<624x80xf32, #tpu.memory_space<hbm>>)
      tpu.yield
    }) : () -> ()
    %eq3A_27 = arith.constant 15 : i32
    %eq3A_28 = arith.cmpi eq, %arg1, %eq3A_27 : i32
    %convert_element_type3A_29 = arith.extui %eq3A_28 : i1 to i32
    %cond3A_30 = arith.constant 0 : i32
    %cond3A_31 = arith.cmpi ne, %convert_element_type3A_29, %cond3A_30 : i32
    scf.if %cond3A_31 {
      "tpu.region"() ({
        %run_scoped3A = tpu.sem_alloc : memref<!tpu.dma_semaphore, #tpu.memory_space<semaphore_mem>>
        %dma_start3A = arith.constant 9984 : i32
        %dma_start3A_32 = arith.constant 0 : i32
        %dma_start3A_33 = tpu.memref_slice %arg8[%arg0, %dma_start3A, %dma_start3A_32] : memref<2x10000x80xf32, #tpu.memory_space<hbm>> -> memref<1x16x80xf32, #tpu.memory_space<hbm>>
        %dma_start3A_34 = tpu.memref_squeeze %dma_start3A_33 : memref<1x16x80xf32, #tpu.memory_space<hbm>> -> memref<16x80xf32, #tpu.memory_space<hbm>>
        %dma_start3A_35 = arith.constant 9984 : i32
        %dma_start3A_36 = arith.constant 0 : i32
        %dma_start3A_37 = tpu.memref_slice %arg17[%dma_start3A_35, %dma_start3A_36] : memref<10000x80xf32, #tpu.memory_space<vmem_shared>> -> memref<16x80xf32, #tpu.memory_space<vmem_shared>>
        tpu.enqueue_dma source(%dma_start3A_37 : memref<16x80xf32, #tpu.memory_space<vmem_shared>>) target(%dma_start3A_34 : memref<16x80xf32, #tpu.memory_space<hbm>>) target_semaphore(%run_scoped3A : memref<!tpu.dma_semaphore, #tpu.memory_space<semaphore_mem>>)
        %dma_wait3A = arith.constant 9984 : i32
        %dma_wait3A_38 = arith.constant 0 : i32
        %dma_wait3A_39 = tpu.memref_slice %arg8[%arg0, %dma_wait3A, %dma_wait3A_38] : memref<2x10000x80xf32, #tpu.memory_space<hbm>> -> memref<1x16x80xf32, #tpu.memory_space<hbm>>
        %dma_wait3A_40 = tpu.memref_squeeze %dma_wait3A_39 : memref<1x16x80xf32, #tpu.memory_space<hbm>> -> memref<16x80xf32, #tpu.memory_space<hbm>>
        %dma_wait3A_41 = arith.constant 9984 : i32
        %dma_wait3A_42 = arith.constant 0 : i32
        %dma_wait3A_43 = tpu.memref_slice %arg17[%dma_wait3A_41, %dma_wait3A_42] : memref<10000x80xf32, #tpu.memory_space<vmem_shared>> -> memref<16x80xf32, #tpu.memory_space<vmem_shared>>
        tpu.wait_dma2 semaphore(%run_scoped3A : memref<!tpu.dma_semaphore, #tpu.memory_space<semaphore_mem>>) src(%dma_wait3A_43 : memref<16x80xf32, #tpu.memory_space<vmem_shared>>) dst(%dma_wait3A_40 : memref<16x80xf32, #tpu.memory_space<hbm>>)
        tpu.yield
      }) : () -> ()
    } else {
    }
    return
  }
}

module attributes {stable_mosaic.version = 14 : i64} {
  func.func @_tc_combine_body(%arg0: i32, %arg1: memref<2000x64xf32, #tpu.memory_space<vmem>>, %arg2: memref<2000x64xf32, #tpu.memory_space<vmem>>, %arg3: memref<2000x16xf32, #tpu.memory_space<vmem>>, %arg4: memref<2000x128xf32, #tpu.memory_space<vmem>>, %arg5: memref<2000x128xf32, #tpu.memory_space<vmem>>, %arg6: memref<2000x128xf32, #tpu.memory_space<vmem>>) attributes {dimension_semantics = [#tpu.dimension_semantics<arbitrary>], iteration_bounds = array<i64: 5>, scalar_prefetch = 0 : i64, scratch_operands = 0 : i64, tpu.core_type = #tpu.core_type<tc>, window_params = [{transform_indices = @transform_0, window_bounds = array<i64: 2000, 64>}, {transform_indices = @transform_1, window_bounds = array<i64: 2000, 64>}, {transform_indices = @transform_2, window_bounds = array<i64: 2000, 16>}, {transform_indices = @transform_3, window_bounds = array<i64: 2000, 128>}, {transform_indices = @transform_4, window_bounds = array<i64: 2000, 128>}, {transform_indices = @transform_5, window_bounds = array<i64: 2000, 128>}]} {
    %get3A = arith.constant 0 : index
    %get3A_0 = arith.constant 0 : index
    %get3A_1 = vector.load %arg1[%get3A, %get3A_0] : memref<2000x64xf32, #tpu.memory_space<vmem>>, vector<2000x64xf32>
    %get3A_2 = arith.constant 0 : index
    %get3A_3 = arith.constant 0 : index
    %get3A_4 = vector.load %arg2[%get3A_2, %get3A_3] : memref<2000x64xf32, #tpu.memory_space<vmem>>, vector<2000x64xf32>
    %concatenate3A = tpu.concatenate %get3A_1, %get3A_4 in 1 : vector<2000x64xf32>, vector<2000x64xf32> -> vector<2000x128xf32>
    %get3A_5 = arith.constant 0 : index
    %get3A_6 = arith.constant 0 : index
    %get3A_7 = vector.load %arg3[%get3A_5, %get3A_6] : memref<2000x16xf32, #tpu.memory_space<vmem>>, vector<2000x16xf32>
    %slice3A = vector.extract_strided_slice %get3A_7 {offsets = [0, 0], sizes = [2000, 1], strides = [1, 1]} : vector<2000x16xf32> to vector<2000x1xf32>
    %max3A = arith.constant 1.000000e+00 : f32
    %max3A_8 = vector.broadcast %max3A : f32 to vector<2000x1xf32>
    %max3A_9 = arith.maximumf %slice3A, %max3A_8 : vector<2000x1xf32>
    %div3A = vector.broadcast %max3A_9 : vector<2000x1xf32> to vector<2000x128xf32>
    %div3A_10 = arith.divf %concatenate3A, %div3A : vector<2000x128xf32>
    %mul3A = arith.mulf %div3A_10, %div3A_10 : vector<2000x128xf32>
    %reduce_sum3A = arith.constant dense<0.000000e+00> : vector<2000xf32>
    %reduce_sum3A_11 = vector.multi_reduction <add>, %mul3A, %reduce_sum3A [1] : vector<2000x128xf32> to vector<2000xf32>
    %broadcast_in_dim3A = vector.shape_cast %reduce_sum3A_11 : vector<2000xf32> to vector<2000x1xf32>
    %sqrt3A = math.sqrt %broadcast_in_dim3A : vector<2000x1xf32>
    %max3A_12 = arith.constant 9.99999996E-13 : f32
    %max3A_13 = vector.broadcast %max3A_12 : f32 to vector<2000x1xf32>
    %max3A_14 = arith.maximumf %sqrt3A, %max3A_13 : vector<2000x1xf32>
    %div3A_15 = vector.broadcast %max3A_14 : vector<2000x1xf32> to vector<2000x128xf32>
    %div3A_16 = arith.divf %div3A_10, %div3A_15 : vector<2000x128xf32>
    %swap3A = arith.constant 0 : index
    %swap3A_17 = arith.constant 0 : index
    %swap3A_18 = vector.load %arg5[%swap3A, %swap3A_17] : memref<2000x128xf32, #tpu.memory_space<vmem>>, vector<2000x128xf32>
    tpu.vector_store %arg5[%swap3A, %swap3A_17], %div3A_16 {strides = array<i32>} : memref<2000x128xf32, #tpu.memory_space<vmem>>, vector<2000x128xf32>,
    %get3A_19 = arith.constant 0 : index
    %get3A_20 = arith.constant 0 : index
    %get3A_21 = vector.load %arg4[%get3A_19, %get3A_20] : memref<2000x128xf32, #tpu.memory_space<vmem>>, vector<2000x128xf32>
    %add3A = arith.addf %get3A_21, %div3A_16 : vector<2000x128xf32>
    %swap3A_22 = arith.constant 0 : index
    %swap3A_23 = arith.constant 0 : index
    %swap3A_24 = vector.load %arg6[%swap3A_22, %swap3A_23] : memref<2000x128xf32, #tpu.memory_space<vmem>>, vector<2000x128xf32>
    tpu.vector_store %arg6[%swap3A_22, %swap3A_23], %add3A {strides = array<i32>} : memref<2000x128xf32, #tpu.memory_space<vmem>>, vector<2000x128xf32>,
    return
  }
  func.func @transform_0(%arg0: i32) -> (i32, i32) {
    %c0_i32 = arith.constant 0 : i32
    %c0_i32_0 = arith.constant 0 : i32
    return %arg0, %c0_i32 : i32, i32
  }
  func.func @transform_1(%arg0: i32) -> (i32, i32) {
    %c0_i32 = arith.constant 0 : i32
    %c0_i32_0 = arith.constant 0 : i32
    return %arg0, %c0_i32 : i32, i32
  }
  func.func @transform_2(%arg0: i32) -> (i32, i32) {
    %c0_i32 = arith.constant 0 : i32
    %c0_i32_0 = arith.constant 0 : i32
    return %arg0, %c0_i32 : i32, i32
  }
  func.func @transform_3(%arg0: i32) -> (i32, i32) {
    %c0_i32 = arith.constant 0 : i32
    %c0_i32_0 = arith.constant 0 : i32
    return %arg0, %c0_i32 : i32, i32
  }
  func.func @transform_4(%arg0: i32) -> (i32, i32) {
    %c0_i32 = arith.constant 0 : i32
    %c0_i32_0 = arith.constant 0 : i32
    return %arg0, %c0_i32 : i32, i32
  }
  func.func @transform_5(%arg0: i32) -> (i32, i32) {
    %c0_i32 = arith.constant 0 : i32
    %c0_i32_0 = arith.constant 0 : i32
    return %arg0, %c0_i32 : i32, i32
  }
}

</mosaic_0001>

<sc_bundles>
// kernel: closed_call.15.cloned.1.call-start
scs
__scs_entry_jumppad:
0x0: {  	(pc) =	sbr.rel $0x88, $3  }
0x1: {  	(tag) =	ssettag $0x0;
	lr =	simm.s32 $0x1  }
0x2: {  	[smem:$0x3F9D] =	sst lr;
	_ =	strace $0xD0000000  }
0x3: {  	_ = 	snop  }
0x4: {  	_ = 	snop  }
0x5: {  	_ = 	snop  }
0x6: {  	_ = 	snop  }
0x7: {  	_ = 	snop  }
__scs_overlays_trampoline_lowered:
0x8: {  	[smem:$0x3FAC] =	sst s0  }
0x9: {  	[smem:$0x3FAD] =	sst s1  }
0xa: {  	[smem:$0x3FAE] =	sst s2  }
0xb: {  	[smem:$0x3FAF] =	sst s3  }
0xc: {  	[smem:$0x3FB0] =	sst s4  }
0xd: {  	[smem:$0x3FB1] =	sst s5  }
0xe: {  	[smem:$0x3FB2] =	sst s6  }
0xf: {  	[smem:$0x3FB3] =	sst s7  }
0x10: {  	[smem:$0x3FB4] =	sst s8  }
0x11: {  	[smem:$0x3FB5] =	sst s9;
	s0 =	simm.s32 @!p0 $0x0  }
0x12: {  	s1 =	sld [smem:$0x3F9B];
	s0 =	simm.s32 @p0 $0x1  }
0x13: {  	[smem:$0x3FB6] =	sst s0;
	s0 =	simm.s32 @!p1 $0x0  }
0x14: {  	s2 =	sld [smem:$0x3F9A];
	s0 =	simm.s32 @p1 $0x1  }
0x15: {  	[smem:$0x3FB7] =	sst s0;
	s0 =	simm.s32 @!p2 $0x0  }
0x16: {  	s3 =	sld [smem:$0x3FDB];
	s0 =	simm.s32 @p2 $0x1  }
0x17: {  	s4 =	simm.s32 $0x1BF5;
	[smem:$0x3FB9] =	sst s0  }
0x18: {  	s0 =	sld [smem:$0x3F9C];
	_ =	swait.ge [sflag:s4], $0x0  }
0x19: {  	s7 =	sld [smem:$0x3F9D]  }
0x1a: {  	s8 =	sadd.s32 $0xFFFFE003, lr  }
0x1b: {  	s9 =	sadd.s32 $0xFFFFFEF7, lr;
	s5 =	simm.s32 $0xFFFFFFFF;
	p2 =	slt.u32 s8, $0xFFFFF086  }
0x1c: {  	p1 =	slt.u32 s9, $0xF7A;
	s5 =	simm.s32 @!p2 $0x0  }
0x1d: {  	s5 =	simm.s32 @p1 $0x1;
	p0 =	seq.s32 s7, s2  }
0x1e: {  	s7 =	smul.u32 @!p0 $0xF7A, s2;
	p2 =	seq.s32 @!p0 s5, $0x0  }
0x1f: {  	s9 =	smul.u32 $0xF7A, s1;
	s8 =	simm.s32 @!p0 $0x1BF5;
	p2 =	por !p2, p0  }
0x20: {  	[sflag:s8] =	ssyncset.s32 @!p0 $0xFFFFF086;
	s6 =	sadd.s32 @!p0 s3, s7;
	s7 =	simm.s32 @!p0 $0x108  }
0x21: {  	s3 =	sadd.s32 s3, s9;
	s6 =	sadd.s32 @!p0 $0x88, s6;
	s7 =	simm.s32 @p2 $0x1082  }
0x22: {  	[simem:s7], [sflag:s8] =	dma.local @!p0 [hbm:s6], $0xF7A  }
0x23: {  	s9 =	sor.u32 $0xD0000000, s2;
	s6 =	simm.s32 $0x108;
	_ =	swait.ge @!p0 [sflag:s8], $0x0  }
0x24: {  	s3 =	sadd.s32 $0x88, s3;
	s6 =	simm.s32 @!p1 $0x1082;
	[sflag:s4] =	ssyncset.s32 $0xFFFFF086  }
0x25: {  	[simem:s6], [sflag:s4] =	dma.local [hbm:s3], $0xF7A  }
0x26: {  	[smem:$0x3F9D] =	sst s1;
	(tag) =	ssettag s2;
	_ =	strace s9  }
0x27: {  	s1 =	sld [smem:$0x3FAD]  }
0x28: {  	s2 =	sld [smem:$0x3FAE]  }
0x29: {  	s4 =	sld [smem:$0x3FB0]  }
0x2a: {  	p0 =	seq.s32 s5, $0x0;
	s5 =	sld [smem:$0x3FB1]  }
0x2b: {  	s6 =	sld [smem:$0x3FB2]  }
0x2c: {  	s7 =	sld [smem:$0x3FB3]  }
0x2d: {  	s3 =	simm.s32 $0x108;
	s8 =	sld [smem:$0x3FB4]  }
0x2e: {  	s3 =	simm.s32 @!p0 $0x1082;
	s9 =	sld [smem:$0x3FB5]  }
0x2f: {  	lr =	sadd.s32 s0, s3;
	s0 =	sld [smem:$0x3FAC]  }
0x30: {  	s3 =	sld [smem:$0x3FAF]  }
0x31: {  	[smem:$0x3FB8] =	sst s10  }
0x32: {  	s10 =	sld [smem:$0x3FB6];
	_ =	sdelay $0x3  }
0x33: {  	p0 =	seq.s32 s10, $0x1;
	s10 =	sld [smem:$0x3FB8];
	_ =	sdelay $0x3  }
0x34: {  	[smem:$0x3FB8] =	sst s10  }
0x35: {  	s10 =	sld [smem:$0x3FB7];
	_ =	sdelay $0x3  }
0x36: {  	p1 =	seq.s32 s10, $0x1;
	s10 =	sld [smem:$0x3FB8];
	_ =	sdelay $0x3  }
0x37: {  	[smem:$0x3FB8] =	sst s10  }
0x38: {  	s10 =	sld [smem:$0x3FB9]  }
0x39: {  	_ = 	snop;
	(pc) =	sbr.ind lr, $3  }
0x3a: {  	_ = 	snop  }
0x3b: {  	_ = 	snop  }
0x3c: {  	p2 =	seq.s32 s10, $0x1;
	s10 =	sld [smem:$0x3FB8]  }
0x3d: {  	_ =	shalt  }
0x3e: {  	_ =	shalt  }
0x3f: {  	_ =	shalt  }
0x40: {  	_ =	shalt  }
0x41: {  	_ =	shalt  }
0x42: {  	_ =	shalt  }
0x43: {  	_ =	shalt  }
0x44: {  	_ =	shalt  }
0x45: {  	_ =	shalt  }
0x46: {  	_ =	shalt  }
0x47: {  	_ =	shalt  }
0x48: {  	_ =	shalt  }
0x49: {  	_ =	shalt  }
0x4a: {  	_ =	shalt  }
0x4b: {  	_ =	shalt  }
0x4c: {  	_ =	shalt  }
0x4d: {  	_ =	shalt  }
0x4e: {  	_ =	shalt  }
0x4f: {  	_ =	shalt  }
0x50: {  	_ =	shalt  }
0x51: {  	_ =	shalt  }
0x52: {  	_ =	shalt  }
0x53: {  	_ =	shalt  }
0x54: {  	_ =	shalt  }
0x55: {  	_ =	shalt  }
0x56: {  	_ =	shalt  }
0x57: {  	_ =	shalt  }
0x58: {  	_ =	shalt  }
0x59: {  	_ =	shalt  }
0x5a: {  	_ =	shalt  }
0x5b: {  	_ =	shalt  }
0x5c: {  	_ =	shalt  }
0x5d: {  	_ =	shalt  }
0x5e: {  	_ =	shalt  }
0x5f: {  	_ =	shalt  }
0x60: {  	_ =	shalt  }
0x61: {  	_ =	shalt  }
0x62: {  	_ =	shalt  }
0x63: {  	_ =	shalt  }
0x64: {  	_ =	shalt  }
0x65: {  	_ =	shalt  }
0x66: {  	_ =	shalt  }
0x67: {  	_ =	shalt  }
0x68: {  	_ =	shalt  }
0x69: {  	_ =	shalt  }
0x6a: {  	_ =	shalt  }
0x6b: {  	_ =	shalt  }
0x6c: {  	_ =	shalt  }
0x6d: {  	_ =	shalt  }
0x6e: {  	_ =	shalt  }
0x6f: {  	_ =	shalt  }
0x70: {  	_ =	shalt  }
0x71: {  	_ =	shalt  }
0x72: {  	_ =	shalt  }
0x73: {  	_ =	shalt  }
0x74: {  	_ =	shalt  }
0x75: {  	_ =	shalt  }
0x76: {  	_ =	shalt  }
0x77: {  	_ =	shalt  }
0x78: {  	_ =	shalt  }
0x79: {  	_ =	shalt  }
0x7a: {  	_ =	shalt  }
0x7b: {  	_ =	shalt  }
0x7c: {  	_ =	shalt  }
0x7d: {  	_ =	shalt  }
0x7e: {  	_ =	shalt  }
0x7f: {  	_ =	shalt  }
0x80: {  	_ =	shalt  }
0x81: {  	_ =	shalt  }
0x82: {  	_ =	shalt  }
0x83: {  	_ =	shalt  }
0x84: {  	_ =	shalt  }
0x85: {  	_ =	shalt  }
0x86: {  	_ =	shalt  }
0x87: {  	_ =	shalt  }
.Lfunc_end0:
.L_simem_size_0:
called_computation_lowered:
.L_overlay_start_0:
0x88: {  	s2 =	sld [smem:$0x3FD9]  }
0x89: {  	s3 =	sld [smem:$0x3FFE];
	_ =	sdelay $0x1  }
0x8a: {  	s1 =	srdreg.scid  }
0x8b: {  	s0 =	sand.u32 $0x1, s1  }
0x8c: {  	s17 =	sshll.u32 s0, $0xA;
	s2 =	sadd.s32 s3, s2  }
0x8d: {  	s2 =	sadd.s32 s2, s17  }
0x8e: {  	[smem:$0x3FC4] =	sst s2  }
0x8f: {  	_ = 	snop  }
0x90: {  	s2 =	sld [smem:$0x3FC6]  }
0x91: {  	s18 =	sld [smem:$0x3FD0];
	(tm) =	ssettm $0x1  }
0x92: {  	s4 =	sld [smem:$0x3FFB];
	_ =	sdelay $0x3  }
0x93: {  	_ =	strace s4  }
0x94: {  	s4 =	sld [smem:$0x3FFC];
	_ =	sdelay $0x3  }
0x95: {  	_ =	strace s4  }
0x96: {  	s4 =	sld [smem:$0x3FFD];
	_ =	sdelay $0x3  }
0x97: {  	_ =	strace s4  }
0x98: {  	_ =	strace $0x8FFFFFFF  }
0x99: {  	s19 =	sld [smem:$0x3FDB];
	_ =	sdelay $0x1  }
0x9a: {  	s5 =	simm.s32 $_scs_section_size  }
0x9b: {  	s6 =	simm.s32 $_size__tile_overlayer_lowered;
	s7 =	simm.s32 $_tile_overlayer_lowered  }
0x9c: {  	s22 =	simm.s32 $0x1BFF;
	s21 =	sshll.u32 s7, $0x1;
	s4 =	sadd.s32 s5, s19  }
0x9d: {  	s8 =	simm.s32 $0x0;
	s20 =	sshll.u32 s6, $0x1;
	s6 =	sadd.s32 s21, s4  }
0x9e: {  	[timem:s8], [sflag:s22] =	dma.local [hbm:s6], s20  }
0x9f: {  	_ =	swait.ge [sflag:s22], s20  }
0xa0: {  	s5 =	ssub.s32 $0x0, s20;
	[sflag:s22] =	ssyncset.done $0x0  }
0xa1: {  	[sflag:s22] =	ssyncadd.s32 s5;
	_ =	sdelay $0x1  }
0xa2: {  	s23 =	simm.s32 $0x1B8B  }
0xa3: {  	_ =	swait.ge [sflag:s23], $0x1  }
0xa4: {  	[sflag:s23] =	ssyncset.done $0x0  }
0xa5: {  	s25 =	simm.s32 $0x1B8E;
	s24 =	sld [smem:$0x3FFE];
	[sflag:s23] =	ssyncadd.s32 $0xFFFFFFFF  }
0xa6: {  	s26 =	simm.s32 $execute0_lowered;
	[smem:$0x3FD2] =	sst s25  }
0xa7: {  	s6 =	sshll.u32 s26, $0x1;
	_ =	strace $0x80000046;
	[dreg:$0x1] =	wrdreg $0xFFFFFFFF  }
0xa8: {  	s28 =	simm.s32 $_size_execute0_lowered;
	s4 =	sadd.s32 s4, s6;
	[dreg:$0x0] =	wrdreg $0x0  }
0xa9: {  	s6 =	sshll.u32 s28, $0x1;
	[dreg:$0x2] =	wrdreg s4  }
0xaa: {  	[dreg:$0x3] =	wrdreg s6  }
0xab: {  	[dreg:$0x4] =	wrdreg $0xC0  }
0xac: {  	_ =	task [dreg:s8], $0x5FFFF  }
0xad: {  	[dreg:$0x1] =	wrdreg $0xFFFFFFFF  }
0xae: {  	[dreg:$0x0] =	wrdreg $0x60  }
0xaf: {  	[dreg:$0x2] =	wrdreg s18  }
0xb0: {  	[dreg:$0x3] =	wrdreg s24  }
0xb1: {  	[dreg:$0x4] =	wrdreg s2  }
0xb2: {  	[dreg:$0x5] =	wrdreg $0x9FB00  }
0xb3: {  	[dreg:$0x6] =	wrdreg $0x9  }
0xb4: {  	_ =	task.clear_ibuf [dreg:s8], $0x7FFFF;
	_ =	strace $0x90000046  }
0xb5: {  	s29 =	simm.s32 $0x9;
	_ =	strace $0x80000048  }
0xb6: {  	_ =	swait.ge [sflag:s29], $0x1  }
0xb7: {  	[sflag:s29] =	ssyncadd.s32 $0xFFFFFFFF  }
0xb8: {  	_ =	strace $0x90000048  }
0xb9: {  	_ =	sfence  }
0xba: {  	s30 =	sld [smem:$0x0];
	_ =	sdelay $0x2  }
0xbb: {  	s31 =	sshll.u32 s1, $0xD;
	s1 =	sshrl.u32 s1, $0x2  }
0xbc: {  	s3 =	sand.u32 $0x4000, s31;
	s1 =	sadd.s32 s1, s30  }
0xbd: {  	s0 =	sor.u32 s3, s0;
	s1 =	sshll.u32 s1, $0x11  }
0xbe: {  	s0 =	sor.u32 s1, s0  }
0xbf: {  	s0 =	sadd.s32 $0x8F2B, s0  }
0xc0: {  	[sflag:s0] =	ssyncadd.remote.s32 $0x1  }
0xc1: {  	_ =	sfence.sel $0xFFFF  }
0xc2: {  	[dreg:$0x0] =	wrdreg $0xFFFFFFFF;
	(pc) =	sbr.abs _section_cstart, $3  }
0xc3: {  	[dreg:$0x1] =	wrdreg $0xFFFFFFFF  }
0xc4: {  	_ =	task.clear_ibuf [dreg:s8], $0x2FFFF;
	_ =	strace $0x9FFFFFFF  }
0xc5: {  	(tm) =	ssettm $0x7FFFFFFF  }
tec
execute0_lowered:
.L_overlay_start_1:
0x0: {  	(tag) =	ssettag $0x1  }
0x1: {  	s31 =	rddreg [dreg:$0x0]  }
0x2: {  	s0 =	rddreg [dreg:$0x1]  }
0x3: {  	s4 =	rddreg [dreg:$0x3]  }
0x4: {  	s2 =	simm.s32 $0x0;
	s1 =	stileid.u32;
	s18 =	srdreg.scid  }
0x5: {  	s28 =	simm.s32 $0x2;
	[smem:$0x7FF] =	sst s2;
	s17 =	smul.u32 $0xC300, s1  }
0x6: {  	s3 =	sadd.s32 $0x44600, s0;
	s5 =	sadd.s32 $0x3A800, s0;
	s6 =	sadd.s32 $0x30A00, s0  }
0x7: {  	s10 =	sadd.s32 $0x66C00, s0;
	_ =	strace $0x80000047;
	[dreg:$0x5] =	wrdreg s3  }
0x8: {  	s24 =	smul.u32 $0xFA, s1;
	p0 =	sne.s32 s1, $0xF;
	[dreg:$0x6] =	wrdreg s5  }
0x9: {  	s2 =	simm.s32 $0x0;
	s3 =	sand.u32 $0x1, s18;
	[dreg:$0x7] =	wrdreg s6  }
0xa: {  	s19 =	sshrl.u32 s17, $0x3;
	s9 =	ssub.s32 $0x2, s3;
	s12 =	smul.u32 $0xC3500, s3  }
0xb: {  	s20 =	sadd.s32 s17, s4;
	s4 =	sadd.s32 $0xC3000, s4;
	[dreg:$0xc] =	wrdreg s24  }
0xc: {  	s22 =	sshll.u32 s3, $0x6;
	s5 =	sadd.s32 s19, s0;
	[dreg:$0x8] =	wrdreg s20  }
0xd: {  	s11 =	sshrl.u32 s9, $0x1;
	[dreg:$0xa] =	wrdreg s4;
	s0 =	sadd.s32 $0x66A00, s0  }
0xe: {  	s29 =	sor.u32 $0x400, s22;
	s30 =	sor.u32 $0x2C00, s22;
	[dreg:$0xb] =	wrdreg s0  }
0xf: {  	v3 =	vimm.s32 $0xECA86420;
	v1 =	vimm.f32 $0.0e+00;
	s9 =	ssub.s32 s9, s11;
	s5 =	sadd.s32 $0x4E400, s5;
	[dreg:$0x10] =	wrdreg s29  }
0x10: {  	v2 =	vimm.f32 $1.000000000e+00;
	vm0 =	vcmask $0xB08;
	vm1 =	vcmask $0x1310;
	s21 =	sadd.s32 s17, s12;
	s23 =	sshrl.u32 s12, $0x3;
	[dreg:$0x11] =	wrdreg s30  }
0x11: {  	vm2 =	vcmask $0x1B18;
	vm3 =	vcmask $0x300;
	vm4 =	vcmask $0x2320;
	[dreg:$0x9] =	wrdreg s5;
	s0 =	sshrl.u32 s21, $0x3;
	s26 =	smax.u32 s9, $0x1  }
0x12: {  	vm5 =	vcmask $0x2B28;
	vm6 =	vcmask $0x3330;
	v3 =	vunpack.c.l.s4.s8 v3;
	s25 =	sadd.s32 s10, s23;
	s0 =	sadd.s32 s10, s0;
	[dreg:$0xf] =	wrdreg s26  }
0x13: {  	v4 =	vlaneseq.u32;
	vm7 =	vcmask $0x3B38;
	vm8 =	vmmov $0xff;
	s24 =	simm.s32 $0x1;
	[dreg:$0xd] =	wrdreg s0;
	s0 =	sadd.s32 $0x18600, s25  }
0x14: {  	v4 =	vmul.u32 $0x2, v4;
	v3 =	vunpack.c.0.s8.s32 v3;
	v0 =	vmov s22;
	s20 =	simm.s32 $0x3;
	s23 =	simm.s32 $0x50;
	[dreg:$0xe] =	wrdreg s0  }
.LBB2_1:
0x15: {  	[dreg:$0x12] =	wrdreg s2;
	s2 =	simm.s32 $0x140;
	s0 =	simm.s32 $0x0  }
.LBB2_2:
0x16: {  	p1 =	sne.s32 s2, $0x62C0;
	[tilespmem:s0+$0x5040] =	vst v1;
	s3 =	smov.u32 s2;
	s2 =	sadd.s32 $0x140, s2  }
.Ltmp0:
0x17: {  	[tilespmem:s0+$0x5030] =	vst v1;
	(pc) =	sbr.rel @p1 .LBB2_2-.Ltmp0, $4  }
0x18: {  	[tilespmem:s0+$0x5020] =	vst v1  }
0x19: {  	[tilespmem:s0+$0x5000] =	vst v1  }
0x1a: {  	[tilespmem:s0+$0x5010] =	vst v1  }
0x1b: {  	s0 =	sshra.s32 s3, $0x2  }
0x1c: {  	[tilespmem:s0+$0x5040] =	vst v1  }
0x1d: {  	[tilespmem:s0+$0x5030] =	vst v1  }
0x1e: {  	[tilespmem:s0+$0x5020] =	vst v1  }
0x1f: {  	[tilespmem:s0+$0x5000] =	vst v1  }
0x20: {  	[tilespmem:s0+$0x5010] =	vst v1;
	s22 =	rddreg [dreg:$0x2];
	s1 =	simm.s32 $0x0;
	s2 =	simm.s32 $0x9830  }
0x21: {  	[tilespmem:s2], [sflag:$0x3] =	stream.linear.gather [hbm4b:s22+s1], $0x780, $0x38;
	[tilespmem:$0x16300] =	vst v63  }
0x22: {  	s25 =	stileid.u32;
	_ =	swait.ge [sflag:s20], $0x780  }
0x23: {  	s0 =	sshll.u32 s25, $0x6;
	s26 =	rddreg [dreg:$0x8]  }
0x24: {  	[sflag:s20] =	ssyncset.done $0x0;
	s30 =	rddreg [dreg:$0x9];
	s29 =	sshrl.u32 s26, $0x3  }
0x25: {  	s1 =	sor.u32 $0x1C03, s0;
	[sflag:s20] =	ssyncadd.s32 $0xFFFFF880;
	[dreg:$0x14] =	wrdreg s29  }
0x26: {  	[spmem:s29], [sflag:s1] =	dma.local [hbm:s30], $0x1860  }
0x27: {  	_ =	swait.ge [sflag:s20], $0x1860;
	[dreg:$0x13] =	wrdreg s1  }
0x28: {  	s0 =	rddreg [dreg:$0xa]  }
0x29: {  	[sflag:s20] =	ssyncset.done $0x0;
	s2 =	sshrl.u32 @!p0 s0, $0x3;
	s0 =	rddreg [dreg:$0xb]  }
0x2a: {  	[sflag:s20] =	ssyncadd.s32 $0xFFFFE7A0;
	[dreg:$0x15] =	wrdreg s2  }
0x2b: {  	[spmem:s2], [sflag:s1] =	dma.local @!p0 [hbm:s0], $0xA0  }
0x2c: {  	s0 =	simm.s32 @!p0 $0x3  }
0x2d: {  	_ =	swait.ge @!p0 [sflag:s0], $0xA0  }
0x2e: {  	[sflag:s0] =	ssyncset.done @!p0 $0x0  }
0x2f: {  	s2 =	simm.s32 $0x40;
	[sflag:s0] =	ssyncadd.s32 @!p0 $0xFFFFFF60;
	s0 =	simm.s32 $0x240  }
.LBB2_4:
0x30: {  	p1 =	sne.s32 s0, $0x63C0;
	[tilespmem:s2+$0x5000] =	vst v2;
	s2 =	smov.u32 s0;
	s0 =	sadd.s32 $0x140, s0  }
.Ltmp1:
0x31: {  	(pc) =	sbr.rel @p1 .LBB2_4-.Ltmp1, $2  }
0x32: {  	_ =	sdelay $0x2  }
0x33: {  	s2 =	sshra.s32 s2, $0x2  }
0x34: {  	[tilespmem:s2+$0x5000] =	vst v2  }
0x35: {  	s0 =	simm.s32 $0x0;
	[bflag:$0x0] =	sbarrier.arrive $0xFFFF  }
.LBB2_6:
0x36: {  	s21 =	smul.u32 $0x32, s0  }
0x37: {  	s1 =	rddreg [dreg:$0xc]  }
0x38: {  	[dreg:$0x16] =	wrdreg s0;
	s0 =	sadd.s32 s1, s21  }
0x39: {  	s0 =	smul.u32 $0xA, s0  }
0x3a: {  	s22 =	rddreg [dreg:$0x5]  }
0x3b: {  	s3 =	simm.s32 $0x6900;
	s4 =	simm.s32 $0x0;
	s2 =	sadd.s32 s22, s0  }
0x3c: {  	[tilespmem:s3], [sflag:$0x3] =	stream.linear.gather [hbm4b:s2+s4], $0xFA0, $0x38;
	[tilespmem:$0x16300] =	vst v63  }
0x3d: {  	_ =	swait.ge [sflag:s20], $0xFA0  }
0x3e: {  	[sflag:s20] =	ssyncset.done $0x0;
	s25 =	rddreg [dreg:$0x6]  }
0x3f: {  	s29 =	simm.s32 $0x78A0;
	[sflag:s20] =	ssyncadd.s32 $0xFFFFF060;
	s26 =	sadd.s32 s25, s0  }
0x40: {  	[tilespmem:s29], [sflag:$0x3] =	stream.linear.gather [hbm4b:s26+s4], $0xFA0, $0x38;
	[tilespmem:$0x16300] =	vst v63  }
0x41: {  	_ =	swait.ge [sflag:s20], $0xFA0  }
0x42: {  	[sflag:s20] =	ssyncset.done $0x0;
	s30 =	rddreg [dreg:$0x7]  }
0x43: {  	s19 =	simm.s32 $0x8840;
	[sflag:s20] =	ssyncadd.s32 $0xFFFFF060;
	s0 =	sadd.s32 s30, s0  }
0x44: {  	[tilespmem:s19], [sflag:$0x3] =	stream.linear.gather [hbm4b:s0+s4], $0xFA0, $0x38;
	[tilespmem:$0x16300] =	vst v63  }
0x45: {  	_ =	swait.ge [sflag:s20], $0xFA0  }
0x46: {  	[sflag:s20] =	ssyncset.done $0x0  }
0x47: {  	s9 =	simm.s32 $0x0;
	s2 =	simm.s32 $0x8890;
	[sflag:s20] =	ssyncadd.s32 $0xFFFFF060  }
0x48: {  	[tilespmem:s4], [sflag:$0x1] =	stream.indirect.gather [hbm4b:s31+s23], $0x80, s3, s23, $0xb8;
	[tilespmem:$0x16300] =	vst v63  }
.LBB2_7:
0x49: {  	_ =	swait.ge [sflag:s24], $0x2800;
	s0 =	smul.u32 $0xA0, s9  }
0x4a: {  	s26 =	smov.u32 s31;
	s1 =	simm.s32 $0x2800;
	v5 =	vmov s19;
	[sflag:s24] =	ssyncset.done $0x0  }
0x4b: {  	s11 =	smul.u32 $0x280, s9;
	[sflag:s24] =	ssyncadd.s32 $0xFFFFD800;
	s10 =	sadd.s32 $0x6950, s0  }
0x4c: {  	[tilespmem:s1], [sflag:$0x2] =	stream.indirect.gather [hbm4b:s31+s23], $0x80, s10, s23, $0xb8;
	[tilespmem:$0x16300] =	vst v63  }
0x4d: {  	s12 =	simm.s32 $0x0;
	s14 =	simm.s32 $0x0;
	s10 =	sadd.s32 $0x50, s0  }
.LBB2_8:
0x4e: {  	s17 =	sshra.s32 s14, $0x2  }
0x4f: {  	v6 =	vld.idx.msk [tilespmem:v5+s17+$0x0 ss:$0x1], $0xffff;
	_ =	sdelay $0x4  }
0x50: {  	v6 =	vadd.s32 $0xE, v6  }
0x51: {  	(v2sf) =	vpush v6, $0xD;
	_ =	sdelay $0x1  }
0x52: {  	(v2sf) =	vpush v6, $0xC;
	_ =	sdelay $0x1  }
0x53: {  	(v2sf) =	vpush v6, $0xE  }
0x54: {  	(v2sf) =	vpush v6, $0xF  }
0x55: {  	(v2sf) =	vpush v6, $0x9;
	_ =	sdelay $0x1  }
0x56: {  	(v2sf) =	vpush v6, $0x8;
	_ =	sdelay $0x1  }
0x57: {  	(v2sf) =	vpush v6, $0xA;
	_ =	sdelay $0x1  }
0x58: {  	(v2sf) =	vpush v6, $0xB;
	_ =	sdelay $0x1  }
0x59: {  	(v2sf) =	vpush v6, $0x1  }
0x5a: {  	s0 =	spop (v2sf);
	(v2sf) =	vpush v6, $0x0  }
0x5b: {  	s16 =	smulhi.u32 $0x88888889, s0;
	s30 =	sshra.s32 s0, $0x1F  }
0x5c: {  	s31 =	spop (v2sf);
	s30 =	smul.u32 $0x88888889, s30  }
0x5d: {  	s22 =	smulhi.u32 $0x88888889, s31;
	s6 =	sshra.s32 s31, $0x1F  }
0x5e: {  	s29 =	spop (v2sf);
	s6 =	smul.u32 $0x88888889, s6  }
0x5f: {  	(v2sf) =	vpush v6, $0x2;
	s7 =	spop (v2sf);
	s8 =	smulhi.u32 $0x88888889, s29;
	s13 =	sshra.s32 s29, $0x1F  }
0x60: {  	s0 =	ssub.s32 s16, s0;
	s21 =	spop (v2sf);
	s13 =	smul.u32 $0x88888889, s13  }
0x61: {  	(v2sf) =	vpush v6, $0x3;
	s5 =	smulhi.u32 $0x88888889, s7;
	s25 =	sshra.s32 s7, $0x1F;
	s16 =	sadd.s32 s30, s0  }
0x62: {  	s30 =	ssub.s32 s22, s31;
	s3 =	spop (v2sf);
	s22 =	smul.u32 $0x88888889, s25  }
0x63: {  	(v2sf) =	vpush v6, $0x4;
	s25 =	smulhi.u32 $0x88888889, s21;
	s1 =	sshra.s32 s21, $0x1F;
	s30 =	sadd.s32 s6, s30  }
0x64: {  	s15 =	ssub.s32 s8, s29;
	s4 =	spop (v2sf);
	s6 =	smul.u32 $0x88888889, s1  }
0x65: {  	(v2sf) =	vpush v6, $0x5;
	s8 =	smulhi.u32 $0x88888889, s3;
	s18 =	sshra.s32 s3, $0x1F;
	s31 =	sadd.s32 s13, s15  }
0x66: {  	s15 =	ssub.s32 s5, s7;
	s1 =	spop (v2sf);
	s5 =	smul.u32 $0x88888889, s18  }
0x67: {  	(v2sf) =	vpush v6, $0x6;
	s7 =	smulhi.u32 $0x88888889, s4;
	s18 =	sshra.s32 s4, $0x1F;
	s0 =	sadd.s32 s22, s15  }
0x68: {  	s21 =	ssub.s32 s25, s21;
	s29 =	spop (v2sf);
	s13 =	smul.u32 $0x88888889, s18  }
0x69: {  	s22 =	smulhi.u32 $0x88888889, s1;
	s25 =	sshra.s32 s1, $0x1F;
	s15 =	spop (v2sf);
	(v2sf) =	vpush v6, $0x7  }
0x6a: {  	s6 =	sadd.s32 s6, s21;
	s3 =	ssub.s32 s8, s3;
	s21 =	smul.u32 $0x88888889, s25  }
0x6b: {  	s8 =	smulhi.u32 $0x88888889, s29;
	s25 =	sshra.s32 s29, $0x1F;
	s4 =	ssub.s32 s7, s4  }
0x6c: {  	s3 =	sadd.s32 s5, s3;
	s5 =	smul.u32 $0x88888889, s25;
	s4 =	sadd.s32 s13, s4  }
0x6d: {  	s1 =	ssub.s32 s22, s1;
	s7 =	smulhi.u32 $0x88888889, s15;
	s13 =	sshra.s32 s15, $0x1F  }
0x6e: {  	s8 =	ssub.s32 s8, s29;
	s18 =	spop (v2sf);
	s13 =	smul.u32 $0x88888889, s13  }
0x6f: {  	s1 =	sadd.s32 s21, s1;
	s22 =	smulhi.u32 $0x88888889, s18;
	s29 =	sshra.s32 s18, $0x1F  }
0x70: {  	s5 =	sadd.s32 s5, s8;
	s25 =	spop (v2sf);
	s8 =	smul.u32 $0x88888889, s29  }
0x71: {  	s7 =	ssub.s32 s7, s15;
	s15 =	smulhi.u32 $0x88888889, s25;
	s21 =	sshra.s32 s25, $0x1F  }
0x72: {  	s29 =	spop (v2sf);
	s7 =	sadd.s32 s13, s7;
	s13 =	smul.u32 $0x88888889, s21  }
0x73: {  	s18 =	ssub.s32 s22, s18;
	s21 =	smulhi.u32 $0x88888889, s29;
	s22 =	sshra.s32 s29, $0x1F  }
0x74: {  	s8 =	sadd.s32 s8, s18;
	s18 =	spop (v2sf);
	s22 =	smul.u32 $0x88888889, s22  }
0x75: {  	v7 =	vmov s7;
	s7 =	ssub.s32 s15, s25;
	s15 =	smulhi.u32 $0x88888889, s18;
	s25 =	sshra.s32 s18, $0x1F  }
0x76: {  	s7 =	sadd.s32 s13, s7;
	s13 =	spop (v2sf);
	v7 =	vnsel vm3, $0x0, v7;
	s25 =	smul.u32 $0x88888889, s25  }
0x77: {  	v7 =	vsel vm0, s5, v7;
	s5 =	ssub.s32 s21, s29;
	s21 =	smulhi.u32 $0x88888889, s13;
	s29 =	sshra.s32 s13, $0x1F  }
0x78: {  	v8 =	vmov s30;
	v9 =	vmov s3;
	v7 =	vsel vm1, s8, v7;
	s22 =	sadd.s32 s22, s5;
	s5 =	smul.u32 $0x88888889, s29;
	s8 =	spop (v2sf)  }
0x79: {  	v8 =	vsel vm0, s16, v8;
	v9 =	vsel vm0, s6, v9;
	s29 =	ssub.s32 s15, s18;
	v7 =	vsel vm2, s7, v7;
	s30 =	smulhi.u32 $0x88888889, s8;
	s16 =	sshra.s32 s8, $0x1F  }
0x7a: {  	v8 =	vsel vm1, s31, v8;
	v9 =	vsel vm1, s4, v9;
	s18 =	sadd.s32 s25, s29;
	v7 =	vsel vm4, s22, v7;
	s22 =	ssub.s32 s21, s13;
	s25 =	smul.u32 $0x88888889, s16  }
0x7b: {  	v8 =	vsel vm2, s0, v8;
	v9 =	vsel vm2, s1, v9;
	v7 =	vsel vm5, s18, v7;
	s29 =	sadd.s32 s5, s22;
	s30 =	ssub.s32 s30, s8  }
0x7c: {  	v8 =	vcombine.low v9, v8;
	v7 =	vsel vm6, s29, v7;
	s31 =	sadd.s32 s25, s30  }
0x7d: {  	v7 =	vsel vm7, s31, v7  }
0x7e: {  	v8 =	vperm.xlane v8, v3;
	v7 =	vperm.xlane v7, v4;
	_ =	sdelay $0x1  }
0x7f: {  	v7 =	vsel vm8, v7, v8  }
0x80: {  	v7 =	vadd.s32 v6, v7  }
0x81: {  	v63 =	vshrl.u32 v7, $0x1F;
	v7 =	vshra.s32 v7, $0x3  }
0x82: {  	v7 =	vadd.s32 v63, v7  }
0x83: {  	v7 =	vmul.u32 $0xF, v7;
	_ =	sdelay $0x1  }
0x84: {  	p1 =	sne.s32 s14, $0x100;
	v6 =	vsub.s32 v6, v7  }
.Ltmp2:
0x85: {  	v7 =	vshll.u32 v6, $0x7;
	(pc) =	sbr.rel @p1 .LBB2_8-.Ltmp2, $4  }
0x86: {  	vm9 =	vlt.s32 v6, $0x0;
	v6 =	vadd.s32 $0x780, v7  }
0x87: {  	v6 =	vsel vm9, v6, v7  }
0x88: {  	v6 =	vor.u32 v0, v6  }
0x89: {  	s14 =	sadd.s32 $0x40, s14;
	[tilespmem:s17+$0x97E0] =	vst v6  }
0x8a: {  	s14 =	simm.s32 $0x5280;
	s17 =	rddreg [dreg:$0x10]  }
.LBB2_10:
0x8b: {  	s0 =	sshra.s32 s12, $0x2  }
0x8c: {  	v5 =	vld [tilespmem:s0+$0x97E0];
	_ =	sdelay $0x4  }
0x8d: {  	(v2sf) =	vpush v5, $0x0;
	_ =	sdelay $0xe  }
0x8e: {  	v7 =	vld [tilespmem:s17+$0xFFFFFC00];
	s3 =	spop (v2sf)  }
0x8f: {  	v6 =	vld [tilespmem:s3+$0x9830];
	_ =	sdelay $0x4  }
0x90: {  	v6 =	vmul.f32 v7, v6;
	_ =	sdelay $0x1  }
0x91: {  	[tilespmem:s14+$0xFFFFFD80] =	vst v6  }
0x92: {  	v6 =	vld [tilespmem:s3+$0x9840]  }
0x93: {  	v7 =	vld [tilespmem:s17+$0xFFFFFC10];
	_ =	sdelay $0x4  }
0x94: {  	v6 =	vmul.f32 v7, v6;
	_ =	sdelay $0x1  }
0x95: {  	[tilespmem:s14+$0xFFFFFD90] =	vst v6  }
0x96: {  	v6 =	vld [tilespmem:s3+$0x9850]  }
0x97: {  	v7 =	vld [tilespmem:s17+$0xFFFFFC20]  }
0x98: {  	(v2sf) =	vpush v5, $0x1;
	_ =	sdelay $0x3  }
0x99: {  	v6 =	vmul.f32 v7, v6;
	_ =	sdelay $0x1  }
0x9a: {  	[tilespmem:s14+$0xFFFFFDA0] =	vst v6  }
0x9b: {  	v6 =	vld [tilespmem:s3+$0x9860]  }
0x9c: {  	v7 =	vld [tilespmem:s17+$0xFFFFFC30];
	_ =	sdelay $0x4  }
0x9d: {  	v6 =	vmul.f32 v7, v6;
	_ =	sdelay $0x1  }
0x9e: {  	s4 =	spop (v2sf);
	[tilespmem:s14+$0xFFFFFDB0] =	vst v6  }
0x9f: {  	v6 =	vld [tilespmem:s4+$0x9830]  }
0xa0: {  	v7 =	vld [tilespmem:s17+$0xFFFFFC80];
	_ =	sdelay $0x4  }
0xa1: {  	v6 =	vmul.f32 v7, v6;
	_ =	sdelay $0x1  }
0xa2: {  	[tilespmem:s14+$0xFFFFFDD0] =	vst v6  }
0xa3: {  	v6 =	vld [tilespmem:s4+$0x9840]  }
0xa4: {  	v7 =	vld [tilespmem:s17+$0xFFFFFC90];
	_ =	sdelay $0x4  }
0xa5: {  	v6 =	vmul.f32 v7, v6;
	_ =	sdelay $0x1  }
0xa6: {  	[tilespmem:s14+$0xFFFFFDE0] =	vst v6  }
0xa7: {  	v6 =	vld [tilespmem:s4+$0x9850]  }
0xa8: {  	v7 =	vld [tilespmem:s17+$0xFFFFFCA0]  }
0xa9: {  	(v2sf) =	vpush v5, $0x2;
	_ =	sdelay $0x3  }
0xaa: {  	v6 =	vmul.f32 v7, v6;
	_ =	sdelay $0x1  }
0xab: {  	[tilespmem:s14+$0xFFFFFDF0] =	vst v6  }
0xac: {  	v6 =	vld [tilespmem:s4+$0x9860]  }
0xad: {  	v7 =	vld [tilespmem:s17+$0xFFFFFCB0];
	_ =	sdelay $0x4  }
0xae: {  	v6 =	vmul.f32 v7, v6;
	_ =	sdelay $0x1  }
0xaf: {  	s5 =	spop (v2sf);
	[tilespmem:s14+$0xFFFFFE00] =	vst v6  }
0xb0: {  	v6 =	vld [tilespmem:s5+$0x9830]  }
0xb1: {  	v7 =	vld [tilespmem:s17+$0xFFFFFD00];
	_ =	sdelay $0x4  }
0xb2: {  	v6 =	vmul.f32 v7, v6;
	_ =	sdelay $0x1  }
0xb3: {  	[tilespmem:s14+$0xFFFFFE20] =	vst v6  }
0xb4: {  	v6 =	vld [tilespmem:s5+$0x9840]  }
0xb5: {  	v7 =	vld [tilespmem:s17+$0xFFFFFD10];
	_ =	sdelay $0x4  }
0xb6: {  	v6 =	vmul.f32 v7, v6;
	_ =	sdelay $0x1  }
0xb7: {  	[tilespmem:s14+$0xFFFFFE30] =	vst v6  }
0xb8: {  	v6 =	vld [tilespmem:s5+$0x9850]  }
0xb9: {  	v7 =	vld [tilespmem:s17+$0xFFFFFD20]  }
0xba: {  	(v2sf) =	vpush v5, $0x3;
	_ =	sdelay $0x3  }
0xbb: {  	v6 =	vmul.f32 v7, v6;
	_ =	sdelay $0x1  }
0xbc: {  	[tilespmem:s14+$0xFFFFFE40] =	vst v6  }
0xbd: {  	v6 =	vld [tilespmem:s5+$0x9860]  }
0xbe: {  	v7 =	vld [tilespmem:s17+$0xFFFFFD30];
	_ =	sdelay $0x4  }
0xbf: {  	v6 =	vmul.f32 v7, v6;
	_ =	sdelay $0x1  }
0xc0: {  	s6 =	spop (v2sf);
	[tilespmem:s14+$0xFFFFFE50] =	vst v6  }
0xc1: {  	v6 =	vld [tilespmem:s6+$0x9830]  }
0xc2: {  	v7 =	vld [tilespmem:s17+$0xFFFFFD80];
	_ =	sdelay $0x4  }
0xc3: {  	v6 =	vmul.f32 v7, v6;
	_ =	sdelay $0x1  }
0xc4: {  	[tilespmem:s14+$0xFFFFFE70] =	vst v6  }
0xc5: {  	v6 =	vld [tilespmem:s6+$0x9840]  }
0xc6: {  	v7 =	vld [tilespmem:s17+$0xFFFFFD90];
	_ =	sdelay $0x4  }
0xc7: {  	v6 =	vmul.f32 v7, v6;
	_ =	sdelay $0x1  }
0xc8: {  	[tilespmem:s14+$0xFFFFFE80] =	vst v6  }
0xc9: {  	v6 =	vld [tilespmem:s6+$0x9850]  }
0xca: {  	v7 =	vld [tilespmem:s17+$0xFFFFFDA0]  }
0xcb: {  	(v2sf) =	vpush v5, $0x4;
	_ =	sdelay $0x3  }
0xcc: {  	v6 =	vmul.f32 v7, v6;
	_ =	sdelay $0x1  }
0xcd: {  	[tilespmem:s14+$0xFFFFFE90] =	vst v6  }
0xce: {  	v6 =	vld [tilespmem:s6+$0x9860]  }
0xcf: {  	v7 =	vld [tilespmem:s17+$0xFFFFFDB0];
	_ =	sdelay $0x4  }
0xd0: {  	v6 =	vmul.f32 v7, v6;
	_ =	sdelay $0x1  }
0xd1: {  	s7 =	spop (v2sf);
	[tilespmem:s14+$0xFFFFFEA0] =	vst v6  }
0xd2: {  	v6 =	vld [tilespmem:s7+$0x9830]  }
0xd3: {  	v7 =	vld [tilespmem:s17+$0xFFFFFE00];
	_ =	sdelay $0x4  }
0xd4: {  	v6 =	vmul.f32 v7, v6;
	_ =	sdelay $0x1  }
0xd5: {  	[tilespmem:s14+$0xFFFFFEC0] =	vst v6  }
0xd6: {  	v6 =	vld [tilespmem:s7+$0x9840]  }
0xd7: {  	v7 =	vld [tilespmem:s17+$0xFFFFFE10];
	_ =	sdelay $0x4  }
0xd8: {  	v6 =	vmul.f32 v7, v6;
	_ =	sdelay $0x1  }
0xd9: {  	[tilespmem:s14+$0xFFFFFED0] =	vst v6  }
0xda: {  	v6 =	vld [tilespmem:s7+$0x9850]  }
0xdb: {  	v7 =	vld [tilespmem:s17+$0xFFFFFE20]  }
0xdc: {  	(v2sf) =	vpush v5, $0x5;
	_ =	sdelay $0x3  }
0xdd: {  	v6 =	vmul.f32 v7, v6;
	_ =	sdelay $0x1  }
0xde: {  	[tilespmem:s14+$0xFFFFFEE0] =	vst v6  }
0xdf: {  	v6 =	vld [tilespmem:s7+$0x9860]  }
0xe0: {  	v7 =	vld [tilespmem:s17+$0xFFFFFE30];
	_ =	sdelay $0x4  }
0xe1: {  	v6 =	vmul.f32 v7, v6;
	_ =	sdelay $0x1  }
0xe2: {  	s8 =	spop (v2sf);
	[tilespmem:s14+$0xFFFFFEF0] =	vst v6  }
0xe3: {  	v6 =	vld [tilespmem:s8+$0x9830]  }
0xe4: {  	v7 =	vld [tilespmem:s17+$0xFFFFFE80];
	_ =	sdelay $0x4  }
0xe5: {  	v6 =	vmul.f32 v7, v6;
	_ =	sdelay $0x1  }
0xe6: {  	[tilespmem:s14+$0xFFFFFF10] =	vst v6  }
0xe7: {  	v6 =	vld [tilespmem:s8+$0x9840]  }
0xe8: {  	v7 =	vld [tilespmem:s17+$0xFFFFFE90];
	_ =	sdelay $0x4  }
0xe9: {  	v6 =	vmul.f32 v7, v6;
	_ =	sdelay $0x1  }
0xea: {  	[tilespmem:s14+$0xFFFFFF20] =	vst v6  }
0xeb: {  	v6 =	vld [tilespmem:s8+$0x9850]  }
0xec: {  	v7 =	vld [tilespmem:s17+$0xFFFFFEA0]  }
0xed: {  	(v2sf) =	vpush v5, $0x6;
	_ =	sdelay $0x3  }
0xee: {  	v6 =	vmul.f32 v7, v6;
	_ =	sdelay $0x1  }
0xef: {  	[tilespmem:s14+$0xFFFFFF30] =	vst v6  }
0xf0: {  	v6 =	vld [tilespmem:s8+$0x9860]  }
0xf1: {  	v7 =	vld [tilespmem:s17+$0xFFFFFEB0];
	_ =	sdelay $0x4  }
0xf2: {  	v6 =	vmul.f32 v7, v6;
	_ =	sdelay $0x1  }
0xf3: {  	s13 =	spop (v2sf);
	[tilespmem:s14+$0xFFFFFF40] =	vst v6  }
0xf4: {  	v6 =	vld [tilespmem:s13+$0x9830]  }
0xf5: {  	v7 =	vld [tilespmem:s17+$0xFFFFFF00];
	_ =	sdelay $0x4  }
0xf6: {  	v6 =	vmul.f32 v7, v6;
	_ =	sdelay $0x1  }
0xf7: {  	[tilespmem:s14+$0xFFFFFF60] =	vst v6  }
0xf8: {  	v6 =	vld [tilespmem:s13+$0x9840]  }
0xf9: {  	v7 =	vld [tilespmem:s17+$0xFFFFFF10];
	_ =	sdelay $0x4  }
0xfa: {  	v6 =	vmul.f32 v7, v6;
	_ =	sdelay $0x1  }
0xfb: {  	[tilespmem:s14+$0xFFFFFF70] =	vst v6  }
0xfc: {  	v6 =	vld [tilespmem:s13+$0x9850]  }
0xfd: {  	v7 =	vld [tilespmem:s17+$0xFFFFFF20]  }
0xfe: {  	(v2sf) =	vpush v5, $0x7;
	_ =	sdelay $0x3  }
0xff: {  	v6 =	vmul.f32 v7, v6;
	_ =	sdelay $0x1  }
0x100: {  	[tilespmem:s14+$0xFFFFFF80] =	vst v6  }
0x101: {  	v6 =	vld [tilespmem:s13+$0x9860]  }
0x102: {  	v7 =	vld [tilespmem:s17+$0xFFFFFF30];
	_ =	sdelay $0x4  }
0x103: {  	v6 =	vmul.f32 v7, v6;
	_ =	sdelay $0x1  }
0x104: {  	s15 =	spop (v2sf);
	[tilespmem:s14+$0xFFFFFF90] =	vst v6  }
0x105: {  	v6 =	vld [tilespmem:s15+$0x9830]  }
0x106: {  	v7 =	vld [tilespmem:s17+$0xFFFFFF80];
	_ =	sdelay $0x4  }
0x107: {  	v6 =	vmul.f32 v7, v6;
	_ =	sdelay $0x1  }
0x108: {  	[tilespmem:s14+$0xFFFFFFB0] =	vst v6  }
0x109: {  	v6 =	vld [tilespmem:s15+$0x9840]  }
0x10a: {  	v7 =	vld [tilespmem:s17+$0xFFFFFF90];
	_ =	sdelay $0x4  }
0x10b: {  	v6 =	vmul.f32 v7, v6;
	_ =	sdelay $0x1  }
0x10c: {  	[tilespmem:s14+$0xFFFFFFC0] =	vst v6  }
0x10d: {  	v6 =	vld [tilespmem:s15+$0x9850]  }
0x10e: {  	v7 =	vld [tilespmem:s17+$0xFFFFFFA0]  }
0x10f: {  	(v2sf) =	vpush v5, $0x8;
	_ =	sdelay $0x3  }
0x110: {  	v6 =	vmul.f32 v7, v6;
	_ =	sdelay $0x1  }
0x111: {  	[tilespmem:s14+$0xFFFFFFD0] =	vst v6  }
0x112: {  	v6 =	vld [tilespmem:s15+$0x9860]  }
0x113: {  	v7 =	vld [tilespmem:s17+$0xFFFFFFB0];
	_ =	sdelay $0x4  }
0x114: {  	v6 =	vmul.f32 v7, v6;
	_ =	sdelay $0x1  }
0x115: {  	s16 =	spop (v2sf);
	[tilespmem:s14+$0xFFFFFFE0] =	vst v6  }
0x116: {  	v6 =	vld [tilespmem:s16+$0x9830]  }
0x117: {  	v7 =	vld [tilespmem:s17+$0x0];
	_ =	sdelay $0x4  }
0x118: {  	v6 =	vmul.f32 v7, v6;
	_ =	sdelay $0x1  }
0x119: {  	[tilespmem:s14+$0x0] =	vst v6  }
0x11a: {  	v6 =	vld [tilespmem:s16+$0x9840]  }
0x11b: {  	v7 =	vld [tilespmem:s17+$0x10];
	_ =	sdelay $0x4  }
0x11c: {  	v6 =	vmul.f32 v7, v6;
	_ =	sdelay $0x1  }
0x11d: {  	[tilespmem:s14+$0x10] =	vst v6  }
0x11e: {  	v6 =	vld [tilespmem:s16+$0x9850]  }
0x11f: {  	v7 =	vld [tilespmem:s17+$0x20]  }
0x120: {  	(v2sf) =	vpush v5, $0x9;
	_ =	sdelay $0x3  }
0x121: {  	v6 =	vmul.f32 v7, v6;
	_ =	sdelay $0x1  }
0x122: {  	[tilespmem:s14+$0x20] =	vst v6  }
0x123: {  	v6 =	vld [tilespmem:s16+$0x9860]  }
0x124: {  	v7 =	vld [tilespmem:s17+$0x30];
	_ =	sdelay $0x4  }
0x125: {  	v6 =	vmul.f32 v7, v6;
	_ =	sdelay $0x1  }
0x126: {  	s18 =	spop (v2sf);
	[tilespmem:s14+$0x30] =	vst v6  }
0x127: {  	v6 =	vld [tilespmem:s18+$0x9830]  }
0x128: {  	v7 =	vld [tilespmem:s17+$0x80];
	_ =	sdelay $0x4  }
0x129: {  	v6 =	vmul.f32 v7, v6;
	_ =	sdelay $0x1  }
0x12a: {  	[tilespmem:s14+$0x50] =	vst v6  }
0x12b: {  	v6 =	vld [tilespmem:s18+$0x9840]  }
0x12c: {  	v7 =	vld [tilespmem:s17+$0x90];
	_ =	sdelay $0x4  }
0x12d: {  	v6 =	vmul.f32 v7, v6;
	_ =	sdelay $0x1  }
0x12e: {  	[tilespmem:s14+$0x60] =	vst v6  }
0x12f: {  	v6 =	vld [tilespmem:s18+$0x9850]  }
0x130: {  	v7 =	vld [tilespmem:s17+$0xA0]  }
0x131: {  	(v2sf) =	vpush v5, $0xA;
	_ =	sdelay $0x3  }
0x132: {  	v6 =	vmul.f32 v7, v6;
	_ =	sdelay $0x1  }
0x133: {  	[tilespmem:s14+$0x70] =	vst v6  }
0x134: {  	v6 =	vld [tilespmem:s18+$0x9860]  }
0x135: {  	v7 =	vld [tilespmem:s17+$0xB0];
	_ =	sdelay $0x4  }
0x136: {  	v6 =	vmul.f32 v7, v6;
	_ =	sdelay $0x1  }
0x137: {  	s21 =	spop (v2sf);
	[tilespmem:s14+$0x80] =	vst v6  }
0x138: {  	v6 =	vld [tilespmem:s21+$0x9830]  }
0x139: {  	v7 =	vld [tilespmem:s17+$0x100];
	_ =	sdelay $0x4  }
0x13a: {  	v6 =	vmul.f32 v7, v6;
	_ =	sdelay $0x1  }
0x13b: {  	[tilespmem:s14+$0xA0] =	vst v6  }
0x13c: {  	v6 =	vld [tilespmem:s21+$0x9840]  }
0x13d: {  	v7 =	vld [tilespmem:s17+$0x110];
	_ =	sdelay $0x4  }
0x13e: {  	v6 =	vmul.f32 v7, v6;
	_ =	sdelay $0x1  }
0x13f: {  	[tilespmem:s14+$0xB0] =	vst v6  }
0x140: {  	v6 =	vld [tilespmem:s21+$0x9850]  }
0x141: {  	v7 =	vld [tilespmem:s17+$0x120]  }
0x142: {  	(v2sf) =	vpush v5, $0xB;
	_ =	sdelay $0x3  }
0x143: {  	v6 =	vmul.f32 v7, v6;
	_ =	sdelay $0x1  }
0x144: {  	[tilespmem:s14+$0xC0] =	vst v6  }
0x145: {  	v6 =	vld [tilespmem:s21+$0x9860]  }
0x146: {  	v7 =	vld [tilespmem:s17+$0x130];
	_ =	sdelay $0x4  }
0x147: {  	v6 =	vmul.f32 v7, v6;
	_ =	sdelay $0x1  }
0x148: {  	s22 =	spop (v2sf);
	[tilespmem:s14+$0xD0] =	vst v6  }
0x149: {  	v6 =	vld [tilespmem:s22+$0x9830]  }
0x14a: {  	v7 =	vld [tilespmem:s17+$0x180];
	_ =	sdelay $0x4  }
0x14b: {  	v6 =	vmul.f32 v7, v6;
	_ =	sdelay $0x1  }
0x14c: {  	[tilespmem:s14+$0xF0] =	vst v6  }
0x14d: {  	v6 =	vld [tilespmem:s22+$0x9840]  }
0x14e: {  	v7 =	vld [tilespmem:s17+$0x190];
	_ =	sdelay $0x4  }
0x14f: {  	v6 =	vmul.f32 v7, v6;
	_ =	sdelay $0x1  }
0x150: {  	[tilespmem:s14+$0x100] =	vst v6  }
0x151: {  	v6 =	vld [tilespmem:s22+$0x9850]  }
0x152: {  	v7 =	vld [tilespmem:s17+$0x1A0]  }
0x153: {  	(v2sf) =	vpush v5, $0xC;
	_ =	sdelay $0x3  }
0x154: {  	v6 =	vmul.f32 v7, v6;
	_ =	sdelay $0x1  }
0x155: {  	[tilespmem:s14+$0x110] =	vst v6  }
0x156: {  	v6 =	vld [tilespmem:s22+$0x9860]  }
0x157: {  	v7 =	vld [tilespmem:s17+$0x1B0];
	_ =	sdelay $0x4  }
0x158: {  	v6 =	vmul.f32 v7, v6;
	_ =	sdelay $0x1  }
0x159: {  	s25 =	spop (v2sf);
	[tilespmem:s14+$0x120] =	vst v6  }
0x15a: {  	v6 =	vld [tilespmem:s25+$0x9830]  }
0x15b: {  	v7 =	vld [tilespmem:s17+$0x200];
	_ =	sdelay $0x4  }
0x15c: {  	v6 =	vmul.f32 v7, v6;
	_ =	sdelay $0x1  }
0x15d: {  	[tilespmem:s14+$0x140] =	vst v6  }
0x15e: {  	v6 =	vld [tilespmem:s25+$0x9840]  }
0x15f: {  	v7 =	vld [tilespmem:s17+$0x210];
	_ =	sdelay $0x4  }
0x160: {  	v6 =	vmul.f32 v7, v6;
	_ =	sdelay $0x1  }
0x161: {  	[tilespmem:s14+$0x150] =	vst v6  }
0x162: {  	v6 =	vld [tilespmem:s25+$0x9850]  }
0x163: {  	v7 =	vld [tilespmem:s17+$0x220]  }
0x164: {  	(v2sf) =	vpush v5, $0xD;
	_ =	sdelay $0x3  }
0x165: {  	v6 =	vmul.f32 v7, v6;
	_ =	sdelay $0x1  }
0x166: {  	[tilespmem:s14+$0x160] =	vst v6  }
0x167: {  	v6 =	vld [tilespmem:s25+$0x9860]  }
0x168: {  	v7 =	vld [tilespmem:s17+$0x230];
	_ =	sdelay $0x4  }
0x169: {  	v6 =	vmul.f32 v7, v6;
	_ =	sdelay $0x1  }
0x16a: {  	s29 =	spop (v2sf);
	[tilespmem:s14+$0x170] =	vst v6  }
0x16b: {  	v6 =	vld [tilespmem:s29+$0x9830]  }
0x16c: {  	v7 =	vld [tilespmem:s17+$0x280];
	_ =	sdelay $0x4  }
0x16d: {  	v6 =	vmul.f32 v7, v6;
	_ =	sdelay $0x1  }
0x16e: {  	[tilespmem:s14+$0x190] =	vst v6  }
0x16f: {  	v6 =	vld [tilespmem:s29+$0x9840]  }
0x170: {  	v7 =	vld [tilespmem:s17+$0x290];
	_ =	sdelay $0x4  }
0x171: {  	v6 =	vmul.f32 v7, v6;
	_ =	sdelay $0x1  }
0x172: {  	[tilespmem:s14+$0x1A0] =	vst v6  }
0x173: {  	v6 =	vld [tilespmem:s29+$0x9850]  }
0x174: {  	v7 =	vld [tilespmem:s17+$0x2A0]  }
0x175: {  	(v2sf) =	vpush v5, $0xE;
	_ =	sdelay $0x3  }
0x176: {  	v6 =	vmul.f32 v7, v6;
	_ =	sdelay $0x1  }
0x177: {  	[tilespmem:s14+$0x1B0] =	vst v6  }
0x178: {  	v6 =	vld [tilespmem:s29+$0x9860]  }
0x179: {  	v7 =	vld [tilespmem:s17+$0x2B0];
	_ =	sdelay $0x4  }
0x17a: {  	v6 =	vmul.f32 v7, v6;
	_ =	sdelay $0x1  }
0x17b: {  	s30 =	spop (v2sf);
	[tilespmem:s14+$0x1C0] =	vst v6  }
0x17c: {  	v6 =	vld [tilespmem:s30+$0x9830]  }
0x17d: {  	v7 =	vld [tilespmem:s17+$0x300];
	_ =	sdelay $0x4  }
0x17e: {  	v6 =	vmul.f32 v7, v6;
	_ =	sdelay $0x1  }
0x17f: {  	[tilespmem:s14+$0x1E0] =	vst v6  }
0x180: {  	v6 =	vld [tilespmem:s30+$0x9840]  }
0x181: {  	v7 =	vld [tilespmem:s17+$0x310];
	_ =	sdelay $0x4  }
0x182: {  	v6 =	vmul.f32 v7, v6;
	_ =	sdelay $0x1  }
0x183: {  	[tilespmem:s14+$0x1F0] =	vst v6  }
0x184: {  	v6 =	vld [tilespmem:s30+$0x9850]  }
0x185: {  	v7 =	vld [tilespmem:s17+$0x320]  }
0x186: {  	(v2sf) =	vpush v5, $0xF;
	_ =	sdelay $0x3  }
0x187: {  	v5 =	vmul.f32 v7, v6;
	_ =	sdelay $0x1  }
0x188: {  	[tilespmem:s14+$0x200] =	vst v5  }
0x189: {  	v5 =	vld [tilespmem:s30+$0x9860]  }
0x18a: {  	v6 =	vld [tilespmem:s17+$0x330];
	_ =	sdelay $0x4  }
0x18b: {  	v5 =	vmul.f32 v6, v5;
	_ =	sdelay $0x1  }
0x18c: {  	s31 =	spop (v2sf);
	[tilespmem:s14+$0x210] =	vst v5  }
0x18d: {  	v5 =	vld [tilespmem:s31+$0x9830]  }
0x18e: {  	v6 =	vld [tilespmem:s17+$0x380];
	_ =	sdelay $0x4  }
0x18f: {  	v5 =	vmul.f32 v6, v5;
	_ =	sdelay $0x1  }
0x190: {  	[tilespmem:s14+$0x230] =	vst v5  }
0x191: {  	v5 =	vld [tilespmem:s31+$0x9840]  }
0x192: {  	v6 =	vld [tilespmem:s17+$0x390];
	_ =	sdelay $0x4  }
0x193: {  	v5 =	vmul.f32 v6, v5;
	_ =	sdelay $0x1  }
0x194: {  	[tilespmem:s14+$0x240] =	vst v5  }
0x195: {  	v5 =	vld [tilespmem:s31+$0x9850]  }
0x196: {  	v6 =	vld [tilespmem:s17+$0x3A0];
	_ =	sdelay $0x4  }
0x197: {  	v5 =	vmul.f32 v6, v5;
	_ =	sdelay $0x1  }
0x198: {  	[tilespmem:s14+$0x250] =	vst v5  }
0x199: {  	v5 =	vld [tilespmem:s31+$0x9860]  }
0x19a: {  	v6 =	vld [tilespmem:s17+$0x3B0];
	_ =	sdelay $0x1  }
0x19b: {  	p1 =	sne.s32 s12, $0x100  }
.Ltmp3:
0x19c: {  	_ = 	snop;
	(pc) =	sbr.rel @p1 .LBB2_10-.Ltmp3, $3  }
0x19d: {  	_ = 	snop  }
0x19e: {  	v5 =	vmul.f32 v6, v5;
	_ =	sdelay $0x1  }
0x19f: {  	s12 =	sadd.s32 $0x40, s12;
	s17 =	sadd.s32 $0x800, s17;
	[tilespmem:s14+$0x260] =	vst v5;
	s14 =	sadd.s32 $0x500, s14  }
0x1a0: {  	s0 =	sshra.s32 s11, $0x2  }
0x1a1: {  	s1 =	rddreg [dreg:$0x3];
	s3 =	simm.s32 $0x5000;
	s0 =	sadd.s32 $0x78A0, s0  }
0x1a2: {  	[spmem:s1] =	stream.indirect.scatter.add.f32 [tilespmem:s3], [sflag:$0x3], $0x50, s0, s23, $0xb8;
	[tilespmem:$0x16300] =	vst v63  }
0x1a3: {  	_ =	swait.ge [sflag:s20], $0x1900  }
0x1a4: {  	[sflag:s20] =	ssyncset.done $0x0  }
0x1a5: {  	p1 =	seq.s32 s9, $0x18;
	s31 =	smov.u32 s26;
	[sflag:s20] =	ssyncadd.s32 $0xFFFFE700  }
0x1a6: {  	v5 =	vmov s2;
	s12 =	simm.s32 $0x0;
	s0 =	sshra.s32 @!p1 s11, $0x2;
	_ =	swait.ge [sflag:s28], $0x2800  }
0x1a7: {  	s1 =	simm.s32 @!p1 $0x50;
	s3 =	simm.s32 @!p1 $0x0;
	[sflag:s28] =	ssyncset.done $0x0  }
0x1a8: {  	s11 =	simm.s32 $0x0;
	s0 =	sadd.s32 @!p1 $0x69A0, s0;
	[sflag:s28] =	ssyncadd.s32 $0xFFFFD800  }
0x1a9: {  	[tilespmem:s3], [sflag:$0x1] =	stream.indirect.gather @!p1 [hbm4b:s26+s1], $0x80, s0, s1, $0xb8;
	[tilespmem:$0x16300] =	vst v63  }
.LBB2_12:
0x1aa: {  	s14 =	sshra.s32 s12, $0x2  }
0x1ab: {  	v6 =	vld.idx.msk [tilespmem:v5+s14+$0x0 ss:$0x1], $0xffff;
	_ =	sdelay $0x4  }
0x1ac: {  	v6 =	vadd.s32 $0xE, v6  }
0x1ad: {  	(v2sf) =	vpush v6, $0xD;
	_ =	sdelay $0x1  }
0x1ae: {  	(v2sf) =	vpush v6, $0xC;
	_ =	sdelay $0x1  }
0x1af: {  	(v2sf) =	vpush v6, $0xE  }
0x1b0: {  	(v2sf) =	vpush v6, $0xF  }
0x1b1: {  	(v2sf) =	vpush v6, $0x9;
	_ =	sdelay $0x1  }
0x1b2: {  	(v2sf) =	vpush v6, $0x8;
	_ =	sdelay $0x1  }
0x1b3: {  	(v2sf) =	vpush v6, $0xA;
	_ =	sdelay $0x1  }
0x1b4: {  	(v2sf) =	vpush v6, $0xB;
	_ =	sdelay $0x1  }
0x1b5: {  	(v2sf) =	vpush v6, $0x1  }
0x1b6: {  	s0 =	spop (v2sf);
	(v2sf) =	vpush v6, $0x0  }
0x1b7: {  	s1 =	smulhi.u32 $0x88888889, s0;
	s3 =	sshra.s32 s0, $0x1F  }
0x1b8: {  	s4 =	spop (v2sf);
	s3 =	smul.u32 $0x88888889, s3  }
0x1b9: {  	s6 =	smulhi.u32 $0x88888889, s4;
	s7 =	sshra.s32 s4, $0x1F  }
0x1ba: {  	s5 =	spop (v2sf);
	s7 =	smul.u32 $0x88888889, s7  }
0x1bb: {  	(v2sf) =	vpush v6, $0x2;
	s8 =	spop (v2sf);
	s13 =	smulhi.u32 $0x88888889, s5;
	s15 =	sshra.s32 s5, $0x1F  }
0x1bc: {  	s0 =	ssub.s32 s1, s0;
	s18 =	spop (v2sf);
	s15 =	smul.u32 $0x88888889, s15  }
0x1bd: {  	(v2sf) =	vpush v6, $0x3;
	s1 =	smulhi.u32 $0x88888889, s8;
	s17 =	sshra.s32 s8, $0x1F;
	s16 =	sadd.s32 s3, s0  }
0x1be: {  	s26 =	ssub.s32 s6, s4;
	s21 =	spop (v2sf);
	s3 =	smul.u32 $0x88888889, s17  }
0x1bf: {  	(v2sf) =	vpush v6, $0x4;
	s4 =	smulhi.u32 $0x88888889, s18;
	s29 =	sshra.s32 s18, $0x1F;
	s30 =	sadd.s32 s7, s26  }
0x1c0: {  	s17 =	ssub.s32 s13, s5;
	s22 =	spop (v2sf);
	s5 =	smul.u32 $0x88888889, s29  }
0x1c1: {  	(v2sf) =	vpush v6, $0x5;
	s6 =	smulhi.u32 $0x88888889, s21;
	s25 =	sshra.s32 s21, $0x1F;
	s17 =	sadd.s32 s15, s17  }
0x1c2: {  	s26 =	ssub.s32 s1, s8;
	s13 =	spop (v2sf);
	s1 =	smul.u32 $0x88888889, s25  }
0x1c3: {  	(v2sf) =	vpush v6, $0x6;
	s7 =	smulhi.u32 $0x88888889, s22;
	s29 =	sshra.s32 s22, $0x1F;
	s0 =	sadd.s32 s3, s26  }
0x1c4: {  	s18 =	ssub.s32 s4, s18;
	s15 =	spop (v2sf);
	s4 =	smul.u32 $0x88888889, s29  }
0x1c5: {  	s8 =	smulhi.u32 $0x88888889, s13;
	s26 =	sshra.s32 s13, $0x1F;
	s25 =	spop (v2sf);
	(v2sf) =	vpush v6, $0x7  }
0x1c6: {  	s3 =	sadd.s32 s5, s18;
	s6 =	ssub.s32 s6, s21;
	s5 =	smul.u32 $0x88888889, s26  }
0x1c7: {  	s18 =	smulhi.u32 $0x88888889, s15;
	s26 =	sshra.s32 s15, $0x1F;
	s22 =	ssub.s32 s7, s22  }
0x1c8: {  	s1 =	sadd.s32 s1, s6;
	s7 =	smul.u32 $0x88888889, s26;
	s4 =	sadd.s32 s4, s22  }
0x1c9: {  	s8 =	ssub.s32 s8, s13;
	s6 =	smulhi.u32 $0x88888889, s25;
	s26 =	sshra.s32 s25, $0x1F  }
0x1ca: {  	s15 =	ssub.s32 s18, s15;
	s29 =	spop (v2sf);
	s13 =	smul.u32 $0x88888889, s26  }
0x1cb: {  	s5 =	sadd.s32 s5, s8;
	s18 =	smulhi.u32 $0x88888889, s29;
	s26 =	sshra.s32 s29, $0x1F  }
0x1cc: {  	s7 =	sadd.s32 s7, s15;
	s22 =	spop (v2sf);
	s8 =	smul.u32 $0x88888889, s26  }
0x1cd: {  	s6 =	ssub.s32 s6, s25;
	s15 =	smulhi.u32 $0x88888889, s22;
	s26 =	sshra.s32 s22, $0x1F  }
0x1ce: {  	s25 =	spop (v2sf);
	s6 =	sadd.s32 s13, s6;
	s13 =	smul.u32 $0x88888889, s26  }
0x1cf: {  	s18 =	ssub.s32 s18, s29;
	s21 =	smulhi.u32 $0x88888889, s25;
	s26 =	sshra.s32 s25, $0x1F  }
0x1d0: {  	s8 =	sadd.s32 s8, s18;
	s18 =	spop (v2sf);
	s29 =	smul.u32 $0x88888889, s26  }
0x1d1: {  	v7 =	vmov s6;
	s22 =	ssub.s32 s15, s22;
	s15 =	smulhi.u32 $0x88888889, s18;
	s26 =	sshra.s32 s18, $0x1F  }
0x1d2: {  	s6 =	sadd.s32 s13, s22;
	s13 =	spop (v2sf);
	v7 =	vnsel vm3, $0x0, v7;
	s22 =	smul.u32 $0x88888889, s26  }
0x1d3: {  	s25 =	ssub.s32 s21, s25;
	v7 =	vsel vm0, s7, v7;
	s21 =	smulhi.u32 $0x88888889, s13;
	s26 =	sshra.s32 s13, $0x1F  }
0x1d4: {  	v8 =	vmov s30;
	v9 =	vmov s1;
	s7 =	sadd.s32 s29, s25;
	v7 =	vsel vm1, s8, v7;
	s26 =	smul.u32 $0x88888889, s26;
	s8 =	spop (v2sf)  }
0x1d5: {  	v8 =	vsel vm0, s16, v8;
	v9 =	vsel vm0, s3, v9;
	s29 =	ssub.s32 s15, s18;
	v7 =	vsel vm2, s6, v7;
	s30 =	smulhi.u32 $0x88888889, s8;
	s16 =	sshra.s32 s8, $0x1F  }
0x1d6: {  	v8 =	vsel vm1, s17, v8;
	v9 =	vsel vm1, s4, v9;
	s18 =	sadd.s32 s22, s29;
	s22 =	ssub.s32 s21, s13;
	v7 =	vsel vm4, s7, v7;
	s25 =	smul.u32 $0x88888889, s16  }
0x1d7: {  	v8 =	vsel vm2, s0, v8;
	v9 =	vsel vm2, s5, v9;
	s26 =	sadd.s32 s26, s22;
	v7 =	vsel vm5, s18, v7;
	s29 =	ssub.s32 s30, s8  }
0x1d8: {  	v8 =	vcombine.low v9, v8;
	v7 =	vsel vm6, s26, v7;
	s30 =	sadd.s32 s25, s29  }
0x1d9: {  	v7 =	vsel vm7, s30, v7  }
0x1da: {  	v8 =	vperm.xlane v8, v3;
	v7 =	vperm.xlane v7, v4;
	_ =	sdelay $0x1  }
0x1db: {  	v7 =	vsel vm8, v7, v8  }
0x1dc: {  	v7 =	vadd.s32 v6, v7  }
0x1dd: {  	v63 =	vshrl.u32 v7, $0x1F;
	v7 =	vshra.s32 v7, $0x3  }
0x1de: {  	v7 =	vadd.s32 v63, v7  }
0x1df: {  	v7 =	vmul.u32 $0xF, v7;
	_ =	sdelay $0x1  }
0x1e0: {  	p1 =	sne.s32 s12, $0x100;
	v6 =	vsub.s32 v6, v7  }
.Ltmp4:
0x1e1: {  	v7 =	vshll.u32 v6, $0x7;
	(pc) =	sbr.rel @p1 .LBB2_12-.Ltmp4, $4  }
0x1e2: {  	vm9 =	vlt.s32 v6, $0x0;
	v6 =	vadd.s32 $0x780, v7  }
0x1e3: {  	v6 =	vsel vm9, v6, v7  }
0x1e4: {  	v6 =	vor.u32 v0, v6  }
0x1e5: {  	s12 =	sadd.s32 $0x40, s12;
	[tilespmem:s14+$0x97E0] =	vst v6  }
0x1e6: {  	s12 =	simm.s32 $0x5280;
	s14 =	rddreg [dreg:$0x11]  }
.LBB2_14:
0x1e7: {  	s0 =	sshra.s32 s11, $0x2  }
0x1e8: {  	v5 =	vld [tilespmem:s0+$0x97E0];
	_ =	sdelay $0x4  }
0x1e9: {  	(v2sf) =	vpush v5, $0x0;
	_ =	sdelay $0xe  }
0x1ea: {  	v7 =	vld [tilespmem:s14+$0xFFFFFC00];
	s4 =	spop (v2sf)  }
0x1eb: {  	v6 =	vld [tilespmem:s4+$0x9830];
	_ =	sdelay $0x4  }
0x1ec: {  	v6 =	vmul.f32 v7, v6;
	_ =	sdelay $0x1  }
0x1ed: {  	[tilespmem:s12+$0xFFFFFD80] =	vst v6  }
0x1ee: {  	v6 =	vld [tilespmem:s4+$0x9840]  }
0x1ef: {  	v7 =	vld [tilespmem:s14+$0xFFFFFC10];
	_ =	sdelay $0x4  }
0x1f0: {  	v6 =	vmul.f32 v7, v6;
	_ =	sdelay $0x1  }
0x1f1: {  	[tilespmem:s12+$0xFFFFFD90] =	vst v6  }
0x1f2: {  	v6 =	vld [tilespmem:s4+$0x9850]  }
0x1f3: {  	v7 =	vld [tilespmem:s14+$0xFFFFFC20]  }
0x1f4: {  	(v2sf) =	vpush v5, $0x1;
	_ =	sdelay $0x3  }
0x1f5: {  	v6 =	vmul.f32 v7, v6;
	_ =	sdelay $0x1  }
0x1f6: {  	[tilespmem:s12+$0xFFFFFDA0] =	vst v6  }
0x1f7: {  	v6 =	vld [tilespmem:s4+$0x9860]  }
0x1f8: {  	v7 =	vld [tilespmem:s14+$0xFFFFFC30];
	_ =	sdelay $0x4  }
0x1f9: {  	v6 =	vmul.f32 v7, v6;
	_ =	sdelay $0x1  }
0x1fa: {  	s5 =	spop (v2sf);
	[tilespmem:s12+$0xFFFFFDB0] =	vst v6  }
0x1fb: {  	v6 =	vld [tilespmem:s5+$0x9830]  }
0x1fc: {  	v7 =	vld [tilespmem:s14+$0xFFFFFC80];
	_ =	sdelay $0x4  }
0x1fd: {  	v6 =	vmul.f32 v7, v6;
	_ =	sdelay $0x1  }
0x1fe: {  	[tilespmem:s12+$0xFFFFFDD0] =	vst v6  }
0x1ff: {  	v6 =	vld [tilespmem:s5+$0x9840]  }
0x200: {  	v7 =	vld [tilespmem:s14+$0xFFFFFC90];
	_ =	sdelay $0x4  }
0x201: {  	v6 =	vmul.f32 v7, v6;
	_ =	sdelay $0x1  }
0x202: {  	[tilespmem:s12+$0xFFFFFDE0] =	vst v6  }
0x203: {  	v6 =	vld [tilespmem:s5+$0x9850]  }
0x204: {  	v7 =	vld [tilespmem:s14+$0xFFFFFCA0]  }
0x205: {  	(v2sf) =	vpush v5, $0x2;
	_ =	sdelay $0x3  }
0x206: {  	v6 =	vmul.f32 v7, v6;
	_ =	sdelay $0x1  }
0x207: {  	[tilespmem:s12+$0xFFFFFDF0] =	vst v6  }
0x208: {  	v6 =	vld [tilespmem:s5+$0x9860]  }
0x209: {  	v7 =	vld [tilespmem:s14+$0xFFFFFCB0];
	_ =	sdelay $0x4  }
0x20a: {  	v6 =	vmul.f32 v7, v6;
	_ =	sdelay $0x1  }
0x20b: {  	s6 =	spop (v2sf);
	[tilespmem:s12+$0xFFFFFE00] =	vst v6  }
0x20c: {  	v6 =	vld [tilespmem:s6+$0x9830]  }
0x20d: {  	v7 =	vld [tilespmem:s14+$0xFFFFFD00];
	_ =	sdelay $0x4  }
0x20e: {  	v6 =	vmul.f32 v7, v6;
	_ =	sdelay $0x1  }
0x20f: {  	[tilespmem:s12+$0xFFFFFE20] =	vst v6  }
0x210: {  	v6 =	vld [tilespmem:s6+$0x9840]  }
0x211: {  	v7 =	vld [tilespmem:s14+$0xFFFFFD10];
	_ =	sdelay $0x4  }
0x212: {  	v6 =	vmul.f32 v7, v6;
	_ =	sdelay $0x1  }
0x213: {  	[tilespmem:s12+$0xFFFFFE30] =	vst v6  }
0x214: {  	v6 =	vld [tilespmem:s6+$0x9850]  }
0x215: {  	v7 =	vld [tilespmem:s14+$0xFFFFFD20]  }
0x216: {  	(v2sf) =	vpush v5, $0x3;
	_ =	sdelay $0x3  }
0x217: {  	v6 =	vmul.f32 v7, v6;
	_ =	sdelay $0x1  }
0x218: {  	[tilespmem:s12+$0xFFFFFE40] =	vst v6  }
0x219: {  	v6 =	vld [tilespmem:s6+$0x9860]  }
0x21a: {  	v7 =	vld [tilespmem:s14+$0xFFFFFD30];
	_ =	sdelay $0x4  }
0x21b: {  	v6 =	vmul.f32 v7, v6;
	_ =	sdelay $0x1  }
0x21c: {  	s7 =	spop (v2sf);
	[tilespmem:s12+$0xFFFFFE50] =	vst v6  }
0x21d: {  	v6 =	vld [tilespmem:s7+$0x9830]  }
0x21e: {  	v7 =	vld [tilespmem:s14+$0xFFFFFD80];
	_ =	sdelay $0x4  }
0x21f: {  	v6 =	vmul.f32 v7, v6;
	_ =	sdelay $0x1  }
0x220: {  	[tilespmem:s12+$0xFFFFFE70] =	vst v6  }
0x221: {  	v6 =	vld [tilespmem:s7+$0x9840]  }
0x222: {  	v7 =	vld [tilespmem:s14+$0xFFFFFD90];
	_ =	sdelay $0x4  }
0x223: {  	v6 =	vmul.f32 v7, v6;
	_ =	sdelay $0x1  }
0x224: {  	[tilespmem:s12+$0xFFFFFE80] =	vst v6  }
0x225: {  	v6 =	vld [tilespmem:s7+$0x9850]  }
0x226: {  	v7 =	vld [tilespmem:s14+$0xFFFFFDA0]  }
0x227: {  	(v2sf) =	vpush v5, $0x4;
	_ =	sdelay $0x3  }
0x228: {  	v6 =	vmul.f32 v7, v6;
	_ =	sdelay $0x1  }
0x229: {  	[tilespmem:s12+$0xFFFFFE90] =	vst v6  }
0x22a: {  	v6 =	vld [tilespmem:s7+$0x9860]  }
0x22b: {  	v7 =	vld [tilespmem:s14+$0xFFFFFDB0];
	_ =	sdelay $0x4  }
0x22c: {  	v6 =	vmul.f32 v7, v6;
	_ =	sdelay $0x1  }
0x22d: {  	s8 =	spop (v2sf);
	[tilespmem:s12+$0xFFFFFEA0] =	vst v6  }
0x22e: {  	v6 =	vld [tilespmem:s8+$0x9830]  }
0x22f: {  	v7 =	vld [tilespmem:s14+$0xFFFFFE00];
	_ =	sdelay $0x4  }
0x230: {  	v6 =	vmul.f32 v7, v6;
	_ =	sdelay $0x1  }
0x231: {  	[tilespmem:s12+$0xFFFFFEC0] =	vst v6  }
0x232: {  	v6 =	vld [tilespmem:s8+$0x9840]  }
0x233: {  	v7 =	vld [tilespmem:s14+$0xFFFFFE10];
	_ =	sdelay $0x4  }
0x234: {  	v6 =	vmul.f32 v7, v6;
	_ =	sdelay $0x1  }
0x235: {  	[tilespmem:s12+$0xFFFFFED0] =	vst v6  }
0x236: {  	v6 =	vld [tilespmem:s8+$0x9850]  }
0x237: {  	v7 =	vld [tilespmem:s14+$0xFFFFFE20]  }
0x238: {  	(v2sf) =	vpush v5, $0x5;
	_ =	sdelay $0x3  }
0x239: {  	v6 =	vmul.f32 v7, v6;
	_ =	sdelay $0x1  }
0x23a: {  	[tilespmem:s12+$0xFFFFFEE0] =	vst v6  }
0x23b: {  	v6 =	vld [tilespmem:s8+$0x9860]  }
0x23c: {  	v7 =	vld [tilespmem:s14+$0xFFFFFE30];
	_ =	sdelay $0x4  }
0x23d: {  	v6 =	vmul.f32 v7, v6;
	_ =	sdelay $0x1  }
0x23e: {  	s13 =	spop (v2sf);
	[tilespmem:s12+$0xFFFFFEF0] =	vst v6  }
0x23f: {  	v6 =	vld [tilespmem:s13+$0x9830]  }
0x240: {  	v7 =	vld [tilespmem:s14+$0xFFFFFE80];
	_ =	sdelay $0x4  }
0x241: {  	v6 =	vmul.f32 v7, v6;
	_ =	sdelay $0x1  }
0x242: {  	[tilespmem:s12+$0xFFFFFF10] =	vst v6  }
0x243: {  	v6 =	vld [tilespmem:s13+$0x9840]  }
0x244: {  	v7 =	vld [tilespmem:s14+$0xFFFFFE90];
	_ =	sdelay $0x4  }
0x245: {  	v6 =	vmul.f32 v7, v6;
	_ =	sdelay $0x1  }
0x246: {  	[tilespmem:s12+$0xFFFFFF20] =	vst v6  }
0x247: {  	v6 =	vld [tilespmem:s13+$0x9850]  }
0x248: {  	v7 =	vld [tilespmem:s14+$0xFFFFFEA0]  }
0x249: {  	(v2sf) =	vpush v5, $0x6;
	_ =	sdelay $0x3  }
0x24a: {  	v6 =	vmul.f32 v7, v6;
	_ =	sdelay $0x1  }
0x24b: {  	[tilespmem:s12+$0xFFFFFF30] =	vst v6  }
0x24c: {  	v6 =	vld [tilespmem:s13+$0x9860]  }
0x24d: {  	v7 =	vld [tilespmem:s14+$0xFFFFFEB0];
	_ =	sdelay $0x4  }
0x24e: {  	v6 =	vmul.f32 v7, v6;
	_ =	sdelay $0x1  }
0x24f: {  	s15 =	spop (v2sf);
	[tilespmem:s12+$0xFFFFFF40] =	vst v6  }
0x250: {  	v6 =	vld [tilespmem:s15+$0x9830]  }
0x251: {  	v7 =	vld [tilespmem:s14+$0xFFFFFF00];
	_ =	sdelay $0x4  }
0x252: {  	v6 =	vmul.f32 v7, v6;
	_ =	sdelay $0x1  }
0x253: {  	[tilespmem:s12+$0xFFFFFF60] =	vst v6  }
0x254: {  	v6 =	vld [tilespmem:s15+$0x9840]  }
0x255: {  	v7 =	vld [tilespmem:s14+$0xFFFFFF10];
	_ =	sdelay $0x4  }
0x256: {  	v6 =	vmul.f32 v7, v6;
	_ =	sdelay $0x1  }
0x257: {  	[tilespmem:s12+$0xFFFFFF70] =	vst v6  }
0x258: {  	v6 =	vld [tilespmem:s15+$0x9850]  }
0x259: {  	v7 =	vld [tilespmem:s14+$0xFFFFFF20]  }
0x25a: {  	(v2sf) =	vpush v5, $0x7;
	_ =	sdelay $0x3  }
0x25b: {  	v6 =	vmul.f32 v7, v6;
	_ =	sdelay $0x1  }
0x25c: {  	[tilespmem:s12+$0xFFFFFF80] =	vst v6  }
0x25d: {  	v6 =	vld [tilespmem:s15+$0x9860]  }
0x25e: {  	v7 =	vld [tilespmem:s14+$0xFFFFFF30];
	_ =	sdelay $0x4  }
0x25f: {  	v6 =	vmul.f32 v7, v6;
	_ =	sdelay $0x1  }
0x260: {  	s16 =	spop (v2sf);
	[tilespmem:s12+$0xFFFFFF90] =	vst v6  }
0x261: {  	v6 =	vld [tilespmem:s16+$0x9830]  }
0x262: {  	v7 =	vld [tilespmem:s14+$0xFFFFFF80];
	_ =	sdelay $0x4  }
0x263: {  	v6 =	vmul.f32 v7, v6;
	_ =	sdelay $0x1  }
0x264: {  	[tilespmem:s12+$0xFFFFFFB0] =	vst v6  }
0x265: {  	v6 =	vld [tilespmem:s16+$0x9840]  }
0x266: {  	v7 =	vld [tilespmem:s14+$0xFFFFFF90];
	_ =	sdelay $0x4  }
0x267: {  	v6 =	vmul.f32 v7, v6;
	_ =	sdelay $0x1  }
0x268: {  	[tilespmem:s12+$0xFFFFFFC0] =	vst v6  }
0x269: {  	v6 =	vld [tilespmem:s16+$0x9850]  }
0x26a: {  	v7 =	vld [tilespmem:s14+$0xFFFFFFA0]  }
0x26b: {  	(v2sf) =	vpush v5, $0x8;
	_ =	sdelay $0x3  }
0x26c: {  	v6 =	vmul.f32 v7, v6;
	_ =	sdelay $0x1  }
0x26d: {  	[tilespmem:s12+$0xFFFFFFD0] =	vst v6  }
0x26e: {  	v6 =	vld [tilespmem:s16+$0x9860]  }
0x26f: {  	v7 =	vld [tilespmem:s14+$0xFFFFFFB0];
	_ =	sdelay $0x4  }
0x270: {  	v6 =	vmul.f32 v7, v6;
	_ =	sdelay $0x1  }
0x271: {  	s17 =	spop (v2sf);
	[tilespmem:s12+$0xFFFFFFE0] =	vst v6  }
0x272: {  	v6 =	vld [tilespmem:s17+$0x9830]  }
0x273: {  	v7 =	vld [tilespmem:s14+$0x0];
	_ =	sdelay $0x4  }
0x274: {  	v6 =	vmul.f32 v7, v6;
	_ =	sdelay $0x1  }
0x275: {  	[tilespmem:s12+$0x0] =	vst v6  }
0x276: {  	v6 =	vld [tilespmem:s17+$0x9840]  }
0x277: {  	v7 =	vld [tilespmem:s14+$0x10];
	_ =	sdelay $0x4  }
0x278: {  	v6 =	vmul.f32 v7, v6;
	_ =	sdelay $0x1  }
0x279: {  	[tilespmem:s12+$0x10] =	vst v6  }
0x27a: {  	v6 =	vld [tilespmem:s17+$0x9850]  }
0x27b: {  	v7 =	vld [tilespmem:s14+$0x20]  }
0x27c: {  	(v2sf) =	vpush v5, $0x9;
	_ =	sdelay $0x3  }
0x27d: {  	v6 =	vmul.f32 v7, v6;
	_ =	sdelay $0x1  }
0x27e: {  	[tilespmem:s12+$0x20] =	vst v6  }
0x27f: {  	v6 =	vld [tilespmem:s17+$0x9860]  }
0x280: {  	v7 =	vld [tilespmem:s14+$0x30];
	_ =	sdelay $0x4  }
0x281: {  	v6 =	vmul.f32 v7, v6;
	_ =	sdelay $0x1  }
0x282: {  	s18 =	spop (v2sf);
	[tilespmem:s12+$0x30] =	vst v6  }
0x283: {  	v6 =	vld [tilespmem:s18+$0x9830]  }
0x284: {  	v7 =	vld [tilespmem:s14+$0x80];
	_ =	sdelay $0x4  }
0x285: {  	v6 =	vmul.f32 v7, v6;
	_ =	sdelay $0x1  }
0x286: {  	[tilespmem:s12+$0x50] =	vst v6  }
0x287: {  	v6 =	vld [tilespmem:s18+$0x9840]  }
0x288: {  	v7 =	vld [tilespmem:s14+$0x90];
	_ =	sdelay $0x4  }
0x289: {  	v6 =	vmul.f32 v7, v6;
	_ =	sdelay $0x1  }
0x28a: {  	[tilespmem:s12+$0x60] =	vst v6  }
0x28b: {  	v6 =	vld [tilespmem:s18+$0x9850]  }
0x28c: {  	v7 =	vld [tilespmem:s14+$0xA0]  }
0x28d: {  	(v2sf) =	vpush v5, $0xA;
	_ =	sdelay $0x3  }
0x28e: {  	v6 =	vmul.f32 v7, v6;
	_ =	sdelay $0x1  }
0x28f: {  	[tilespmem:s12+$0x70] =	vst v6  }
0x290: {  	v6 =	vld [tilespmem:s18+$0x9860]  }
0x291: {  	v7 =	vld [tilespmem:s14+$0xB0];
	_ =	sdelay $0x4  }
0x292: {  	v6 =	vmul.f32 v7, v6;
	_ =	sdelay $0x1  }
0x293: {  	s21 =	spop (v2sf);
	[tilespmem:s12+$0x80] =	vst v6  }
0x294: {  	v6 =	vld [tilespmem:s21+$0x9830]  }
0x295: {  	v7 =	vld [tilespmem:s14+$0x100];
	_ =	sdelay $0x4  }
0x296: {  	v6 =	vmul.f32 v7, v6;
	_ =	sdelay $0x1  }
0x297: {  	[tilespmem:s12+$0xA0] =	vst v6  }
0x298: {  	v6 =	vld [tilespmem:s21+$0x9840]  }
0x299: {  	v7 =	vld [tilespmem:s14+$0x110];
	_ =	sdelay $0x4  }
0x29a: {  	v6 =	vmul.f32 v7, v6;
	_ =	sdelay $0x1  }
0x29b: {  	[tilespmem:s12+$0xB0] =	vst v6  }
0x29c: {  	v6 =	vld [tilespmem:s21+$0x9850]  }
0x29d: {  	v7 =	vld [tilespmem:s14+$0x120]  }
0x29e: {  	(v2sf) =	vpush v5, $0xB;
	_ =	sdelay $0x3  }
0x29f: {  	v6 =	vmul.f32 v7, v6;
	_ =	sdelay $0x1  }
0x2a0: {  	[tilespmem:s12+$0xC0] =	vst v6  }
0x2a1: {  	v6 =	vld [tilespmem:s21+$0x9860]  }
0x2a2: {  	v7 =	vld [tilespmem:s14+$0x130];
	_ =	sdelay $0x4  }
0x2a3: {  	v6 =	vmul.f32 v7, v6;
	_ =	sdelay $0x1  }
0x2a4: {  	s22 =	spop (v2sf);
	[tilespmem:s12+$0xD0] =	vst v6  }
0x2a5: {  	v6 =	vld [tilespmem:s22+$0x9830]  }
0x2a6: {  	v7 =	vld [tilespmem:s14+$0x180];
	_ =	sdelay $0x4  }
0x2a7: {  	v6 =	vmul.f32 v7, v6;
	_ =	sdelay $0x1  }
0x2a8: {  	[tilespmem:s12+$0xF0] =	vst v6  }
0x2a9: {  	v6 =	vld [tilespmem:s22+$0x9840]  }
0x2aa: {  	v7 =	vld [tilespmem:s14+$0x190];
	_ =	sdelay $0x4  }
0x2ab: {  	v6 =	vmul.f32 v7, v6;
	_ =	sdelay $0x1  }
0x2ac: {  	[tilespmem:s12+$0x100] =	vst v6  }
0x2ad: {  	v6 =	vld [tilespmem:s22+$0x9850]  }
0x2ae: {  	v7 =	vld [tilespmem:s14+$0x1A0]  }
0x2af: {  	(v2sf) =	vpush v5, $0xC;
	_ =	sdelay $0x3  }
0x2b0: {  	v6 =	vmul.f32 v7, v6;
	_ =	sdelay $0x1  }
0x2b1: {  	[tilespmem:s12+$0x110] =	vst v6  }
0x2b2: {  	v6 =	vld [tilespmem:s22+$0x9860]  }
0x2b3: {  	v7 =	vld [tilespmem:s14+$0x1B0];
	_ =	sdelay $0x4  }
0x2b4: {  	v6 =	vmul.f32 v7, v6;
	_ =	sdelay $0x1  }
0x2b5: {  	s25 =	spop (v2sf);
	[tilespmem:s12+$0x120] =	vst v6  }
0x2b6: {  	v6 =	vld [tilespmem:s25+$0x9830]  }
0x2b7: {  	v7 =	vld [tilespmem:s14+$0x200];
	_ =	sdelay $0x4  }
0x2b8: {  	v6 =	vmul.f32 v7, v6;
	_ =	sdelay $0x1  }
0x2b9: {  	[tilespmem:s12+$0x140] =	vst v6  }
0x2ba: {  	v6 =	vld [tilespmem:s25+$0x9840]  }
0x2bb: {  	v7 =	vld [tilespmem:s14+$0x210];
	_ =	sdelay $0x4  }
0x2bc: {  	v6 =	vmul.f32 v7, v6;
	_ =	sdelay $0x1  }
0x2bd: {  	[tilespmem:s12+$0x150] =	vst v6  }
0x2be: {  	v6 =	vld [tilespmem:s25+$0x9850]  }
0x2bf: {  	v7 =	vld [tilespmem:s14+$0x220]  }
0x2c0: {  	(v2sf) =	vpush v5, $0xD;
	_ =	sdelay $0x3  }
0x2c1: {  	v6 =	vmul.f32 v7, v6;
	_ =	sdelay $0x1  }
0x2c2: {  	[tilespmem:s12+$0x160] =	vst v6  }
0x2c3: {  	v6 =	vld [tilespmem:s25+$0x9860]  }
0x2c4: {  	v7 =	vld [tilespmem:s14+$0x230];
	_ =	sdelay $0x4  }
0x2c5: {  	v6 =	vmul.f32 v7, v6;
	_ =	sdelay $0x1  }
0x2c6: {  	s26 =	spop (v2sf);
	[tilespmem:s12+$0x170] =	vst v6  }
0x2c7: {  	v6 =	vld [tilespmem:s26+$0x9830]  }
0x2c8: {  	v7 =	vld [tilespmem:s14+$0x280];
	_ =	sdelay $0x4  }
0x2c9: {  	v6 =	vmul.f32 v7, v6;
	_ =	sdelay $0x1  }
0x2ca: {  	[tilespmem:s12+$0x190] =	vst v6  }
0x2cb: {  	v6 =	vld [tilespmem:s26+$0x9840]  }
0x2cc: {  	v7 =	vld [tilespmem:s14+$0x290];
	_ =	sdelay $0x4  }
0x2cd: {  	v6 =	vmul.f32 v7, v6;
	_ =	sdelay $0x1  }
0x2ce: {  	[tilespmem:s12+$0x1A0] =	vst v6  }
0x2cf: {  	v6 =	vld [tilespmem:s26+$0x9850]  }
0x2d0: {  	v7 =	vld [tilespmem:s14+$0x2A0]  }
0x2d1: {  	(v2sf) =	vpush v5, $0xE;
	_ =	sdelay $0x3  }
0x2d2: {  	v6 =	vmul.f32 v7, v6;
	_ =	sdelay $0x1  }
0x2d3: {  	[tilespmem:s12+$0x1B0] =	vst v6  }
0x2d4: {  	v6 =	vld [tilespmem:s26+$0x9860]  }
0x2d5: {  	v7 =	vld [tilespmem:s14+$0x2B0];
	_ =	sdelay $0x4  }
0x2d6: {  	v6 =	vmul.f32 v7, v6;
	_ =	sdelay $0x1  }
0x2d7: {  	s29 =	spop (v2sf);
	[tilespmem:s12+$0x1C0] =	vst v6  }
0x2d8: {  	v6 =	vld [tilespmem:s29+$0x9830]  }
0x2d9: {  	v7 =	vld [tilespmem:s14+$0x300];
	_ =	sdelay $0x4  }
0x2da: {  	v6 =	vmul.f32 v7, v6;
	_ =	sdelay $0x1  }
0x2db: {  	[tilespmem:s12+$0x1E0] =	vst v6  }
0x2dc: {  	v6 =	vld [tilespmem:s29+$0x9840]  }
0x2dd: {  	v7 =	vld [tilespmem:s14+$0x310];
	_ =	sdelay $0x4  }
0x2de: {  	v6 =	vmul.f32 v7, v6;
	_ =	sdelay $0x1  }
0x2df: {  	[tilespmem:s12+$0x1F0] =	vst v6  }
0x2e0: {  	v6 =	vld [tilespmem:s29+$0x9850]  }
0x2e1: {  	v7 =	vld [tilespmem:s14+$0x320]  }
0x2e2: {  	(v2sf) =	vpush v5, $0xF;
	_ =	sdelay $0x3  }
0x2e3: {  	v5 =	vmul.f32 v7, v6;
	_ =	sdelay $0x1  }
0x2e4: {  	[tilespmem:s12+$0x200] =	vst v5  }
0x2e5: {  	v5 =	vld [tilespmem:s29+$0x9860]  }
0x2e6: {  	v6 =	vld [tilespmem:s14+$0x330];
	_ =	sdelay $0x4  }
0x2e7: {  	v5 =	vmul.f32 v6, v5;
	_ =	sdelay $0x1  }
0x2e8: {  	s30 =	spop (v2sf);
	[tilespmem:s12+$0x210] =	vst v5  }
0x2e9: {  	v5 =	vld [tilespmem:s30+$0x9830]  }
0x2ea: {  	v6 =	vld [tilespmem:s14+$0x380];
	_ =	sdelay $0x4  }
0x2eb: {  	v5 =	vmul.f32 v6, v5;
	_ =	sdelay $0x1  }
0x2ec: {  	[tilespmem:s12+$0x230] =	vst v5  }
0x2ed: {  	v5 =	vld [tilespmem:s30+$0x9840]  }
0x2ee: {  	v6 =	vld [tilespmem:s14+$0x390];
	_ =	sdelay $0x4  }
0x2ef: {  	v5 =	vmul.f32 v6, v5;
	_ =	sdelay $0x1  }
0x2f0: {  	[tilespmem:s12+$0x240] =	vst v5  }
0x2f1: {  	v5 =	vld [tilespmem:s30+$0x9850]  }
0x2f2: {  	v6 =	vld [tilespmem:s14+$0x3A0];
	_ =	sdelay $0x4  }
0x2f3: {  	v5 =	vmul.f32 v6, v5;
	_ =	sdelay $0x1  }
0x2f4: {  	[tilespmem:s12+$0x250] =	vst v5  }
0x2f5: {  	v5 =	vld [tilespmem:s30+$0x9860]  }
0x2f6: {  	v6 =	vld [tilespmem:s14+$0x3B0];
	_ =	sdelay $0x1  }
0x2f7: {  	p1 =	sne.s32 s11, $0x100  }
.Ltmp5:
0x2f8: {  	_ = 	snop;
	(pc) =	sbr.rel @p1 .LBB2_14-.Ltmp5, $3  }
0x2f9: {  	_ = 	snop  }
0x2fa: {  	v5 =	vmul.f32 v6, v5;
	_ =	sdelay $0x1  }
0x2fb: {  	s11 =	sadd.s32 $0x40, s11;
	s14 =	sadd.s32 $0x800, s14;
	[tilespmem:s12+$0x260] =	vst v5;
	s12 =	sadd.s32 $0x500, s12  }
0x2fc: {  	s9 =	sadd.s32 $0x1, s9  }
0x2fd: {  	s0 =	sadd.s32 $0x78A0, s10;
	p1 =	sne.s32 s9, $0x19  }
.Ltmp6:
0x2fe: {  	s1 =	rddreg [dreg:$0x3];
	s3 =	simm.s32 $0x5000;
	(pc) =	sbr.rel @p1 .LBB2_7-.Ltmp6, $4  }
0x2ff: {  	[spmem:s1] =	stream.indirect.scatter.add.f32 [tilespmem:s3], [sflag:$0x3], $0x50, s0, s23, $0xb8;
	[tilespmem:$0x16300] =	vst v63  }
0x300: {  	_ =	swait.ge [sflag:s20], $0x1900  }
0x301: {  	[sflag:s20] =	ssyncset.done $0x0  }
0x302: {  	s19 =	sadd.s32 $0xA0, s19;
	s2 =	sadd.s32 $0xA0, s2;
	[sflag:s20] =	ssyncadd.s32 $0xFFFFE700  }
0x303: {  	s0 =	rddreg [dreg:$0x16]  }
0x304: {  	s0 =	sadd.s32 $0x1, s0  }
0x305: {  	p1 =	sne.s32 s0, $0x5  }
.Ltmp7:
0x306: {  	_ = 	snop;
	(pc) =	sbr.rel @p1 .LBB2_6-.Ltmp7, $1  }
0x307: {  	_ =	sdelay $0x3  }
0x308: {  	[bflag:$0x0] =	sbarrier.arrive $0xFFFF  }
0x309: {  	s0 =	rddreg [dreg:$0xd]  }
0x30a: {  	s1 =	rddreg [dreg:$0x13]  }
0x30b: {  	s2 =	rddreg [dreg:$0x14]  }
0x30c: {  	[hbm:s0], [sflag:s1] =	dma.local [spmem:s2], $0x1860  }
0x30d: {  	_ =	swait.ge [sflag:s20], $0x1860  }
0x30e: {  	[sflag:s20] =	ssyncset.done $0x0;
	s0 =	rddreg [dreg:$0xe]  }
0x30f: {  	s2 =	rddreg [dreg:$0x15];
	[sflag:s20] =	ssyncadd.s32 $0xFFFFE7A0  }
0x310: {  	[hbm:s0], [sflag:s1] =	dma.local @!p0 [spmem:s2], $0xA0  }
0x311: {  	s0 =	simm.s32 @!p0 $0x3  }
0x312: {  	_ =	swait.ge @!p0 [sflag:s0], $0xA0  }
0x313: {  	s29 =	rddreg [dreg:$0x12]  }
0x314: {  	s30 =	rddreg [dreg:$0xf];
	s2 =	sadd.s32 $0x1, s29  }
0x315: {  	p1 =	sne.s32 s2, s30  }
.Ltmp8:
0x316: {  	_ = 	snop;
	(pc) =	sbr.rel @p1 .LBB2_1-.Ltmp8, $3  }
0x317: {  	_ =	sdelay $0x1  }
0x318: {  	[sflag:s0] =	ssyncset.done @!p0 $0x0  }
0x319: {  	[sflag:s0] =	ssyncadd.s32 @!p0 $0xFFFFFF60  }
0x31a: {  	_ =	sfence.sel $0x180000  }
0x31b: {  	[bflag:$0x0] =	sbarrier.arrive $0xFFFF  }
0x31c: {  	_ =	strace $0x90000047  }
0x31d: {  	s0 =	stileid.u32;
	[bflag:$0x2] =	sbarrier.arrive $0xFFFF  }
0x31e: {  	p0 =	sne.s32 s0, $0x0;
	s0 =	rddreg [dreg:$0x4]  }
0x31f: {  	s0 =	sadd.s32 @!p0 $0x100000, s0  }
0x320: {  	[sflag:s0] =	ssyncadd.tile.s32 @!p0 $0x1;
	_ =	shalt  }
.Lfunc_end2:
_tile_overlayer_lowered:
.L_overlay_start_2:
0x321: {  	(tag) =	ssettag $0x2  }
0x322: {  	s0 =	rddreg [dreg:$0x0];
	s2 =	stileid.u32  }
0x323: {  	s1 =	rddreg [dreg:$0x1];
	p0 =	sne.s32 s2, $0x0  }
0x324: {  	s3 =	rddreg [dreg:$0x2];
	[bflag:$0x3] =	sbarrier.arrive $0xFFFF;
	s2 =	simm.s32 @!p0 $0x1C03  }
0x325: {  	[timem:s3], [sflag:s2] =	dma.local @!p0 [hbm:s0], s1  }
0x326: {  	s0 =	simm.s32 @!p0 $0x3  }
0x327: {  	_ =	swait.ge @!p0 [sflag:s0], s1  }
0x328: {  	s1 =	ssub.s32 @!p0 $0x0, s1;
	[sflag:s0] =	ssyncset.done @!p0 $0x0  }
0x329: {  	[sflag:s0] =	ssyncadd.s32 @!p0 s1  }
0x32a: {  	[bflag:$0x3] =	sbarrier.arrive $0xFFFF  }
0x32b: {  	_ =	shalt  }

</sc_bundles>
